<compile_context>
chip_gen: v7x
topology: tpu7x:2x2x1
jax: 0.10.2.dev20260603
libtpu: 0.0.44.dev20260713+nightly
codegen_flags: <defaults>
</compile_context>

<pallas_src>
import functools

import jax
import jax.numpy as jnp
from jax import lax
from jax.experimental import pallas as pl
from jax.experimental.pallas import tpu as pltpu
from jax.experimental.pallas import tpu_sc as plsc

N_NODES = 10000
N_EDGES = 320000
D = 128

NC = 2
NS = 16
NW = NC * NS
B = 128
NB = 80
NBH = NB // 2
E_PAD = NW * NB * B
NPAD = 10240
PAD_DST = 10232
RPT = NPAD // NS

ROW_BLK = 2000
GRID = N_NODES // ROW_BLK


def _mmT(a, w):
    return lax.dot_general(a, w, (((1,), (1,)), ((), ())),
                           preferred_element_type=jnp.float32)


def _dense1_body(x_ref, wpre_ref, bpre_ref, w1_ref, as_ref, ad_ref,
                 h1_ref, asrc_ref, adst_ref):
    h0 = _mmT(x_ref[...], wpre_ref[...]) + bpre_ref[...]
    h1 = _mmT(h0, w1_ref[...])
    h1_ref[...] = h1
    asrc_ref[...] = jnp.sum(h1 * as_ref[...], axis=1, keepdims=True)
    adst_ref[...] = jnp.sum(h1 * ad_ref[...], axis=1, keepdims=True)


def _dense1(x, W_pre, b_pre, W1, att_src, att_dst):
    return pl.pallas_call(
        _dense1_body,
        grid=(GRID,),
        in_specs=[
            pl.BlockSpec((ROW_BLK, D), lambda i: (i, 0)),
            pl.BlockSpec((D, D), lambda i: (0, 0)),
            pl.BlockSpec((1, D), lambda i: (0, 0)),
            pl.BlockSpec((D, D), lambda i: (0, 0)),
            pl.BlockSpec((1, D), lambda i: (0, 0)),
            pl.BlockSpec((1, D), lambda i: (0, 0)),
        ],
        out_specs=[
            pl.BlockSpec((ROW_BLK, D), lambda i: (i, 0)),
            pl.BlockSpec((ROW_BLK, 1), lambda i: (i, 0)),
            pl.BlockSpec((ROW_BLK, 1), lambda i: (i, 0)),
        ],
        out_shape=[
            jax.ShapeDtypeStruct((N_NODES, D), jnp.float32),
            jax.ShapeDtypeStruct((N_NODES, 1), jnp.float32),
            jax.ShapeDtypeStruct((N_NODES, 1), jnp.float32),
        ],
    )(x, W_pre, b_pre, W1, att_src, att_dst)


def _combine_body(p0_ref, p1_ref, d0_ref, d1_ref, asrc_ref, adst_ref, h_ref,
                  b_ref, w2_ref, as2_ref, ad2_ref,
                  h2_ref, asrc2_ref, adst2_ref):
    s = asrc_ref[...] + adst_ref[...]
    wself = jnp.exp(jnp.maximum(s, 0.2 * s))
    acc = p0_ref[...] + p1_ref[...] + wself * h_ref[...]
    den = d0_ref[...] + d1_ref[...] + wself
    out1 = jnp.maximum(acc / den + b_ref[...], 0.0)
    h2 = _mmT(out1, w2_ref[...])
    h2_ref[...] = h2
    asrc2_ref[...] = jnp.sum(h2 * as2_ref[...], axis=1, keepdims=True)
    adst2_ref[...] = jnp.sum(h2 * ad2_ref[...], axis=1, keepdims=True)


def _combine_dense2(p0, p1, d0, d1, asrc, adst, h, b, W2, att_src2, att_dst2):
    rb = lambda i: (i, 0)
    z = lambda i: (0, 0)
    return pl.pallas_call(
        _combine_body,
        grid=(GRID,),
        in_specs=[
            pl.BlockSpec((ROW_BLK, D), rb), pl.BlockSpec((ROW_BLK, D), rb),
            pl.BlockSpec((ROW_BLK, 1), rb), pl.BlockSpec((ROW_BLK, 1), rb),
            pl.BlockSpec((ROW_BLK, 1), rb), pl.BlockSpec((ROW_BLK, 1), rb),
            pl.BlockSpec((ROW_BLK, D), rb),
            pl.BlockSpec((1, D), z), pl.BlockSpec((D, D), z),
            pl.BlockSpec((1, D), z), pl.BlockSpec((1, D), z),
        ],
        out_specs=[
            pl.BlockSpec((ROW_BLK, D), rb),
            pl.BlockSpec((ROW_BLK, 1), rb),
            pl.BlockSpec((ROW_BLK, 1), rb),
        ],
        out_shape=[
            jax.ShapeDtypeStruct((N_NODES, D), jnp.float32),
            jax.ShapeDtypeStruct((N_NODES, 1), jnp.float32),
            jax.ShapeDtypeStruct((N_NODES, 1), jnp.float32),
        ],
    )(p0, p1, d0, d1, asrc, adst, h, b, W2, att_src2, att_dst2)


def _final_body(p0_ref, p1_ref, d0_ref, d1_ref, asrc_ref, adst_ref, h_ref,
                b_ref, out_ref):
    s = asrc_ref[...] + adst_ref[...]
    wself = jnp.exp(jnp.maximum(s, 0.2 * s))
    acc = p0_ref[...] + p1_ref[...] + wself * h_ref[...]
    den = d0_ref[...] + d1_ref[...] + wself
    out2 = acc / den + b_ref[...]
    nrm = jnp.sqrt(jnp.sum(out2 * out2, axis=1, keepdims=True))
    out_ref[...] = out2 / jnp.maximum(nrm, 1e-12)


def _final(p0, p1, d0, d1, asrc, adst, h, b):
    rb = lambda i: (i, 0)
    z = lambda i: (0, 0)
    return pl.pallas_call(
        _final_body,
        grid=(GRID,),
        in_specs=[
            pl.BlockSpec((ROW_BLK, D), rb), pl.BlockSpec((ROW_BLK, D), rb),
            pl.BlockSpec((ROW_BLK, 1), rb), pl.BlockSpec((ROW_BLK, 1), rb),
            pl.BlockSpec((ROW_BLK, 1), rb), pl.BlockSpec((ROW_BLK, 1), rb),
            pl.BlockSpec((ROW_BLK, D), rb),
            pl.BlockSpec((1, D), z),
        ],
        out_specs=pl.BlockSpec((ROW_BLK, D), rb),
        out_shape=jax.ShapeDtypeStruct((N_NODES, D), jnp.float32),
    )(p0, p1, d0, d1, asrc, adst, h, b)


def _sc_body(src_hbm, dst_hbm, asrc_hbm, adst_hbm, h_hbm,
             acc_out, den_out,
             idx_s_all, idx_d_all,
             va0, vb0, w0, rows0, va1, vb1, w1, rows1,
             acc_sh, den_sh,
             sa0, sb0, sr0, sq0, sa1, sb1, sr1, sq1):
    cid = lax.axis_index("c")
    sid = lax.axis_index("s")
    wid = cid * NS + sid

    zero16 = jnp.zeros((16,), jnp.float32)

    def _zrow(i, carry):
        for j in range(D // 16):
            rows0[i, pl.ds(j * 16, 16)] = zero16
        return carry
    lax.fori_loop(0, B, _zrow, 0)
    for k in range(B // 16):
        w0[pl.ds(16 * k, 16)] = zero16
    row0 = sid * RPT
    for r in range(RPT // B):
        pltpu.sync_copy(rows0, acc_sh.at[pl.ds(row0 + r * B, B)])
        pltpu.sync_copy(w0, den_sh.at[pl.ds(row0 + r * B, B)])
    plsc.subcore_barrier()

    bufs = ((va0, vb0, w0, rows0, sa0, sb0, sr0, sq0),
            (va1, vb1, w1, rows1, sa1, sb1, sr1, sq1))
    HB = B // 2

    def _issue(b, buf):
        va, vb, w_v, rows_v, sa, sb, sr, sq = buf
        isl = idx_s_all.at[b, 0]
        idl = idx_d_all.at[b, 0]
        pltpu.async_copy(h_hbm.at[idx_s_all.at[b, 0, pl.ds(0, HB)]],
                         rows_v.at[pl.ds(0, HB)], sr)
        pltpu.async_copy(h_hbm.at[idx_s_all.at[b, 0, pl.ds(HB, HB)]],
                         rows_v.at[pl.ds(HB, HB)], sq)
        pltpu.async_copy(asrc_hbm.at[isl], va, sa)
        pltpu.async_copy(adst_hbm.at[idl], vb, sb)

    def _process(b, buf):
        va, vb, w_v, rows_v, sa, sb, sr, sq = buf
        isl = idx_s_all.at[b, 0]
        idl = idx_d_all.at[b, 0]
        pltpu.make_async_copy(asrc_hbm.at[isl], va, sa).wait()
        pltpu.make_async_copy(adst_hbm.at[idl], vb, sb).wait()
        for k in range(B // 16):
            sl = pl.ds(16 * k, 16)
            e = va[sl] + vb[sl]
            w_v[sl] = jnp.exp(jnp.maximum(e, 0.2 * e))
        pltpu.make_async_copy(h_hbm.at[idx_s_all.at[b, 0, pl.ds(0, HB)]],
                              rows_v.at[pl.ds(0, HB)], sr).wait()
        pltpu.make_async_copy(h_hbm.at[idx_s_all.at[b, 0, pl.ds(HB, HB)]],
                              rows_v.at[pl.ds(HB, HB)], sq).wait()

        def _scale(i, c):
            wbc = plsc.load_gather(w_v, [jnp.full((16,), i, jnp.int32)])
            for j in range(D // 16):
                sl2 = pl.ds(j * 16, 16)
                rows_v[i, sl2] = rows_v[i, sl2] * wbc
            return c
        lax.fori_loop(0, B, _scale, 0)

        pltpu.sync_copy(rows_v, acc_sh.at[idl], add=True)
        pltpu.sync_copy(w_v, den_sh.at[idl], add=True)

    npair = NBH // 2
    for half in range(NB // NBH):
        pltpu.sync_copy(src_hbm.at[pl.ds(wid * NB + half * NBH, NBH)],
                        idx_s_all)
        pltpu.sync_copy(dst_hbm.at[pl.ds(wid * NB + half * NBH, NBH)],
                        idx_d_all)
        _issue(0, bufs[0])

        def _pair(p, carry):
            b0 = 2 * p
            _issue(b0 + 1, bufs[1])
            _process(b0, bufs[0])

            @pl.when(p < npair - 1)
            def _():
                _issue(b0 + 2, bufs[0])
            _process(b0 + 1, bufs[1])
            return carry
        lax.fori_loop(0, npair, _pair, 0)

    plsc.subcore_barrier()
    out_base = cid * NPAD + row0
    pltpu.sync_copy(acc_sh.at[pl.ds(row0, RPT)], acc_out.at[pl.ds(out_base, RPT)])
    pltpu.sync_copy(den_sh.at[pl.ds(row0, RPT)], den_out.at[pl.ds(out_base, RPT)])


_sc_agg = functools.partial(
    pl.kernel,
    mesh=plsc.VectorSubcoreMesh(core_axis_name="c", subcore_axis_name="s"),
    compiler_params=pltpu.CompilerParams(needs_layout_passes=False),
    out_type=[
        jax.ShapeDtypeStruct((NC * NPAD, D), jnp.float32),
        jax.ShapeDtypeStruct((NC * NPAD,), jnp.float32),
    ],
    scratch_types=[
        pltpu.VMEM((NBH, 1, B), jnp.int32),
        pltpu.VMEM((NBH, 1, B), jnp.int32),
        pltpu.VMEM((B,), jnp.float32),
        pltpu.VMEM((B,), jnp.float32),
        pltpu.VMEM((B,), jnp.float32),
        pltpu.VMEM((B, D), jnp.float32),
        pltpu.VMEM((B,), jnp.float32),
        pltpu.VMEM((B,), jnp.float32),
        pltpu.VMEM((B,), jnp.float32),
        pltpu.VMEM((B, D), jnp.float32),
        pltpu.VMEM_SHARED((NPAD, D), jnp.float32),
        pltpu.VMEM_SHARED((NPAD,), jnp.float32),
        pltpu.SemaphoreType.DMA,
        pltpu.SemaphoreType.DMA,
        pltpu.SemaphoreType.DMA,
        pltpu.SemaphoreType.DMA,
        pltpu.SemaphoreType.DMA,
        pltpu.SemaphoreType.DMA,
        pltpu.SemaphoreType.DMA,
        pltpu.SemaphoreType.DMA,
    ],
)(_sc_body)


def _sc_layer(src3, dst3, asrc, adst, h):
    apad = jnp.concatenate([adst.reshape(-1),
                            jnp.zeros((NPAD - N_NODES,), jnp.float32)])
    acc, den = _sc_agg(src3, dst3, asrc.reshape(-1), apad, h)
    p0 = acc[:N_NODES]
    p1 = acc[NPAD:NPAD + N_NODES]
    d0 = den[:N_NODES].reshape(N_NODES, 1)
    d1 = den[NPAD:NPAD + N_NODES].reshape(N_NODES, 1)
    return p0, p1, d0, d1


def kernel(x, edge_index, W_pre, b_pre, W1, att_src1, att_dst1, b1,
           W2, att_src2, att_dst2, b2):
    src = edge_index[0].astype(jnp.int32)
    dst = edge_index[1].astype(jnp.int32)
    npad_e = E_PAD - N_EDGES
    src3 = jnp.concatenate([src, jnp.zeros((npad_e,), jnp.int32)])
    src3 = src3.reshape(NW * NB, 1, B)
    dst3 = jnp.concatenate([dst, jnp.full((npad_e,), PAD_DST, jnp.int32)])
    dst3 = dst3.reshape(NW * NB, 1, B)
    bpre = b_pre.reshape(1, D)
    as1 = att_src1.reshape(1, D)
    ad1 = att_dst1.reshape(1, D)
    as2 = att_src2.reshape(1, D)
    ad2 = att_dst2.reshape(1, D)
    b1r = b1.reshape(1, D)
    b2r = b2.reshape(1, D)

    h1, asrc1, adst1 = _dense1(x, W_pre, bpre, W1, as1, ad1)
    p0, p1, d0, d1 = _sc_layer(src3, dst3, asrc1, adst1, h1)
    h2, asrc2, adst2 = _combine_dense2(p0, p1, d0, d1, asrc1, adst1, h1,
                                       b1r, W2, as2, ad2)
    q0, q1, e0, e1 = _sc_layer(src3, dst3, asrc2, adst2, h2)
    return _final(q0, q1, e0, e1, asrc2, adst2, h2, b2r)

# --- scband reference (transcript-rebuilt; emitter-appended) ---
"""Pipeline reference for scband-gat-64003602645176 (READ-ONLY COPY).

The authoritative reference and input builder live on the scoring server;
editing this copy changes nothing except your own understanding.
"""

import jax, jax.numpy as jnp
import numpy as np

N_NODES = 10000
N_EDGES = 320000
D_IN = 128
D_FEAT = 128
D_HID = 128
D_OUT = 128


def gat_conv(x, src, dst, num_nodes, W, att_src, att_dst, bias):
    # PyG GATConv (heads=1) with self-loops, leaky_relu(0.2), per-dst softmax
    h = x @ W.T
    a_src = (h * att_src).sum(axis=-1)
    a_dst = (h * att_dst).sum(axis=-1)
    e = a_src[src] + a_dst[dst]
    e = jax.nn.leaky_relu(e, negative_slope=0.2)
    e_max = jax.ops.segment_max(e, dst, num_segments=num_nodes)
    e_exp = jnp.exp(e - e_max[dst])
    denom = jax.ops.segment_sum(e_exp, dst, num_segments=num_nodes)
    alpha = e_exp / (denom[dst] + 1e-16)
    out = jax.ops.segment_sum(h[src] * alpha[:, None], dst, num_segments=num_nodes)
    return out + bias


def setup_inputs(seed: int = 0) -> dict:
    key = jax.random.key(seed)
    ks = jax.random.split(key, 12)
    x = jax.random.normal(ks[0], (N_NODES, D_IN), dtype=jnp.float32)
    edge_index = jax.random.randint(ks[1], (2, N_EDGES), 0, N_NODES, dtype=jnp.int64)
    s = 1.0 / np.sqrt(D_FEAT)
    W_pre = jax.random.uniform(ks[2], (D_FEAT, D_IN), jnp.float32, -s, s)
    b_pre = jax.random.uniform(ks[3], (D_FEAT,), jnp.float32, -s, s)
    W1 = jax.random.normal(ks[4], (D_HID, D_FEAT), jnp.float32) * s
    att_src1 = jax.random.normal(ks[5], (D_HID,), jnp.float32) * s
    att_dst1 = jax.random.normal(ks[6], (D_HID,), jnp.float32) * s
    b1 = jnp.zeros((D_HID,), jnp.float32)
    W2 = jax.random.normal(ks[7], (D_OUT, D_HID), jnp.float32) * s
    att_src2 = jax.random.normal(ks[8], (D_OUT,), jnp.float32) * s
    att_dst2 = jax.random.normal(ks[9], (D_OUT,), jnp.float32) * s
    b2 = jnp.zeros((D_OUT,), jnp.float32)
    return {
        'x': x, 'edge_index': edge_index,
        'W_pre': W_pre, 'b_pre': b_pre,
        'W1': W1, 'att_src1': att_src1, 'att_dst1': att_dst1, 'b1': b1,
        'W2': W2, 'att_src2': att_src2, 'att_dst2': att_dst2, 'b2': b2,
    }


def reference(x, edge_index, W_pre, b_pre, W1, att_src1, att_dst1, b1, W2, att_src2, att_dst2, b2):
    num_nodes = x.shape[0]
    loop = jnp.arange(num_nodes, dtype=edge_index.dtype)
    src = jnp.concatenate([edge_index[0], loop])
    dst = jnp.concatenate([edge_index[1], loop])
    # feature_pre linear
    h = x @ W_pre.T + b_pre
    # conv_first + relu (dropout=False)
    h = gat_conv(h, src, dst, num_nodes, W1, att_src1, att_dst1, b1)
    h = jax.nn.relu(h)
    # layer_num=2 -> no hidden convs
    h = gat_conv(h, src, dst, num_nodes, W2, att_src2, att_dst2, b2)
    # F.normalize(p=2, dim=-1)
    norm = jnp.linalg.norm(h, ord=2, axis=-1, keepdims=True)
    out = h / jnp.maximum(norm, 1e-12)
    return out

if __name__ == "__main__":
    import jax
    _d = setup_inputs()
    print(jax.jit(kernel)(*tuple(_d.values())))

</pallas_src>

<mosaic_0001>
#map = affine_map<(d0, d1) -> (0, 0, 0)>
#map1 = affine_map<(d0, d1) -> (0)>
#map2 = affine_map<(d0, d1) -> (0, 0)>
module attributes {stable_mosaic.version = 14 : i64} {
  func.func @_sc_body(%arg0: i32, %arg1: i32, %arg2: memref<2560x1x128xi32, #tpu.memory_space<hbm>>, %arg3: memref<2560x1x128xi32, #tpu.memory_space<hbm>>, %arg4: memref<10000xf32, #tpu.memory_space<hbm>>, %arg5: memref<10240xf32, #tpu.memory_space<hbm>>, %arg6: memref<10000x128xf32, #tpu.memory_space<hbm>>, %arg7: memref<20480x128xf32, #tpu.memory_space<hbm>>, %arg8: memref<20480xf32, #tpu.memory_space<hbm>>, %arg9: memref<40x1x128xi32, #tpu.memory_space<vmem>>, %arg10: memref<40x1x128xi32, #tpu.memory_space<vmem>>, %arg11: memref<128xf32, #tpu.memory_space<vmem>>, %arg12: memref<128xf32, #tpu.memory_space<vmem>>, %arg13: memref<128xf32, #tpu.memory_space<vmem>>, %arg14: memref<128x128xf32, #tpu.memory_space<vmem>>, %arg15: memref<128xf32, #tpu.memory_space<vmem>>, %arg16: memref<128xf32, #tpu.memory_space<vmem>>, %arg17: memref<128xf32, #tpu.memory_space<vmem>>, %arg18: memref<128x128xf32, #tpu.memory_space<vmem>>, %arg19: memref<10240x128xf32, #tpu.memory_space<vmem_shared>>, %arg20: memref<10240xf32, #tpu.memory_space<vmem_shared>>, %arg21: memref<!tpu.dma_semaphore, #tpu.memory_space<semaphore_mem>>, %arg22: memref<!tpu.dma_semaphore, #tpu.memory_space<semaphore_mem>>, %arg23: memref<!tpu.dma_semaphore, #tpu.memory_space<semaphore_mem>>, %arg24: memref<!tpu.dma_semaphore, #tpu.memory_space<semaphore_mem>>, %arg25: memref<!tpu.dma_semaphore, #tpu.memory_space<semaphore_mem>>, %arg26: memref<!tpu.dma_semaphore, #tpu.memory_space<semaphore_mem>>, %arg27: memref<!tpu.dma_semaphore, #tpu.memory_space<semaphore_mem>>, %arg28: memref<!tpu.dma_semaphore, #tpu.memory_space<semaphore_mem>>) attributes {dimension_semantics = [#tpu.dimension_semantics<core_parallel>, #tpu.dimension_semantics<subcore_parallel>], iteration_bounds = array<i64: 2, 16>, scalar_prefetch = 0 : i64, scratch_operands = 20 : i64, tpu.core_type = #tpu.core_type<sc_vector_subcore>, window_params = [{transform_indices = #map}, {transform_indices = #map}, {transform_indices = #map1}, {transform_indices = #map1}, {transform_indices = #map2}, {transform_indices = #map2}, {transform_indices = #map1}]} {
    %mul3A = arith.constant 16 : i32
    %mul3A_0 = arith.muli %arg0, %mul3A : i32
    %add3A = arith.addi %mul3A_0, %arg1 : i32
    %broadcast_in_dim3A = arith.constant 0.000000e+00 : f32
    %broadcast_in_dim3A_1 = vector.broadcast %broadcast_in_dim3A : f32 to vector<16xf32>
    %scan3A = arith.constant 0 : i32
    %scan3A_2 = arith.constant 0 : i32
    %scan3A_3 = arith.constant 128 : i32
    %scan3A_4 = arith.addi %scan3A_2, %scan3A_3 : i32
    %scan3A_5 = arith.constant 1 : i32
    scf.for %scan3A_147 = %scan3A_2 to %scan3A_4 step %scan3A_5  : i32 {
      %swap3A_148 = arith.index_cast %scan3A_147 : i32 to index
      %swap3A_149 = arith.constant 0 : index
      %swap3A_150 = tpu.vector_load %arg14[%swap3A_148, %swap3A_149] {strides = array<i32>} : memref<128x128xf32, #tpu.memory_space<vmem>>, vector<16xf32>,
      tpu.vector_store %arg14[%swap3A_148, %swap3A_149], %broadcast_in_dim3A_1 {strides = array<i32>} : memref<128x128xf32, #tpu.memory_space<vmem>>, vector<16xf32>,
      %swap3A_151 = arith.index_cast %scan3A_147 : i32 to index
      %swap3A_152 = arith.constant 16 : index
      %swap3A_153 = tpu.vector_load %arg14[%swap3A_151, %swap3A_152] {strides = array<i32>} : memref<128x128xf32, #tpu.memory_space<vmem>>, vector<16xf32>,
      tpu.vector_store %arg14[%swap3A_151, %swap3A_152], %broadcast_in_dim3A_1 {strides = array<i32>} : memref<128x128xf32, #tpu.memory_space<vmem>>, vector<16xf32>,
      %swap3A_154 = arith.index_cast %scan3A_147 : i32 to index
      %swap3A_155 = arith.constant 32 : index
      %swap3A_156 = tpu.vector_load %arg14[%swap3A_154, %swap3A_155] {strides = array<i32>} : memref<128x128xf32, #tpu.memory_space<vmem>>, vector<16xf32>,
      tpu.vector_store %arg14[%swap3A_154, %swap3A_155], %broadcast_in_dim3A_1 {strides = array<i32>} : memref<128x128xf32, #tpu.memory_space<vmem>>, vector<16xf32>,
      %swap3A_157 = arith.index_cast %scan3A_147 : i32 to index
      %swap3A_158 = arith.constant 48 : index
      %swap3A_159 = tpu.vector_load %arg14[%swap3A_157, %swap3A_158] {strides = array<i32>} : memref<128x128xf32, #tpu.memory_space<vmem>>, vector<16xf32>,
      tpu.vector_store %arg14[%swap3A_157, %swap3A_158], %broadcast_in_dim3A_1 {strides = array<i32>} : memref<128x128xf32, #tpu.memory_space<vmem>>, vector<16xf32>,
      %swap3A_160 = arith.index_cast %scan3A_147 : i32 to index
      %swap3A_161 = arith.constant 64 : index
      %swap3A_162 = tpu.vector_load %arg14[%swap3A_160, %swap3A_161] {strides = array<i32>} : memref<128x128xf32, #tpu.memory_space<vmem>>, vector<16xf32>,
      tpu.vector_store %arg14[%swap3A_160, %swap3A_161], %broadcast_in_dim3A_1 {strides = array<i32>} : memref<128x128xf32, #tpu.memory_space<vmem>>, vector<16xf32>,
      %swap3A_163 = arith.index_cast %scan3A_147 : i32 to index
      %swap3A_164 = arith.constant 80 : index
      %swap3A_165 = tpu.vector_load %arg14[%swap3A_163, %swap3A_164] {strides = array<i32>} : memref<128x128xf32, #tpu.memory_space<vmem>>, vector<16xf32>,
      tpu.vector_store %arg14[%swap3A_163, %swap3A_164], %broadcast_in_dim3A_1 {strides = array<i32>} : memref<128x128xf32, #tpu.memory_space<vmem>>, vector<16xf32>,
      %swap3A_166 = arith.index_cast %scan3A_147 : i32 to index
      %swap3A_167 = arith.constant 96 : index
      %swap3A_168 = tpu.vector_load %arg14[%swap3A_166, %swap3A_167] {strides = array<i32>} : memref<128x128xf32, #tpu.memory_space<vmem>>, vector<16xf32>,
      tpu.vector_store %arg14[%swap3A_166, %swap3A_167], %broadcast_in_dim3A_1 {strides = array<i32>} : memref<128x128xf32, #tpu.memory_space<vmem>>, vector<16xf32>,
      %swap3A_169 = arith.index_cast %scan3A_147 : i32 to index
      %swap3A_170 = arith.constant 112 : index
      %swap3A_171 = tpu.vector_load %arg14[%swap3A_169, %swap3A_170] {strides = array<i32>} : memref<128x128xf32, #tpu.memory_space<vmem>>, vector<16xf32>,
      tpu.vector_store %arg14[%swap3A_169, %swap3A_170], %broadcast_in_dim3A_1 {strides = array<i32>} : memref<128x128xf32, #tpu.memory_space<vmem>>, vector<16xf32>,
    }
    %scan3A_6 = arith.constant 128 : i32
    %swap3A = arith.constant 0 : index
    %swap3A_7 = tpu.vector_load %arg13[%swap3A] {strides = array<i32>} : memref<128xf32, #tpu.memory_space<vmem>>, vector<16xf32>,
    tpu.vector_store %arg13[%swap3A], %broadcast_in_dim3A_1 {strides = array<i32>} : memref<128xf32, #tpu.memory_space<vmem>>, vector<16xf32>,
    %swap3A_8 = arith.constant 16 : index
    %swap3A_9 = tpu.vector_load %arg13[%swap3A_8] {strides = array<i32>} : memref<128xf32, #tpu.memory_space<vmem>>, vector<16xf32>,
    tpu.vector_store %arg13[%swap3A_8], %broadcast_in_dim3A_1 {strides = array<i32>} : memref<128xf32, #tpu.memory_space<vmem>>, vector<16xf32>,
    %swap3A_10 = arith.constant 32 : index
    %swap3A_11 = tpu.vector_load %arg13[%swap3A_10] {strides = array<i32>} : memref<128xf32, #tpu.memory_space<vmem>>, vector<16xf32>,
    tpu.vector_store %arg13[%swap3A_10], %broadcast_in_dim3A_1 {strides = array<i32>} : memref<128xf32, #tpu.memory_space<vmem>>, vector<16xf32>,
    %swap3A_12 = arith.constant 48 : index
    %swap3A_13 = tpu.vector_load %arg13[%swap3A_12] {strides = array<i32>} : memref<128xf32, #tpu.memory_space<vmem>>, vector<16xf32>,
    tpu.vector_store %arg13[%swap3A_12], %broadcast_in_dim3A_1 {strides = array<i32>} : memref<128xf32, #tpu.memory_space<vmem>>, vector<16xf32>,
    %swap3A_14 = arith.constant 64 : index
    %swap3A_15 = tpu.vector_load %arg13[%swap3A_14] {strides = array<i32>} : memref<128xf32, #tpu.memory_space<vmem>>, vector<16xf32>,
    tpu.vector_store %arg13[%swap3A_14], %broadcast_in_dim3A_1 {strides = array<i32>} : memref<128xf32, #tpu.memory_space<vmem>>, vector<16xf32>,
    %swap3A_16 = arith.constant 80 : index
    %swap3A_17 = tpu.vector_load %arg13[%swap3A_16] {strides = array<i32>} : memref<128xf32, #tpu.memory_space<vmem>>, vector<16xf32>,
    tpu.vector_store %arg13[%swap3A_16], %broadcast_in_dim3A_1 {strides = array<i32>} : memref<128xf32, #tpu.memory_space<vmem>>, vector<16xf32>,
    %swap3A_18 = arith.constant 96 : index
    %swap3A_19 = tpu.vector_load %arg13[%swap3A_18] {strides = array<i32>} : memref<128xf32, #tpu.memory_space<vmem>>, vector<16xf32>,
    tpu.vector_store %arg13[%swap3A_18], %broadcast_in_dim3A_1 {strides = array<i32>} : memref<128xf32, #tpu.memory_space<vmem>>, vector<16xf32>,
    %swap3A_20 = arith.constant 112 : index
    %swap3A_21 = tpu.vector_load %arg13[%swap3A_20] {strides = array<i32>} : memref<128xf32, #tpu.memory_space<vmem>>, vector<16xf32>,
    tpu.vector_store %arg13[%swap3A_20], %broadcast_in_dim3A_1 {strides = array<i32>} : memref<128xf32, #tpu.memory_space<vmem>>, vector<16xf32>,
    %mul3A_22 = arith.constant 640 : i32
    %mul3A_23 = arith.muli %arg1, %mul3A_22 : i32
    %add3A_24 = arith.constant 0 : i32
    %add3A_25 = arith.addi %mul3A_23, %add3A_24 : i32
    "tpu.region"() ({
      %run_scoped3A = tpu.sem_alloc : memref<!tpu.dma_semaphore, #tpu.memory_space<semaphore_mem>>
      %dma_start3A_147 = arith.constant 0 : i32
      %dma_start3A_148 = tpu.memref_slice %arg19[%add3A_25, %dma_start3A_147] : memref<10240x128xf32, #tpu.memory_space<vmem_shared>> -> memref<128x128xf32, #tpu.memory_space<vmem_shared>>
      %dma_start3A_149 = arith.constant 0 : i32
      %dma_start3A_150 = tpu.memref_slice %arg19[%add3A_25, %dma_start3A_149] : memref<10240x128xf32, #tpu.memory_space<vmem_shared>> -> memref<128x128xf32, #tpu.memory_space<vmem_shared>>
      tpu.enqueue_dma source(%arg14 : memref<128x128xf32, #tpu.memory_space<vmem>>) target(%dma_start3A_150 : memref<128x128xf32, #tpu.memory_space<vmem_shared>>) target_semaphore(%run_scoped3A : memref<!tpu.dma_semaphore, #tpu.memory_space<semaphore_mem>>)
      %dma_wait3A = arith.constant 0 : i32
      %dma_wait3A_151 = tpu.memref_slice %arg19[%add3A_25, %dma_wait3A] : memref<10240x128xf32, #tpu.memory_space<vmem_shared>> -> memref<128x128xf32, #tpu.memory_space<vmem_shared>>
      %dma_wait3A_152 = arith.constant 0 : i32
      %dma_wait3A_153 = tpu.memref_slice %arg19[%add3A_25, %dma_wait3A_152] : memref<10240x128xf32, #tpu.memory_space<vmem_shared>> -> memref<128x128xf32, #tpu.memory_space<vmem_shared>>
      tpu.wait_dma2 semaphore(%run_scoped3A : memref<!tpu.dma_semaphore, #tpu.memory_space<semaphore_mem>>) src(%arg14 : memref<128x128xf32, #tpu.memory_space<vmem>>) dst(%dma_wait3A_153 : memref<128x128xf32, #tpu.memory_space<vmem_shared>>)
      tpu.yield
    }) : () -> ()
    %add3A_26 = arith.constant 0 : i32
    %add3A_27 = arith.addi %mul3A_23, %add3A_26 : i32
    "tpu.region"() ({
      %run_scoped3A = tpu.sem_alloc : memref<!tpu.dma_semaphore, #tpu.memory_space<semaphore_mem>>
      %dma_start3A_147 = tpu.memref_slice %arg20[%add3A_27] : memref<10240xf32, #tpu.memory_space<vmem_shared>> -> memref<128xf32, #tpu.memory_space<vmem_shared>>
      %dma_start3A_148 = tpu.memref_slice %arg20[%add3A_27] : memref<10240xf32, #tpu.memory_space<vmem_shared>> -> memref<128xf32, #tpu.memory_space<vmem_shared>>
      tpu.enqueue_dma source(%arg13 : memref<128xf32, #tpu.memory_space<vmem>>) target(%dma_start3A_148 : memref<128xf32, #tpu.memory_space<vmem_shared>>) target_semaphore(%run_scoped3A : memref<!tpu.dma_semaphore, #tpu.memory_space<semaphore_mem>>)
      %dma_wait3A = tpu.memref_slice %arg20[%add3A_27] : memref<10240xf32, #tpu.memory_space<vmem_shared>> -> memref<128xf32, #tpu.memory_space<vmem_shared>>
      %dma_wait3A_149 = tpu.memref_slice %arg20[%add3A_27] : memref<10240xf32, #tpu.memory_space<vmem_shared>> -> memref<128xf32, #tpu.memory_space<vmem_shared>>
      tpu.wait_dma2 semaphore(%run_scoped3A : memref<!tpu.dma_semaphore, #tpu.memory_space<semaphore_mem>>) src(%arg13 : memref<128xf32, #tpu.memory_space<vmem>>) dst(%dma_wait3A_149 : memref<128xf32, #tpu.memory_space<vmem_shared>>)
      tpu.yield
    }) : () -> ()
    %add3A_28 = arith.constant 128 : i32
    %add3A_29 = arith.addi %mul3A_23, %add3A_28 : i32
    "tpu.region"() ({
      %run_scoped3A = tpu.sem_alloc : memref<!tpu.dma_semaphore, #tpu.memory_space<semaphore_mem>>
      %dma_start3A_147 = arith.constant 0 : i32
      %dma_start3A_148 = tpu.memref_slice %arg19[%add3A_29, %dma_start3A_147] : memref<10240x128xf32, #tpu.memory_space<vmem_shared>> -> memref<128x128xf32, #tpu.memory_space<vmem_shared>>
      %dma_start3A_149 = arith.constant 0 : i32
      %dma_start3A_150 = tpu.memref_slice %arg19[%add3A_29, %dma_start3A_149] : memref<10240x128xf32, #tpu.memory_space<vmem_shared>> -> memref<128x128xf32, #tpu.memory_space<vmem_shared>>
      tpu.enqueue_dma source(%arg14 : memref<128x128xf32, #tpu.memory_space<vmem>>) target(%dma_start3A_150 : memref<128x128xf32, #tpu.memory_space<vmem_shared>>) target_semaphore(%run_scoped3A : memref<!tpu.dma_semaphore, #tpu.memory_space<semaphore_mem>>)
      %dma_wait3A = arith.constant 0 : i32
      %dma_wait3A_151 = tpu.memref_slice %arg19[%add3A_29, %dma_wait3A] : memref<10240x128xf32, #tpu.memory_space<vmem_shared>> -> memref<128x128xf32, #tpu.memory_space<vmem_shared>>
      %dma_wait3A_152 = arith.constant 0 : i32
      %dma_wait3A_153 = tpu.memref_slice %arg19[%add3A_29, %dma_wait3A_152] : memref<10240x128xf32, #tpu.memory_space<vmem_shared>> -> memref<128x128xf32, #tpu.memory_space<vmem_shared>>
      tpu.wait_dma2 semaphore(%run_scoped3A : memref<!tpu.dma_semaphore, #tpu.memory_space<semaphore_mem>>) src(%arg14 : memref<128x128xf32, #tpu.memory_space<vmem>>) dst(%dma_wait3A_153 : memref<128x128xf32, #tpu.memory_space<vmem_shared>>)
      tpu.yield
    }) : () -> ()
    %add3A_30 = arith.constant 128 : i32
    %add3A_31 = arith.addi %mul3A_23, %add3A_30 : i32
    "tpu.region"() ({
      %run_scoped3A = tpu.sem_alloc : memref<!tpu.dma_semaphore, #tpu.memory_space<semaphore_mem>>
      %dma_start3A_147 = tpu.memref_slice %arg20[%add3A_31] : memref<10240xf32, #tpu.memory_space<vmem_shared>> -> memref<128xf32, #tpu.memory_space<vmem_shared>>
      %dma_start3A_148 = tpu.memref_slice %arg20[%add3A_31] : memref<10240xf32, #tpu.memory_space<vmem_shared>> -> memref<128xf32, #tpu.memory_space<vmem_shared>>
      tpu.enqueue_dma source(%arg13 : memref<128xf32, #tpu.memory_space<vmem>>) target(%dma_start3A_148 : memref<128xf32, #tpu.memory_space<vmem_shared>>) target_semaphore(%run_scoped3A : memref<!tpu.dma_semaphore, #tpu.memory_space<semaphore_mem>>)
      %dma_wait3A = tpu.memref_slice %arg20[%add3A_31] : memref<10240xf32, #tpu.memory_space<vmem_shared>> -> memref<128xf32, #tpu.memory_space<vmem_shared>>
      %dma_wait3A_149 = tpu.memref_slice %arg20[%add3A_31] : memref<10240xf32, #tpu.memory_space<vmem_shared>> -> memref<128xf32, #tpu.memory_space<vmem_shared>>
      tpu.wait_dma2 semaphore(%run_scoped3A : memref<!tpu.dma_semaphore, #tpu.memory_space<semaphore_mem>>) src(%arg13 : memref<128xf32, #tpu.memory_space<vmem>>) dst(%dma_wait3A_149 : memref<128xf32, #tpu.memory_space<vmem_shared>>)
      tpu.yield
    }) : () -> ()
    %add3A_32 = arith.constant 256 : i32
    %add3A_33 = arith.addi %mul3A_23, %add3A_32 : i32
    "tpu.region"() ({
      %run_scoped3A = tpu.sem_alloc : memref<!tpu.dma_semaphore, #tpu.memory_space<semaphore_mem>>
      %dma_start3A_147 = arith.constant 0 : i32
      %dma_start3A_148 = tpu.memref_slice %arg19[%add3A_33, %dma_start3A_147] : memref<10240x128xf32, #tpu.memory_space<vmem_shared>> -> memref<128x128xf32, #tpu.memory_space<vmem_shared>>
      %dma_start3A_149 = arith.constant 0 : i32
      %dma_start3A_150 = tpu.memref_slice %arg19[%add3A_33, %dma_start3A_149] : memref<10240x128xf32, #tpu.memory_space<vmem_shared>> -> memref<128x128xf32, #tpu.memory_space<vmem_shared>>
      tpu.enqueue_dma source(%arg14 : memref<128x128xf32, #tpu.memory_space<vmem>>) target(%dma_start3A_150 : memref<128x128xf32, #tpu.memory_space<vmem_shared>>) target_semaphore(%run_scoped3A : memref<!tpu.dma_semaphore, #tpu.memory_space<semaphore_mem>>)
      %dma_wait3A = arith.constant 0 : i32
      %dma_wait3A_151 = tpu.memref_slice %arg19[%add3A_33, %dma_wait3A] : memref<10240x128xf32, #tpu.memory_space<vmem_shared>> -> memref<128x128xf32, #tpu.memory_space<vmem_shared>>
      %dma_wait3A_152 = arith.constant 0 : i32
      %dma_wait3A_153 = tpu.memref_slice %arg19[%add3A_33, %dma_wait3A_152] : memref<10240x128xf32, #tpu.memory_space<vmem_shared>> -> memref<128x128xf32, #tpu.memory_space<vmem_shared>>
      tpu.wait_dma2 semaphore(%run_scoped3A : memref<!tpu.dma_semaphore, #tpu.memory_space<semaphore_mem>>) src(%arg14 : memref<128x128xf32, #tpu.memory_space<vmem>>) dst(%dma_wait3A_153 : memref<128x128xf32, #tpu.memory_space<vmem_shared>>)
      tpu.yield
    }) : () -> ()
    %add3A_34 = arith.constant 256 : i32
    %add3A_35 = arith.addi %mul3A_23, %add3A_34 : i32
    "tpu.region"() ({
      %run_scoped3A = tpu.sem_alloc : memref<!tpu.dma_semaphore, #tpu.memory_space<semaphore_mem>>
      %dma_start3A_147 = tpu.memref_slice %arg20[%add3A_35] : memref<10240xf32, #tpu.memory_space<vmem_shared>> -> memref<128xf32, #tpu.memory_space<vmem_shared>>
      %dma_start3A_148 = tpu.memref_slice %arg20[%add3A_35] : memref<10240xf32, #tpu.memory_space<vmem_shared>> -> memref<128xf32, #tpu.memory_space<vmem_shared>>
      tpu.enqueue_dma source(%arg13 : memref<128xf32, #tpu.memory_space<vmem>>) target(%dma_start3A_148 : memref<128xf32, #tpu.memory_space<vmem_shared>>) target_semaphore(%run_scoped3A : memref<!tpu.dma_semaphore, #tpu.memory_space<semaphore_mem>>)
      %dma_wait3A = tpu.memref_slice %arg20[%add3A_35] : memref<10240xf32, #tpu.memory_space<vmem_shared>> -> memref<128xf32, #tpu.memory_space<vmem_shared>>
      %dma_wait3A_149 = tpu.memref_slice %arg20[%add3A_35] : memref<10240xf32, #tpu.memory_space<vmem_shared>> -> memref<128xf32, #tpu.memory_space<vmem_shared>>
      tpu.wait_dma2 semaphore(%run_scoped3A : memref<!tpu.dma_semaphore, #tpu.memory_space<semaphore_mem>>) src(%arg13 : memref<128xf32, #tpu.memory_space<vmem>>) dst(%dma_wait3A_149 : memref<128xf32, #tpu.memory_space<vmem_shared>>)
      tpu.yield
    }) : () -> ()
    %add3A_36 = arith.constant 384 : i32
    %add3A_37 = arith.addi %mul3A_23, %add3A_36 : i32
    "tpu.region"() ({
      %run_scoped3A = tpu.sem_alloc : memref<!tpu.dma_semaphore, #tpu.memory_space<semaphore_mem>>
      %dma_start3A_147 = arith.constant 0 : i32
      %dma_start3A_148 = tpu.memref_slice %arg19[%add3A_37, %dma_start3A_147] : memref<10240x128xf32, #tpu.memory_space<vmem_shared>> -> memref<128x128xf32, #tpu.memory_space<vmem_shared>>
      %dma_start3A_149 = arith.constant 0 : i32
      %dma_start3A_150 = tpu.memref_slice %arg19[%add3A_37, %dma_start3A_149] : memref<10240x128xf32, #tpu.memory_space<vmem_shared>> -> memref<128x128xf32, #tpu.memory_space<vmem_shared>>
      tpu.enqueue_dma source(%arg14 : memref<128x128xf32, #tpu.memory_space<vmem>>) target(%dma_start3A_150 : memref<128x128xf32, #tpu.memory_space<vmem_shared>>) target_semaphore(%run_scoped3A : memref<!tpu.dma_semaphore, #tpu.memory_space<semaphore_mem>>)
      %dma_wait3A = arith.constant 0 : i32
      %dma_wait3A_151 = tpu.memref_slice %arg19[%add3A_37, %dma_wait3A] : memref<10240x128xf32, #tpu.memory_space<vmem_shared>> -> memref<128x128xf32, #tpu.memory_space<vmem_shared>>
      %dma_wait3A_152 = arith.constant 0 : i32
      %dma_wait3A_153 = tpu.memref_slice %arg19[%add3A_37, %dma_wait3A_152] : memref<10240x128xf32, #tpu.memory_space<vmem_shared>> -> memref<128x128xf32, #tpu.memory_space<vmem_shared>>
      tpu.wait_dma2 semaphore(%run_scoped3A : memref<!tpu.dma_semaphore, #tpu.memory_space<semaphore_mem>>) src(%arg14 : memref<128x128xf32, #tpu.memory_space<vmem>>) dst(%dma_wait3A_153 : memref<128x128xf32, #tpu.memory_space<vmem_shared>>)
      tpu.yield
    }) : () -> ()
    %add3A_38 = arith.constant 384 : i32
    %add3A_39 = arith.addi %mul3A_23, %add3A_38 : i32
    "tpu.region"() ({
      %run_scoped3A = tpu.sem_alloc : memref<!tpu.dma_semaphore, #tpu.memory_space<semaphore_mem>>
      %dma_start3A_147 = tpu.memref_slice %arg20[%add3A_39] : memref<10240xf32, #tpu.memory_space<vmem_shared>> -> memref<128xf32, #tpu.memory_space<vmem_shared>>
      %dma_start3A_148 = tpu.memref_slice %arg20[%add3A_39] : memref<10240xf32, #tpu.memory_space<vmem_shared>> -> memref<128xf32, #tpu.memory_space<vmem_shared>>
      tpu.enqueue_dma source(%arg13 : memref<128xf32, #tpu.memory_space<vmem>>) target(%dma_start3A_148 : memref<128xf32, #tpu.memory_space<vmem_shared>>) target_semaphore(%run_scoped3A : memref<!tpu.dma_semaphore, #tpu.memory_space<semaphore_mem>>)
      %dma_wait3A = tpu.memref_slice %arg20[%add3A_39] : memref<10240xf32, #tpu.memory_space<vmem_shared>> -> memref<128xf32, #tpu.memory_space<vmem_shared>>
      %dma_wait3A_149 = tpu.memref_slice %arg20[%add3A_39] : memref<10240xf32, #tpu.memory_space<vmem_shared>> -> memref<128xf32, #tpu.memory_space<vmem_shared>>
      tpu.wait_dma2 semaphore(%run_scoped3A : memref<!tpu.dma_semaphore, #tpu.memory_space<semaphore_mem>>) src(%arg13 : memref<128xf32, #tpu.memory_space<vmem>>) dst(%dma_wait3A_149 : memref<128xf32, #tpu.memory_space<vmem_shared>>)
      tpu.yield
    }) : () -> ()
    %add3A_40 = arith.constant 512 : i32
    %add3A_41 = arith.addi %mul3A_23, %add3A_40 : i32
    "tpu.region"() ({
      %run_scoped3A = tpu.sem_alloc : memref<!tpu.dma_semaphore, #tpu.memory_space<semaphore_mem>>
      %dma_start3A_147 = arith.constant 0 : i32
      %dma_start3A_148 = tpu.memref_slice %arg19[%add3A_41, %dma_start3A_147] : memref<10240x128xf32, #tpu.memory_space<vmem_shared>> -> memref<128x128xf32, #tpu.memory_space<vmem_shared>>
      %dma_start3A_149 = arith.constant 0 : i32
      %dma_start3A_150 = tpu.memref_slice %arg19[%add3A_41, %dma_start3A_149] : memref<10240x128xf32, #tpu.memory_space<vmem_shared>> -> memref<128x128xf32, #tpu.memory_space<vmem_shared>>
      tpu.enqueue_dma source(%arg14 : memref<128x128xf32, #tpu.memory_space<vmem>>) target(%dma_start3A_150 : memref<128x128xf32, #tpu.memory_space<vmem_shared>>) target_semaphore(%run_scoped3A : memref<!tpu.dma_semaphore, #tpu.memory_space<semaphore_mem>>)
      %dma_wait3A = arith.constant 0 : i32
      %dma_wait3A_151 = tpu.memref_slice %arg19[%add3A_41, %dma_wait3A] : memref<10240x128xf32, #tpu.memory_space<vmem_shared>> -> memref<128x128xf32, #tpu.memory_space<vmem_shared>>
      %dma_wait3A_152 = arith.constant 0 : i32
      %dma_wait3A_153 = tpu.memref_slice %arg19[%add3A_41, %dma_wait3A_152] : memref<10240x128xf32, #tpu.memory_space<vmem_shared>> -> memref<128x128xf32, #tpu.memory_space<vmem_shared>>
      tpu.wait_dma2 semaphore(%run_scoped3A : memref<!tpu.dma_semaphore, #tpu.memory_space<semaphore_mem>>) src(%arg14 : memref<128x128xf32, #tpu.memory_space<vmem>>) dst(%dma_wait3A_153 : memref<128x128xf32, #tpu.memory_space<vmem_shared>>)
      tpu.yield
    }) : () -> ()
    %add3A_42 = arith.constant 512 : i32
    %add3A_43 = arith.addi %mul3A_23, %add3A_42 : i32
    "tpu.region"() ({
      %run_scoped3A = tpu.sem_alloc : memref<!tpu.dma_semaphore, #tpu.memory_space<semaphore_mem>>
      %dma_start3A_147 = tpu.memref_slice %arg20[%add3A_43] : memref<10240xf32, #tpu.memory_space<vmem_shared>> -> memref<128xf32, #tpu.memory_space<vmem_shared>>
      %dma_start3A_148 = tpu.memref_slice %arg20[%add3A_43] : memref<10240xf32, #tpu.memory_space<vmem_shared>> -> memref<128xf32, #tpu.memory_space<vmem_shared>>
      tpu.enqueue_dma source(%arg13 : memref<128xf32, #tpu.memory_space<vmem>>) target(%dma_start3A_148 : memref<128xf32, #tpu.memory_space<vmem_shared>>) target_semaphore(%run_scoped3A : memref<!tpu.dma_semaphore, #tpu.memory_space<semaphore_mem>>)
      %dma_wait3A = tpu.memref_slice %arg20[%add3A_43] : memref<10240xf32, #tpu.memory_space<vmem_shared>> -> memref<128xf32, #tpu.memory_space<vmem_shared>>
      %dma_wait3A_149 = tpu.memref_slice %arg20[%add3A_43] : memref<10240xf32, #tpu.memory_space<vmem_shared>> -> memref<128xf32, #tpu.memory_space<vmem_shared>>
      tpu.wait_dma2 semaphore(%run_scoped3A : memref<!tpu.dma_semaphore, #tpu.memory_space<semaphore_mem>>) src(%arg13 : memref<128xf32, #tpu.memory_space<vmem>>) dst(%dma_wait3A_149 : memref<128xf32, #tpu.memory_space<vmem_shared>>)
      tpu.yield
    }) : () -> ()
    %barrier3A = arith.constant 0 : index
    tpu.barrier barrier_id(%barrier3A)
    %mul3A_44 = arith.constant 80 : i32
    %mul3A_45 = arith.muli %add3A, %mul3A_44 : i32
    %add3A_46 = arith.constant 0 : i32
    %add3A_47 = arith.addi %mul3A_45, %add3A_46 : i32
    "tpu.region"() ({
      %run_scoped3A = tpu.sem_alloc : memref<!tpu.dma_semaphore, #tpu.memory_space<semaphore_mem>>
      %dma_start3A_147 = arith.constant 0 : i32
      %dma_start3A_148 = arith.constant 0 : i32
      %dma_start3A_149 = tpu.memref_slice %arg2[%add3A_47, %dma_start3A_147, %dma_start3A_148] : memref<2560x1x128xi32, #tpu.memory_space<hbm>> -> memref<40x1x128xi32, #tpu.memory_space<hbm>>
      %dma_start3A_150 = arith.constant 0 : i32
      %dma_start3A_151 = arith.constant 0 : i32
      %dma_start3A_152 = tpu.memref_slice %arg2[%add3A_47, %dma_start3A_150, %dma_start3A_151] : memref<2560x1x128xi32, #tpu.memory_space<hbm>> -> memref<40x1x128xi32, #tpu.memory_space<hbm>>
      tpu.enqueue_dma source(%dma_start3A_152 : memref<40x1x128xi32, #tpu.memory_space<hbm>>) target(%arg9 : memref<40x1x128xi32, #tpu.memory_space<vmem>>) target_semaphore(%run_scoped3A : memref<!tpu.dma_semaphore, #tpu.memory_space<semaphore_mem>>)
      %dma_wait3A = arith.constant 0 : i32
      %dma_wait3A_153 = arith.constant 0 : i32
      %dma_wait3A_154 = tpu.memref_slice %arg2[%add3A_47, %dma_wait3A, %dma_wait3A_153] : memref<2560x1x128xi32, #tpu.memory_space<hbm>> -> memref<40x1x128xi32, #tpu.memory_space<hbm>>
      %dma_wait3A_155 = arith.constant 0 : i32
      %dma_wait3A_156 = arith.constant 0 : i32
      %dma_wait3A_157 = tpu.memref_slice %arg2[%add3A_47, %dma_wait3A_155, %dma_wait3A_156] : memref<2560x1x128xi32, #tpu.memory_space<hbm>> -> memref<40x1x128xi32, #tpu.memory_space<hbm>>
      tpu.wait_dma2 semaphore(%run_scoped3A : memref<!tpu.dma_semaphore, #tpu.memory_space<semaphore_mem>>) src(%dma_wait3A_157 : memref<40x1x128xi32, #tpu.memory_space<hbm>>) dst(%arg9 : memref<40x1x128xi32, #tpu.memory_space<vmem>>)
      tpu.yield
    }) : () -> ()
    %mul3A_48 = arith.constant 80 : i32
    %mul3A_49 = arith.muli %add3A, %mul3A_48 : i32
    %add3A_50 = arith.constant 0 : i32
    %add3A_51 = arith.addi %mul3A_49, %add3A_50 : i32
    "tpu.region"() ({
      %run_scoped3A = tpu.sem_alloc : memref<!tpu.dma_semaphore, #tpu.memory_space<semaphore_mem>>
      %dma_start3A_147 = arith.constant 0 : i32
      %dma_start3A_148 = arith.constant 0 : i32
      %dma_start3A_149 = tpu.memref_slice %arg3[%add3A_51, %dma_start3A_147, %dma_start3A_148] : memref<2560x1x128xi32, #tpu.memory_space<hbm>> -> memref<40x1x128xi32, #tpu.memory_space<hbm>>
      %dma_start3A_150 = arith.constant 0 : i32
      %dma_start3A_151 = arith.constant 0 : i32
      %dma_start3A_152 = tpu.memref_slice %arg3[%add3A_51, %dma_start3A_150, %dma_start3A_151] : memref<2560x1x128xi32, #tpu.memory_space<hbm>> -> memref<40x1x128xi32, #tpu.memory_space<hbm>>
      tpu.enqueue_dma source(%dma_start3A_152 : memref<40x1x128xi32, #tpu.memory_space<hbm>>) target(%arg10 : memref<40x1x128xi32, #tpu.memory_space<vmem>>) target_semaphore(%run_scoped3A : memref<!tpu.dma_semaphore, #tpu.memory_space<semaphore_mem>>)
      %dma_wait3A = arith.constant 0 : i32
      %dma_wait3A_153 = arith.constant 0 : i32
      %dma_wait3A_154 = tpu.memref_slice %arg3[%add3A_51, %dma_wait3A, %dma_wait3A_153] : memref<2560x1x128xi32, #tpu.memory_space<hbm>> -> memref<40x1x128xi32, #tpu.memory_space<hbm>>
      %dma_wait3A_155 = arith.constant 0 : i32
      %dma_wait3A_156 = arith.constant 0 : i32
      %dma_wait3A_157 = tpu.memref_slice %arg3[%add3A_51, %dma_wait3A_155, %dma_wait3A_156] : memref<2560x1x128xi32, #tpu.memory_space<hbm>> -> memref<40x1x128xi32, #tpu.memory_space<hbm>>
      tpu.wait_dma2 semaphore(%run_scoped3A : memref<!tpu.dma_semaphore, #tpu.memory_space<semaphore_mem>>) src(%dma_wait3A_157 : memref<40x1x128xi32, #tpu.memory_space<hbm>>) dst(%arg10 : memref<40x1x128xi32, #tpu.memory_space<vmem>>)
      tpu.yield
    }) : () -> ()
    %dma_start3A = arith.constant 0 : i32
    %dma_start3A_52 = arith.constant 0 : i32
    %dma_start3A_53 = arith.constant 0 : i32
    %dma_start3A_54 = arith.constant 0 : i32
    %dma_start3A_55 = tpu.memref_slice %arg14[%dma_start3A_53, %dma_start3A_54] : memref<128x128xf32, #tpu.memory_space<vmem>> -> memref<64x128xf32, #tpu.memory_space<vmem>>
    %dma_start3A_56 = arith.constant 0 : i32
    %dma_start3A_57 = tpu.memref_slice %arg9[%dma_start3A, %dma_start3A_52, %dma_start3A_56] : memref<40x1x128xi32, #tpu.memory_space<vmem>> -> memref<1x1x64xi32, #tpu.memory_space<vmem>>
    %dma_start3A_58 = tpu.memref_squeeze %dma_start3A_57 : memref<1x1x64xi32, #tpu.memory_space<vmem>> -> memref<64xi32, #tpu.memory_space<vmem>>
    %dma_start3A_59 = arith.constant 0 : i32
    %dma_start3A_60 = arith.constant 0 : i32
    %dma_start3A_61 = tpu.memref_slice %arg6[%dma_start3A_59, %dma_start3A_60] : memref<10000x128xf32, #tpu.memory_space<hbm>> -> memref<10000x128xf32, #tpu.memory_space<hbm>>
    tpu.enqueue_indirect_dma source(%dma_start3A_61 : memref<10000x128xf32, #tpu.memory_space<hbm>>) target(%dma_start3A_55 : memref<64x128xf32, #tpu.memory_space<vmem>>) offsets(%dma_start3A_58 : memref<64xi32, #tpu.memory_space<vmem>>) semaphore(%arg23 : memref<!tpu.dma_semaphore, #tpu.memory_space<semaphore_mem>>)
    %dma_start3A_62 = arith.constant 0 : i32
    %dma_start3A_63 = arith.constant 0 : i32
    %dma_start3A_64 = arith.constant 64 : i32
    %dma_start3A_65 = arith.constant 0 : i32
    %dma_start3A_66 = tpu.memref_slice %arg14[%dma_start3A_64, %dma_start3A_65] : memref<128x128xf32, #tpu.memory_space<vmem>> -> memref<64x128xf32, #tpu.memory_space<vmem>>
    %dma_start3A_67 = arith.constant 64 : i32
    %dma_start3A_68 = tpu.memref_slice %arg9[%dma_start3A_62, %dma_start3A_63, %dma_start3A_67] : memref<40x1x128xi32, #tpu.memory_space<vmem>> -> memref<1x1x64xi32, #tpu.memory_space<vmem>>
    %dma_start3A_69 = tpu.memref_squeeze %dma_start3A_68 : memref<1x1x64xi32, #tpu.memory_space<vmem>> -> memref<64xi32, #tpu.memory_space<vmem>>
    %dma_start3A_70 = arith.constant 0 : i32
    %dma_start3A_71 = arith.constant 0 : i32
    %dma_start3A_72 = tpu.memref_slice %arg6[%dma_start3A_70, %dma_start3A_71] : memref<10000x128xf32, #tpu.memory_space<hbm>> -> memref<10000x128xf32, #tpu.memory_space<hbm>>
    tpu.enqueue_indirect_dma source(%dma_start3A_72 : memref<10000x128xf32, #tpu.memory_space<hbm>>) target(%dma_start3A_66 : memref<64x128xf32, #tpu.memory_space<vmem>>) offsets(%dma_start3A_69 : memref<64xi32, #tpu.memory_space<vmem>>) semaphore(%arg24 : memref<!tpu.dma_semaphore, #tpu.memory_space<semaphore_mem>>)
    %dma_start3A_73 = arith.constant 0 : i32
    %dma_start3A_74 = arith.constant 0 : i32
    %dma_start3A_75 = arith.constant 0 : i32
    %dma_start3A_76 = tpu.memref_slice %arg9[%dma_start3A_73, %dma_start3A_74, %dma_start3A_75] : memref<40x1x128xi32, #tpu.memory_space<vmem>> -> memref<1x1x128xi32, #tpu.memory_space<vmem>>
    %dma_start3A_77 = tpu.memref_squeeze %dma_start3A_76 : memref<1x1x128xi32, #tpu.memory_space<vmem>> -> memref<128xi32, #tpu.memory_space<vmem>>
    %dma_start3A_78 = arith.constant 0 : i32
    %dma_start3A_79 = tpu.memref_slice %arg4[%dma_start3A_78] : memref<10000xf32, #tpu.memory_space<hbm>> -> memref<10000xf32, #tpu.memory_space<hbm>>
    tpu.enqueue_indirect_dma source(%dma_start3A_79 : memref<10000xf32, #tpu.memory_space<hbm>>) target(%arg11 : memref<128xf32, #tpu.memory_space<vmem>>) offsets(%dma_start3A_77 : memref<128xi32, #tpu.memory_space<vmem>>) semaphore(%arg21 : memref<!tpu.dma_semaphore, #tpu.memory_space<semaphore_mem>>)
    %dma_start3A_80 = arith.constant 0 : i32
    %dma_start3A_81 = arith.constant 0 : i32
    %dma_start3A_82 = arith.constant 0 : i32
    %dma_start3A_83 = tpu.memref_slice %arg10[%dma_start3A_80, %dma_start3A_81, %dma_start3A_82] : memref<40x1x128xi32, #tpu.memory_space<vmem>> -> memref<1x1x128xi32, #tpu.memory_space<vmem>>
    %dma_start3A_84 = tpu.memref_squeeze %dma_start3A_83 : memref<1x1x128xi32, #tpu.memory_space<vmem>> -> memref<128xi32, #tpu.memory_space<vmem>>
    %dma_start3A_85 = arith.constant 0 : i32
    %dma_start3A_86 = tpu.memref_slice %arg5[%dma_start3A_85] : memref<10240xf32, #tpu.memory_space<hbm>> -> memref<10240xf32, #tpu.memory_space<hbm>>
    tpu.enqueue_indirect_dma source(%dma_start3A_86 : memref<10240xf32, #tpu.memory_space<hbm>>) target(%arg12 : memref<128xf32, #tpu.memory_space<vmem>>) offsets(%dma_start3A_84 : memref<128xi32, #tpu.memory_space<vmem>>) semaphore(%arg22 : memref<!tpu.dma_semaphore, #tpu.memory_space<semaphore_mem>>)
    %scan3A_87 = arith.constant 0 : i32
    %scan3A_88 = arith.constant 0 : i32
    %scan3A_89 = arith.constant 20 : i32
    %scan3A_90 = arith.addi %scan3A_88, %scan3A_89 : i32
    %scan3A_91 = arith.constant 1 : i32
    scf.for %scan3A_147 = %scan3A_88 to %scan3A_90 step %scan3A_91  : i32 {
      %mul3A_148 = arith.constant 2 : i32
      %mul3A_149 = arith.muli %mul3A_148, %scan3A_147 : i32
      %add3A_150 = arith.constant 1 : i32
      %add3A_151 = arith.addi %mul3A_149, %add3A_150 : i32
      %dma_start3A_152 = arith.constant 0 : i32
      %dma_start3A_153 = arith.constant 0 : i32
      %dma_start3A_154 = arith.constant 0 : i32
      %dma_start3A_155 = tpu.memref_slice %arg18[%dma_start3A_153, %dma_start3A_154] : memref<128x128xf32, #tpu.memory_space<vmem>> -> memref<64x128xf32, #tpu.memory_space<vmem>>
      %dma_start3A_156 = arith.constant 0 : i32
      %dma_start3A_157 = tpu.memref_slice %arg9[%add3A_151, %dma_start3A_152, %dma_start3A_156] : memref<40x1x128xi32, #tpu.memory_space<vmem>> -> memref<1x1x64xi32, #tpu.memory_space<vmem>>
      %dma_start3A_158 = tpu.memref_squeeze %dma_start3A_157 : memref<1x1x64xi32, #tpu.memory_space<vmem>> -> memref<64xi32, #tpu.memory_space<vmem>>
      %dma_start3A_159 = arith.constant 0 : i32
      %dma_start3A_160 = arith.constant 0 : i32
      %dma_start3A_161 = tpu.memref_slice %arg6[%dma_start3A_159, %dma_start3A_160] : memref<10000x128xf32, #tpu.memory_space<hbm>> -> memref<10000x128xf32, #tpu.memory_space<hbm>>
      tpu.enqueue_indirect_dma source(%dma_start3A_161 : memref<10000x128xf32, #tpu.memory_space<hbm>>) target(%dma_start3A_155 : memref<64x128xf32, #tpu.memory_space<vmem>>) offsets(%dma_start3A_158 : memref<64xi32, #tpu.memory_space<vmem>>) semaphore(%arg27 : memref<!tpu.dma_semaphore, #tpu.memory_space<semaphore_mem>>)
      %dma_start3A_162 = arith.constant 0 : i32
      %dma_start3A_163 = arith.constant 64 : i32
      %dma_start3A_164 = arith.constant 0 : i32
      %dma_start3A_165 = tpu.memref_slice %arg18[%dma_start3A_163, %dma_start3A_164] : memref<128x128xf32, #tpu.memory_space<vmem>> -> memref<64x128xf32, #tpu.memory_space<vmem>>
      %dma_start3A_166 = arith.constant 64 : i32
      %dma_start3A_167 = tpu.memref_slice %arg9[%add3A_151, %dma_start3A_162, %dma_start3A_166] : memref<40x1x128xi32, #tpu.memory_space<vmem>> -> memref<1x1x64xi32, #tpu.memory_space<vmem>>
      %dma_start3A_168 = tpu.memref_squeeze %dma_start3A_167 : memref<1x1x64xi32, #tpu.memory_space<vmem>> -> memref<64xi32, #tpu.memory_space<vmem>>
      %dma_start3A_169 = arith.constant 0 : i32
      %dma_start3A_170 = arith.constant 0 : i32
      %dma_start3A_171 = tpu.memref_slice %arg6[%dma_start3A_169, %dma_start3A_170] : memref<10000x128xf32, #tpu.memory_space<hbm>> -> memref<10000x128xf32, #tpu.memory_space<hbm>>
      tpu.enqueue_indirect_dma source(%dma_start3A_171 : memref<10000x128xf32, #tpu.memory_space<hbm>>) target(%dma_start3A_165 : memref<64x128xf32, #tpu.memory_space<vmem>>) offsets(%dma_start3A_168 : memref<64xi32, #tpu.memory_space<vmem>>) semaphore(%arg28 : memref<!tpu.dma_semaphore, #tpu.memory_space<semaphore_mem>>)
      %dma_start3A_172 = arith.constant 0 : i32
      %dma_start3A_173 = arith.constant 0 : i32
      %dma_start3A_174 = tpu.memref_slice %arg9[%add3A_151, %dma_start3A_172, %dma_start3A_173] : memref<40x1x128xi32, #tpu.memory_space<vmem>> -> memref<1x1x128xi32, #tpu.memory_space<vmem>>
      %dma_start3A_175 = tpu.memref_squeeze %dma_start3A_174 : memref<1x1x128xi32, #tpu.memory_space<vmem>> -> memref<128xi32, #tpu.memory_space<vmem>>
      %dma_start3A_176 = arith.constant 0 : i32
      %dma_start3A_177 = tpu.memref_slice %arg4[%dma_start3A_176] : memref<10000xf32, #tpu.memory_space<hbm>> -> memref<10000xf32, #tpu.memory_space<hbm>>
      tpu.enqueue_indirect_dma source(%dma_start3A_177 : memref<10000xf32, #tpu.memory_space<hbm>>) target(%arg15 : memref<128xf32, #tpu.memory_space<vmem>>) offsets(%dma_start3A_175 : memref<128xi32, #tpu.memory_space<vmem>>) semaphore(%arg25 : memref<!tpu.dma_semaphore, #tpu.memory_space<semaphore_mem>>)
      %dma_start3A_178 = arith.constant 0 : i32
      %dma_start3A_179 = arith.constant 0 : i32
      %dma_start3A_180 = tpu.memref_slice %arg10[%add3A_151, %dma_start3A_178, %dma_start3A_179] : memref<40x1x128xi32, #tpu.memory_space<vmem>> -> memref<1x1x128xi32, #tpu.memory_space<vmem>>
      %dma_start3A_181 = tpu.memref_squeeze %dma_start3A_180 : memref<1x1x128xi32, #tpu.memory_space<vmem>> -> memref<128xi32, #tpu.memory_space<vmem>>
      %dma_start3A_182 = arith.constant 0 : i32
      %dma_start3A_183 = tpu.memref_slice %arg5[%dma_start3A_182] : memref<10240xf32, #tpu.memory_space<hbm>> -> memref<10240xf32, #tpu.memory_space<hbm>>
      tpu.enqueue_indirect_dma source(%dma_start3A_183 : memref<10240xf32, #tpu.memory_space<hbm>>) target(%arg16 : memref<128xf32, #tpu.memory_space<vmem>>) offsets(%dma_start3A_181 : memref<128xi32, #tpu.memory_space<vmem>>) semaphore(%arg26 : memref<!tpu.dma_semaphore, #tpu.memory_space<semaphore_mem>>)
      %dma_wait3A = arith.constant 0 : i32
      %dma_wait3A_184 = arith.constant 0 : i32
      %dma_wait3A_185 = tpu.memref_slice %arg9[%mul3A_149, %dma_wait3A, %dma_wait3A_184] : memref<40x1x128xi32, #tpu.memory_space<vmem>> -> memref<1x1x128xi32, #tpu.memory_space<vmem>>
      %dma_wait3A_186 = tpu.memref_squeeze %dma_wait3A_185 : memref<1x1x128xi32, #tpu.memory_space<vmem>> -> memref<128xi32, #tpu.memory_space<vmem>>
      %dma_wait3A_187 = arith.constant 0 : i32
      %dma_wait3A_188 = tpu.memref_slice %arg4[%dma_wait3A_187] : memref<10000xf32, #tpu.memory_space<hbm>> -> memref<10000xf32, #tpu.memory_space<hbm>>
      tpu.wait_indirect_dma semaphore(%arg21 : memref<!tpu.dma_semaphore, #tpu.memory_space<semaphore_mem>>) src(%dma_wait3A_188 : memref<10000xf32, #tpu.memory_space<hbm>>) dst(%arg11 : memref<128xf32, #tpu.memory_space<vmem>>)
      %dma_wait3A_189 = arith.constant 0 : i32
      %dma_wait3A_190 = arith.constant 0 : i32
      %dma_wait3A_191 = tpu.memref_slice %arg10[%mul3A_149, %dma_wait3A_189, %dma_wait3A_190] : memref<40x1x128xi32, #tpu.memory_space<vmem>> -> memref<1x1x128xi32, #tpu.memory_space<vmem>>
      %dma_wait3A_192 = tpu.memref_squeeze %dma_wait3A_191 : memref<1x1x128xi32, #tpu.memory_space<vmem>> -> memref<128xi32, #tpu.memory_space<vmem>>
      %dma_wait3A_193 = arith.constant 0 : i32
      %dma_wait3A_194 = tpu.memref_slice %arg5[%dma_wait3A_193] : memref<10240xf32, #tpu.memory_space<hbm>> -> memref<10240xf32, #tpu.memory_space<hbm>>
      tpu.wait_indirect_dma semaphore(%arg22 : memref<!tpu.dma_semaphore, #tpu.memory_space<semaphore_mem>>) src(%dma_wait3A_194 : memref<10240xf32, #tpu.memory_space<hbm>>) dst(%arg12 : memref<128xf32, #tpu.memory_space<vmem>>)
      %get3A = arith.constant 0 : index
      %get3A_195 = tpu.vector_load %arg11[%get3A] {strides = array<i32>} : memref<128xf32, #tpu.memory_space<vmem>>, vector<16xf32>,
      %get3A_196 = arith.constant 0 : index
      %get3A_197 = tpu.vector_load %arg12[%get3A_196] {strides = array<i32>} : memref<128xf32, #tpu.memory_space<vmem>>, vector<16xf32>,
      %add3A_198 = arith.addf %get3A_195, %get3A_197 : vector<16xf32>
      %mul3A_199 = arith.constant 2.000000e-01 : f32
      %mul3A_200 = vector.broadcast %mul3A_199 : f32 to vector<16xf32>
      %mul3A_201 = arith.mulf %mul3A_200, %add3A_198 : vector<16xf32>
      %max3A = arith.maximumf %add3A_198, %mul3A_201 : vector<16xf32>
      %exp3A = math.exp %max3A : vector<16xf32>
      %swap3A_202 = arith.constant 0 : index
      %swap3A_203 = tpu.vector_load %arg13[%swap3A_202] {strides = array<i32>} : memref<128xf32, #tpu.memory_space<vmem>>, vector<16xf32>,
      tpu.vector_store %arg13[%swap3A_202], %exp3A {strides = array<i32>} : memref<128xf32, #tpu.memory_space<vmem>>, vector<16xf32>,
      %get3A_204 = arith.constant 16 : index
      %get3A_205 = tpu.vector_load %arg11[%get3A_204] {strides = array<i32>} : memref<128xf32, #tpu.memory_space<vmem>>, vector<16xf32>,
      %get3A_206 = arith.constant 16 : index
      %get3A_207 = tpu.vector_load %arg12[%get3A_206] {strides = array<i32>} : memref<128xf32, #tpu.memory_space<vmem>>, vector<16xf32>,
      %add3A_208 = arith.addf %get3A_205, %get3A_207 : vector<16xf32>
      %mul3A_209 = arith.constant 2.000000e-01 : f32
      %mul3A_210 = vector.broadcast %mul3A_209 : f32 to vector<16xf32>
      %mul3A_211 = arith.mulf %mul3A_210, %add3A_208 : vector<16xf32>
      %max3A_212 = arith.maximumf %add3A_208, %mul3A_211 : vector<16xf32>
      %exp3A_213 = math.exp %max3A_212 : vector<16xf32>
      %swap3A_214 = arith.constant 16 : index
      %swap3A_215 = tpu.vector_load %arg13[%swap3A_214] {strides = array<i32>} : memref<128xf32, #tpu.memory_space<vmem>>, vector<16xf32>,
      tpu.vector_store %arg13[%swap3A_214], %exp3A_213 {strides = array<i32>} : memref<128xf32, #tpu.memory_space<vmem>>, vector<16xf32>,
      %get3A_216 = arith.constant 32 : index
      %get3A_217 = tpu.vector_load %arg11[%get3A_216] {strides = array<i32>} : memref<128xf32, #tpu.memory_space<vmem>>, vector<16xf32>,
      %get3A_218 = arith.constant 32 : index
      %get3A_219 = tpu.vector_load %arg12[%get3A_218] {strides = array<i32>} : memref<128xf32, #tpu.memory_space<vmem>>, vector<16xf32>,
      %add3A_220 = arith.addf %get3A_217, %get3A_219 : vector<16xf32>
      %mul3A_221 = arith.constant 2.000000e-01 : f32
      %mul3A_222 = vector.broadcast %mul3A_221 : f32 to vector<16xf32>
      %mul3A_223 = arith.mulf %mul3A_222, %add3A_220 : vector<16xf32>
      %max3A_224 = arith.maximumf %add3A_220, %mul3A_223 : vector<16xf32>
      %exp3A_225 = math.exp %max3A_224 : vector<16xf32>
      %swap3A_226 = arith.constant 32 : index
      %swap3A_227 = tpu.vector_load %arg13[%swap3A_226] {strides = array<i32>} : memref<128xf32, #tpu.memory_space<vmem>>, vector<16xf32>,
      tpu.vector_store %arg13[%swap3A_226], %exp3A_225 {strides = array<i32>} : memref<128xf32, #tpu.memory_space<vmem>>, vector<16xf32>,
      %get3A_228 = arith.constant 48 : index
      %get3A_229 = tpu.vector_load %arg11[%get3A_228] {strides = array<i32>} : memref<128xf32, #tpu.memory_space<vmem>>, vector<16xf32>,
      %get3A_230 = arith.constant 48 : index
      %get3A_231 = tpu.vector_load %arg12[%get3A_230] {strides = array<i32>} : memref<128xf32, #tpu.memory_space<vmem>>, vector<16xf32>,
      %add3A_232 = arith.addf %get3A_229, %get3A_231 : vector<16xf32>
      %mul3A_233 = arith.constant 2.000000e-01 : f32
      %mul3A_234 = vector.broadcast %mul3A_233 : f32 to vector<16xf32>
      %mul3A_235 = arith.mulf %mul3A_234, %add3A_232 : vector<16xf32>
      %max3A_236 = arith.maximumf %add3A_232, %mul3A_235 : vector<16xf32>
      %exp3A_237 = math.exp %max3A_236 : vector<16xf32>
      %swap3A_238 = arith.constant 48 : index
      %swap3A_239 = tpu.vector_load %arg13[%swap3A_238] {strides = array<i32>} : memref<128xf32, #tpu.memory_space<vmem>>, vector<16xf32>,
      tpu.vector_store %arg13[%swap3A_238], %exp3A_237 {strides = array<i32>} : memref<128xf32, #tpu.memory_space<vmem>>, vector<16xf32>,
      %get3A_240 = arith.constant 64 : index
      %get3A_241 = tpu.vector_load %arg11[%get3A_240] {strides = array<i32>} : memref<128xf32, #tpu.memory_space<vmem>>, vector<16xf32>,
      %get3A_242 = arith.constant 64 : index
      %get3A_243 = tpu.vector_load %arg12[%get3A_242] {strides = array<i32>} : memref<128xf32, #tpu.memory_space<vmem>>, vector<16xf32>,
      %add3A_244 = arith.addf %get3A_241, %get3A_243 : vector<16xf32>
      %mul3A_245 = arith.constant 2.000000e-01 : f32
      %mul3A_246 = vector.broadcast %mul3A_245 : f32 to vector<16xf32>
      %mul3A_247 = arith.mulf %mul3A_246, %add3A_244 : vector<16xf32>
      %max3A_248 = arith.maximumf %add3A_244, %mul3A_247 : vector<16xf32>
      %exp3A_249 = math.exp %max3A_248 : vector<16xf32>
      %swap3A_250 = arith.constant 64 : index
      %swap3A_251 = tpu.vector_load %arg13[%swap3A_250] {strides = array<i32>} : memref<128xf32, #tpu.memory_space<vmem>>, vector<16xf32>,
      tpu.vector_store %arg13[%swap3A_250], %exp3A_249 {strides = array<i32>} : memref<128xf32, #tpu.memory_space<vmem>>, vector<16xf32>,
      %get3A_252 = arith.constant 80 : index
      %get3A_253 = tpu.vector_load %arg11[%get3A_252] {strides = array<i32>} : memref<128xf32, #tpu.memory_space<vmem>>, vector<16xf32>,
      %get3A_254 = arith.constant 80 : index
      %get3A_255 = tpu.vector_load %arg12[%get3A_254] {strides = array<i32>} : memref<128xf32, #tpu.memory_space<vmem>>, vector<16xf32>,
      %add3A_256 = arith.addf %get3A_253, %get3A_255 : vector<16xf32>
      %mul3A_257 = arith.constant 2.000000e-01 : f32
      %mul3A_258 = vector.broadcast %mul3A_257 : f32 to vector<16xf32>
      %mul3A_259 = arith.mulf %mul3A_258, %add3A_256 : vector<16xf32>
      %max3A_260 = arith.maximumf %add3A_256, %mul3A_259 : vector<16xf32>
      %exp3A_261 = math.exp %max3A_260 : vector<16xf32>
      %swap3A_262 = arith.constant 80 : index
      %swap3A_263 = tpu.vector_load %arg13[%swap3A_262] {strides = array<i32>} : memref<128xf32, #tpu.memory_space<vmem>>, vector<16xf32>,
      tpu.vector_store %arg13[%swap3A_262], %exp3A_261 {strides = array<i32>} : memref<128xf32, #tpu.memory_space<vmem>>, vector<16xf32>,
      %get3A_264 = arith.constant 96 : index
      %get3A_265 = tpu.vector_load %arg11[%get3A_264] {strides = array<i32>} : memref<128xf32, #tpu.memory_space<vmem>>, vector<16xf32>,
      %get3A_266 = arith.constant 96 : index
      %get3A_267 = tpu.vector_load %arg12[%get3A_266] {strides = array<i32>} : memref<128xf32, #tpu.memory_space<vmem>>, vector<16xf32>,
      %add3A_268 = arith.addf %get3A_265, %get3A_267 : vector<16xf32>
      %mul3A_269 = arith.constant 2.000000e-01 : f32
      %mul3A_270 = vector.broadcast %mul3A_269 : f32 to vector<16xf32>
      %mul3A_271 = arith.mulf %mul3A_270, %add3A_268 : vector<16xf32>
      %max3A_272 = arith.maximumf %add3A_268, %mul3A_271 : vector<16xf32>
      %exp3A_273 = math.exp %max3A_272 : vector<16xf32>
      %swap3A_274 = arith.constant 96 : index
      %swap3A_275 = tpu.vector_load %arg13[%swap3A_274] {strides = array<i32>} : memref<128xf32, #tpu.memory_space<vmem>>, vector<16xf32>,
      tpu.vector_store %arg13[%swap3A_274], %exp3A_273 {strides = array<i32>} : memref<128xf32, #tpu.memory_space<vmem>>, vector<16xf32>,
      %get3A_276 = arith.constant 112 : index
      %get3A_277 = tpu.vector_load %arg11[%get3A_276] {strides = array<i32>} : memref<128xf32, #tpu.memory_space<vmem>>, vector<16xf32>,
      %get3A_278 = arith.constant 112 : index
      %get3A_279 = tpu.vector_load %arg12[%get3A_278] {strides = array<i32>} : memref<128xf32, #tpu.memory_space<vmem>>, vector<16xf32>,
      %add3A_280 = arith.addf %get3A_277, %get3A_279 : vector<16xf32>
      %mul3A_281 = arith.constant 2.000000e-01 : f32
      %mul3A_282 = vector.broadcast %mul3A_281 : f32 to vector<16xf32>
      %mul3A_283 = arith.mulf %mul3A_282, %add3A_280 : vector<16xf32>
      %max3A_284 = arith.maximumf %add3A_280, %mul3A_283 : vector<16xf32>
      %exp3A_285 = math.exp %max3A_284 : vector<16xf32>
      %swap3A_286 = arith.constant 112 : index
      %swap3A_287 = tpu.vector_load %arg13[%swap3A_286] {strides = array<i32>} : memref<128xf32, #tpu.memory_space<vmem>>, vector<16xf32>,
      tpu.vector_store %arg13[%swap3A_286], %exp3A_285 {strides = array<i32>} : memref<128xf32, #tpu.memory_space<vmem>>, vector<16xf32>,
      %dma_wait3A_288 = arith.constant 0 : i32
      %dma_wait3A_289 = arith.constant 0 : i32
      %dma_wait3A_290 = arith.constant 0 : i32
      %dma_wait3A_291 = tpu.memref_slice %arg14[%dma_wait3A_289, %dma_wait3A_290] : memref<128x128xf32, #tpu.memory_space<vmem>> -> memref<64x128xf32, #tpu.memory_space<vmem>>
      %dma_wait3A_292 = arith.constant 0 : i32
      %dma_wait3A_293 = tpu.memref_slice %arg9[%mul3A_149, %dma_wait3A_288, %dma_wait3A_292] : memref<40x1x128xi32, #tpu.memory_space<vmem>> -> memref<1x1x64xi32, #tpu.memory_space<vmem>>
      %dma_wait3A_294 = tpu.memref_squeeze %dma_wait3A_293 : memref<1x1x64xi32, #tpu.memory_space<vmem>> -> memref<64xi32, #tpu.memory_space<vmem>>
      %dma_wait3A_295 = arith.constant 0 : i32
      %dma_wait3A_296 = arith.constant 0 : i32
      %dma_wait3A_297 = tpu.memref_slice %arg6[%dma_wait3A_295, %dma_wait3A_296] : memref<10000x128xf32, #tpu.memory_space<hbm>> -> memref<10000x128xf32, #tpu.memory_space<hbm>>
      tpu.wait_indirect_dma semaphore(%arg23 : memref<!tpu.dma_semaphore, #tpu.memory_space<semaphore_mem>>) src(%dma_wait3A_297 : memref<10000x128xf32, #tpu.memory_space<hbm>>) dst(%dma_wait3A_291 : memref<64x128xf32, #tpu.memory_space<vmem>>)
      %dma_wait3A_298 = arith.constant 0 : i32
      %dma_wait3A_299 = arith.constant 64 : i32
      %dma_wait3A_300 = arith.constant 0 : i32
      %dma_wait3A_301 = tpu.memref_slice %arg14[%dma_wait3A_299, %dma_wait3A_300] : memref<128x128xf32, #tpu.memory_space<vmem>> -> memref<64x128xf32, #tpu.memory_space<vmem>>
      %dma_wait3A_302 = arith.constant 64 : i32
      %dma_wait3A_303 = tpu.memref_slice %arg9[%mul3A_149, %dma_wait3A_298, %dma_wait3A_302] : memref<40x1x128xi32, #tpu.memory_space<vmem>> -> memref<1x1x64xi32, #tpu.memory_space<vmem>>
      %dma_wait3A_304 = tpu.memref_squeeze %dma_wait3A_303 : memref<1x1x64xi32, #tpu.memory_space<vmem>> -> memref<64xi32, #tpu.memory_space<vmem>>
      %dma_wait3A_305 = arith.constant 0 : i32
      %dma_wait3A_306 = arith.constant 0 : i32
      %dma_wait3A_307 = tpu.memref_slice %arg6[%dma_wait3A_305, %dma_wait3A_306] : memref<10000x128xf32, #tpu.memory_space<hbm>> -> memref<10000x128xf32, #tpu.memory_space<hbm>>
      tpu.wait_indirect_dma semaphore(%arg24 : memref<!tpu.dma_semaphore, #tpu.memory_space<semaphore_mem>>) src(%dma_wait3A_307 : memref<10000x128xf32, #tpu.memory_space<hbm>>) dst(%dma_wait3A_301 : memref<64x128xf32, #tpu.memory_space<vmem>>)
      %scan3A_308 = arith.constant 0 : i32
      %scan3A_309 = arith.constant 0 : i32
      %scan3A_310 = arith.constant 128 : i32
      %scan3A_311 = arith.addi %scan3A_309, %scan3A_310 : i32
      %scan3A_312 = arith.constant 1 : i32
      scf.for %scan3A_455 = %scan3A_309 to %scan3A_311 step %scan3A_312  : i32 {
        %broadcast_in_dim3A_456 = vector.broadcast %scan3A_455 : i32 to vector<16xi32>
        %gather3A = tpu.vector_load_idx %arg13[%broadcast_in_dim3A_456] : memref<128xf32, #tpu.memory_space<vmem>>[vector<16xi32>], vector<16xf32>,
        %get3A_457 = arith.index_cast %scan3A_455 : i32 to index
        %get3A_458 = arith.constant 0 : index
        %get3A_459 = tpu.vector_load %arg14[%get3A_457, %get3A_458] {strides = array<i32>} : memref<128x128xf32, #tpu.memory_space<vmem>>, vector<16xf32>,
        %mul3A_460 = arith.mulf %get3A_459, %gather3A : vector<16xf32>
        %swap3A_461 = arith.index_cast %scan3A_455 : i32 to index
        %swap3A_462 = arith.constant 0 : index
        %swap3A_463 = tpu.vector_load %arg14[%swap3A_461, %swap3A_462] {strides = array<i32>} : memref<128x128xf32, #tpu.memory_space<vmem>>, vector<16xf32>,
        tpu.vector_store %arg14[%swap3A_461, %swap3A_462], %mul3A_460 {strides = array<i32>} : memref<128x128xf32, #tpu.memory_space<vmem>>, vector<16xf32>,
        %get3A_464 = arith.index_cast %scan3A_455 : i32 to index
        %get3A_465 = arith.constant 16 : index
        %get3A_466 = tpu.vector_load %arg14[%get3A_464, %get3A_465] {strides = array<i32>} : memref<128x128xf32, #tpu.memory_space<vmem>>, vector<16xf32>,
        %mul3A_467 = arith.mulf %get3A_466, %gather3A : vector<16xf32>
        %swap3A_468 = arith.index_cast %scan3A_455 : i32 to index
        %swap3A_469 = arith.constant 16 : index
        %swap3A_470 = tpu.vector_load %arg14[%swap3A_468, %swap3A_469] {strides = array<i32>} : memref<128x128xf32, #tpu.memory_space<vmem>>, vector<16xf32>,
        tpu.vector_store %arg14[%swap3A_468, %swap3A_469], %mul3A_467 {strides = array<i32>} : memref<128x128xf32, #tpu.memory_space<vmem>>, vector<16xf32>,
        %get3A_471 = arith.index_cast %scan3A_455 : i32 to index
        %get3A_472 = arith.constant 32 : index
        %get3A_473 = tpu.vector_load %arg14[%get3A_471, %get3A_472] {strides = array<i32>} : memref<128x128xf32, #tpu.memory_space<vmem>>, vector<16xf32>,
        %mul3A_474 = arith.mulf %get3A_473, %gather3A : vector<16xf32>
        %swap3A_475 = arith.index_cast %scan3A_455 : i32 to index
        %swap3A_476 = arith.constant 32 : index
        %swap3A_477 = tpu.vector_load %arg14[%swap3A_475, %swap3A_476] {strides = array<i32>} : memref<128x128xf32, #tpu.memory_space<vmem>>, vector<16xf32>,
        tpu.vector_store %arg14[%swap3A_475, %swap3A_476], %mul3A_474 {strides = array<i32>} : memref<128x128xf32, #tpu.memory_space<vmem>>, vector<16xf32>,
        %get3A_478 = arith.index_cast %scan3A_455 : i32 to index
        %get3A_479 = arith.constant 48 : index
        %get3A_480 = tpu.vector_load %arg14[%get3A_478, %get3A_479] {strides = array<i32>} : memref<128x128xf32, #tpu.memory_space<vmem>>, vector<16xf32>,
        %mul3A_481 = arith.mulf %get3A_480, %gather3A : vector<16xf32>
        %swap3A_482 = arith.index_cast %scan3A_455 : i32 to index
        %swap3A_483 = arith.constant 48 : index
        %swap3A_484 = tpu.vector_load %arg14[%swap3A_482, %swap3A_483] {strides = array<i32>} : memref<128x128xf32, #tpu.memory_space<vmem>>, vector<16xf32>,
        tpu.vector_store %arg14[%swap3A_482, %swap3A_483], %mul3A_481 {strides = array<i32>} : memref<128x128xf32, #tpu.memory_space<vmem>>, vector<16xf32>,
        %get3A_485 = arith.index_cast %scan3A_455 : i32 to index
        %get3A_486 = arith.constant 64 : index
        %get3A_487 = tpu.vector_load %arg14[%get3A_485, %get3A_486] {strides = array<i32>} : memref<128x128xf32, #tpu.memory_space<vmem>>, vector<16xf32>,
        %mul3A_488 = arith.mulf %get3A_487, %gather3A : vector<16xf32>
        %swap3A_489 = arith.index_cast %scan3A_455 : i32 to index
        %swap3A_490 = arith.constant 64 : index
        %swap3A_491 = tpu.vector_load %arg14[%swap3A_489, %swap3A_490] {strides = array<i32>} : memref<128x128xf32, #tpu.memory_space<vmem>>, vector<16xf32>,
        tpu.vector_store %arg14[%swap3A_489, %swap3A_490], %mul3A_488 {strides = array<i32>} : memref<128x128xf32, #tpu.memory_space<vmem>>, vector<16xf32>,
        %get3A_492 = arith.index_cast %scan3A_455 : i32 to index
        %get3A_493 = arith.constant 80 : index
        %get3A_494 = tpu.vector_load %arg14[%get3A_492, %get3A_493] {strides = array<i32>} : memref<128x128xf32, #tpu.memory_space<vmem>>, vector<16xf32>,
        %mul3A_495 = arith.mulf %get3A_494, %gather3A : vector<16xf32>
        %swap3A_496 = arith.index_cast %scan3A_455 : i32 to index
        %swap3A_497 = arith.constant 80 : index
        %swap3A_498 = tpu.vector_load %arg14[%swap3A_496, %swap3A_497] {strides = array<i32>} : memref<128x128xf32, #tpu.memory_space<vmem>>, vector<16xf32>,
        tpu.vector_store %arg14[%swap3A_496, %swap3A_497], %mul3A_495 {strides = array<i32>} : memref<128x128xf32, #tpu.memory_space<vmem>>, vector<16xf32>,
        %get3A_499 = arith.index_cast %scan3A_455 : i32 to index
        %get3A_500 = arith.constant 96 : index
        %get3A_501 = tpu.vector_load %arg14[%get3A_499, %get3A_500] {strides = array<i32>} : memref<128x128xf32, #tpu.memory_space<vmem>>, vector<16xf32>,
        %mul3A_502 = arith.mulf %get3A_501, %gather3A : vector<16xf32>
        %swap3A_503 = arith.index_cast %scan3A_455 : i32 to index
        %swap3A_504 = arith.constant 96 : index
        %swap3A_505 = tpu.vector_load %arg14[%swap3A_503, %swap3A_504] {strides = array<i32>} : memref<128x128xf32, #tpu.memory_space<vmem>>, vector<16xf32>,
        tpu.vector_store %arg14[%swap3A_503, %swap3A_504], %mul3A_502 {strides = array<i32>} : memref<128x128xf32, #tpu.memory_space<vmem>>, vector<16xf32>,
        %get3A_506 = arith.index_cast %scan3A_455 : i32 to index
        %get3A_507 = arith.constant 112 : index
        %get3A_508 = tpu.vector_load %arg14[%get3A_506, %get3A_507] {strides = array<i32>} : memref<128x128xf32, #tpu.memory_space<vmem>>, vector<16xf32>,
        %mul3A_509 = arith.mulf %get3A_508, %gather3A : vector<16xf32>
        %swap3A_510 = arith.index_cast %scan3A_455 : i32 to index
        %swap3A_511 = arith.constant 112 : index
        %swap3A_512 = tpu.vector_load %arg14[%swap3A_510, %swap3A_511] {strides = array<i32>} : memref<128x128xf32, #tpu.memory_space<vmem>>, vector<16xf32>,
        tpu.vector_store %arg14[%swap3A_510, %swap3A_511], %mul3A_509 {strides = array<i32>} : memref<128x128xf32, #tpu.memory_space<vmem>>, vector<16xf32>,
      }
      %scan3A_313 = arith.constant 128 : i32
      %run_scoped3A = arith.constant 0 : i32
      "tpu.region"() ({
        %run_scoped3A_455 = tpu.sem_alloc : memref<!tpu.dma_semaphore, #tpu.memory_space<semaphore_mem>>
        %dma_start3A_456 = arith.constant 0 : i32
        %dma_start3A_457 = tpu.memref_slice %arg10[%mul3A_149, %run_scoped3A, %dma_start3A_456] : memref<40x1x128xi32, #tpu.memory_space<vmem>> -> memref<1x1x128xi32, #tpu.memory_space<vmem>>
        %dma_start3A_458 = tpu.memref_squeeze %dma_start3A_457 : memref<1x1x128xi32, #tpu.memory_space<vmem>> -> memref<128xi32, #tpu.memory_space<vmem>>
        %dma_start3A_459 = arith.constant 0 : i32
        %dma_start3A_460 = arith.constant 0 : i32
        %dma_start3A_461 = tpu.memref_slice %arg19[%dma_start3A_459, %dma_start3A_460] : memref<10240x128xf32, #tpu.memory_space<vmem_shared>> -> memref<10240x128xf32, #tpu.memory_space<vmem_shared>>
        tpu.enqueue_indirect_dma source(%arg14 : memref<128x128xf32, #tpu.memory_space<vmem>>) target(%dma_start3A_461 : memref<10240x128xf32, #tpu.memory_space<vmem_shared>>) offsets(%dma_start3A_458 : memref<128xi32, #tpu.memory_space<vmem>>) semaphore(%run_scoped3A_455 : memref<!tpu.dma_semaphore, #tpu.memory_space<semaphore_mem>>) {add = true}
        %dma_wait3A_462 = arith.constant 0 : i32
        %dma_wait3A_463 = tpu.memref_slice %arg10[%mul3A_149, %run_scoped3A, %dma_wait3A_462] : memref<40x1x128xi32, #tpu.memory_space<vmem>> -> memref<1x1x128xi32, #tpu.memory_space<vmem>>
        %dma_wait3A_464 = tpu.memref_squeeze %dma_wait3A_463 : memref<1x1x128xi32, #tpu.memory_space<vmem>> -> memref<128xi32, #tpu.memory_space<vmem>>
        %dma_wait3A_465 = arith.constant 0 : i32
        %dma_wait3A_466 = arith.constant 0 : i32
        %dma_wait3A_467 = tpu.memref_slice %arg19[%dma_wait3A_465, %dma_wait3A_466] : memref<10240x128xf32, #tpu.memory_space<vmem_shared>> -> memref<10240x128xf32, #tpu.memory_space<vmem_shared>>
        tpu.wait_indirect_dma semaphore(%run_scoped3A_455 : memref<!tpu.dma_semaphore, #tpu.memory_space<semaphore_mem>>) src(%arg14 : memref<128x128xf32, #tpu.memory_space<vmem>>) dst(%dma_wait3A_467 : memref<10240x128xf32, #tpu.memory_space<vmem_shared>>)
        tpu.yield
      }) : () -> ()
      %run_scoped3A_314 = arith.constant 0 : i32
      "tpu.region"() ({
        %run_scoped3A_455 = tpu.sem_alloc : memref<!tpu.dma_semaphore, #tpu.memory_space<semaphore_mem>>
        %dma_start3A_456 = arith.constant 0 : i32
        %dma_start3A_457 = tpu.memref_slice %arg10[%mul3A_149, %run_scoped3A_314, %dma_start3A_456] : memref<40x1x128xi32, #tpu.memory_space<vmem>> -> memref<1x1x128xi32, #tpu.memory_space<vmem>>
        %dma_start3A_458 = tpu.memref_squeeze %dma_start3A_457 : memref<1x1x128xi32, #tpu.memory_space<vmem>> -> memref<128xi32, #tpu.memory_space<vmem>>
        %dma_start3A_459 = arith.constant 0 : i32
        %dma_start3A_460 = tpu.memref_slice %arg20[%dma_start3A_459] : memref<10240xf32, #tpu.memory_space<vmem_shared>> -> memref<10240xf32, #tpu.memory_space<vmem_shared>>
        tpu.enqueue_indirect_dma source(%arg13 : memref<128xf32, #tpu.memory_space<vmem>>) target(%dma_start3A_460 : memref<10240xf32, #tpu.memory_space<vmem_shared>>) offsets(%dma_start3A_458 : memref<128xi32, #tpu.memory_space<vmem>>) semaphore(%run_scoped3A_455 : memref<!tpu.dma_semaphore, #tpu.memory_space<semaphore_mem>>) {add = true}
        %dma_wait3A_461 = arith.constant 0 : i32
        %dma_wait3A_462 = tpu.memref_slice %arg10[%mul3A_149, %run_scoped3A_314, %dma_wait3A_461] : memref<40x1x128xi32, #tpu.memory_space<vmem>> -> memref<1x1x128xi32, #tpu.memory_space<vmem>>
        %dma_wait3A_463 = tpu.memref_squeeze %dma_wait3A_462 : memref<1x1x128xi32, #tpu.memory_space<vmem>> -> memref<128xi32, #tpu.memory_space<vmem>>
        %dma_wait3A_464 = arith.constant 0 : i32
        %dma_wait3A_465 = tpu.memref_slice %arg20[%dma_wait3A_464] : memref<10240xf32, #tpu.memory_space<vmem_shared>> -> memref<10240xf32, #tpu.memory_space<vmem_shared>>
        tpu.wait_indirect_dma semaphore(%run_scoped3A_455 : memref<!tpu.dma_semaphore, #tpu.memory_space<semaphore_mem>>) src(%arg13 : memref<128xf32, #tpu.memory_space<vmem>>) dst(%dma_wait3A_465 : memref<10240xf32, #tpu.memory_space<vmem_shared>>)
        tpu.yield
      }) : () -> ()
      %lt3A = arith.constant 19 : i32
      %lt3A_315 = arith.cmpi slt, %scan3A_147, %lt3A : i32
      %convert_element_type3A = arith.extui %lt3A_315 : i1 to i32
      %cond3A = arith.constant 0 : i32
      %cond3A_316 = arith.cmpi ne, %convert_element_type3A, %cond3A : i32
      scf.if %cond3A_316 {
        %add3A_455 = arith.constant 2 : i32
        %add3A_456 = arith.addi %mul3A_149, %add3A_455 : i32
        %dma_start3A_457 = arith.constant 0 : i32
        %dma_start3A_458 = arith.constant 0 : i32
        %dma_start3A_459 = arith.constant 0 : i32
        %dma_start3A_460 = tpu.memref_slice %arg14[%dma_start3A_458, %dma_start3A_459] : memref<128x128xf32, #tpu.memory_space<vmem>> -> memref<64x128xf32, #tpu.memory_space<vmem>>
        %dma_start3A_461 = arith.constant 0 : i32
        %dma_start3A_462 = tpu.memref_slice %arg9[%add3A_456, %dma_start3A_457, %dma_start3A_461] : memref<40x1x128xi32, #tpu.memory_space<vmem>> -> memref<1x1x64xi32, #tpu.memory_space<vmem>>
        %dma_start3A_463 = tpu.memref_squeeze %dma_start3A_462 : memref<1x1x64xi32, #tpu.memory_space<vmem>> -> memref<64xi32, #tpu.memory_space<vmem>>
        %dma_start3A_464 = arith.constant 0 : i32
        %dma_start3A_465 = arith.constant 0 : i32
        %dma_start3A_466 = tpu.memref_slice %arg6[%dma_start3A_464, %dma_start3A_465] : memref<10000x128xf32, #tpu.memory_space<hbm>> -> memref<10000x128xf32, #tpu.memory_space<hbm>>
        tpu.enqueue_indirect_dma source(%dma_start3A_466 : memref<10000x128xf32, #tpu.memory_space<hbm>>) target(%dma_start3A_460 : memref<64x128xf32, #tpu.memory_space<vmem>>) offsets(%dma_start3A_463 : memref<64xi32, #tpu.memory_space<vmem>>) semaphore(%arg23 : memref<!tpu.dma_semaphore, #tpu.memory_space<semaphore_mem>>)
        %dma_start3A_467 = arith.constant 0 : i32
        %dma_start3A_468 = arith.constant 64 : i32
        %dma_start3A_469 = arith.constant 0 : i32
        %dma_start3A_470 = tpu.memref_slice %arg14[%dma_start3A_468, %dma_start3A_469] : memref<128x128xf32, #tpu.memory_space<vmem>> -> memref<64x128xf32, #tpu.memory_space<vmem>>
        %dma_start3A_471 = arith.constant 64 : i32
        %dma_start3A_472 = tpu.memref_slice %arg9[%add3A_456, %dma_start3A_467, %dma_start3A_471] : memref<40x1x128xi32, #tpu.memory_space<vmem>> -> memref<1x1x64xi32, #tpu.memory_space<vmem>>
        %dma_start3A_473 = tpu.memref_squeeze %dma_start3A_472 : memref<1x1x64xi32, #tpu.memory_space<vmem>> -> memref<64xi32, #tpu.memory_space<vmem>>
        %dma_start3A_474 = arith.constant 0 : i32
        %dma_start3A_475 = arith.constant 0 : i32
        %dma_start3A_476 = tpu.memref_slice %arg6[%dma_start3A_474, %dma_start3A_475] : memref<10000x128xf32, #tpu.memory_space<hbm>> -> memref<10000x128xf32, #tpu.memory_space<hbm>>
        tpu.enqueue_indirect_dma source(%dma_start3A_476 : memref<10000x128xf32, #tpu.memory_space<hbm>>) target(%dma_start3A_470 : memref<64x128xf32, #tpu.memory_space<vmem>>) offsets(%dma_start3A_473 : memref<64xi32, #tpu.memory_space<vmem>>) semaphore(%arg24 : memref<!tpu.dma_semaphore, #tpu.memory_space<semaphore_mem>>)
        %dma_start3A_477 = arith.constant 0 : i32
        %dma_start3A_478 = arith.constant 0 : i32
        %dma_start3A_479 = tpu.memref_slice %arg9[%add3A_456, %dma_start3A_477, %dma_start3A_478] : memref<40x1x128xi32, #tpu.memory_space<vmem>> -> memref<1x1x128xi32, #tpu.memory_space<vmem>>
        %dma_start3A_480 = tpu.memref_squeeze %dma_start3A_479 : memref<1x1x128xi32, #tpu.memory_space<vmem>> -> memref<128xi32, #tpu.memory_space<vmem>>
        %dma_start3A_481 = arith.constant 0 : i32
        %dma_start3A_482 = tpu.memref_slice %arg4[%dma_start3A_481] : memref<10000xf32, #tpu.memory_space<hbm>> -> memref<10000xf32, #tpu.memory_space<hbm>>
        tpu.enqueue_indirect_dma source(%dma_start3A_482 : memref<10000xf32, #tpu.memory_space<hbm>>) target(%arg11 : memref<128xf32, #tpu.memory_space<vmem>>) offsets(%dma_start3A_480 : memref<128xi32, #tpu.memory_space<vmem>>) semaphore(%arg21 : memref<!tpu.dma_semaphore, #tpu.memory_space<semaphore_mem>>)
        %dma_start3A_483 = arith.constant 0 : i32
        %dma_start3A_484 = arith.constant 0 : i32
        %dma_start3A_485 = tpu.memref_slice %arg10[%add3A_456, %dma_start3A_483, %dma_start3A_484] : memref<40x1x128xi32, #tpu.memory_space<vmem>> -> memref<1x1x128xi32, #tpu.memory_space<vmem>>
        %dma_start3A_486 = tpu.memref_squeeze %dma_start3A_485 : memref<1x1x128xi32, #tpu.memory_space<vmem>> -> memref<128xi32, #tpu.memory_space<vmem>>
        %dma_start3A_487 = arith.constant 0 : i32
        %dma_start3A_488 = tpu.memref_slice %arg5[%dma_start3A_487] : memref<10240xf32, #tpu.memory_space<hbm>> -> memref<10240xf32, #tpu.memory_space<hbm>>
        tpu.enqueue_indirect_dma source(%dma_start3A_488 : memref<10240xf32, #tpu.memory_space<hbm>>) target(%arg12 : memref<128xf32, #tpu.memory_space<vmem>>) offsets(%dma_start3A_486 : memref<128xi32, #tpu.memory_space<vmem>>) semaphore(%arg22 : memref<!tpu.dma_semaphore, #tpu.memory_space<semaphore_mem>>)
      } else {
      }
      %add3A_317 = arith.constant 1 : i32
      %add3A_318 = arith.addi %mul3A_149, %add3A_317 : i32
      %dma_wait3A_319 = arith.constant 0 : i32
      %dma_wait3A_320 = arith.constant 0 : i32
      %dma_wait3A_321 = tpu.memref_slice %arg9[%add3A_318, %dma_wait3A_319, %dma_wait3A_320] : memref<40x1x128xi32, #tpu.memory_space<vmem>> -> memref<1x1x128xi32, #tpu.memory_space<vmem>>
      %dma_wait3A_322 = tpu.memref_squeeze %dma_wait3A_321 : memref<1x1x128xi32, #tpu.memory_space<vmem>> -> memref<128xi32, #tpu.memory_space<vmem>>
      %dma_wait3A_323 = arith.constant 0 : i32
      %dma_wait3A_324 = tpu.memref_slice %arg4[%dma_wait3A_323] : memref<10000xf32, #tpu.memory_space<hbm>> -> memref<10000xf32, #tpu.memory_space<hbm>>
      tpu.wait_indirect_dma semaphore(%arg25 : memref<!tpu.dma_semaphore, #tpu.memory_space<semaphore_mem>>) src(%dma_wait3A_324 : memref<10000xf32, #tpu.memory_space<hbm>>) dst(%arg15 : memref<128xf32, #tpu.memory_space<vmem>>)
      %dma_wait3A_325 = arith.constant 0 : i32
      %dma_wait3A_326 = arith.constant 0 : i32
      %dma_wait3A_327 = tpu.memref_slice %arg10[%add3A_318, %dma_wait3A_325, %dma_wait3A_326] : memref<40x1x128xi32, #tpu.memory_space<vmem>> -> memref<1x1x128xi32, #tpu.memory_space<vmem>>
      %dma_wait3A_328 = tpu.memref_squeeze %dma_wait3A_327 : memref<1x1x128xi32, #tpu.memory_space<vmem>> -> memref<128xi32, #tpu.memory_space<vmem>>
      %dma_wait3A_329 = arith.constant 0 : i32
      %dma_wait3A_330 = tpu.memref_slice %arg5[%dma_wait3A_329] : memref<10240xf32, #tpu.memory_space<hbm>> -> memref<10240xf32, #tpu.memory_space<hbm>>
      tpu.wait_indirect_dma semaphore(%arg26 : memref<!tpu.dma_semaphore, #tpu.memory_space<semaphore_mem>>) src(%dma_wait3A_330 : memref<10240xf32, #tpu.memory_space<hbm>>) dst(%arg16 : memref<128xf32, #tpu.memory_space<vmem>>)
      %get3A_331 = arith.constant 0 : index
      %get3A_332 = tpu.vector_load %arg15[%get3A_331] {strides = array<i32>} : memref<128xf32, #tpu.memory_space<vmem>>, vector<16xf32>,
      %get3A_333 = arith.constant 0 : index
      %get3A_334 = tpu.vector_load %arg16[%get3A_333] {strides = array<i32>} : memref<128xf32, #tpu.memory_space<vmem>>, vector<16xf32>,
      %add3A_335 = arith.addf %get3A_332, %get3A_334 : vector<16xf32>
      %mul3A_336 = arith.constant 2.000000e-01 : f32
      %mul3A_337 = vector.broadcast %mul3A_336 : f32 to vector<16xf32>
      %mul3A_338 = arith.mulf %mul3A_337, %add3A_335 : vector<16xf32>
      %max3A_339 = arith.maximumf %add3A_335, %mul3A_338 : vector<16xf32>
      %exp3A_340 = math.exp %max3A_339 : vector<16xf32>
      %swap3A_341 = arith.constant 0 : index
      %swap3A_342 = tpu.vector_load %arg17[%swap3A_341] {strides = array<i32>} : memref<128xf32, #tpu.memory_space<vmem>>, vector<16xf32>,
      tpu.vector_store %arg17[%swap3A_341], %exp3A_340 {strides = array<i32>} : memref<128xf32, #tpu.memory_space<vmem>>, vector<16xf32>,
      %get3A_343 = arith.constant 16 : index
      %get3A_344 = tpu.vector_load %arg15[%get3A_343] {strides = array<i32>} : memref<128xf32, #tpu.memory_space<vmem>>, vector<16xf32>,
      %get3A_345 = arith.constant 16 : index
      %get3A_346 = tpu.vector_load %arg16[%get3A_345] {strides = array<i32>} : memref<128xf32, #tpu.memory_space<vmem>>, vector<16xf32>,
      %add3A_347 = arith.addf %get3A_344, %get3A_346 : vector<16xf32>
      %mul3A_348 = arith.constant 2.000000e-01 : f32
      %mul3A_349 = vector.broadcast %mul3A_348 : f32 to vector<16xf32>
      %mul3A_350 = arith.mulf %mul3A_349, %add3A_347 : vector<16xf32>
      %max3A_351 = arith.maximumf %add3A_347, %mul3A_350 : vector<16xf32>
      %exp3A_352 = math.exp %max3A_351 : vector<16xf32>
      %swap3A_353 = arith.constant 16 : index
      %swap3A_354 = tpu.vector_load %arg17[%swap3A_353] {strides = array<i32>} : memref<128xf32, #tpu.memory_space<vmem>>, vector<16xf32>,
      tpu.vector_store %arg17[%swap3A_353], %exp3A_352 {strides = array<i32>} : memref<128xf32, #tpu.memory_space<vmem>>, vector<16xf32>,
      %get3A_355 = arith.constant 32 : index
      %get3A_356 = tpu.vector_load %arg15[%get3A_355] {strides = array<i32>} : memref<128xf32, #tpu.memory_space<vmem>>, vector<16xf32>,
      %get3A_357 = arith.constant 32 : index
      %get3A_358 = tpu.vector_load %arg16[%get3A_357] {strides = array<i32>} : memref<128xf32, #tpu.memory_space<vmem>>, vector<16xf32>,
      %add3A_359 = arith.addf %get3A_356, %get3A_358 : vector<16xf32>
      %mul3A_360 = arith.constant 2.000000e-01 : f32
      %mul3A_361 = vector.broadcast %mul3A_360 : f32 to vector<16xf32>
      %mul3A_362 = arith.mulf %mul3A_361, %add3A_359 : vector<16xf32>
      %max3A_363 = arith.maximumf %add3A_359, %mul3A_362 : vector<16xf32>
      %exp3A_364 = math.exp %max3A_363 : vector<16xf32>
      %swap3A_365 = arith.constant 32 : index
      %swap3A_366 = tpu.vector_load %arg17[%swap3A_365] {strides = array<i32>} : memref<128xf32, #tpu.memory_space<vmem>>, vector<16xf32>,
      tpu.vector_store %arg17[%swap3A_365], %exp3A_364 {strides = array<i32>} : memref<128xf32, #tpu.memory_space<vmem>>, vector<16xf32>,
      %get3A_367 = arith.constant 48 : index
      %get3A_368 = tpu.vector_load %arg15[%get3A_367] {strides = array<i32>} : memref<128xf32, #tpu.memory_space<vmem>>, vector<16xf32>,
      %get3A_369 = arith.constant 48 : index
      %get3A_370 = tpu.vector_load %arg16[%get3A_369] {strides = array<i32>} : memref<128xf32, #tpu.memory_space<vmem>>, vector<16xf32>,
      %add3A_371 = arith.addf %get3A_368, %get3A_370 : vector<16xf32>
      %mul3A_372 = arith.constant 2.000000e-01 : f32
      %mul3A_373 = vector.broadcast %mul3A_372 : f32 to vector<16xf32>
      %mul3A_374 = arith.mulf %mul3A_373, %add3A_371 : vector<16xf32>
      %max3A_375 = arith.maximumf %add3A_371, %mul3A_374 : vector<16xf32>
      %exp3A_376 = math.exp %max3A_375 : vector<16xf32>
      %swap3A_377 = arith.constant 48 : index
      %swap3A_378 = tpu.vector_load %arg17[%swap3A_377] {strides = array<i32>} : memref<128xf32, #tpu.memory_space<vmem>>, vector<16xf32>,
      tpu.vector_store %arg17[%swap3A_377], %exp3A_376 {strides = array<i32>} : memref<128xf32, #tpu.memory_space<vmem>>, vector<16xf32>,
      %get3A_379 = arith.constant 64 : index
      %get3A_380 = tpu.vector_load %arg15[%get3A_379] {strides = array<i32>} : memref<128xf32, #tpu.memory_space<vmem>>, vector<16xf32>,
      %get3A_381 = arith.constant 64 : index
      %get3A_382 = tpu.vector_load %arg16[%get3A_381] {strides = array<i32>} : memref<128xf32, #tpu.memory_space<vmem>>, vector<16xf32>,
      %add3A_383 = arith.addf %get3A_380, %get3A_382 : vector<16xf32>
      %mul3A_384 = arith.constant 2.000000e-01 : f32
      %mul3A_385 = vector.broadcast %mul3A_384 : f32 to vector<16xf32>
      %mul3A_386 = arith.mulf %mul3A_385, %add3A_383 : vector<16xf32>
      %max3A_387 = arith.maximumf %add3A_383, %mul3A_386 : vector<16xf32>
      %exp3A_388 = math.exp %max3A_387 : vector<16xf32>
      %swap3A_389 = arith.constant 64 : index
      %swap3A_390 = tpu.vector_load %arg17[%swap3A_389] {strides = array<i32>} : memref<128xf32, #tpu.memory_space<vmem>>, vector<16xf32>,
      tpu.vector_store %arg17[%swap3A_389], %exp3A_388 {strides = array<i32>} : memref<128xf32, #tpu.memory_space<vmem>>, vector<16xf32>,
      %get3A_391 = arith.constant 80 : index
      %get3A_392 = tpu.vector_load %arg15[%get3A_391] {strides = array<i32>} : memref<128xf32, #tpu.memory_space<vmem>>, vector<16xf32>,
      %get3A_393 = arith.constant 80 : index
      %get3A_394 = tpu.vector_load %arg16[%get3A_393] {strides = array<i32>} : memref<128xf32, #tpu.memory_space<vmem>>, vector<16xf32>,
      %add3A_395 = arith.addf %get3A_392, %get3A_394 : vector<16xf32>
      %mul3A_396 = arith.constant 2.000000e-01 : f32
      %mul3A_397 = vector.broadcast %mul3A_396 : f32 to vector<16xf32>
      %mul3A_398 = arith.mulf %mul3A_397, %add3A_395 : vector<16xf32>
      %max3A_399 = arith.maximumf %add3A_395, %mul3A_398 : vector<16xf32>
      %exp3A_400 = math.exp %max3A_399 : vector<16xf32>
      %swap3A_401 = arith.constant 80 : index
      %swap3A_402 = tpu.vector_load %arg17[%swap3A_401] {strides = array<i32>} : memref<128xf32, #tpu.memory_space<vmem>>, vector<16xf32>,
      tpu.vector_store %arg17[%swap3A_401], %exp3A_400 {strides = array<i32>} : memref<128xf32, #tpu.memory_space<vmem>>, vector<16xf32>,
      %get3A_403 = arith.constant 96 : index
      %get3A_404 = tpu.vector_load %arg15[%get3A_403] {strides = array<i32>} : memref<128xf32, #tpu.memory_space<vmem>>, vector<16xf32>,
      %get3A_405 = arith.constant 96 : index
      %get3A_406 = tpu.vector_load %arg16[%get3A_405] {strides = array<i32>} : memref<128xf32, #tpu.memory_space<vmem>>, vector<16xf32>,
      %add3A_407 = arith.addf %get3A_404, %get3A_406 : vector<16xf32>
      %mul3A_408 = arith.constant 2.000000e-01 : f32
      %mul3A_409 = vector.broadcast %mul3A_408 : f32 to vector<16xf32>
      %mul3A_410 = arith.mulf %mul3A_409, %add3A_407 : vector<16xf32>
      %max3A_411 = arith.maximumf %add3A_407, %mul3A_410 : vector<16xf32>
      %exp3A_412 = math.exp %max3A_411 : vector<16xf32>
      %swap3A_413 = arith.constant 96 : index
      %swap3A_414 = tpu.vector_load %arg17[%swap3A_413] {strides = array<i32>} : memref<128xf32, #tpu.memory_space<vmem>>, vector<16xf32>,
      tpu.vector_store %arg17[%swap3A_413], %exp3A_412 {strides = array<i32>} : memref<128xf32, #tpu.memory_space<vmem>>, vector<16xf32>,
      %get3A_415 = arith.constant 112 : index
      %get3A_416 = tpu.vector_load %arg15[%get3A_415] {strides = array<i32>} : memref<128xf32, #tpu.memory_space<vmem>>, vector<16xf32>,
      %get3A_417 = arith.constant 112 : index
      %get3A_418 = tpu.vector_load %arg16[%get3A_417] {strides = array<i32>} : memref<128xf32, #tpu.memory_space<vmem>>, vector<16xf32>,
      %add3A_419 = arith.addf %get3A_416, %get3A_418 : vector<16xf32>
      %mul3A_420 = arith.constant 2.000000e-01 : f32
      %mul3A_421 = vector.broadcast %mul3A_420 : f32 to vector<16xf32>
      %mul3A_422 = arith.mulf %mul3A_421, %add3A_419 : vector<16xf32>
      %max3A_423 = arith.maximumf %add3A_419, %mul3A_422 : vector<16xf32>
      %exp3A_424 = math.exp %max3A_423 : vector<16xf32>
      %swap3A_425 = arith.constant 112 : index
      %swap3A_426 = tpu.vector_load %arg17[%swap3A_425] {strides = array<i32>} : memref<128xf32, #tpu.memory_space<vmem>>, vector<16xf32>,
      tpu.vector_store %arg17[%swap3A_425], %exp3A_424 {strides = array<i32>} : memref<128xf32, #tpu.memory_space<vmem>>, vector<16xf32>,
      %dma_wait3A_427 = arith.constant 0 : i32
      %dma_wait3A_428 = arith.constant 0 : i32
      %dma_wait3A_429 = arith.constant 0 : i32
      %dma_wait3A_430 = tpu.memref_slice %arg18[%dma_wait3A_428, %dma_wait3A_429] : memref<128x128xf32, #tpu.memory_space<vmem>> -> memref<64x128xf32, #tpu.memory_space<vmem>>
      %dma_wait3A_431 = arith.constant 0 : i32
      %dma_wait3A_432 = tpu.memref_slice %arg9[%add3A_318, %dma_wait3A_427, %dma_wait3A_431] : memref<40x1x128xi32, #tpu.memory_space<vmem>> -> memref<1x1x64xi32, #tpu.memory_space<vmem>>
      %dma_wait3A_433 = tpu.memref_squeeze %dma_wait3A_432 : memref<1x1x64xi32, #tpu.memory_space<vmem>> -> memref<64xi32, #tpu.memory_space<vmem>>
      %dma_wait3A_434 = arith.constant 0 : i32
      %dma_wait3A_435 = arith.constant 0 : i32
      %dma_wait3A_436 = tpu.memref_slice %arg6[%dma_wait3A_434, %dma_wait3A_435] : memref<10000x128xf32, #tpu.memory_space<hbm>> -> memref<10000x128xf32, #tpu.memory_space<hbm>>
      tpu.wait_indirect_dma semaphore(%arg27 : memref<!tpu.dma_semaphore, #tpu.memory_space<semaphore_mem>>) src(%dma_wait3A_436 : memref<10000x128xf32, #tpu.memory_space<hbm>>) dst(%dma_wait3A_430 : memref<64x128xf32, #tpu.memory_space<vmem>>)
      %dma_wait3A_437 = arith.constant 0 : i32
      %dma_wait3A_438 = arith.constant 64 : i32
      %dma_wait3A_439 = arith.constant 0 : i32
      %dma_wait3A_440 = tpu.memref_slice %arg18[%dma_wait3A_438, %dma_wait3A_439] : memref<128x128xf32, #tpu.memory_space<vmem>> -> memref<64x128xf32, #tpu.memory_space<vmem>>
      %dma_wait3A_441 = arith.constant 64 : i32
      %dma_wait3A_442 = tpu.memref_slice %arg9[%add3A_318, %dma_wait3A_437, %dma_wait3A_441] : memref<40x1x128xi32, #tpu.memory_space<vmem>> -> memref<1x1x64xi32, #tpu.memory_space<vmem>>
      %dma_wait3A_443 = tpu.memref_squeeze %dma_wait3A_442 : memref<1x1x64xi32, #tpu.memory_space<vmem>> -> memref<64xi32, #tpu.memory_space<vmem>>
      %dma_wait3A_444 = arith.constant 0 : i32
      %dma_wait3A_445 = arith.constant 0 : i32
      %dma_wait3A_446 = tpu.memref_slice %arg6[%dma_wait3A_444, %dma_wait3A_445] : memref<10000x128xf32, #tpu.memory_space<hbm>> -> memref<10000x128xf32, #tpu.memory_space<hbm>>
      tpu.wait_indirect_dma semaphore(%arg28 : memref<!tpu.dma_semaphore, #tpu.memory_space<semaphore_mem>>) src(%dma_wait3A_446 : memref<10000x128xf32, #tpu.memory_space<hbm>>) dst(%dma_wait3A_440 : memref<64x128xf32, #tpu.memory_space<vmem>>)
      %scan3A_447 = arith.constant 0 : i32
      %scan3A_448 = arith.constant 0 : i32
      %scan3A_449 = arith.constant 128 : i32
      %scan3A_450 = arith.addi %scan3A_448, %scan3A_449 : i32
      %scan3A_451 = arith.constant 1 : i32
      scf.for %scan3A_455 = %scan3A_448 to %scan3A_450 step %scan3A_451  : i32 {
        %broadcast_in_dim3A_456 = vector.broadcast %scan3A_455 : i32 to vector<16xi32>
        %gather3A = tpu.vector_load_idx %arg17[%broadcast_in_dim3A_456] : memref<128xf32, #tpu.memory_space<vmem>>[vector<16xi32>], vector<16xf32>,
        %get3A_457 = arith.index_cast %scan3A_455 : i32 to index
        %get3A_458 = arith.constant 0 : index
        %get3A_459 = tpu.vector_load %arg18[%get3A_457, %get3A_458] {strides = array<i32>} : memref<128x128xf32, #tpu.memory_space<vmem>>, vector<16xf32>,
        %mul3A_460 = arith.mulf %get3A_459, %gather3A : vector<16xf32>
        %swap3A_461 = arith.index_cast %scan3A_455 : i32 to index
        %swap3A_462 = arith.constant 0 : index
        %swap3A_463 = tpu.vector_load %arg18[%swap3A_461, %swap3A_462] {strides = array<i32>} : memref<128x128xf32, #tpu.memory_space<vmem>>, vector<16xf32>,
        tpu.vector_store %arg18[%swap3A_461, %swap3A_462], %mul3A_460 {strides = array<i32>} : memref<128x128xf32, #tpu.memory_space<vmem>>, vector<16xf32>,
        %get3A_464 = arith.index_cast %scan3A_455 : i32 to index
        %get3A_465 = arith.constant 16 : index
        %get3A_466 = tpu.vector_load %arg18[%get3A_464, %get3A_465] {strides = array<i32>} : memref<128x128xf32, #tpu.memory_space<vmem>>, vector<16xf32>,
        %mul3A_467 = arith.mulf %get3A_466, %gather3A : vector<16xf32>
        %swap3A_468 = arith.index_cast %scan3A_455 : i32 to index
        %swap3A_469 = arith.constant 16 : index
        %swap3A_470 = tpu.vector_load %arg18[%swap3A_468, %swap3A_469] {strides = array<i32>} : memref<128x128xf32, #tpu.memory_space<vmem>>, vector<16xf32>,
        tpu.vector_store %arg18[%swap3A_468, %swap3A_469], %mul3A_467 {strides = array<i32>} : memref<128x128xf32, #tpu.memory_space<vmem>>, vector<16xf32>,
        %get3A_471 = arith.index_cast %scan3A_455 : i32 to index
        %get3A_472 = arith.constant 32 : index
        %get3A_473 = tpu.vector_load %arg18[%get3A_471, %get3A_472] {strides = array<i32>} : memref<128x128xf32, #tpu.memory_space<vmem>>, vector<16xf32>,
        %mul3A_474 = arith.mulf %get3A_473, %gather3A : vector<16xf32>
        %swap3A_475 = arith.index_cast %scan3A_455 : i32 to index
        %swap3A_476 = arith.constant 32 : index
        %swap3A_477 = tpu.vector_load %arg18[%swap3A_475, %swap3A_476] {strides = array<i32>} : memref<128x128xf32, #tpu.memory_space<vmem>>, vector<16xf32>,
        tpu.vector_store %arg18[%swap3A_475, %swap3A_476], %mul3A_474 {strides = array<i32>} : memref<128x128xf32, #tpu.memory_space<vmem>>, vector<16xf32>,
        %get3A_478 = arith.index_cast %scan3A_455 : i32 to index
        %get3A_479 = arith.constant 48 : index
        %get3A_480 = tpu.vector_load %arg18[%get3A_478, %get3A_479] {strides = array<i32>} : memref<128x128xf32, #tpu.memory_space<vmem>>, vector<16xf32>,
        %mul3A_481 = arith.mulf %get3A_480, %gather3A : vector<16xf32>
        %swap3A_482 = arith.index_cast %scan3A_455 : i32 to index
        %swap3A_483 = arith.constant 48 : index
        %swap3A_484 = tpu.vector_load %arg18[%swap3A_482, %swap3A_483] {strides = array<i32>} : memref<128x128xf32, #tpu.memory_space<vmem>>, vector<16xf32>,
        tpu.vector_store %arg18[%swap3A_482, %swap3A_483], %mul3A_481 {strides = array<i32>} : memref<128x128xf32, #tpu.memory_space<vmem>>, vector<16xf32>,
        %get3A_485 = arith.index_cast %scan3A_455 : i32 to index
        %get3A_486 = arith.constant 64 : index
        %get3A_487 = tpu.vector_load %arg18[%get3A_485, %get3A_486] {strides = array<i32>} : memref<128x128xf32, #tpu.memory_space<vmem>>, vector<16xf32>,
        %mul3A_488 = arith.mulf %get3A_487, %gather3A : vector<16xf32>
        %swap3A_489 = arith.index_cast %scan3A_455 : i32 to index
        %swap3A_490 = arith.constant 64 : index
        %swap3A_491 = tpu.vector_load %arg18[%swap3A_489, %swap3A_490] {strides = array<i32>} : memref<128x128xf32, #tpu.memory_space<vmem>>, vector<16xf32>,
        tpu.vector_store %arg18[%swap3A_489, %swap3A_490], %mul3A_488 {strides = array<i32>} : memref<128x128xf32, #tpu.memory_space<vmem>>, vector<16xf32>,
        %get3A_492 = arith.index_cast %scan3A_455 : i32 to index
        %get3A_493 = arith.constant 80 : index
        %get3A_494 = tpu.vector_load %arg18[%get3A_492, %get3A_493] {strides = array<i32>} : memref<128x128xf32, #tpu.memory_space<vmem>>, vector<16xf32>,
        %mul3A_495 = arith.mulf %get3A_494, %gather3A : vector<16xf32>
        %swap3A_496 = arith.index_cast %scan3A_455 : i32 to index
        %swap3A_497 = arith.constant 80 : index
        %swap3A_498 = tpu.vector_load %arg18[%swap3A_496, %swap3A_497] {strides = array<i32>} : memref<128x128xf32, #tpu.memory_space<vmem>>, vector<16xf32>,
        tpu.vector_store %arg18[%swap3A_496, %swap3A_497], %mul3A_495 {strides = array<i32>} : memref<128x128xf32, #tpu.memory_space<vmem>>, vector<16xf32>,
        %get3A_499 = arith.index_cast %scan3A_455 : i32 to index
        %get3A_500 = arith.constant 96 : index
        %get3A_501 = tpu.vector_load %arg18[%get3A_499, %get3A_500] {strides = array<i32>} : memref<128x128xf32, #tpu.memory_space<vmem>>, vector<16xf32>,
        %mul3A_502 = arith.mulf %get3A_501, %gather3A : vector<16xf32>
        %swap3A_503 = arith.index_cast %scan3A_455 : i32 to index
        %swap3A_504 = arith.constant 96 : index
        %swap3A_505 = tpu.vector_load %arg18[%swap3A_503, %swap3A_504] {strides = array<i32>} : memref<128x128xf32, #tpu.memory_space<vmem>>, vector<16xf32>,
        tpu.vector_store %arg18[%swap3A_503, %swap3A_504], %mul3A_502 {strides = array<i32>} : memref<128x128xf32, #tpu.memory_space<vmem>>, vector<16xf32>,
        %get3A_506 = arith.index_cast %scan3A_455 : i32 to index
        %get3A_507 = arith.constant 112 : index
        %get3A_508 = tpu.vector_load %arg18[%get3A_506, %get3A_507] {strides = array<i32>} : memref<128x128xf32, #tpu.memory_space<vmem>>, vector<16xf32>,
        %mul3A_509 = arith.mulf %get3A_508, %gather3A : vector<16xf32>
        %swap3A_510 = arith.index_cast %scan3A_455 : i32 to index
        %swap3A_511 = arith.constant 112 : index
        %swap3A_512 = tpu.vector_load %arg18[%swap3A_510, %swap3A_511] {strides = array<i32>} : memref<128x128xf32, #tpu.memory_space<vmem>>, vector<16xf32>,
        tpu.vector_store %arg18[%swap3A_510, %swap3A_511], %mul3A_509 {strides = array<i32>} : memref<128x128xf32, #tpu.memory_space<vmem>>, vector<16xf32>,
      }
      %scan3A_452 = arith.constant 128 : i32
      %run_scoped3A_453 = arith.constant 0 : i32
      "tpu.region"() ({
        %run_scoped3A_455 = tpu.sem_alloc : memref<!tpu.dma_semaphore, #tpu.memory_space<semaphore_mem>>
        %dma_start3A_456 = arith.constant 0 : i32
        %dma_start3A_457 = tpu.memref_slice %arg10[%add3A_318, %run_scoped3A_453, %dma_start3A_456] : memref<40x1x128xi32, #tpu.memory_space<vmem>> -> memref<1x1x128xi32, #tpu.memory_space<vmem>>
        %dma_start3A_458 = tpu.memref_squeeze %dma_start3A_457 : memref<1x1x128xi32, #tpu.memory_space<vmem>> -> memref<128xi32, #tpu.memory_space<vmem>>
        %dma_start3A_459 = arith.constant 0 : i32
        %dma_start3A_460 = arith.constant 0 : i32
        %dma_start3A_461 = tpu.memref_slice %arg19[%dma_start3A_459, %dma_start3A_460] : memref<10240x128xf32, #tpu.memory_space<vmem_shared>> -> memref<10240x128xf32, #tpu.memory_space<vmem_shared>>
        tpu.enqueue_indirect_dma source(%arg18 : memref<128x128xf32, #tpu.memory_space<vmem>>) target(%dma_start3A_461 : memref<10240x128xf32, #tpu.memory_space<vmem_shared>>) offsets(%dma_start3A_458 : memref<128xi32, #tpu.memory_space<vmem>>) semaphore(%run_scoped3A_455 : memref<!tpu.dma_semaphore, #tpu.memory_space<semaphore_mem>>) {add = true}
        %dma_wait3A_462 = arith.constant 0 : i32
        %dma_wait3A_463 = tpu.memref_slice %arg10[%add3A_318, %run_scoped3A_453, %dma_wait3A_462] : memref<40x1x128xi32, #tpu.memory_space<vmem>> -> memref<1x1x128xi32, #tpu.memory_space<vmem>>
        %dma_wait3A_464 = tpu.memref_squeeze %dma_wait3A_463 : memref<1x1x128xi32, #tpu.memory_space<vmem>> -> memref<128xi32, #tpu.memory_space<vmem>>
        %dma_wait3A_465 = arith.constant 0 : i32
        %dma_wait3A_466 = arith.constant 0 : i32
        %dma_wait3A_467 = tpu.memref_slice %arg19[%dma_wait3A_465, %dma_wait3A_466] : memref<10240x128xf32, #tpu.memory_space<vmem_shared>> -> memref<10240x128xf32, #tpu.memory_space<vmem_shared>>
        tpu.wait_indirect_dma semaphore(%run_scoped3A_455 : memref<!tpu.dma_semaphore, #tpu.memory_space<semaphore_mem>>) src(%arg18 : memref<128x128xf32, #tpu.memory_space<vmem>>) dst(%dma_wait3A_467 : memref<10240x128xf32, #tpu.memory_space<vmem_shared>>)
        tpu.yield
      }) : () -> ()
      %run_scoped3A_454 = arith.constant 0 : i32
      "tpu.region"() ({
        %run_scoped3A_455 = tpu.sem_alloc : memref<!tpu.dma_semaphore, #tpu.memory_space<semaphore_mem>>
        %dma_start3A_456 = arith.constant 0 : i32
        %dma_start3A_457 = tpu.memref_slice %arg10[%add3A_318, %run_scoped3A_454, %dma_start3A_456] : memref<40x1x128xi32, #tpu.memory_space<vmem>> -> memref<1x1x128xi32, #tpu.memory_space<vmem>>
        %dma_start3A_458 = tpu.memref_squeeze %dma_start3A_457 : memref<1x1x128xi32, #tpu.memory_space<vmem>> -> memref<128xi32, #tpu.memory_space<vmem>>
        %dma_start3A_459 = arith.constant 0 : i32
        %dma_start3A_460 = tpu.memref_slice %arg20[%dma_start3A_459] : memref<10240xf32, #tpu.memory_space<vmem_shared>> -> memref<10240xf32, #tpu.memory_space<vmem_shared>>
        tpu.enqueue_indirect_dma source(%arg17 : memref<128xf32, #tpu.memory_space<vmem>>) target(%dma_start3A_460 : memref<10240xf32, #tpu.memory_space<vmem_shared>>) offsets(%dma_start3A_458 : memref<128xi32, #tpu.memory_space<vmem>>) semaphore(%run_scoped3A_455 : memref<!tpu.dma_semaphore, #tpu.memory_space<semaphore_mem>>) {add = true}
        %dma_wait3A_461 = arith.constant 0 : i32
        %dma_wait3A_462 = tpu.memref_slice %arg10[%add3A_318, %run_scoped3A_454, %dma_wait3A_461] : memref<40x1x128xi32, #tpu.memory_space<vmem>> -> memref<1x1x128xi32, #tpu.memory_space<vmem>>
        %dma_wait3A_463 = tpu.memref_squeeze %dma_wait3A_462 : memref<1x1x128xi32, #tpu.memory_space<vmem>> -> memref<128xi32, #tpu.memory_space<vmem>>
        %dma_wait3A_464 = arith.constant 0 : i32
        %dma_wait3A_465 = tpu.memref_slice %arg20[%dma_wait3A_464] : memref<10240xf32, #tpu.memory_space<vmem_shared>> -> memref<10240xf32, #tpu.memory_space<vmem_shared>>
        tpu.wait_indirect_dma semaphore(%run_scoped3A_455 : memref<!tpu.dma_semaphore, #tpu.memory_space<semaphore_mem>>) src(%arg17 : memref<128xf32, #tpu.memory_space<vmem>>) dst(%dma_wait3A_465 : memref<10240xf32, #tpu.memory_space<vmem_shared>>)
        tpu.yield
      }) : () -> ()
    }
    %scan3A_92 = arith.constant 20 : i32
    %mul3A_93 = arith.constant 80 : i32
    %mul3A_94 = arith.muli %add3A, %mul3A_93 : i32
    %add3A_95 = arith.constant 40 : i32
    %add3A_96 = arith.addi %mul3A_94, %add3A_95 : i32
    "tpu.region"() ({
      %run_scoped3A = tpu.sem_alloc : memref<!tpu.dma_semaphore, #tpu.memory_space<semaphore_mem>>
      %dma_start3A_147 = arith.constant 0 : i32
      %dma_start3A_148 = arith.constant 0 : i32
      %dma_start3A_149 = tpu.memref_slice %arg2[%add3A_96, %dma_start3A_147, %dma_start3A_148] : memref<2560x1x128xi32, #tpu.memory_space<hbm>> -> memref<40x1x128xi32, #tpu.memory_space<hbm>>
      %dma_start3A_150 = arith.constant 0 : i32
      %dma_start3A_151 = arith.constant 0 : i32
      %dma_start3A_152 = tpu.memref_slice %arg2[%add3A_96, %dma_start3A_150, %dma_start3A_151] : memref<2560x1x128xi32, #tpu.memory_space<hbm>> -> memref<40x1x128xi32, #tpu.memory_space<hbm>>
      tpu.enqueue_dma source(%dma_start3A_152 : memref<40x1x128xi32, #tpu.memory_space<hbm>>) target(%arg9 : memref<40x1x128xi32, #tpu.memory_space<vmem>>) target_semaphore(%run_scoped3A : memref<!tpu.dma_semaphore, #tpu.memory_space<semaphore_mem>>)
      %dma_wait3A = arith.constant 0 : i32
      %dma_wait3A_153 = arith.constant 0 : i32
      %dma_wait3A_154 = tpu.memref_slice %arg2[%add3A_96, %dma_wait3A, %dma_wait3A_153] : memref<2560x1x128xi32, #tpu.memory_space<hbm>> -> memref<40x1x128xi32, #tpu.memory_space<hbm>>
      %dma_wait3A_155 = arith.constant 0 : i32
      %dma_wait3A_156 = arith.constant 0 : i32
      %dma_wait3A_157 = tpu.memref_slice %arg2[%add3A_96, %dma_wait3A_155, %dma_wait3A_156] : memref<2560x1x128xi32, #tpu.memory_space<hbm>> -> memref<40x1x128xi32, #tpu.memory_space<hbm>>
      tpu.wait_dma2 semaphore(%run_scoped3A : memref<!tpu.dma_semaphore, #tpu.memory_space<semaphore_mem>>) src(%dma_wait3A_157 : memref<40x1x128xi32, #tpu.memory_space<hbm>>) dst(%arg9 : memref<40x1x128xi32, #tpu.memory_space<vmem>>)
      tpu.yield
    }) : () -> ()
    %mul3A_97 = arith.constant 80 : i32
    %mul3A_98 = arith.muli %add3A, %mul3A_97 : i32
    %add3A_99 = arith.constant 40 : i32
    %add3A_100 = arith.addi %mul3A_98, %add3A_99 : i32
    "tpu.region"() ({
      %run_scoped3A = tpu.sem_alloc : memref<!tpu.dma_semaphore, #tpu.memory_space<semaphore_mem>>
      %dma_start3A_147 = arith.constant 0 : i32
      %dma_start3A_148 = arith.constant 0 : i32
      %dma_start3A_149 = tpu.memref_slice %arg3[%add3A_100, %dma_start3A_147, %dma_start3A_148] : memref<2560x1x128xi32, #tpu.memory_space<hbm>> -> memref<40x1x128xi32, #tpu.memory_space<hbm>>
      %dma_start3A_150 = arith.constant 0 : i32
      %dma_start3A_151 = arith.constant 0 : i32
      %dma_start3A_152 = tpu.memref_slice %arg3[%add3A_100, %dma_start3A_150, %dma_start3A_151] : memref<2560x1x128xi32, #tpu.memory_space<hbm>> -> memref<40x1x128xi32, #tpu.memory_space<hbm>>
      tpu.enqueue_dma source(%dma_start3A_152 : memref<40x1x128xi32, #tpu.memory_space<hbm>>) target(%arg10 : memref<40x1x128xi32, #tpu.memory_space<vmem>>) target_semaphore(%run_scoped3A : memref<!tpu.dma_semaphore, #tpu.memory_space<semaphore_mem>>)
      %dma_wait3A = arith.constant 0 : i32
      %dma_wait3A_153 = arith.constant 0 : i32
      %dma_wait3A_154 = tpu.memref_slice %arg3[%add3A_100, %dma_wait3A, %dma_wait3A_153] : memref<2560x1x128xi32, #tpu.memory_space<hbm>> -> memref<40x1x128xi32, #tpu.memory_space<hbm>>
      %dma_wait3A_155 = arith.constant 0 : i32
      %dma_wait3A_156 = arith.constant 0 : i32
      %dma_wait3A_157 = tpu.memref_slice %arg3[%add3A_100, %dma_wait3A_155, %dma_wait3A_156] : memref<2560x1x128xi32, #tpu.memory_space<hbm>> -> memref<40x1x128xi32, #tpu.memory_space<hbm>>
      tpu.wait_dma2 semaphore(%run_scoped3A : memref<!tpu.dma_semaphore, #tpu.memory_space<semaphore_mem>>) src(%dma_wait3A_157 : memref<40x1x128xi32, #tpu.memory_space<hbm>>) dst(%arg10 : memref<40x1x128xi32, #tpu.memory_space<vmem>>)
      tpu.yield
    }) : () -> ()
    %dma_start3A_101 = arith.constant 0 : i32
    %dma_start3A_102 = arith.constant 0 : i32
    %dma_start3A_103 = arith.constant 0 : i32
    %dma_start3A_104 = arith.constant 0 : i32
    %dma_start3A_105 = tpu.memref_slice %arg14[%dma_start3A_103, %dma_start3A_104] : memref<128x128xf32, #tpu.memory_space<vmem>> -> memref<64x128xf32, #tpu.memory_space<vmem>>
    %dma_start3A_106 = arith.constant 0 : i32
    %dma_start3A_107 = tpu.memref_slice %arg9[%dma_start3A_101, %dma_start3A_102, %dma_start3A_106] : memref<40x1x128xi32, #tpu.memory_space<vmem>> -> memref<1x1x64xi32, #tpu.memory_space<vmem>>
    %dma_start3A_108 = tpu.memref_squeeze %dma_start3A_107 : memref<1x1x64xi32, #tpu.memory_space<vmem>> -> memref<64xi32, #tpu.memory_space<vmem>>
    %dma_start3A_109 = arith.constant 0 : i32
    %dma_start3A_110 = arith.constant 0 : i32
    %dma_start3A_111 = tpu.memref_slice %arg6[%dma_start3A_109, %dma_start3A_110] : memref<10000x128xf32, #tpu.memory_space<hbm>> -> memref<10000x128xf32, #tpu.memory_space<hbm>>
    tpu.enqueue_indirect_dma source(%dma_start3A_111 : memref<10000x128xf32, #tpu.memory_space<hbm>>) target(%dma_start3A_105 : memref<64x128xf32, #tpu.memory_space<vmem>>) offsets(%dma_start3A_108 : memref<64xi32, #tpu.memory_space<vmem>>) semaphore(%arg23 : memref<!tpu.dma_semaphore, #tpu.memory_space<semaphore_mem>>)
    %dma_start3A_112 = arith.constant 0 : i32
    %dma_start3A_113 = arith.constant 0 : i32
    %dma_start3A_114 = arith.constant 64 : i32
    %dma_start3A_115 = arith.constant 0 : i32
    %dma_start3A_116 = tpu.memref_slice %arg14[%dma_start3A_114, %dma_start3A_115] : memref<128x128xf32, #tpu.memory_space<vmem>> -> memref<64x128xf32, #tpu.memory_space<vmem>>
    %dma_start3A_117 = arith.constant 64 : i32
    %dma_start3A_118 = tpu.memref_slice %arg9[%dma_start3A_112, %dma_start3A_113, %dma_start3A_117] : memref<40x1x128xi32, #tpu.memory_space<vmem>> -> memref<1x1x64xi32, #tpu.memory_space<vmem>>
    %dma_start3A_119 = tpu.memref_squeeze %dma_start3A_118 : memref<1x1x64xi32, #tpu.memory_space<vmem>> -> memref<64xi32, #tpu.memory_space<vmem>>
    %dma_start3A_120 = arith.constant 0 : i32
    %dma_start3A_121 = arith.constant 0 : i32
    %dma_start3A_122 = tpu.memref_slice %arg6[%dma_start3A_120, %dma_start3A_121] : memref<10000x128xf32, #tpu.memory_space<hbm>> -> memref<10000x128xf32, #tpu.memory_space<hbm>>
    tpu.enqueue_indirect_dma source(%dma_start3A_122 : memref<10000x128xf32, #tpu.memory_space<hbm>>) target(%dma_start3A_116 : memref<64x128xf32, #tpu.memory_space<vmem>>) offsets(%dma_start3A_119 : memref<64xi32, #tpu.memory_space<vmem>>) semaphore(%arg24 : memref<!tpu.dma_semaphore, #tpu.memory_space<semaphore_mem>>)
    %dma_start3A_123 = arith.constant 0 : i32
    %dma_start3A_124 = arith.constant 0 : i32
    %dma_start3A_125 = arith.constant 0 : i32
    %dma_start3A_126 = tpu.memref_slice %arg9[%dma_start3A_123, %dma_start3A_124, %dma_start3A_125] : memref<40x1x128xi32, #tpu.memory_space<vmem>> -> memref<1x1x128xi32, #tpu.memory_space<vmem>>
    %dma_start3A_127 = tpu.memref_squeeze %dma_start3A_126 : memref<1x1x128xi32, #tpu.memory_space<vmem>> -> memref<128xi32, #tpu.memory_space<vmem>>
    %dma_start3A_128 = arith.constant 0 : i32
    %dma_start3A_129 = tpu.memref_slice %arg4[%dma_start3A_128] : memref<10000xf32, #tpu.memory_space<hbm>> -> memref<10000xf32, #tpu.memory_space<hbm>>
    tpu.enqueue_indirect_dma source(%dma_start3A_129 : memref<10000xf32, #tpu.memory_space<hbm>>) target(%arg11 : memref<128xf32, #tpu.memory_space<vmem>>) offsets(%dma_start3A_127 : memref<128xi32, #tpu.memory_space<vmem>>) semaphore(%arg21 : memref<!tpu.dma_semaphore, #tpu.memory_space<semaphore_mem>>)
    %dma_start3A_130 = arith.constant 0 : i32
    %dma_start3A_131 = arith.constant 0 : i32
    %dma_start3A_132 = arith.constant 0 : i32
    %dma_start3A_133 = tpu.memref_slice %arg10[%dma_start3A_130, %dma_start3A_131, %dma_start3A_132] : memref<40x1x128xi32, #tpu.memory_space<vmem>> -> memref<1x1x128xi32, #tpu.memory_space<vmem>>
    %dma_start3A_134 = tpu.memref_squeeze %dma_start3A_133 : memref<1x1x128xi32, #tpu.memory_space<vmem>> -> memref<128xi32, #tpu.memory_space<vmem>>
    %dma_start3A_135 = arith.constant 0 : i32
    %dma_start3A_136 = tpu.memref_slice %arg5[%dma_start3A_135] : memref<10240xf32, #tpu.memory_space<hbm>> -> memref<10240xf32, #tpu.memory_space<hbm>>
    tpu.enqueue_indirect_dma source(%dma_start3A_136 : memref<10240xf32, #tpu.memory_space<hbm>>) target(%arg12 : memref<128xf32, #tpu.memory_space<vmem>>) offsets(%dma_start3A_134 : memref<128xi32, #tpu.memory_space<vmem>>) semaphore(%arg22 : memref<!tpu.dma_semaphore, #tpu.memory_space<semaphore_mem>>)
    %scan3A_137 = arith.constant 0 : i32
    %scan3A_138 = arith.constant 0 : i32
    %scan3A_139 = arith.constant 20 : i32
    %scan3A_140 = arith.addi %scan3A_138, %scan3A_139 : i32
    %scan3A_141 = arith.constant 1 : i32
    scf.for %scan3A_147 = %scan3A_138 to %scan3A_140 step %scan3A_141  : i32 {
      %mul3A_148 = arith.constant 2 : i32
      %mul3A_149 = arith.muli %mul3A_148, %scan3A_147 : i32
      %add3A_150 = arith.constant 1 : i32
      %add3A_151 = arith.addi %mul3A_149, %add3A_150 : i32
      %dma_start3A_152 = arith.constant 0 : i32
      %dma_start3A_153 = arith.constant 0 : i32
      %dma_start3A_154 = arith.constant 0 : i32
      %dma_start3A_155 = tpu.memref_slice %arg18[%dma_start3A_153, %dma_start3A_154] : memref<128x128xf32, #tpu.memory_space<vmem>> -> memref<64x128xf32, #tpu.memory_space<vmem>>
      %dma_start3A_156 = arith.constant 0 : i32
      %dma_start3A_157 = tpu.memref_slice %arg9[%add3A_151, %dma_start3A_152, %dma_start3A_156] : memref<40x1x128xi32, #tpu.memory_space<vmem>> -> memref<1x1x64xi32, #tpu.memory_space<vmem>>
      %dma_start3A_158 = tpu.memref_squeeze %dma_start3A_157 : memref<1x1x64xi32, #tpu.memory_space<vmem>> -> memref<64xi32, #tpu.memory_space<vmem>>
      %dma_start3A_159 = arith.constant 0 : i32
      %dma_start3A_160 = arith.constant 0 : i32
      %dma_start3A_161 = tpu.memref_slice %arg6[%dma_start3A_159, %dma_start3A_160] : memref<10000x128xf32, #tpu.memory_space<hbm>> -> memref<10000x128xf32, #tpu.memory_space<hbm>>
      tpu.enqueue_indirect_dma source(%dma_start3A_161 : memref<10000x128xf32, #tpu.memory_space<hbm>>) target(%dma_start3A_155 : memref<64x128xf32, #tpu.memory_space<vmem>>) offsets(%dma_start3A_158 : memref<64xi32, #tpu.memory_space<vmem>>) semaphore(%arg27 : memref<!tpu.dma_semaphore, #tpu.memory_space<semaphore_mem>>)
      %dma_start3A_162 = arith.constant 0 : i32
      %dma_start3A_163 = arith.constant 64 : i32
      %dma_start3A_164 = arith.constant 0 : i32
      %dma_start3A_165 = tpu.memref_slice %arg18[%dma_start3A_163, %dma_start3A_164] : memref<128x128xf32, #tpu.memory_space<vmem>> -> memref<64x128xf32, #tpu.memory_space<vmem>>
      %dma_start3A_166 = arith.constant 64 : i32
      %dma_start3A_167 = tpu.memref_slice %arg9[%add3A_151, %dma_start3A_162, %dma_start3A_166] : memref<40x1x128xi32, #tpu.memory_space<vmem>> -> memref<1x1x64xi32, #tpu.memory_space<vmem>>
      %dma_start3A_168 = tpu.memref_squeeze %dma_start3A_167 : memref<1x1x64xi32, #tpu.memory_space<vmem>> -> memref<64xi32, #tpu.memory_space<vmem>>
      %dma_start3A_169 = arith.constant 0 : i32
      %dma_start3A_170 = arith.constant 0 : i32
      %dma_start3A_171 = tpu.memref_slice %arg6[%dma_start3A_169, %dma_start3A_170] : memref<10000x128xf32, #tpu.memory_space<hbm>> -> memref<10000x128xf32, #tpu.memory_space<hbm>>
      tpu.enqueue_indirect_dma source(%dma_start3A_171 : memref<10000x128xf32, #tpu.memory_space<hbm>>) target(%dma_start3A_165 : memref<64x128xf32, #tpu.memory_space<vmem>>) offsets(%dma_start3A_168 : memref<64xi32, #tpu.memory_space<vmem>>) semaphore(%arg28 : memref<!tpu.dma_semaphore, #tpu.memory_space<semaphore_mem>>)
      %dma_start3A_172 = arith.constant 0 : i32
      %dma_start3A_173 = arith.constant 0 : i32
      %dma_start3A_174 = tpu.memref_slice %arg9[%add3A_151, %dma_start3A_172, %dma_start3A_173] : memref<40x1x128xi32, #tpu.memory_space<vmem>> -> memref<1x1x128xi32, #tpu.memory_space<vmem>>
      %dma_start3A_175 = tpu.memref_squeeze %dma_start3A_174 : memref<1x1x128xi32, #tpu.memory_space<vmem>> -> memref<128xi32, #tpu.memory_space<vmem>>
      %dma_start3A_176 = arith.constant 0 : i32
      %dma_start3A_177 = tpu.memref_slice %arg4[%dma_start3A_176] : memref<10000xf32, #tpu.memory_space<hbm>> -> memref<10000xf32, #tpu.memory_space<hbm>>
      tpu.enqueue_indirect_dma source(%dma_start3A_177 : memref<10000xf32, #tpu.memory_space<hbm>>) target(%arg15 : memref<128xf32, #tpu.memory_space<vmem>>) offsets(%dma_start3A_175 : memref<128xi32, #tpu.memory_space<vmem>>) semaphore(%arg25 : memref<!tpu.dma_semaphore, #tpu.memory_space<semaphore_mem>>)
      %dma_start3A_178 = arith.constant 0 : i32
      %dma_start3A_179 = arith.constant 0 : i32
      %dma_start3A_180 = tpu.memref_slice %arg10[%add3A_151, %dma_start3A_178, %dma_start3A_179] : memref<40x1x128xi32, #tpu.memory_space<vmem>> -> memref<1x1x128xi32, #tpu.memory_space<vmem>>
      %dma_start3A_181 = tpu.memref_squeeze %dma_start3A_180 : memref<1x1x128xi32, #tpu.memory_space<vmem>> -> memref<128xi32, #tpu.memory_space<vmem>>
      %dma_start3A_182 = arith.constant 0 : i32
      %dma_start3A_183 = tpu.memref_slice %arg5[%dma_start3A_182] : memref<10240xf32, #tpu.memory_space<hbm>> -> memref<10240xf32, #tpu.memory_space<hbm>>
      tpu.enqueue_indirect_dma source(%dma_start3A_183 : memref<10240xf32, #tpu.memory_space<hbm>>) target(%arg16 : memref<128xf32, #tpu.memory_space<vmem>>) offsets(%dma_start3A_181 : memref<128xi32, #tpu.memory_space<vmem>>) semaphore(%arg26 : memref<!tpu.dma_semaphore, #tpu.memory_space<semaphore_mem>>)
      %dma_wait3A = arith.constant 0 : i32
      %dma_wait3A_184 = arith.constant 0 : i32
      %dma_wait3A_185 = tpu.memref_slice %arg9[%mul3A_149, %dma_wait3A, %dma_wait3A_184] : memref<40x1x128xi32, #tpu.memory_space<vmem>> -> memref<1x1x128xi32, #tpu.memory_space<vmem>>
      %dma_wait3A_186 = tpu.memref_squeeze %dma_wait3A_185 : memref<1x1x128xi32, #tpu.memory_space<vmem>> -> memref<128xi32, #tpu.memory_space<vmem>>
      %dma_wait3A_187 = arith.constant 0 : i32
      %dma_wait3A_188 = tpu.memref_slice %arg4[%dma_wait3A_187] : memref<10000xf32, #tpu.memory_space<hbm>> -> memref<10000xf32, #tpu.memory_space<hbm>>
      tpu.wait_indirect_dma semaphore(%arg21 : memref<!tpu.dma_semaphore, #tpu.memory_space<semaphore_mem>>) src(%dma_wait3A_188 : memref<10000xf32, #tpu.memory_space<hbm>>) dst(%arg11 : memref<128xf32, #tpu.memory_space<vmem>>)
      %dma_wait3A_189 = arith.constant 0 : i32
      %dma_wait3A_190 = arith.constant 0 : i32
      %dma_wait3A_191 = tpu.memref_slice %arg10[%mul3A_149, %dma_wait3A_189, %dma_wait3A_190] : memref<40x1x128xi32, #tpu.memory_space<vmem>> -> memref<1x1x128xi32, #tpu.memory_space<vmem>>
      %dma_wait3A_192 = tpu.memref_squeeze %dma_wait3A_191 : memref<1x1x128xi32, #tpu.memory_space<vmem>> -> memref<128xi32, #tpu.memory_space<vmem>>
      %dma_wait3A_193 = arith.constant 0 : i32
      %dma_wait3A_194 = tpu.memref_slice %arg5[%dma_wait3A_193] : memref<10240xf32, #tpu.memory_space<hbm>> -> memref<10240xf32, #tpu.memory_space<hbm>>
      tpu.wait_indirect_dma semaphore(%arg22 : memref<!tpu.dma_semaphore, #tpu.memory_space<semaphore_mem>>) src(%dma_wait3A_194 : memref<10240xf32, #tpu.memory_space<hbm>>) dst(%arg12 : memref<128xf32, #tpu.memory_space<vmem>>)
      %get3A = arith.constant 0 : index
      %get3A_195 = tpu.vector_load %arg11[%get3A] {strides = array<i32>} : memref<128xf32, #tpu.memory_space<vmem>>, vector<16xf32>,
      %get3A_196 = arith.constant 0 : index
      %get3A_197 = tpu.vector_load %arg12[%get3A_196] {strides = array<i32>} : memref<128xf32, #tpu.memory_space<vmem>>, vector<16xf32>,
      %add3A_198 = arith.addf %get3A_195, %get3A_197 : vector<16xf32>
      %mul3A_199 = arith.constant 2.000000e-01 : f32
      %mul3A_200 = vector.broadcast %mul3A_199 : f32 to vector<16xf32>
      %mul3A_201 = arith.mulf %mul3A_200, %add3A_198 : vector<16xf32>
      %max3A = arith.maximumf %add3A_198, %mul3A_201 : vector<16xf32>
      %exp3A = math.exp %max3A : vector<16xf32>
      %swap3A_202 = arith.constant 0 : index
      %swap3A_203 = tpu.vector_load %arg13[%swap3A_202] {strides = array<i32>} : memref<128xf32, #tpu.memory_space<vmem>>, vector<16xf32>,
      tpu.vector_store %arg13[%swap3A_202], %exp3A {strides = array<i32>} : memref<128xf32, #tpu.memory_space<vmem>>, vector<16xf32>,
      %get3A_204 = arith.constant 16 : index
      %get3A_205 = tpu.vector_load %arg11[%get3A_204] {strides = array<i32>} : memref<128xf32, #tpu.memory_space<vmem>>, vector<16xf32>,
      %get3A_206 = arith.constant 16 : index
      %get3A_207 = tpu.vector_load %arg12[%get3A_206] {strides = array<i32>} : memref<128xf32, #tpu.memory_space<vmem>>, vector<16xf32>,
      %add3A_208 = arith.addf %get3A_205, %get3A_207 : vector<16xf32>
      %mul3A_209 = arith.constant 2.000000e-01 : f32
      %mul3A_210 = vector.broadcast %mul3A_209 : f32 to vector<16xf32>
      %mul3A_211 = arith.mulf %mul3A_210, %add3A_208 : vector<16xf32>
      %max3A_212 = arith.maximumf %add3A_208, %mul3A_211 : vector<16xf32>
      %exp3A_213 = math.exp %max3A_212 : vector<16xf32>
      %swap3A_214 = arith.constant 16 : index
      %swap3A_215 = tpu.vector_load %arg13[%swap3A_214] {strides = array<i32>} : memref<128xf32, #tpu.memory_space<vmem>>, vector<16xf32>,
      tpu.vector_store %arg13[%swap3A_214], %exp3A_213 {strides = array<i32>} : memref<128xf32, #tpu.memory_space<vmem>>, vector<16xf32>,
      %get3A_216 = arith.constant 32 : index
      %get3A_217 = tpu.vector_load %arg11[%get3A_216] {strides = array<i32>} : memref<128xf32, #tpu.memory_space<vmem>>, vector<16xf32>,
      %get3A_218 = arith.constant 32 : index
      %get3A_219 = tpu.vector_load %arg12[%get3A_218] {strides = array<i32>} : memref<128xf32, #tpu.memory_space<vmem>>, vector<16xf32>,
      %add3A_220 = arith.addf %get3A_217, %get3A_219 : vector<16xf32>
      %mul3A_221 = arith.constant 2.000000e-01 : f32
      %mul3A_222 = vector.broadcast %mul3A_221 : f32 to vector<16xf32>
      %mul3A_223 = arith.mulf %mul3A_222, %add3A_220 : vector<16xf32>
      %max3A_224 = arith.maximumf %add3A_220, %mul3A_223 : vector<16xf32>
      %exp3A_225 = math.exp %max3A_224 : vector<16xf32>
      %swap3A_226 = arith.constant 32 : index
      %swap3A_227 = tpu.vector_load %arg13[%swap3A_226] {strides = array<i32>} : memref<128xf32, #tpu.memory_space<vmem>>, vector<16xf32>,
      tpu.vector_store %arg13[%swap3A_226], %exp3A_225 {strides = array<i32>} : memref<128xf32, #tpu.memory_space<vmem>>, vector<16xf32>,
      %get3A_228 = arith.constant 48 : index
      %get3A_229 = tpu.vector_load %arg11[%get3A_228] {strides = array<i32>} : memref<128xf32, #tpu.memory_space<vmem>>, vector<16xf32>,
      %get3A_230 = arith.constant 48 : index
      %get3A_231 = tpu.vector_load %arg12[%get3A_230] {strides = array<i32>} : memref<128xf32, #tpu.memory_space<vmem>>, vector<16xf32>,
      %add3A_232 = arith.addf %get3A_229, %get3A_231 : vector<16xf32>
      %mul3A_233 = arith.constant 2.000000e-01 : f32
      %mul3A_234 = vector.broadcast %mul3A_233 : f32 to vector<16xf32>
      %mul3A_235 = arith.mulf %mul3A_234, %add3A_232 : vector<16xf32>
      %max3A_236 = arith.maximumf %add3A_232, %mul3A_235 : vector<16xf32>
      %exp3A_237 = math.exp %max3A_236 : vector<16xf32>
      %swap3A_238 = arith.constant 48 : index
      %swap3A_239 = tpu.vector_load %arg13[%swap3A_238] {strides = array<i32>} : memref<128xf32, #tpu.memory_space<vmem>>, vector<16xf32>,
      tpu.vector_store %arg13[%swap3A_238], %exp3A_237 {strides = array<i32>} : memref<128xf32, #tpu.memory_space<vmem>>, vector<16xf32>,
      %get3A_240 = arith.constant 64 : index
      %get3A_241 = tpu.vector_load %arg11[%get3A_240] {strides = array<i32>} : memref<128xf32, #tpu.memory_space<vmem>>, vector<16xf32>,
      %get3A_242 = arith.constant 64 : index
      %get3A_243 = tpu.vector_load %arg12[%get3A_242] {strides = array<i32>} : memref<128xf32, #tpu.memory_space<vmem>>, vector<16xf32>,
      %add3A_244 = arith.addf %get3A_241, %get3A_243 : vector<16xf32>
      %mul3A_245 = arith.constant 2.000000e-01 : f32
      %mul3A_246 = vector.broadcast %mul3A_245 : f32 to vector<16xf32>
      %mul3A_247 = arith.mulf %mul3A_246, %add3A_244 : vector<16xf32>
      %max3A_248 = arith.maximumf %add3A_244, %mul3A_247 : vector<16xf32>
      %exp3A_249 = math.exp %max3A_248 : vector<16xf32>
      %swap3A_250 = arith.constant 64 : index
      %swap3A_251 = tpu.vector_load %arg13[%swap3A_250] {strides = array<i32>} : memref<128xf32, #tpu.memory_space<vmem>>, vector<16xf32>,
      tpu.vector_store %arg13[%swap3A_250], %exp3A_249 {strides = array<i32>} : memref<128xf32, #tpu.memory_space<vmem>>, vector<16xf32>,
      %get3A_252 = arith.constant 80 : index
      %get3A_253 = tpu.vector_load %arg11[%get3A_252] {strides = array<i32>} : memref<128xf32, #tpu.memory_space<vmem>>, vector<16xf32>,
      %get3A_254 = arith.constant 80 : index
      %get3A_255 = tpu.vector_load %arg12[%get3A_254] {strides = array<i32>} : memref<128xf32, #tpu.memory_space<vmem>>, vector<16xf32>,
      %add3A_256 = arith.addf %get3A_253, %get3A_255 : vector<16xf32>
      %mul3A_257 = arith.constant 2.000000e-01 : f32
      %mul3A_258 = vector.broadcast %mul3A_257 : f32 to vector<16xf32>
      %mul3A_259 = arith.mulf %mul3A_258, %add3A_256 : vector<16xf32>
      %max3A_260 = arith.maximumf %add3A_256, %mul3A_259 : vector<16xf32>
      %exp3A_261 = math.exp %max3A_260 : vector<16xf32>
      %swap3A_262 = arith.constant 80 : index
      %swap3A_263 = tpu.vector_load %arg13[%swap3A_262] {strides = array<i32>} : memref<128xf32, #tpu.memory_space<vmem>>, vector<16xf32>,
      tpu.vector_store %arg13[%swap3A_262], %exp3A_261 {strides = array<i32>} : memref<128xf32, #tpu.memory_space<vmem>>, vector<16xf32>,
      %get3A_264 = arith.constant 96 : index
      %get3A_265 = tpu.vector_load %arg11[%get3A_264] {strides = array<i32>} : memref<128xf32, #tpu.memory_space<vmem>>, vector<16xf32>,
      %get3A_266 = arith.constant 96 : index
      %get3A_267 = tpu.vector_load %arg12[%get3A_266] {strides = array<i32>} : memref<128xf32, #tpu.memory_space<vmem>>, vector<16xf32>,
      %add3A_268 = arith.addf %get3A_265, %get3A_267 : vector<16xf32>
      %mul3A_269 = arith.constant 2.000000e-01 : f32
      %mul3A_270 = vector.broadcast %mul3A_269 : f32 to vector<16xf32>
      %mul3A_271 = arith.mulf %mul3A_270, %add3A_268 : vector<16xf32>
      %max3A_272 = arith.maximumf %add3A_268, %mul3A_271 : vector<16xf32>
      %exp3A_273 = math.exp %max3A_272 : vector<16xf32>
      %swap3A_274 = arith.constant 96 : index
      %swap3A_275 = tpu.vector_load %arg13[%swap3A_274] {strides = array<i32>} : memref<128xf32, #tpu.memory_space<vmem>>, vector<16xf32>,
      tpu.vector_store %arg13[%swap3A_274], %exp3A_273 {strides = array<i32>} : memref<128xf32, #tpu.memory_space<vmem>>, vector<16xf32>,
      %get3A_276 = arith.constant 112 : index
      %get3A_277 = tpu.vector_load %arg11[%get3A_276] {strides = array<i32>} : memref<128xf32, #tpu.memory_space<vmem>>, vector<16xf32>,
      %get3A_278 = arith.constant 112 : index
      %get3A_279 = tpu.vector_load %arg12[%get3A_278] {strides = array<i32>} : memref<128xf32, #tpu.memory_space<vmem>>, vector<16xf32>,
      %add3A_280 = arith.addf %get3A_277, %get3A_279 : vector<16xf32>
      %mul3A_281 = arith.constant 2.000000e-01 : f32
      %mul3A_282 = vector.broadcast %mul3A_281 : f32 to vector<16xf32>
      %mul3A_283 = arith.mulf %mul3A_282, %add3A_280 : vector<16xf32>
      %max3A_284 = arith.maximumf %add3A_280, %mul3A_283 : vector<16xf32>
      %exp3A_285 = math.exp %max3A_284 : vector<16xf32>
      %swap3A_286 = arith.constant 112 : index
      %swap3A_287 = tpu.vector_load %arg13[%swap3A_286] {strides = array<i32>} : memref<128xf32, #tpu.memory_space<vmem>>, vector<16xf32>,
      tpu.vector_store %arg13[%swap3A_286], %exp3A_285 {strides = array<i32>} : memref<128xf32, #tpu.memory_space<vmem>>, vector<16xf32>,
      %dma_wait3A_288 = arith.constant 0 : i32
      %dma_wait3A_289 = arith.constant 0 : i32
      %dma_wait3A_290 = arith.constant 0 : i32
      %dma_wait3A_291 = tpu.memref_slice %arg14[%dma_wait3A_289, %dma_wait3A_290] : memref<128x128xf32, #tpu.memory_space<vmem>> -> memref<64x128xf32, #tpu.memory_space<vmem>>
      %dma_wait3A_292 = arith.constant 0 : i32
      %dma_wait3A_293 = tpu.memref_slice %arg9[%mul3A_149, %dma_wait3A_288, %dma_wait3A_292] : memref<40x1x128xi32, #tpu.memory_space<vmem>> -> memref<1x1x64xi32, #tpu.memory_space<vmem>>
      %dma_wait3A_294 = tpu.memref_squeeze %dma_wait3A_293 : memref<1x1x64xi32, #tpu.memory_space<vmem>> -> memref<64xi32, #tpu.memory_space<vmem>>
      %dma_wait3A_295 = arith.constant 0 : i32
      %dma_wait3A_296 = arith.constant 0 : i32
      %dma_wait3A_297 = tpu.memref_slice %arg6[%dma_wait3A_295, %dma_wait3A_296] : memref<10000x128xf32, #tpu.memory_space<hbm>> -> memref<10000x128xf32, #tpu.memory_space<hbm>>
      tpu.wait_indirect_dma semaphore(%arg23 : memref<!tpu.dma_semaphore, #tpu.memory_space<semaphore_mem>>) src(%dma_wait3A_297 : memref<10000x128xf32, #tpu.memory_space<hbm>>) dst(%dma_wait3A_291 : memref<64x128xf32, #tpu.memory_space<vmem>>)
      %dma_wait3A_298 = arith.constant 0 : i32
      %dma_wait3A_299 = arith.constant 64 : i32
      %dma_wait3A_300 = arith.constant 0 : i32
      %dma_wait3A_301 = tpu.memref_slice %arg14[%dma_wait3A_299, %dma_wait3A_300] : memref<128x128xf32, #tpu.memory_space<vmem>> -> memref<64x128xf32, #tpu.memory_space<vmem>>
      %dma_wait3A_302 = arith.constant 64 : i32
      %dma_wait3A_303 = tpu.memref_slice %arg9[%mul3A_149, %dma_wait3A_298, %dma_wait3A_302] : memref<40x1x128xi32, #tpu.memory_space<vmem>> -> memref<1x1x64xi32, #tpu.memory_space<vmem>>
      %dma_wait3A_304 = tpu.memref_squeeze %dma_wait3A_303 : memref<1x1x64xi32, #tpu.memory_space<vmem>> -> memref<64xi32, #tpu.memory_space<vmem>>
      %dma_wait3A_305 = arith.constant 0 : i32
      %dma_wait3A_306 = arith.constant 0 : i32
      %dma_wait3A_307 = tpu.memref_slice %arg6[%dma_wait3A_305, %dma_wait3A_306] : memref<10000x128xf32, #tpu.memory_space<hbm>> -> memref<10000x128xf32, #tpu.memory_space<hbm>>
      tpu.wait_indirect_dma semaphore(%arg24 : memref<!tpu.dma_semaphore, #tpu.memory_space<semaphore_mem>>) src(%dma_wait3A_307 : memref<10000x128xf32, #tpu.memory_space<hbm>>) dst(%dma_wait3A_301 : memref<64x128xf32, #tpu.memory_space<vmem>>)
      %scan3A_308 = arith.constant 0 : i32
      %scan3A_309 = arith.constant 0 : i32
      %scan3A_310 = arith.constant 128 : i32
      %scan3A_311 = arith.addi %scan3A_309, %scan3A_310 : i32
      %scan3A_312 = arith.constant 1 : i32
      scf.for %scan3A_455 = %scan3A_309 to %scan3A_311 step %scan3A_312  : i32 {
        %broadcast_in_dim3A_456 = vector.broadcast %scan3A_455 : i32 to vector<16xi32>
        %gather3A = tpu.vector_load_idx %arg13[%broadcast_in_dim3A_456] : memref<128xf32, #tpu.memory_space<vmem>>[vector<16xi32>], vector<16xf32>,
        %get3A_457 = arith.index_cast %scan3A_455 : i32 to index
        %get3A_458 = arith.constant 0 : index
        %get3A_459 = tpu.vector_load %arg14[%get3A_457, %get3A_458] {strides = array<i32>} : memref<128x128xf32, #tpu.memory_space<vmem>>, vector<16xf32>,
        %mul3A_460 = arith.mulf %get3A_459, %gather3A : vector<16xf32>
        %swap3A_461 = arith.index_cast %scan3A_455 : i32 to index
        %swap3A_462 = arith.constant 0 : index
        %swap3A_463 = tpu.vector_load %arg14[%swap3A_461, %swap3A_462] {strides = array<i32>} : memref<128x128xf32, #tpu.memory_space<vmem>>, vector<16xf32>,
        tpu.vector_store %arg14[%swap3A_461, %swap3A_462], %mul3A_460 {strides = array<i32>} : memref<128x128xf32, #tpu.memory_space<vmem>>, vector<16xf32>,
        %get3A_464 = arith.index_cast %scan3A_455 : i32 to index
        %get3A_465 = arith.constant 16 : index
        %get3A_466 = tpu.vector_load %arg14[%get3A_464, %get3A_465] {strides = array<i32>} : memref<128x128xf32, #tpu.memory_space<vmem>>, vector<16xf32>,
        %mul3A_467 = arith.mulf %get3A_466, %gather3A : vector<16xf32>
        %swap3A_468 = arith.index_cast %scan3A_455 : i32 to index
        %swap3A_469 = arith.constant 16 : index
        %swap3A_470 = tpu.vector_load %arg14[%swap3A_468, %swap3A_469] {strides = array<i32>} : memref<128x128xf32, #tpu.memory_space<vmem>>, vector<16xf32>,
        tpu.vector_store %arg14[%swap3A_468, %swap3A_469], %mul3A_467 {strides = array<i32>} : memref<128x128xf32, #tpu.memory_space<vmem>>, vector<16xf32>,
        %get3A_471 = arith.index_cast %scan3A_455 : i32 to index
        %get3A_472 = arith.constant 32 : index
        %get3A_473 = tpu.vector_load %arg14[%get3A_471, %get3A_472] {strides = array<i32>} : memref<128x128xf32, #tpu.memory_space<vmem>>, vector<16xf32>,
        %mul3A_474 = arith.mulf %get3A_473, %gather3A : vector<16xf32>
        %swap3A_475 = arith.index_cast %scan3A_455 : i32 to index
        %swap3A_476 = arith.constant 32 : index
        %swap3A_477 = tpu.vector_load %arg14[%swap3A_475, %swap3A_476] {strides = array<i32>} : memref<128x128xf32, #tpu.memory_space<vmem>>, vector<16xf32>,
        tpu.vector_store %arg14[%swap3A_475, %swap3A_476], %mul3A_474 {strides = array<i32>} : memref<128x128xf32, #tpu.memory_space<vmem>>, vector<16xf32>,
        %get3A_478 = arith.index_cast %scan3A_455 : i32 to index
        %get3A_479 = arith.constant 48 : index
        %get3A_480 = tpu.vector_load %arg14[%get3A_478, %get3A_479] {strides = array<i32>} : memref<128x128xf32, #tpu.memory_space<vmem>>, vector<16xf32>,
        %mul3A_481 = arith.mulf %get3A_480, %gather3A : vector<16xf32>
        %swap3A_482 = arith.index_cast %scan3A_455 : i32 to index
        %swap3A_483 = arith.constant 48 : index
        %swap3A_484 = tpu.vector_load %arg14[%swap3A_482, %swap3A_483] {strides = array<i32>} : memref<128x128xf32, #tpu.memory_space<vmem>>, vector<16xf32>,
        tpu.vector_store %arg14[%swap3A_482, %swap3A_483], %mul3A_481 {strides = array<i32>} : memref<128x128xf32, #tpu.memory_space<vmem>>, vector<16xf32>,
        %get3A_485 = arith.index_cast %scan3A_455 : i32 to index
        %get3A_486 = arith.constant 64 : index
        %get3A_487 = tpu.vector_load %arg14[%get3A_485, %get3A_486] {strides = array<i32>} : memref<128x128xf32, #tpu.memory_space<vmem>>, vector<16xf32>,
        %mul3A_488 = arith.mulf %get3A_487, %gather3A : vector<16xf32>
        %swap3A_489 = arith.index_cast %scan3A_455 : i32 to index
        %swap3A_490 = arith.constant 64 : index
        %swap3A_491 = tpu.vector_load %arg14[%swap3A_489, %swap3A_490] {strides = array<i32>} : memref<128x128xf32, #tpu.memory_space<vmem>>, vector<16xf32>,
        tpu.vector_store %arg14[%swap3A_489, %swap3A_490], %mul3A_488 {strides = array<i32>} : memref<128x128xf32, #tpu.memory_space<vmem>>, vector<16xf32>,
        %get3A_492 = arith.index_cast %scan3A_455 : i32 to index
        %get3A_493 = arith.constant 80 : index
        %get3A_494 = tpu.vector_load %arg14[%get3A_492, %get3A_493] {strides = array<i32>} : memref<128x128xf32, #tpu.memory_space<vmem>>, vector<16xf32>,
        %mul3A_495 = arith.mulf %get3A_494, %gather3A : vector<16xf32>
        %swap3A_496 = arith.index_cast %scan3A_455 : i32 to index
        %swap3A_497 = arith.constant 80 : index
        %swap3A_498 = tpu.vector_load %arg14[%swap3A_496, %swap3A_497] {strides = array<i32>} : memref<128x128xf32, #tpu.memory_space<vmem>>, vector<16xf32>,
        tpu.vector_store %arg14[%swap3A_496, %swap3A_497], %mul3A_495 {strides = array<i32>} : memref<128x128xf32, #tpu.memory_space<vmem>>, vector<16xf32>,
        %get3A_499 = arith.index_cast %scan3A_455 : i32 to index
        %get3A_500 = arith.constant 96 : index
        %get3A_501 = tpu.vector_load %arg14[%get3A_499, %get3A_500] {strides = array<i32>} : memref<128x128xf32, #tpu.memory_space<vmem>>, vector<16xf32>,
        %mul3A_502 = arith.mulf %get3A_501, %gather3A : vector<16xf32>
        %swap3A_503 = arith.index_cast %scan3A_455 : i32 to index
        %swap3A_504 = arith.constant 96 : index
        %swap3A_505 = tpu.vector_load %arg14[%swap3A_503, %swap3A_504] {strides = array<i32>} : memref<128x128xf32, #tpu.memory_space<vmem>>, vector<16xf32>,
        tpu.vector_store %arg14[%swap3A_503, %swap3A_504], %mul3A_502 {strides = array<i32>} : memref<128x128xf32, #tpu.memory_space<vmem>>, vector<16xf32>,
        %get3A_506 = arith.index_cast %scan3A_455 : i32 to index
        %get3A_507 = arith.constant 112 : index
        %get3A_508 = tpu.vector_load %arg14[%get3A_506, %get3A_507] {strides = array<i32>} : memref<128x128xf32, #tpu.memory_space<vmem>>, vector<16xf32>,
        %mul3A_509 = arith.mulf %get3A_508, %gather3A : vector<16xf32>
        %swap3A_510 = arith.index_cast %scan3A_455 : i32 to index
        %swap3A_511 = arith.constant 112 : index
        %swap3A_512 = tpu.vector_load %arg14[%swap3A_510, %swap3A_511] {strides = array<i32>} : memref<128x128xf32, #tpu.memory_space<vmem>>, vector<16xf32>,
        tpu.vector_store %arg14[%swap3A_510, %swap3A_511], %mul3A_509 {strides = array<i32>} : memref<128x128xf32, #tpu.memory_space<vmem>>, vector<16xf32>,
      }
      %scan3A_313 = arith.constant 128 : i32
      %run_scoped3A = arith.constant 0 : i32
      "tpu.region"() ({
        %run_scoped3A_455 = tpu.sem_alloc : memref<!tpu.dma_semaphore, #tpu.memory_space<semaphore_mem>>
        %dma_start3A_456 = arith.constant 0 : i32
        %dma_start3A_457 = tpu.memref_slice %arg10[%mul3A_149, %run_scoped3A, %dma_start3A_456] : memref<40x1x128xi32, #tpu.memory_space<vmem>> -> memref<1x1x128xi32, #tpu.memory_space<vmem>>
        %dma_start3A_458 = tpu.memref_squeeze %dma_start3A_457 : memref<1x1x128xi32, #tpu.memory_space<vmem>> -> memref<128xi32, #tpu.memory_space<vmem>>
        %dma_start3A_459 = arith.constant 0 : i32
        %dma_start3A_460 = arith.constant 0 : i32
        %dma_start3A_461 = tpu.memref_slice %arg19[%dma_start3A_459, %dma_start3A_460] : memref<10240x128xf32, #tpu.memory_space<vmem_shared>> -> memref<10240x128xf32, #tpu.memory_space<vmem_shared>>
        tpu.enqueue_indirect_dma source(%arg14 : memref<128x128xf32, #tpu.memory_space<vmem>>) target(%dma_start3A_461 : memref<10240x128xf32, #tpu.memory_space<vmem_shared>>) offsets(%dma_start3A_458 : memref<128xi32, #tpu.memory_space<vmem>>) semaphore(%run_scoped3A_455 : memref<!tpu.dma_semaphore, #tpu.memory_space<semaphore_mem>>) {add = true}
        %dma_wait3A_462 = arith.constant 0 : i32
        %dma_wait3A_463 = tpu.memref_slice %arg10[%mul3A_149, %run_scoped3A, %dma_wait3A_462] : memref<40x1x128xi32, #tpu.memory_space<vmem>> -> memref<1x1x128xi32, #tpu.memory_space<vmem>>
        %dma_wait3A_464 = tpu.memref_squeeze %dma_wait3A_463 : memref<1x1x128xi32, #tpu.memory_space<vmem>> -> memref<128xi32, #tpu.memory_space<vmem>>
        %dma_wait3A_465 = arith.constant 0 : i32
        %dma_wait3A_466 = arith.constant 0 : i32
        %dma_wait3A_467 = tpu.memref_slice %arg19[%dma_wait3A_465, %dma_wait3A_466] : memref<10240x128xf32, #tpu.memory_space<vmem_shared>> -> memref<10240x128xf32, #tpu.memory_space<vmem_shared>>
        tpu.wait_indirect_dma semaphore(%run_scoped3A_455 : memref<!tpu.dma_semaphore, #tpu.memory_space<semaphore_mem>>) src(%arg14 : memref<128x128xf32, #tpu.memory_space<vmem>>) dst(%dma_wait3A_467 : memref<10240x128xf32, #tpu.memory_space<vmem_shared>>)
        tpu.yield
      }) : () -> ()
      %run_scoped3A_314 = arith.constant 0 : i32
      "tpu.region"() ({
        %run_scoped3A_455 = tpu.sem_alloc : memref<!tpu.dma_semaphore, #tpu.memory_space<semaphore_mem>>
        %dma_start3A_456 = arith.constant 0 : i32
        %dma_start3A_457 = tpu.memref_slice %arg10[%mul3A_149, %run_scoped3A_314, %dma_start3A_456] : memref<40x1x128xi32, #tpu.memory_space<vmem>> -> memref<1x1x128xi32, #tpu.memory_space<vmem>>
        %dma_start3A_458 = tpu.memref_squeeze %dma_start3A_457 : memref<1x1x128xi32, #tpu.memory_space<vmem>> -> memref<128xi32, #tpu.memory_space<vmem>>
        %dma_start3A_459 = arith.constant 0 : i32
        %dma_start3A_460 = tpu.memref_slice %arg20[%dma_start3A_459] : memref<10240xf32, #tpu.memory_space<vmem_shared>> -> memref<10240xf32, #tpu.memory_space<vmem_shared>>
        tpu.enqueue_indirect_dma source(%arg13 : memref<128xf32, #tpu.memory_space<vmem>>) target(%dma_start3A_460 : memref<10240xf32, #tpu.memory_space<vmem_shared>>) offsets(%dma_start3A_458 : memref<128xi32, #tpu.memory_space<vmem>>) semaphore(%run_scoped3A_455 : memref<!tpu.dma_semaphore, #tpu.memory_space<semaphore_mem>>) {add = true}
        %dma_wait3A_461 = arith.constant 0 : i32
        %dma_wait3A_462 = tpu.memref_slice %arg10[%mul3A_149, %run_scoped3A_314, %dma_wait3A_461] : memref<40x1x128xi32, #tpu.memory_space<vmem>> -> memref<1x1x128xi32, #tpu.memory_space<vmem>>
        %dma_wait3A_463 = tpu.memref_squeeze %dma_wait3A_462 : memref<1x1x128xi32, #tpu.memory_space<vmem>> -> memref<128xi32, #tpu.memory_space<vmem>>
        %dma_wait3A_464 = arith.constant 0 : i32
        %dma_wait3A_465 = tpu.memref_slice %arg20[%dma_wait3A_464] : memref<10240xf32, #tpu.memory_space<vmem_shared>> -> memref<10240xf32, #tpu.memory_space<vmem_shared>>
        tpu.wait_indirect_dma semaphore(%run_scoped3A_455 : memref<!tpu.dma_semaphore, #tpu.memory_space<semaphore_mem>>) src(%arg13 : memref<128xf32, #tpu.memory_space<vmem>>) dst(%dma_wait3A_465 : memref<10240xf32, #tpu.memory_space<vmem_shared>>)
        tpu.yield
      }) : () -> ()
      %lt3A = arith.constant 19 : i32
      %lt3A_315 = arith.cmpi slt, %scan3A_147, %lt3A : i32
      %convert_element_type3A = arith.extui %lt3A_315 : i1 to i32
      %cond3A = arith.constant 0 : i32
      %cond3A_316 = arith.cmpi ne, %convert_element_type3A, %cond3A : i32
      scf.if %cond3A_316 {
        %add3A_455 = arith.constant 2 : i32
        %add3A_456 = arith.addi %mul3A_149, %add3A_455 : i32
        %dma_start3A_457 = arith.constant 0 : i32
        %dma_start3A_458 = arith.constant 0 : i32
        %dma_start3A_459 = arith.constant 0 : i32
        %dma_start3A_460 = tpu.memref_slice %arg14[%dma_start3A_458, %dma_start3A_459] : memref<128x128xf32, #tpu.memory_space<vmem>> -> memref<64x128xf32, #tpu.memory_space<vmem>>
        %dma_start3A_461 = arith.constant 0 : i32
        %dma_start3A_462 = tpu.memref_slice %arg9[%add3A_456, %dma_start3A_457, %dma_start3A_461] : memref<40x1x128xi32, #tpu.memory_space<vmem>> -> memref<1x1x64xi32, #tpu.memory_space<vmem>>
        %dma_start3A_463 = tpu.memref_squeeze %dma_start3A_462 : memref<1x1x64xi32, #tpu.memory_space<vmem>> -> memref<64xi32, #tpu.memory_space<vmem>>
        %dma_start3A_464 = arith.constant 0 : i32
        %dma_start3A_465 = arith.constant 0 : i32
        %dma_start3A_466 = tpu.memref_slice %arg6[%dma_start3A_464, %dma_start3A_465] : memref<10000x128xf32, #tpu.memory_space<hbm>> -> memref<10000x128xf32, #tpu.memory_space<hbm>>
        tpu.enqueue_indirect_dma source(%dma_start3A_466 : memref<10000x128xf32, #tpu.memory_space<hbm>>) target(%dma_start3A_460 : memref<64x128xf32, #tpu.memory_space<vmem>>) offsets(%dma_start3A_463 : memref<64xi32, #tpu.memory_space<vmem>>) semaphore(%arg23 : memref<!tpu.dma_semaphore, #tpu.memory_space<semaphore_mem>>)
        %dma_start3A_467 = arith.constant 0 : i32
        %dma_start3A_468 = arith.constant 64 : i32
        %dma_start3A_469 = arith.constant 0 : i32
        %dma_start3A_470 = tpu.memref_slice %arg14[%dma_start3A_468, %dma_start3A_469] : memref<128x128xf32, #tpu.memory_space<vmem>> -> memref<64x128xf32, #tpu.memory_space<vmem>>
        %dma_start3A_471 = arith.constant 64 : i32
        %dma_start3A_472 = tpu.memref_slice %arg9[%add3A_456, %dma_start3A_467, %dma_start3A_471] : memref<40x1x128xi32, #tpu.memory_space<vmem>> -> memref<1x1x64xi32, #tpu.memory_space<vmem>>
        %dma_start3A_473 = tpu.memref_squeeze %dma_start3A_472 : memref<1x1x64xi32, #tpu.memory_space<vmem>> -> memref<64xi32, #tpu.memory_space<vmem>>
        %dma_start3A_474 = arith.constant 0 : i32
        %dma_start3A_475 = arith.constant 0 : i32
        %dma_start3A_476 = tpu.memref_slice %arg6[%dma_start3A_474, %dma_start3A_475] : memref<10000x128xf32, #tpu.memory_space<hbm>> -> memref<10000x128xf32, #tpu.memory_space<hbm>>
        tpu.enqueue_indirect_dma source(%dma_start3A_476 : memref<10000x128xf32, #tpu.memory_space<hbm>>) target(%dma_start3A_470 : memref<64x128xf32, #tpu.memory_space<vmem>>) offsets(%dma_start3A_473 : memref<64xi32, #tpu.memory_space<vmem>>) semaphore(%arg24 : memref<!tpu.dma_semaphore, #tpu.memory_space<semaphore_mem>>)
        %dma_start3A_477 = arith.constant 0 : i32
        %dma_start3A_478 = arith.constant 0 : i32
        %dma_start3A_479 = tpu.memref_slice %arg9[%add3A_456, %dma_start3A_477, %dma_start3A_478] : memref<40x1x128xi32, #tpu.memory_space<vmem>> -> memref<1x1x128xi32, #tpu.memory_space<vmem>>
        %dma_start3A_480 = tpu.memref_squeeze %dma_start3A_479 : memref<1x1x128xi32, #tpu.memory_space<vmem>> -> memref<128xi32, #tpu.memory_space<vmem>>
        %dma_start3A_481 = arith.constant 0 : i32
        %dma_start3A_482 = tpu.memref_slice %arg4[%dma_start3A_481] : memref<10000xf32, #tpu.memory_space<hbm>> -> memref<10000xf32, #tpu.memory_space<hbm>>
        tpu.enqueue_indirect_dma source(%dma_start3A_482 : memref<10000xf32, #tpu.memory_space<hbm>>) target(%arg11 : memref<128xf32, #tpu.memory_space<vmem>>) offsets(%dma_start3A_480 : memref<128xi32, #tpu.memory_space<vmem>>) semaphore(%arg21 : memref<!tpu.dma_semaphore, #tpu.memory_space<semaphore_mem>>)
        %dma_start3A_483 = arith.constant 0 : i32
        %dma_start3A_484 = arith.constant 0 : i32
        %dma_start3A_485 = tpu.memref_slice %arg10[%add3A_456, %dma_start3A_483, %dma_start3A_484] : memref<40x1x128xi32, #tpu.memory_space<vmem>> -> memref<1x1x128xi32, #tpu.memory_space<vmem>>
        %dma_start3A_486 = tpu.memref_squeeze %dma_start3A_485 : memref<1x1x128xi32, #tpu.memory_space<vmem>> -> memref<128xi32, #tpu.memory_space<vmem>>
        %dma_start3A_487 = arith.constant 0 : i32
        %dma_start3A_488 = tpu.memref_slice %arg5[%dma_start3A_487] : memref<10240xf32, #tpu.memory_space<hbm>> -> memref<10240xf32, #tpu.memory_space<hbm>>
        tpu.enqueue_indirect_dma source(%dma_start3A_488 : memref<10240xf32, #tpu.memory_space<hbm>>) target(%arg12 : memref<128xf32, #tpu.memory_space<vmem>>) offsets(%dma_start3A_486 : memref<128xi32, #tpu.memory_space<vmem>>) semaphore(%arg22 : memref<!tpu.dma_semaphore, #tpu.memory_space<semaphore_mem>>)
      } else {
      }
      %add3A_317 = arith.constant 1 : i32
      %add3A_318 = arith.addi %mul3A_149, %add3A_317 : i32
      %dma_wait3A_319 = arith.constant 0 : i32
      %dma_wait3A_320 = arith.constant 0 : i32
      %dma_wait3A_321 = tpu.memref_slice %arg9[%add3A_318, %dma_wait3A_319, %dma_wait3A_320] : memref<40x1x128xi32, #tpu.memory_space<vmem>> -> memref<1x1x128xi32, #tpu.memory_space<vmem>>
      %dma_wait3A_322 = tpu.memref_squeeze %dma_wait3A_321 : memref<1x1x128xi32, #tpu.memory_space<vmem>> -> memref<128xi32, #tpu.memory_space<vmem>>
      %dma_wait3A_323 = arith.constant 0 : i32
      %dma_wait3A_324 = tpu.memref_slice %arg4[%dma_wait3A_323] : memref<10000xf32, #tpu.memory_space<hbm>> -> memref<10000xf32, #tpu.memory_space<hbm>>
      tpu.wait_indirect_dma semaphore(%arg25 : memref<!tpu.dma_semaphore, #tpu.memory_space<semaphore_mem>>) src(%dma_wait3A_324 : memref<10000xf32, #tpu.memory_space<hbm>>) dst(%arg15 : memref<128xf32, #tpu.memory_space<vmem>>)
      %dma_wait3A_325 = arith.constant 0 : i32
      %dma_wait3A_326 = arith.constant 0 : i32
      %dma_wait3A_327 = tpu.memref_slice %arg10[%add3A_318, %dma_wait3A_325, %dma_wait3A_326] : memref<40x1x128xi32, #tpu.memory_space<vmem>> -> memref<1x1x128xi32, #tpu.memory_space<vmem>>
      %dma_wait3A_328 = tpu.memref_squeeze %dma_wait3A_327 : memref<1x1x128xi32, #tpu.memory_space<vmem>> -> memref<128xi32, #tpu.memory_space<vmem>>
      %dma_wait3A_329 = arith.constant 0 : i32
      %dma_wait3A_330 = tpu.memref_slice %arg5[%dma_wait3A_329] : memref<10240xf32, #tpu.memory_space<hbm>> -> memref<10240xf32, #tpu.memory_space<hbm>>
      tpu.wait_indirect_dma semaphore(%arg26 : memref<!tpu.dma_semaphore, #tpu.memory_space<semaphore_mem>>) src(%dma_wait3A_330 : memref<10240xf32, #tpu.memory_space<hbm>>) dst(%arg16 : memref<128xf32, #tpu.memory_space<vmem>>)
      %get3A_331 = arith.constant 0 : index
      %get3A_332 = tpu.vector_load %arg15[%get3A_331] {strides = array<i32>} : memref<128xf32, #tpu.memory_space<vmem>>, vector<16xf32>,
      %get3A_333 = arith.constant 0 : index
      %get3A_334 = tpu.vector_load %arg16[%get3A_333] {strides = array<i32>} : memref<128xf32, #tpu.memory_space<vmem>>, vector<16xf32>,
      %add3A_335 = arith.addf %get3A_332, %get3A_334 : vector<16xf32>
      %mul3A_336 = arith.constant 2.000000e-01 : f32
      %mul3A_337 = vector.broadcast %mul3A_336 : f32 to vector<16xf32>
      %mul3A_338 = arith.mulf %mul3A_337, %add3A_335 : vector<16xf32>
      %max3A_339 = arith.maximumf %add3A_335, %mul3A_338 : vector<16xf32>
      %exp3A_340 = math.exp %max3A_339 : vector<16xf32>
      %swap3A_341 = arith.constant 0 : index
      %swap3A_342 = tpu.vector_load %arg17[%swap3A_341] {strides = array<i32>} : memref<128xf32, #tpu.memory_space<vmem>>, vector<16xf32>,
      tpu.vector_store %arg17[%swap3A_341], %exp3A_340 {strides = array<i32>} : memref<128xf32, #tpu.memory_space<vmem>>, vector<16xf32>,
      %get3A_343 = arith.constant 16 : index
      %get3A_344 = tpu.vector_load %arg15[%get3A_343] {strides = array<i32>} : memref<128xf32, #tpu.memory_space<vmem>>, vector<16xf32>,
      %get3A_345 = arith.constant 16 : index
      %get3A_346 = tpu.vector_load %arg16[%get3A_345] {strides = array<i32>} : memref<128xf32, #tpu.memory_space<vmem>>, vector<16xf32>,
      %add3A_347 = arith.addf %get3A_344, %get3A_346 : vector<16xf32>
      %mul3A_348 = arith.constant 2.000000e-01 : f32
      %mul3A_349 = vector.broadcast %mul3A_348 : f32 to vector<16xf32>
      %mul3A_350 = arith.mulf %mul3A_349, %add3A_347 : vector<16xf32>
      %max3A_351 = arith.maximumf %add3A_347, %mul3A_350 : vector<16xf32>
      %exp3A_352 = math.exp %max3A_351 : vector<16xf32>
      %swap3A_353 = arith.constant 16 : index
      %swap3A_354 = tpu.vector_load %arg17[%swap3A_353] {strides = array<i32>} : memref<128xf32, #tpu.memory_space<vmem>>, vector<16xf32>,
      tpu.vector_store %arg17[%swap3A_353], %exp3A_352 {strides = array<i32>} : memref<128xf32, #tpu.memory_space<vmem>>, vector<16xf32>,
      %get3A_355 = arith.constant 32 : index
      %get3A_356 = tpu.vector_load %arg15[%get3A_355] {strides = array<i32>} : memref<128xf32, #tpu.memory_space<vmem>>, vector<16xf32>,
      %get3A_357 = arith.constant 32 : index
      %get3A_358 = tpu.vector_load %arg16[%get3A_357] {strides = array<i32>} : memref<128xf32, #tpu.memory_space<vmem>>, vector<16xf32>,
      %add3A_359 = arith.addf %get3A_356, %get3A_358 : vector<16xf32>
      %mul3A_360 = arith.constant 2.000000e-01 : f32
      %mul3A_361 = vector.broadcast %mul3A_360 : f32 to vector<16xf32>
      %mul3A_362 = arith.mulf %mul3A_361, %add3A_359 : vector<16xf32>
      %max3A_363 = arith.maximumf %add3A_359, %mul3A_362 : vector<16xf32>
      %exp3A_364 = math.exp %max3A_363 : vector<16xf32>
      %swap3A_365 = arith.constant 32 : index
      %swap3A_366 = tpu.vector_load %arg17[%swap3A_365] {strides = array<i32>} : memref<128xf32, #tpu.memory_space<vmem>>, vector<16xf32>,
      tpu.vector_store %arg17[%swap3A_365], %exp3A_364 {strides = array<i32>} : memref<128xf32, #tpu.memory_space<vmem>>, vector<16xf32>,
      %get3A_367 = arith.constant 48 : index
      %get3A_368 = tpu.vector_load %arg15[%get3A_367] {strides = array<i32>} : memref<128xf32, #tpu.memory_space<vmem>>, vector<16xf32>,
      %get3A_369 = arith.constant 48 : index
      %get3A_370 = tpu.vector_load %arg16[%get3A_369] {strides = array<i32>} : memref<128xf32, #tpu.memory_space<vmem>>, vector<16xf32>,
      %add3A_371 = arith.addf %get3A_368, %get3A_370 : vector<16xf32>
      %mul3A_372 = arith.constant 2.000000e-01 : f32
      %mul3A_373 = vector.broadcast %mul3A_372 : f32 to vector<16xf32>
      %mul3A_374 = arith.mulf %mul3A_373, %add3A_371 : vector<16xf32>
      %max3A_375 = arith.maximumf %add3A_371, %mul3A_374 : vector<16xf32>
      %exp3A_376 = math.exp %max3A_375 : vector<16xf32>
      %swap3A_377 = arith.constant 48 : index
      %swap3A_378 = tpu.vector_load %arg17[%swap3A_377] {strides = array<i32>} : memref<128xf32, #tpu.memory_space<vmem>>, vector<16xf32>,
      tpu.vector_store %arg17[%swap3A_377], %exp3A_376 {strides = array<i32>} : memref<128xf32, #tpu.memory_space<vmem>>, vector<16xf32>,
      %get3A_379 = arith.constant 64 : index
      %get3A_380 = tpu.vector_load %arg15[%get3A_379] {strides = array<i32>} : memref<128xf32, #tpu.memory_space<vmem>>, vector<16xf32>,
      %get3A_381 = arith.constant 64 : index
      %get3A_382 = tpu.vector_load %arg16[%get3A_381] {strides = array<i32>} : memref<128xf32, #tpu.memory_space<vmem>>, vector<16xf32>,
      %add3A_383 = arith.addf %get3A_380, %get3A_382 : vector<16xf32>
      %mul3A_384 = arith.constant 2.000000e-01 : f32
      %mul3A_385 = vector.broadcast %mul3A_384 : f32 to vector<16xf32>
      %mul3A_386 = arith.mulf %mul3A_385, %add3A_383 : vector<16xf32>
      %max3A_387 = arith.maximumf %add3A_383, %mul3A_386 : vector<16xf32>
      %exp3A_388 = math.exp %max3A_387 : vector<16xf32>
      %swap3A_389 = arith.constant 64 : index
      %swap3A_390 = tpu.vector_load %arg17[%swap3A_389] {strides = array<i32>} : memref<128xf32, #tpu.memory_space<vmem>>, vector<16xf32>,
      tpu.vector_store %arg17[%swap3A_389], %exp3A_388 {strides = array<i32>} : memref<128xf32, #tpu.memory_space<vmem>>, vector<16xf32>,
      %get3A_391 = arith.constant 80 : index
      %get3A_392 = tpu.vector_load %arg15[%get3A_391] {strides = array<i32>} : memref<128xf32, #tpu.memory_space<vmem>>, vector<16xf32>,
      %get3A_393 = arith.constant 80 : index
      %get3A_394 = tpu.vector_load %arg16[%get3A_393] {strides = array<i32>} : memref<128xf32, #tpu.memory_space<vmem>>, vector<16xf32>,
      %add3A_395 = arith.addf %get3A_392, %get3A_394 : vector<16xf32>
      %mul3A_396 = arith.constant 2.000000e-01 : f32
      %mul3A_397 = vector.broadcast %mul3A_396 : f32 to vector<16xf32>
      %mul3A_398 = arith.mulf %mul3A_397, %add3A_395 : vector<16xf32>
      %max3A_399 = arith.maximumf %add3A_395, %mul3A_398 : vector<16xf32>
      %exp3A_400 = math.exp %max3A_399 : vector<16xf32>
      %swap3A_401 = arith.constant 80 : index
      %swap3A_402 = tpu.vector_load %arg17[%swap3A_401] {strides = array<i32>} : memref<128xf32, #tpu.memory_space<vmem>>, vector<16xf32>,
      tpu.vector_store %arg17[%swap3A_401], %exp3A_400 {strides = array<i32>} : memref<128xf32, #tpu.memory_space<vmem>>, vector<16xf32>,
      %get3A_403 = arith.constant 96 : index
      %get3A_404 = tpu.vector_load %arg15[%get3A_403] {strides = array<i32>} : memref<128xf32, #tpu.memory_space<vmem>>, vector<16xf32>,
      %get3A_405 = arith.constant 96 : index
      %get3A_406 = tpu.vector_load %arg16[%get3A_405] {strides = array<i32>} : memref<128xf32, #tpu.memory_space<vmem>>, vector<16xf32>,
      %add3A_407 = arith.addf %get3A_404, %get3A_406 : vector<16xf32>
      %mul3A_408 = arith.constant 2.000000e-01 : f32
      %mul3A_409 = vector.broadcast %mul3A_408 : f32 to vector<16xf32>
      %mul3A_410 = arith.mulf %mul3A_409, %add3A_407 : vector<16xf32>
      %max3A_411 = arith.maximumf %add3A_407, %mul3A_410 : vector<16xf32>
      %exp3A_412 = math.exp %max3A_411 : vector<16xf32>
      %swap3A_413 = arith.constant 96 : index
      %swap3A_414 = tpu.vector_load %arg17[%swap3A_413] {strides = array<i32>} : memref<128xf32, #tpu.memory_space<vmem>>, vector<16xf32>,
      tpu.vector_store %arg17[%swap3A_413], %exp3A_412 {strides = array<i32>} : memref<128xf32, #tpu.memory_space<vmem>>, vector<16xf32>,
      %get3A_415 = arith.constant 112 : index
      %get3A_416 = tpu.vector_load %arg15[%get3A_415] {strides = array<i32>} : memref<128xf32, #tpu.memory_space<vmem>>, vector<16xf32>,
      %get3A_417 = arith.constant 112 : index
      %get3A_418 = tpu.vector_load %arg16[%get3A_417] {strides = array<i32>} : memref<128xf32, #tpu.memory_space<vmem>>, vector<16xf32>,
      %add3A_419 = arith.addf %get3A_416, %get3A_418 : vector<16xf32>
      %mul3A_420 = arith.constant 2.000000e-01 : f32
      %mul3A_421 = vector.broadcast %mul3A_420 : f32 to vector<16xf32>
      %mul3A_422 = arith.mulf %mul3A_421, %add3A_419 : vector<16xf32>
      %max3A_423 = arith.maximumf %add3A_419, %mul3A_422 : vector<16xf32>
      %exp3A_424 = math.exp %max3A_423 : vector<16xf32>
      %swap3A_425 = arith.constant 112 : index
      %swap3A_426 = tpu.vector_load %arg17[%swap3A_425] {strides = array<i32>} : memref<128xf32, #tpu.memory_space<vmem>>, vector<16xf32>,
      tpu.vector_store %arg17[%swap3A_425], %exp3A_424 {strides = array<i32>} : memref<128xf32, #tpu.memory_space<vmem>>, vector<16xf32>,
      %dma_wait3A_427 = arith.constant 0 : i32
      %dma_wait3A_428 = arith.constant 0 : i32
      %dma_wait3A_429 = arith.constant 0 : i32
      %dma_wait3A_430 = tpu.memref_slice %arg18[%dma_wait3A_428, %dma_wait3A_429] : memref<128x128xf32, #tpu.memory_space<vmem>> -> memref<64x128xf32, #tpu.memory_space<vmem>>
      %dma_wait3A_431 = arith.constant 0 : i32
      %dma_wait3A_432 = tpu.memref_slice %arg9[%add3A_318, %dma_wait3A_427, %dma_wait3A_431] : memref<40x1x128xi32, #tpu.memory_space<vmem>> -> memref<1x1x64xi32, #tpu.memory_space<vmem>>
      %dma_wait3A_433 = tpu.memref_squeeze %dma_wait3A_432 : memref<1x1x64xi32, #tpu.memory_space<vmem>> -> memref<64xi32, #tpu.memory_space<vmem>>
      %dma_wait3A_434 = arith.constant 0 : i32
      %dma_wait3A_435 = arith.constant 0 : i32
      %dma_wait3A_436 = tpu.memref_slice %arg6[%dma_wait3A_434, %dma_wait3A_435] : memref<10000x128xf32, #tpu.memory_space<hbm>> -> memref<10000x128xf32, #tpu.memory_space<hbm>>
      tpu.wait_indirect_dma semaphore(%arg27 : memref<!tpu.dma_semaphore, #tpu.memory_space<semaphore_mem>>) src(%dma_wait3A_436 : memref<10000x128xf32, #tpu.memory_space<hbm>>) dst(%dma_wait3A_430 : memref<64x128xf32, #tpu.memory_space<vmem>>)
      %dma_wait3A_437 = arith.constant 0 : i32
      %dma_wait3A_438 = arith.constant 64 : i32
      %dma_wait3A_439 = arith.constant 0 : i32
      %dma_wait3A_440 = tpu.memref_slice %arg18[%dma_wait3A_438, %dma_wait3A_439] : memref<128x128xf32, #tpu.memory_space<vmem>> -> memref<64x128xf32, #tpu.memory_space<vmem>>
      %dma_wait3A_441 = arith.constant 64 : i32
      %dma_wait3A_442 = tpu.memref_slice %arg9[%add3A_318, %dma_wait3A_437, %dma_wait3A_441] : memref<40x1x128xi32, #tpu.memory_space<vmem>> -> memref<1x1x64xi32, #tpu.memory_space<vmem>>
      %dma_wait3A_443 = tpu.memref_squeeze %dma_wait3A_442 : memref<1x1x64xi32, #tpu.memory_space<vmem>> -> memref<64xi32, #tpu.memory_space<vmem>>
      %dma_wait3A_444 = arith.constant 0 : i32
      %dma_wait3A_445 = arith.constant 0 : i32
      %dma_wait3A_446 = tpu.memref_slice %arg6[%dma_wait3A_444, %dma_wait3A_445] : memref<10000x128xf32, #tpu.memory_space<hbm>> -> memref<10000x128xf32, #tpu.memory_space<hbm>>
      tpu.wait_indirect_dma semaphore(%arg28 : memref<!tpu.dma_semaphore, #tpu.memory_space<semaphore_mem>>) src(%dma_wait3A_446 : memref<10000x128xf32, #tpu.memory_space<hbm>>) dst(%dma_wait3A_440 : memref<64x128xf32, #tpu.memory_space<vmem>>)
      %scan3A_447 = arith.constant 0 : i32
      %scan3A_448 = arith.constant 0 : i32
      %scan3A_449 = arith.constant 128 : i32
      %scan3A_450 = arith.addi %scan3A_448, %scan3A_449 : i32
      %scan3A_451 = arith.constant 1 : i32
      scf.for %scan3A_455 = %scan3A_448 to %scan3A_450 step %scan3A_451  : i32 {
        %broadcast_in_dim3A_456 = vector.broadcast %scan3A_455 : i32 to vector<16xi32>
        %gather3A = tpu.vector_load_idx %arg17[%broadcast_in_dim3A_456] : memref<128xf32, #tpu.memory_space<vmem>>[vector<16xi32>], vector<16xf32>,
        %get3A_457 = arith.index_cast %scan3A_455 : i32 to index
        %get3A_458 = arith.constant 0 : index
        %get3A_459 = tpu.vector_load %arg18[%get3A_457, %get3A_458] {strides = array<i32>} : memref<128x128xf32, #tpu.memory_space<vmem>>, vector<16xf32>,
        %mul3A_460 = arith.mulf %get3A_459, %gather3A : vector<16xf32>
        %swap3A_461 = arith.index_cast %scan3A_455 : i32 to index
        %swap3A_462 = arith.constant 0 : index
        %swap3A_463 = tpu.vector_load %arg18[%swap3A_461, %swap3A_462] {strides = array<i32>} : memref<128x128xf32, #tpu.memory_space<vmem>>, vector<16xf32>,
        tpu.vector_store %arg18[%swap3A_461, %swap3A_462], %mul3A_460 {strides = array<i32>} : memref<128x128xf32, #tpu.memory_space<vmem>>, vector<16xf32>,
        %get3A_464 = arith.index_cast %scan3A_455 : i32 to index
        %get3A_465 = arith.constant 16 : index
        %get3A_466 = tpu.vector_load %arg18[%get3A_464, %get3A_465] {strides = array<i32>} : memref<128x128xf32, #tpu.memory_space<vmem>>, vector<16xf32>,
        %mul3A_467 = arith.mulf %get3A_466, %gather3A : vector<16xf32>
        %swap3A_468 = arith.index_cast %scan3A_455 : i32 to index
        %swap3A_469 = arith.constant 16 : index
        %swap3A_470 = tpu.vector_load %arg18[%swap3A_468, %swap3A_469] {strides = array<i32>} : memref<128x128xf32, #tpu.memory_space<vmem>>, vector<16xf32>,
        tpu.vector_store %arg18[%swap3A_468, %swap3A_469], %mul3A_467 {strides = array<i32>} : memref<128x128xf32, #tpu.memory_space<vmem>>, vector<16xf32>,
        %get3A_471 = arith.index_cast %scan3A_455 : i32 to index
        %get3A_472 = arith.constant 32 : index
        %get3A_473 = tpu.vector_load %arg18[%get3A_471, %get3A_472] {strides = array<i32>} : memref<128x128xf32, #tpu.memory_space<vmem>>, vector<16xf32>,
        %mul3A_474 = arith.mulf %get3A_473, %gather3A : vector<16xf32>
        %swap3A_475 = arith.index_cast %scan3A_455 : i32 to index
        %swap3A_476 = arith.constant 32 : index
        %swap3A_477 = tpu.vector_load %arg18[%swap3A_475, %swap3A_476] {strides = array<i32>} : memref<128x128xf32, #tpu.memory_space<vmem>>, vector<16xf32>,
        tpu.vector_store %arg18[%swap3A_475, %swap3A_476], %mul3A_474 {strides = array<i32>} : memref<128x128xf32, #tpu.memory_space<vmem>>, vector<16xf32>,
        %get3A_478 = arith.index_cast %scan3A_455 : i32 to index
        %get3A_479 = arith.constant 48 : index
        %get3A_480 = tpu.vector_load %arg18[%get3A_478, %get3A_479] {strides = array<i32>} : memref<128x128xf32, #tpu.memory_space<vmem>>, vector<16xf32>,
        %mul3A_481 = arith.mulf %get3A_480, %gather3A : vector<16xf32>
        %swap3A_482 = arith.index_cast %scan3A_455 : i32 to index
        %swap3A_483 = arith.constant 48 : index
        %swap3A_484 = tpu.vector_load %arg18[%swap3A_482, %swap3A_483] {strides = array<i32>} : memref<128x128xf32, #tpu.memory_space<vmem>>, vector<16xf32>,
        tpu.vector_store %arg18[%swap3A_482, %swap3A_483], %mul3A_481 {strides = array<i32>} : memref<128x128xf32, #tpu.memory_space<vmem>>, vector<16xf32>,
        %get3A_485 = arith.index_cast %scan3A_455 : i32 to index
        %get3A_486 = arith.constant 64 : index
        %get3A_487 = tpu.vector_load %arg18[%get3A_485, %get3A_486] {strides = array<i32>} : memref<128x128xf32, #tpu.memory_space<vmem>>, vector<16xf32>,
        %mul3A_488 = arith.mulf %get3A_487, %gather3A : vector<16xf32>
        %swap3A_489 = arith.index_cast %scan3A_455 : i32 to index
        %swap3A_490 = arith.constant 64 : index
        %swap3A_491 = tpu.vector_load %arg18[%swap3A_489, %swap3A_490] {strides = array<i32>} : memref<128x128xf32, #tpu.memory_space<vmem>>, vector<16xf32>,
        tpu.vector_store %arg18[%swap3A_489, %swap3A_490], %mul3A_488 {strides = array<i32>} : memref<128x128xf32, #tpu.memory_space<vmem>>, vector<16xf32>,
        %get3A_492 = arith.index_cast %scan3A_455 : i32 to index
        %get3A_493 = arith.constant 80 : index
        %get3A_494 = tpu.vector_load %arg18[%get3A_492, %get3A_493] {strides = array<i32>} : memref<128x128xf32, #tpu.memory_space<vmem>>, vector<16xf32>,
        %mul3A_495 = arith.mulf %get3A_494, %gather3A : vector<16xf32>
        %swap3A_496 = arith.index_cast %scan3A_455 : i32 to index
        %swap3A_497 = arith.constant 80 : index
        %swap3A_498 = tpu.vector_load %arg18[%swap3A_496, %swap3A_497] {strides = array<i32>} : memref<128x128xf32, #tpu.memory_space<vmem>>, vector<16xf32>,
        tpu.vector_store %arg18[%swap3A_496, %swap3A_497], %mul3A_495 {strides = array<i32>} : memref<128x128xf32, #tpu.memory_space<vmem>>, vector<16xf32>,
        %get3A_499 = arith.index_cast %scan3A_455 : i32 to index
        %get3A_500 = arith.constant 96 : index
        %get3A_501 = tpu.vector_load %arg18[%get3A_499, %get3A_500] {strides = array<i32>} : memref<128x128xf32, #tpu.memory_space<vmem>>, vector<16xf32>,
        %mul3A_502 = arith.mulf %get3A_501, %gather3A : vector<16xf32>
        %swap3A_503 = arith.index_cast %scan3A_455 : i32 to index
        %swap3A_504 = arith.constant 96 : index
        %swap3A_505 = tpu.vector_load %arg18[%swap3A_503, %swap3A_504] {strides = array<i32>} : memref<128x128xf32, #tpu.memory_space<vmem>>, vector<16xf32>,
        tpu.vector_store %arg18[%swap3A_503, %swap3A_504], %mul3A_502 {strides = array<i32>} : memref<128x128xf32, #tpu.memory_space<vmem>>, vector<16xf32>,
        %get3A_506 = arith.index_cast %scan3A_455 : i32 to index
        %get3A_507 = arith.constant 112 : index
        %get3A_508 = tpu.vector_load %arg18[%get3A_506, %get3A_507] {strides = array<i32>} : memref<128x128xf32, #tpu.memory_space<vmem>>, vector<16xf32>,
        %mul3A_509 = arith.mulf %get3A_508, %gather3A : vector<16xf32>
        %swap3A_510 = arith.index_cast %scan3A_455 : i32 to index
        %swap3A_511 = arith.constant 112 : index
        %swap3A_512 = tpu.vector_load %arg18[%swap3A_510, %swap3A_511] {strides = array<i32>} : memref<128x128xf32, #tpu.memory_space<vmem>>, vector<16xf32>,
        tpu.vector_store %arg18[%swap3A_510, %swap3A_511], %mul3A_509 {strides = array<i32>} : memref<128x128xf32, #tpu.memory_space<vmem>>, vector<16xf32>,
      }
      %scan3A_452 = arith.constant 128 : i32
      %run_scoped3A_453 = arith.constant 0 : i32
      "tpu.region"() ({
        %run_scoped3A_455 = tpu.sem_alloc : memref<!tpu.dma_semaphore, #tpu.memory_space<semaphore_mem>>
        %dma_start3A_456 = arith.constant 0 : i32
        %dma_start3A_457 = tpu.memref_slice %arg10[%add3A_318, %run_scoped3A_453, %dma_start3A_456] : memref<40x1x128xi32, #tpu.memory_space<vmem>> -> memref<1x1x128xi32, #tpu.memory_space<vmem>>
        %dma_start3A_458 = tpu.memref_squeeze %dma_start3A_457 : memref<1x1x128xi32, #tpu.memory_space<vmem>> -> memref<128xi32, #tpu.memory_space<vmem>>
        %dma_start3A_459 = arith.constant 0 : i32
        %dma_start3A_460 = arith.constant 0 : i32
        %dma_start3A_461 = tpu.memref_slice %arg19[%dma_start3A_459, %dma_start3A_460] : memref<10240x128xf32, #tpu.memory_space<vmem_shared>> -> memref<10240x128xf32, #tpu.memory_space<vmem_shared>>
        tpu.enqueue_indirect_dma source(%arg18 : memref<128x128xf32, #tpu.memory_space<vmem>>) target(%dma_start3A_461 : memref<10240x128xf32, #tpu.memory_space<vmem_shared>>) offsets(%dma_start3A_458 : memref<128xi32, #tpu.memory_space<vmem>>) semaphore(%run_scoped3A_455 : memref<!tpu.dma_semaphore, #tpu.memory_space<semaphore_mem>>) {add = true}
        %dma_wait3A_462 = arith.constant 0 : i32
        %dma_wait3A_463 = tpu.memref_slice %arg10[%add3A_318, %run_scoped3A_453, %dma_wait3A_462] : memref<40x1x128xi32, #tpu.memory_space<vmem>> -> memref<1x1x128xi32, #tpu.memory_space<vmem>>
        %dma_wait3A_464 = tpu.memref_squeeze %dma_wait3A_463 : memref<1x1x128xi32, #tpu.memory_space<vmem>> -> memref<128xi32, #tpu.memory_space<vmem>>
        %dma_wait3A_465 = arith.constant 0 : i32
        %dma_wait3A_466 = arith.constant 0 : i32
        %dma_wait3A_467 = tpu.memref_slice %arg19[%dma_wait3A_465, %dma_wait3A_466] : memref<10240x128xf32, #tpu.memory_space<vmem_shared>> -> memref<10240x128xf32, #tpu.memory_space<vmem_shared>>
        tpu.wait_indirect_dma semaphore(%run_scoped3A_455 : memref<!tpu.dma_semaphore, #tpu.memory_space<semaphore_mem>>) src(%arg18 : memref<128x128xf32, #tpu.memory_space<vmem>>) dst(%dma_wait3A_467 : memref<10240x128xf32, #tpu.memory_space<vmem_shared>>)
        tpu.yield
      }) : () -> ()
      %run_scoped3A_454 = arith.constant 0 : i32
      "tpu.region"() ({
        %run_scoped3A_455 = tpu.sem_alloc : memref<!tpu.dma_semaphore, #tpu.memory_space<semaphore_mem>>
        %dma_start3A_456 = arith.constant 0 : i32
        %dma_start3A_457 = tpu.memref_slice %arg10[%add3A_318, %run_scoped3A_454, %dma_start3A_456] : memref<40x1x128xi32, #tpu.memory_space<vmem>> -> memref<1x1x128xi32, #tpu.memory_space<vmem>>
        %dma_start3A_458 = tpu.memref_squeeze %dma_start3A_457 : memref<1x1x128xi32, #tpu.memory_space<vmem>> -> memref<128xi32, #tpu.memory_space<vmem>>
        %dma_start3A_459 = arith.constant 0 : i32
        %dma_start3A_460 = tpu.memref_slice %arg20[%dma_start3A_459] : memref<10240xf32, #tpu.memory_space<vmem_shared>> -> memref<10240xf32, #tpu.memory_space<vmem_shared>>
        tpu.enqueue_indirect_dma source(%arg17 : memref<128xf32, #tpu.memory_space<vmem>>) target(%dma_start3A_460 : memref<10240xf32, #tpu.memory_space<vmem_shared>>) offsets(%dma_start3A_458 : memref<128xi32, #tpu.memory_space<vmem>>) semaphore(%run_scoped3A_455 : memref<!tpu.dma_semaphore, #tpu.memory_space<semaphore_mem>>) {add = true}
        %dma_wait3A_461 = arith.constant 0 : i32
        %dma_wait3A_462 = tpu.memref_slice %arg10[%add3A_318, %run_scoped3A_454, %dma_wait3A_461] : memref<40x1x128xi32, #tpu.memory_space<vmem>> -> memref<1x1x128xi32, #tpu.memory_space<vmem>>
        %dma_wait3A_463 = tpu.memref_squeeze %dma_wait3A_462 : memref<1x1x128xi32, #tpu.memory_space<vmem>> -> memref<128xi32, #tpu.memory_space<vmem>>
        %dma_wait3A_464 = arith.constant 0 : i32
        %dma_wait3A_465 = tpu.memref_slice %arg20[%dma_wait3A_464] : memref<10240xf32, #tpu.memory_space<vmem_shared>> -> memref<10240xf32, #tpu.memory_space<vmem_shared>>
        tpu.wait_indirect_dma semaphore(%run_scoped3A_455 : memref<!tpu.dma_semaphore, #tpu.memory_space<semaphore_mem>>) src(%arg17 : memref<128xf32, #tpu.memory_space<vmem>>) dst(%dma_wait3A_465 : memref<10240xf32, #tpu.memory_space<vmem_shared>>)
        tpu.yield
      }) : () -> ()
    }
    %scan3A_142 = arith.constant 20 : i32
    %barrier3A_143 = arith.constant 0 : index
    tpu.barrier barrier_id(%barrier3A_143)
    %mul3A_144 = arith.constant 10240 : i32
    %mul3A_145 = arith.muli %arg0, %mul3A_144 : i32
    %add3A_146 = arith.addi %mul3A_145, %mul3A_23 : i32
    "tpu.region"() ({
      %run_scoped3A = tpu.sem_alloc : memref<!tpu.dma_semaphore, #tpu.memory_space<semaphore_mem>>
      %dma_start3A_147 = arith.constant 0 : i32
      %dma_start3A_148 = tpu.memref_slice %arg7[%add3A_146, %dma_start3A_147] : memref<20480x128xf32, #tpu.memory_space<hbm>> -> memref<640x128xf32, #tpu.memory_space<hbm>>
      %dma_start3A_149 = arith.constant 0 : i32
      %dma_start3A_150 = tpu.memref_slice %arg19[%mul3A_23, %dma_start3A_149] : memref<10240x128xf32, #tpu.memory_space<vmem_shared>> -> memref<640x128xf32, #tpu.memory_space<vmem_shared>>
      tpu.enqueue_dma source(%dma_start3A_150 : memref<640x128xf32, #tpu.memory_space<vmem_shared>>) target(%dma_start3A_148 : memref<640x128xf32, #tpu.memory_space<hbm>>) target_semaphore(%run_scoped3A : memref<!tpu.dma_semaphore, #tpu.memory_space<semaphore_mem>>)
      %dma_wait3A = arith.constant 0 : i32
      %dma_wait3A_151 = tpu.memref_slice %arg7[%add3A_146, %dma_wait3A] : memref<20480x128xf32, #tpu.memory_space<hbm>> -> memref<640x128xf32, #tpu.memory_space<hbm>>
      %dma_wait3A_152 = arith.constant 0 : i32
      %dma_wait3A_153 = tpu.memref_slice %arg19[%mul3A_23, %dma_wait3A_152] : memref<10240x128xf32, #tpu.memory_space<vmem_shared>> -> memref<640x128xf32, #tpu.memory_space<vmem_shared>>
      tpu.wait_dma2 semaphore(%run_scoped3A : memref<!tpu.dma_semaphore, #tpu.memory_space<semaphore_mem>>) src(%dma_wait3A_153 : memref<640x128xf32, #tpu.memory_space<vmem_shared>>) dst(%dma_wait3A_151 : memref<640x128xf32, #tpu.memory_space<hbm>>)
      tpu.yield
    }) : () -> ()
    "tpu.region"() ({
      %run_scoped3A = tpu.sem_alloc : memref<!tpu.dma_semaphore, #tpu.memory_space<semaphore_mem>>
      %dma_start3A_147 = tpu.memref_slice %arg8[%add3A_146] : memref<20480xf32, #tpu.memory_space<hbm>> -> memref<640xf32, #tpu.memory_space<hbm>>
      %dma_start3A_148 = tpu.memref_slice %arg20[%mul3A_23] : memref<10240xf32, #tpu.memory_space<vmem_shared>> -> memref<640xf32, #tpu.memory_space<vmem_shared>>
      tpu.enqueue_dma source(%dma_start3A_148 : memref<640xf32, #tpu.memory_space<vmem_shared>>) target(%dma_start3A_147 : memref<640xf32, #tpu.memory_space<hbm>>) target_semaphore(%run_scoped3A : memref<!tpu.dma_semaphore, #tpu.memory_space<semaphore_mem>>)
      %dma_wait3A = tpu.memref_slice %arg8[%add3A_146] : memref<20480xf32, #tpu.memory_space<hbm>> -> memref<640xf32, #tpu.memory_space<hbm>>
      %dma_wait3A_149 = tpu.memref_slice %arg20[%mul3A_23] : memref<10240xf32, #tpu.memory_space<vmem_shared>> -> memref<640xf32, #tpu.memory_space<vmem_shared>>
      tpu.wait_dma2 semaphore(%run_scoped3A : memref<!tpu.dma_semaphore, #tpu.memory_space<semaphore_mem>>) src(%dma_wait3A_149 : memref<640xf32, #tpu.memory_space<vmem_shared>>) dst(%dma_wait3A : memref<640xf32, #tpu.memory_space<hbm>>)
      tpu.yield
    }) : () -> ()
    return
  }
}

#map = affine_map<(d0, d1) -> (0, 0, 0)>
#map1 = affine_map<(d0, d1) -> (0)>
#map2 = affine_map<(d0, d1) -> (0, 0)>
module attributes {stable_mosaic.version = 14 : i64} {
  func.func @_sc_body(%arg0: i32, %arg1: i32, %arg2: memref<2560x1x128xi32, #tpu.memory_space<hbm>>, %arg3: memref<2560x1x128xi32, #tpu.memory_space<hbm>>, %arg4: memref<10000xf32, #tpu.memory_space<hbm>>, %arg5: memref<10240xf32, #tpu.memory_space<hbm>>, %arg6: memref<10000x128xf32, #tpu.memory_space<hbm>>, %arg7: memref<20480x128xf32, #tpu.memory_space<hbm>>, %arg8: memref<20480xf32, #tpu.memory_space<hbm>>, %arg9: memref<40x1x128xi32, #tpu.memory_space<vmem>>, %arg10: memref<40x1x128xi32, #tpu.memory_space<vmem>>, %arg11: memref<128xf32, #tpu.memory_space<vmem>>, %arg12: memref<128xf32, #tpu.memory_space<vmem>>, %arg13: memref<128xf32, #tpu.memory_space<vmem>>, %arg14: memref<128x128xf32, #tpu.memory_space<vmem>>, %arg15: memref<128xf32, #tpu.memory_space<vmem>>, %arg16: memref<128xf32, #tpu.memory_space<vmem>>, %arg17: memref<128xf32, #tpu.memory_space<vmem>>, %arg18: memref<128x128xf32, #tpu.memory_space<vmem>>, %arg19: memref<10240x128xf32, #tpu.memory_space<vmem_shared>>, %arg20: memref<10240xf32, #tpu.memory_space<vmem_shared>>, %arg21: memref<!tpu.dma_semaphore, #tpu.memory_space<semaphore_mem>>, %arg22: memref<!tpu.dma_semaphore, #tpu.memory_space<semaphore_mem>>, %arg23: memref<!tpu.dma_semaphore, #tpu.memory_space<semaphore_mem>>, %arg24: memref<!tpu.dma_semaphore, #tpu.memory_space<semaphore_mem>>, %arg25: memref<!tpu.dma_semaphore, #tpu.memory_space<semaphore_mem>>, %arg26: memref<!tpu.dma_semaphore, #tpu.memory_space<semaphore_mem>>, %arg27: memref<!tpu.dma_semaphore, #tpu.memory_space<semaphore_mem>>, %arg28: memref<!tpu.dma_semaphore, #tpu.memory_space<semaphore_mem>>) attributes {dimension_semantics = [#tpu.dimension_semantics<core_parallel>, #tpu.dimension_semantics<subcore_parallel>], iteration_bounds = array<i64: 2, 16>, scalar_prefetch = 0 : i64, scratch_operands = 20 : i64, tpu.core_type = #tpu.core_type<sc_vector_subcore>, window_params = [{transform_indices = #map}, {transform_indices = #map}, {transform_indices = #map1}, {transform_indices = #map1}, {transform_indices = #map2}, {transform_indices = #map2}, {transform_indices = #map1}]} {
    %mul3A = arith.constant 16 : i32
    %mul3A_0 = arith.muli %arg0, %mul3A : i32
    %add3A = arith.addi %mul3A_0, %arg1 : i32
    %broadcast_in_dim3A = arith.constant 0.000000e+00 : f32
    %broadcast_in_dim3A_1 = vector.broadcast %broadcast_in_dim3A : f32 to vector<16xf32>
    %scan3A = arith.constant 0 : i32
    %scan3A_2 = arith.constant 0 : i32
    %scan3A_3 = arith.constant 128 : i32
    %scan3A_4 = arith.addi %scan3A_2, %scan3A_3 : i32
    %scan3A_5 = arith.constant 1 : i32
    scf.for %scan3A_147 = %scan3A_2 to %scan3A_4 step %scan3A_5  : i32 {
      %swap3A_148 = arith.index_cast %scan3A_147 : i32 to index
      %swap3A_149 = arith.constant 0 : index
      %swap3A_150 = tpu.vector_load %arg14[%swap3A_148, %swap3A_149] {strides = array<i32>} : memref<128x128xf32, #tpu.memory_space<vmem>>, vector<16xf32>,
      tpu.vector_store %arg14[%swap3A_148, %swap3A_149], %broadcast_in_dim3A_1 {strides = array<i32>} : memref<128x128xf32, #tpu.memory_space<vmem>>, vector<16xf32>,
      %swap3A_151 = arith.index_cast %scan3A_147 : i32 to index
      %swap3A_152 = arith.constant 16 : index
      %swap3A_153 = tpu.vector_load %arg14[%swap3A_151, %swap3A_152] {strides = array<i32>} : memref<128x128xf32, #tpu.memory_space<vmem>>, vector<16xf32>,
      tpu.vector_store %arg14[%swap3A_151, %swap3A_152], %broadcast_in_dim3A_1 {strides = array<i32>} : memref<128x128xf32, #tpu.memory_space<vmem>>, vector<16xf32>,
      %swap3A_154 = arith.index_cast %scan3A_147 : i32 to index
      %swap3A_155 = arith.constant 32 : index
      %swap3A_156 = tpu.vector_load %arg14[%swap3A_154, %swap3A_155] {strides = array<i32>} : memref<128x128xf32, #tpu.memory_space<vmem>>, vector<16xf32>,
      tpu.vector_store %arg14[%swap3A_154, %swap3A_155], %broadcast_in_dim3A_1 {strides = array<i32>} : memref<128x128xf32, #tpu.memory_space<vmem>>, vector<16xf32>,
      %swap3A_157 = arith.index_cast %scan3A_147 : i32 to index
      %swap3A_158 = arith.constant 48 : index
      %swap3A_159 = tpu.vector_load %arg14[%swap3A_157, %swap3A_158] {strides = array<i32>} : memref<128x128xf32, #tpu.memory_space<vmem>>, vector<16xf32>,
      tpu.vector_store %arg14[%swap3A_157, %swap3A_158], %broadcast_in_dim3A_1 {strides = array<i32>} : memref<128x128xf32, #tpu.memory_space<vmem>>, vector<16xf32>,
      %swap3A_160 = arith.index_cast %scan3A_147 : i32 to index
      %swap3A_161 = arith.constant 64 : index
      %swap3A_162 = tpu.vector_load %arg14[%swap3A_160, %swap3A_161] {strides = array<i32>} : memref<128x128xf32, #tpu.memory_space<vmem>>, vector<16xf32>,
      tpu.vector_store %arg14[%swap3A_160, %swap3A_161], %broadcast_in_dim3A_1 {strides = array<i32>} : memref<128x128xf32, #tpu.memory_space<vmem>>, vector<16xf32>,
      %swap3A_163 = arith.index_cast %scan3A_147 : i32 to index
      %swap3A_164 = arith.constant 80 : index
      %swap3A_165 = tpu.vector_load %arg14[%swap3A_163, %swap3A_164] {strides = array<i32>} : memref<128x128xf32, #tpu.memory_space<vmem>>, vector<16xf32>,
      tpu.vector_store %arg14[%swap3A_163, %swap3A_164], %broadcast_in_dim3A_1 {strides = array<i32>} : memref<128x128xf32, #tpu.memory_space<vmem>>, vector<16xf32>,
      %swap3A_166 = arith.index_cast %scan3A_147 : i32 to index
      %swap3A_167 = arith.constant 96 : index
      %swap3A_168 = tpu.vector_load %arg14[%swap3A_166, %swap3A_167] {strides = array<i32>} : memref<128x128xf32, #tpu.memory_space<vmem>>, vector<16xf32>,
      tpu.vector_store %arg14[%swap3A_166, %swap3A_167], %broadcast_in_dim3A_1 {strides = array<i32>} : memref<128x128xf32, #tpu.memory_space<vmem>>, vector<16xf32>,
      %swap3A_169 = arith.index_cast %scan3A_147 : i32 to index
      %swap3A_170 = arith.constant 112 : index
      %swap3A_171 = tpu.vector_load %arg14[%swap3A_169, %swap3A_170] {strides = array<i32>} : memref<128x128xf32, #tpu.memory_space<vmem>>, vector<16xf32>,
      tpu.vector_store %arg14[%swap3A_169, %swap3A_170], %broadcast_in_dim3A_1 {strides = array<i32>} : memref<128x128xf32, #tpu.memory_space<vmem>>, vector<16xf32>,
    }
    %scan3A_6 = arith.constant 128 : i32
    %swap3A = arith.constant 0 : index
    %swap3A_7 = tpu.vector_load %arg13[%swap3A] {strides = array<i32>} : memref<128xf32, #tpu.memory_space<vmem>>, vector<16xf32>,
    tpu.vector_store %arg13[%swap3A], %broadcast_in_dim3A_1 {strides = array<i32>} : memref<128xf32, #tpu.memory_space<vmem>>, vector<16xf32>,
    %swap3A_8 = arith.constant 16 : index
    %swap3A_9 = tpu.vector_load %arg13[%swap3A_8] {strides = array<i32>} : memref<128xf32, #tpu.memory_space<vmem>>, vector<16xf32>,
    tpu.vector_store %arg13[%swap3A_8], %broadcast_in_dim3A_1 {strides = array<i32>} : memref<128xf32, #tpu.memory_space<vmem>>, vector<16xf32>,
    %swap3A_10 = arith.constant 32 : index
    %swap3A_11 = tpu.vector_load %arg13[%swap3A_10] {strides = array<i32>} : memref<128xf32, #tpu.memory_space<vmem>>, vector<16xf32>,
    tpu.vector_store %arg13[%swap3A_10], %broadcast_in_dim3A_1 {strides = array<i32>} : memref<128xf32, #tpu.memory_space<vmem>>, vector<16xf32>,
    %swap3A_12 = arith.constant 48 : index
    %swap3A_13 = tpu.vector_load %arg13[%swap3A_12] {strides = array<i32>} : memref<128xf32, #tpu.memory_space<vmem>>, vector<16xf32>,
    tpu.vector_store %arg13[%swap3A_12], %broadcast_in_dim3A_1 {strides = array<i32>} : memref<128xf32, #tpu.memory_space<vmem>>, vector<16xf32>,
    %swap3A_14 = arith.constant 64 : index
    %swap3A_15 = tpu.vector_load %arg13[%swap3A_14] {strides = array<i32>} : memref<128xf32, #tpu.memory_space<vmem>>, vector<16xf32>,
    tpu.vector_store %arg13[%swap3A_14], %broadcast_in_dim3A_1 {strides = array<i32>} : memref<128xf32, #tpu.memory_space<vmem>>, vector<16xf32>,
    %swap3A_16 = arith.constant 80 : index
    %swap3A_17 = tpu.vector_load %arg13[%swap3A_16] {strides = array<i32>} : memref<128xf32, #tpu.memory_space<vmem>>, vector<16xf32>,
    tpu.vector_store %arg13[%swap3A_16], %broadcast_in_dim3A_1 {strides = array<i32>} : memref<128xf32, #tpu.memory_space<vmem>>, vector<16xf32>,
    %swap3A_18 = arith.constant 96 : index
    %swap3A_19 = tpu.vector_load %arg13[%swap3A_18] {strides = array<i32>} : memref<128xf32, #tpu.memory_space<vmem>>, vector<16xf32>,
    tpu.vector_store %arg13[%swap3A_18], %broadcast_in_dim3A_1 {strides = array<i32>} : memref<128xf32, #tpu.memory_space<vmem>>, vector<16xf32>,
    %swap3A_20 = arith.constant 112 : index
    %swap3A_21 = tpu.vector_load %arg13[%swap3A_20] {strides = array<i32>} : memref<128xf32, #tpu.memory_space<vmem>>, vector<16xf32>,
    tpu.vector_store %arg13[%swap3A_20], %broadcast_in_dim3A_1 {strides = array<i32>} : memref<128xf32, #tpu.memory_space<vmem>>, vector<16xf32>,
    %mul3A_22 = arith.constant 640 : i32
    %mul3A_23 = arith.muli %arg1, %mul3A_22 : i32
    %add3A_24 = arith.constant 0 : i32
    %add3A_25 = arith.addi %mul3A_23, %add3A_24 : i32
    "tpu.region"() ({
      %run_scoped3A = tpu.sem_alloc : memref<!tpu.dma_semaphore, #tpu.memory_space<semaphore_mem>>
      %dma_start3A_147 = arith.constant 0 : i32
      %dma_start3A_148 = tpu.memref_slice %arg19[%add3A_25, %dma_start3A_147] : memref<10240x128xf32, #tpu.memory_space<vmem_shared>> -> memref<128x128xf32, #tpu.memory_space<vmem_shared>>
      %dma_start3A_149 = arith.constant 0 : i32
      %dma_start3A_150 = tpu.memref_slice %arg19[%add3A_25, %dma_start3A_149] : memref<10240x128xf32, #tpu.memory_space<vmem_shared>> -> memref<128x128xf32, #tpu.memory_space<vmem_shared>>
      tpu.enqueue_dma source(%arg14 : memref<128x128xf32, #tpu.memory_space<vmem>>) target(%dma_start3A_150 : memref<128x128xf32, #tpu.memory_space<vmem_shared>>) target_semaphore(%run_scoped3A : memref<!tpu.dma_semaphore, #tpu.memory_space<semaphore_mem>>)
      %dma_wait3A = arith.constant 0 : i32
      %dma_wait3A_151 = tpu.memref_slice %arg19[%add3A_25, %dma_wait3A] : memref<10240x128xf32, #tpu.memory_space<vmem_shared>> -> memref<128x128xf32, #tpu.memory_space<vmem_shared>>
      %dma_wait3A_152 = arith.constant 0 : i32
      %dma_wait3A_153 = tpu.memref_slice %arg19[%add3A_25, %dma_wait3A_152] : memref<10240x128xf32, #tpu.memory_space<vmem_shared>> -> memref<128x128xf32, #tpu.memory_space<vmem_shared>>
      tpu.wait_dma2 semaphore(%run_scoped3A : memref<!tpu.dma_semaphore, #tpu.memory_space<semaphore_mem>>) src(%arg14 : memref<128x128xf32, #tpu.memory_space<vmem>>) dst(%dma_wait3A_153 : memref<128x128xf32, #tpu.memory_space<vmem_shared>>)
      tpu.yield
    }) : () -> ()
    %add3A_26 = arith.constant 0 : i32
    %add3A_27 = arith.addi %mul3A_23, %add3A_26 : i32
    "tpu.region"() ({
      %run_scoped3A = tpu.sem_alloc : memref<!tpu.dma_semaphore, #tpu.memory_space<semaphore_mem>>
      %dma_start3A_147 = tpu.memref_slice %arg20[%add3A_27] : memref<10240xf32, #tpu.memory_space<vmem_shared>> -> memref<128xf32, #tpu.memory_space<vmem_shared>>
      %dma_start3A_148 = tpu.memref_slice %arg20[%add3A_27] : memref<10240xf32, #tpu.memory_space<vmem_shared>> -> memref<128xf32, #tpu.memory_space<vmem_shared>>
      tpu.enqueue_dma source(%arg13 : memref<128xf32, #tpu.memory_space<vmem>>) target(%dma_start3A_148 : memref<128xf32, #tpu.memory_space<vmem_shared>>) target_semaphore(%run_scoped3A : memref<!tpu.dma_semaphore, #tpu.memory_space<semaphore_mem>>)
      %dma_wait3A = tpu.memref_slice %arg20[%add3A_27] : memref<10240xf32, #tpu.memory_space<vmem_shared>> -> memref<128xf32, #tpu.memory_space<vmem_shared>>
      %dma_wait3A_149 = tpu.memref_slice %arg20[%add3A_27] : memref<10240xf32, #tpu.memory_space<vmem_shared>> -> memref<128xf32, #tpu.memory_space<vmem_shared>>
      tpu.wait_dma2 semaphore(%run_scoped3A : memref<!tpu.dma_semaphore, #tpu.memory_space<semaphore_mem>>) src(%arg13 : memref<128xf32, #tpu.memory_space<vmem>>) dst(%dma_wait3A_149 : memref<128xf32, #tpu.memory_space<vmem_shared>>)
      tpu.yield
    }) : () -> ()
    %add3A_28 = arith.constant 128 : i32
    %add3A_29 = arith.addi %mul3A_23, %add3A_28 : i32
    "tpu.region"() ({
      %run_scoped3A = tpu.sem_alloc : memref<!tpu.dma_semaphore, #tpu.memory_space<semaphore_mem>>
      %dma_start3A_147 = arith.constant 0 : i32
      %dma_start3A_148 = tpu.memref_slice %arg19[%add3A_29, %dma_start3A_147] : memref<10240x128xf32, #tpu.memory_space<vmem_shared>> -> memref<128x128xf32, #tpu.memory_space<vmem_shared>>
      %dma_start3A_149 = arith.constant 0 : i32
      %dma_start3A_150 = tpu.memref_slice %arg19[%add3A_29, %dma_start3A_149] : memref<10240x128xf32, #tpu.memory_space<vmem_shared>> -> memref<128x128xf32, #tpu.memory_space<vmem_shared>>
      tpu.enqueue_dma source(%arg14 : memref<128x128xf32, #tpu.memory_space<vmem>>) target(%dma_start3A_150 : memref<128x128xf32, #tpu.memory_space<vmem_shared>>) target_semaphore(%run_scoped3A : memref<!tpu.dma_semaphore, #tpu.memory_space<semaphore_mem>>)
      %dma_wait3A = arith.constant 0 : i32
      %dma_wait3A_151 = tpu.memref_slice %arg19[%add3A_29, %dma_wait3A] : memref<10240x128xf32, #tpu.memory_space<vmem_shared>> -> memref<128x128xf32, #tpu.memory_space<vmem_shared>>
      %dma_wait3A_152 = arith.constant 0 : i32
      %dma_wait3A_153 = tpu.memref_slice %arg19[%add3A_29, %dma_wait3A_152] : memref<10240x128xf32, #tpu.memory_space<vmem_shared>> -> memref<128x128xf32, #tpu.memory_space<vmem_shared>>
      tpu.wait_dma2 semaphore(%run_scoped3A : memref<!tpu.dma_semaphore, #tpu.memory_space<semaphore_mem>>) src(%arg14 : memref<128x128xf32, #tpu.memory_space<vmem>>) dst(%dma_wait3A_153 : memref<128x128xf32, #tpu.memory_space<vmem_shared>>)
      tpu.yield
    }) : () -> ()
    %add3A_30 = arith.constant 128 : i32
    %add3A_31 = arith.addi %mul3A_23, %add3A_30 : i32
    "tpu.region"() ({
      %run_scoped3A = tpu.sem_alloc : memref<!tpu.dma_semaphore, #tpu.memory_space<semaphore_mem>>
      %dma_start3A_147 = tpu.memref_slice %arg20[%add3A_31] : memref<10240xf32, #tpu.memory_space<vmem_shared>> -> memref<128xf32, #tpu.memory_space<vmem_shared>>
      %dma_start3A_148 = tpu.memref_slice %arg20[%add3A_31] : memref<10240xf32, #tpu.memory_space<vmem_shared>> -> memref<128xf32, #tpu.memory_space<vmem_shared>>
      tpu.enqueue_dma source(%arg13 : memref<128xf32, #tpu.memory_space<vmem>>) target(%dma_start3A_148 : memref<128xf32, #tpu.memory_space<vmem_shared>>) target_semaphore(%run_scoped3A : memref<!tpu.dma_semaphore, #tpu.memory_space<semaphore_mem>>)
      %dma_wait3A = tpu.memref_slice %arg20[%add3A_31] : memref<10240xf32, #tpu.memory_space<vmem_shared>> -> memref<128xf32, #tpu.memory_space<vmem_shared>>
      %dma_wait3A_149 = tpu.memref_slice %arg20[%add3A_31] : memref<10240xf32, #tpu.memory_space<vmem_shared>> -> memref<128xf32, #tpu.memory_space<vmem_shared>>
      tpu.wait_dma2 semaphore(%run_scoped3A : memref<!tpu.dma_semaphore, #tpu.memory_space<semaphore_mem>>) src(%arg13 : memref<128xf32, #tpu.memory_space<vmem>>) dst(%dma_wait3A_149 : memref<128xf32, #tpu.memory_space<vmem_shared>>)
      tpu.yield
    }) : () -> ()
    %add3A_32 = arith.constant 256 : i32
    %add3A_33 = arith.addi %mul3A_23, %add3A_32 : i32
    "tpu.region"() ({
      %run_scoped3A = tpu.sem_alloc : memref<!tpu.dma_semaphore, #tpu.memory_space<semaphore_mem>>
      %dma_start3A_147 = arith.constant 0 : i32
      %dma_start3A_148 = tpu.memref_slice %arg19[%add3A_33, %dma_start3A_147] : memref<10240x128xf32, #tpu.memory_space<vmem_shared>> -> memref<128x128xf32, #tpu.memory_space<vmem_shared>>
      %dma_start3A_149 = arith.constant 0 : i32
      %dma_start3A_150 = tpu.memref_slice %arg19[%add3A_33, %dma_start3A_149] : memref<10240x128xf32, #tpu.memory_space<vmem_shared>> -> memref<128x128xf32, #tpu.memory_space<vmem_shared>>
      tpu.enqueue_dma source(%arg14 : memref<128x128xf32, #tpu.memory_space<vmem>>) target(%dma_start3A_150 : memref<128x128xf32, #tpu.memory_space<vmem_shared>>) target_semaphore(%run_scoped3A : memref<!tpu.dma_semaphore, #tpu.memory_space<semaphore_mem>>)
      %dma_wait3A = arith.constant 0 : i32
      %dma_wait3A_151 = tpu.memref_slice %arg19[%add3A_33, %dma_wait3A] : memref<10240x128xf32, #tpu.memory_space<vmem_shared>> -> memref<128x128xf32, #tpu.memory_space<vmem_shared>>
      %dma_wait3A_152 = arith.constant 0 : i32
      %dma_wait3A_153 = tpu.memref_slice %arg19[%add3A_33, %dma_wait3A_152] : memref<10240x128xf32, #tpu.memory_space<vmem_shared>> -> memref<128x128xf32, #tpu.memory_space<vmem_shared>>
      tpu.wait_dma2 semaphore(%run_scoped3A : memref<!tpu.dma_semaphore, #tpu.memory_space<semaphore_mem>>) src(%arg14 : memref<128x128xf32, #tpu.memory_space<vmem>>) dst(%dma_wait3A_153 : memref<128x128xf32, #tpu.memory_space<vmem_shared>>)
      tpu.yield
    }) : () -> ()
    %add3A_34 = arith.constant 256 : i32
    %add3A_35 = arith.addi %mul3A_23, %add3A_34 : i32
    "tpu.region"() ({
      %run_scoped3A = tpu.sem_alloc : memref<!tpu.dma_semaphore, #tpu.memory_space<semaphore_mem>>
      %dma_start3A_147 = tpu.memref_slice %arg20[%add3A_35] : memref<10240xf32, #tpu.memory_space<vmem_shared>> -> memref<128xf32, #tpu.memory_space<vmem_shared>>
      %dma_start3A_148 = tpu.memref_slice %arg20[%add3A_35] : memref<10240xf32, #tpu.memory_space<vmem_shared>> -> memref<128xf32, #tpu.memory_space<vmem_shared>>
      tpu.enqueue_dma source(%arg13 : memref<128xf32, #tpu.memory_space<vmem>>) target(%dma_start3A_148 : memref<128xf32, #tpu.memory_space<vmem_shared>>) target_semaphore(%run_scoped3A : memref<!tpu.dma_semaphore, #tpu.memory_space<semaphore_mem>>)
      %dma_wait3A = tpu.memref_slice %arg20[%add3A_35] : memref<10240xf32, #tpu.memory_space<vmem_shared>> -> memref<128xf32, #tpu.memory_space<vmem_shared>>
      %dma_wait3A_149 = tpu.memref_slice %arg20[%add3A_35] : memref<10240xf32, #tpu.memory_space<vmem_shared>> -> memref<128xf32, #tpu.memory_space<vmem_shared>>
      tpu.wait_dma2 semaphore(%run_scoped3A : memref<!tpu.dma_semaphore, #tpu.memory_space<semaphore_mem>>) src(%arg13 : memref<128xf32, #tpu.memory_space<vmem>>) dst(%dma_wait3A_149 : memref<128xf32, #tpu.memory_space<vmem_shared>>)
      tpu.yield
    }) : () -> ()
    %add3A_36 = arith.constant 384 : i32
    %add3A_37 = arith.addi %mul3A_23, %add3A_36 : i32
    "tpu.region"() ({
      %run_scoped3A = tpu.sem_alloc : memref<!tpu.dma_semaphore, #tpu.memory_space<semaphore_mem>>
      %dma_start3A_147 = arith.constant 0 : i32
      %dma_start3A_148 = tpu.memref_slice %arg19[%add3A_37, %dma_start3A_147] : memref<10240x128xf32, #tpu.memory_space<vmem_shared>> -> memref<128x128xf32, #tpu.memory_space<vmem_shared>>
      %dma_start3A_149 = arith.constant 0 : i32
      %dma_start3A_150 = tpu.memref_slice %arg19[%add3A_37, %dma_start3A_149] : memref<10240x128xf32, #tpu.memory_space<vmem_shared>> -> memref<128x128xf32, #tpu.memory_space<vmem_shared>>
      tpu.enqueue_dma source(%arg14 : memref<128x128xf32, #tpu.memory_space<vmem>>) target(%dma_start3A_150 : memref<128x128xf32, #tpu.memory_space<vmem_shared>>) target_semaphore(%run_scoped3A : memref<!tpu.dma_semaphore, #tpu.memory_space<semaphore_mem>>)
      %dma_wait3A = arith.constant 0 : i32
      %dma_wait3A_151 = tpu.memref_slice %arg19[%add3A_37, %dma_wait3A] : memref<10240x128xf32, #tpu.memory_space<vmem_shared>> -> memref<128x128xf32, #tpu.memory_space<vmem_shared>>
      %dma_wait3A_152 = arith.constant 0 : i32
      %dma_wait3A_153 = tpu.memref_slice %arg19[%add3A_37, %dma_wait3A_152] : memref<10240x128xf32, #tpu.memory_space<vmem_shared>> -> memref<128x128xf32, #tpu.memory_space<vmem_shared>>
      tpu.wait_dma2 semaphore(%run_scoped3A : memref<!tpu.dma_semaphore, #tpu.memory_space<semaphore_mem>>) src(%arg14 : memref<128x128xf32, #tpu.memory_space<vmem>>) dst(%dma_wait3A_153 : memref<128x128xf32, #tpu.memory_space<vmem_shared>>)
      tpu.yield
    }) : () -> ()
    %add3A_38 = arith.constant 384 : i32
    %add3A_39 = arith.addi %mul3A_23, %add3A_38 : i32
    "tpu.region"() ({
      %run_scoped3A = tpu.sem_alloc : memref<!tpu.dma_semaphore, #tpu.memory_space<semaphore_mem>>
      %dma_start3A_147 = tpu.memref_slice %arg20[%add3A_39] : memref<10240xf32, #tpu.memory_space<vmem_shared>> -> memref<128xf32, #tpu.memory_space<vmem_shared>>
      %dma_start3A_148 = tpu.memref_slice %arg20[%add3A_39] : memref<10240xf32, #tpu.memory_space<vmem_shared>> -> memref<128xf32, #tpu.memory_space<vmem_shared>>
      tpu.enqueue_dma source(%arg13 : memref<128xf32, #tpu.memory_space<vmem>>) target(%dma_start3A_148 : memref<128xf32, #tpu.memory_space<vmem_shared>>) target_semaphore(%run_scoped3A : memref<!tpu.dma_semaphore, #tpu.memory_space<semaphore_mem>>)
      %dma_wait3A = tpu.memref_slice %arg20[%add3A_39] : memref<10240xf32, #tpu.memory_space<vmem_shared>> -> memref<128xf32, #tpu.memory_space<vmem_shared>>
      %dma_wait3A_149 = tpu.memref_slice %arg20[%add3A_39] : memref<10240xf32, #tpu.memory_space<vmem_shared>> -> memref<128xf32, #tpu.memory_space<vmem_shared>>
      tpu.wait_dma2 semaphore(%run_scoped3A : memref<!tpu.dma_semaphore, #tpu.memory_space<semaphore_mem>>) src(%arg13 : memref<128xf32, #tpu.memory_space<vmem>>) dst(%dma_wait3A_149 : memref<128xf32, #tpu.memory_space<vmem_shared>>)
      tpu.yield
    }) : () -> ()
    %add3A_40 = arith.constant 512 : i32
    %add3A_41 = arith.addi %mul3A_23, %add3A_40 : i32
    "tpu.region"() ({
      %run_scoped3A = tpu.sem_alloc : memref<!tpu.dma_semaphore, #tpu.memory_space<semaphore_mem>>
      %dma_start3A_147 = arith.constant 0 : i32
      %dma_start3A_148 = tpu.memref_slice %arg19[%add3A_41, %dma_start3A_147] : memref<10240x128xf32, #tpu.memory_space<vmem_shared>> -> memref<128x128xf32, #tpu.memory_space<vmem_shared>>
      %dma_start3A_149 = arith.constant 0 : i32
      %dma_start3A_150 = tpu.memref_slice %arg19[%add3A_41, %dma_start3A_149] : memref<10240x128xf32, #tpu.memory_space<vmem_shared>> -> memref<128x128xf32, #tpu.memory_space<vmem_shared>>
      tpu.enqueue_dma source(%arg14 : memref<128x128xf32, #tpu.memory_space<vmem>>) target(%dma_start3A_150 : memref<128x128xf32, #tpu.memory_space<vmem_shared>>) target_semaphore(%run_scoped3A : memref<!tpu.dma_semaphore, #tpu.memory_space<semaphore_mem>>)
      %dma_wait3A = arith.constant 0 : i32
      %dma_wait3A_151 = tpu.memref_slice %arg19[%add3A_41, %dma_wait3A] : memref<10240x128xf32, #tpu.memory_space<vmem_shared>> -> memref<128x128xf32, #tpu.memory_space<vmem_shared>>
      %dma_wait3A_152 = arith.constant 0 : i32
      %dma_wait3A_153 = tpu.memref_slice %arg19[%add3A_41, %dma_wait3A_152] : memref<10240x128xf32, #tpu.memory_space<vmem_shared>> -> memref<128x128xf32, #tpu.memory_space<vmem_shared>>
      tpu.wait_dma2 semaphore(%run_scoped3A : memref<!tpu.dma_semaphore, #tpu.memory_space<semaphore_mem>>) src(%arg14 : memref<128x128xf32, #tpu.memory_space<vmem>>) dst(%dma_wait3A_153 : memref<128x128xf32, #tpu.memory_space<vmem_shared>>)
      tpu.yield
    }) : () -> ()
    %add3A_42 = arith.constant 512 : i32
    %add3A_43 = arith.addi %mul3A_23, %add3A_42 : i32
    "tpu.region"() ({
      %run_scoped3A = tpu.sem_alloc : memref<!tpu.dma_semaphore, #tpu.memory_space<semaphore_mem>>
      %dma_start3A_147 = tpu.memref_slice %arg20[%add3A_43] : memref<10240xf32, #tpu.memory_space<vmem_shared>> -> memref<128xf32, #tpu.memory_space<vmem_shared>>
      %dma_start3A_148 = tpu.memref_slice %arg20[%add3A_43] : memref<10240xf32, #tpu.memory_space<vmem_shared>> -> memref<128xf32, #tpu.memory_space<vmem_shared>>
      tpu.enqueue_dma source(%arg13 : memref<128xf32, #tpu.memory_space<vmem>>) target(%dma_start3A_148 : memref<128xf32, #tpu.memory_space<vmem_shared>>) target_semaphore(%run_scoped3A : memref<!tpu.dma_semaphore, #tpu.memory_space<semaphore_mem>>)
      %dma_wait3A = tpu.memref_slice %arg20[%add3A_43] : memref<10240xf32, #tpu.memory_space<vmem_shared>> -> memref<128xf32, #tpu.memory_space<vmem_shared>>
      %dma_wait3A_149 = tpu.memref_slice %arg20[%add3A_43] : memref<10240xf32, #tpu.memory_space<vmem_shared>> -> memref<128xf32, #tpu.memory_space<vmem_shared>>
      tpu.wait_dma2 semaphore(%run_scoped3A : memref<!tpu.dma_semaphore, #tpu.memory_space<semaphore_mem>>) src(%arg13 : memref<128xf32, #tpu.memory_space<vmem>>) dst(%dma_wait3A_149 : memref<128xf32, #tpu.memory_space<vmem_shared>>)
      tpu.yield
    }) : () -> ()
    %barrier3A = arith.constant 0 : index
    tpu.barrier barrier_id(%barrier3A)
    %mul3A_44 = arith.constant 80 : i32
    %mul3A_45 = arith.muli %add3A, %mul3A_44 : i32
    %add3A_46 = arith.constant 0 : i32
    %add3A_47 = arith.addi %mul3A_45, %add3A_46 : i32
    "tpu.region"() ({
      %run_scoped3A = tpu.sem_alloc : memref<!tpu.dma_semaphore, #tpu.memory_space<semaphore_mem>>
      %dma_start3A_147 = arith.constant 0 : i32
      %dma_start3A_148 = arith.constant 0 : i32
      %dma_start3A_149 = tpu.memref_slice %arg2[%add3A_47, %dma_start3A_147, %dma_start3A_148] : memref<2560x1x128xi32, #tpu.memory_space<hbm>> -> memref<40x1x128xi32, #tpu.memory_space<hbm>>
      %dma_start3A_150 = arith.constant 0 : i32
      %dma_start3A_151 = arith.constant 0 : i32
      %dma_start3A_152 = tpu.memref_slice %arg2[%add3A_47, %dma_start3A_150, %dma_start3A_151] : memref<2560x1x128xi32, #tpu.memory_space<hbm>> -> memref<40x1x128xi32, #tpu.memory_space<hbm>>
      tpu.enqueue_dma source(%dma_start3A_152 : memref<40x1x128xi32, #tpu.memory_space<hbm>>) target(%arg9 : memref<40x1x128xi32, #tpu.memory_space<vmem>>) target_semaphore(%run_scoped3A : memref<!tpu.dma_semaphore, #tpu.memory_space<semaphore_mem>>)
      %dma_wait3A = arith.constant 0 : i32
      %dma_wait3A_153 = arith.constant 0 : i32
      %dma_wait3A_154 = tpu.memref_slice %arg2[%add3A_47, %dma_wait3A, %dma_wait3A_153] : memref<2560x1x128xi32, #tpu.memory_space<hbm>> -> memref<40x1x128xi32, #tpu.memory_space<hbm>>
      %dma_wait3A_155 = arith.constant 0 : i32
      %dma_wait3A_156 = arith.constant 0 : i32
      %dma_wait3A_157 = tpu.memref_slice %arg2[%add3A_47, %dma_wait3A_155, %dma_wait3A_156] : memref<2560x1x128xi32, #tpu.memory_space<hbm>> -> memref<40x1x128xi32, #tpu.memory_space<hbm>>
      tpu.wait_dma2 semaphore(%run_scoped3A : memref<!tpu.dma_semaphore, #tpu.memory_space<semaphore_mem>>) src(%dma_wait3A_157 : memref<40x1x128xi32, #tpu.memory_space<hbm>>) dst(%arg9 : memref<40x1x128xi32, #tpu.memory_space<vmem>>)
      tpu.yield
    }) : () -> ()
    %mul3A_48 = arith.constant 80 : i32
    %mul3A_49 = arith.muli %add3A, %mul3A_48 : i32
    %add3A_50 = arith.constant 0 : i32
    %add3A_51 = arith.addi %mul3A_49, %add3A_50 : i32
    "tpu.region"() ({
      %run_scoped3A = tpu.sem_alloc : memref<!tpu.dma_semaphore, #tpu.memory_space<semaphore_mem>>
      %dma_start3A_147 = arith.constant 0 : i32
      %dma_start3A_148 = arith.constant 0 : i32
      %dma_start3A_149 = tpu.memref_slice %arg3[%add3A_51, %dma_start3A_147, %dma_start3A_148] : memref<2560x1x128xi32, #tpu.memory_space<hbm>> -> memref<40x1x128xi32, #tpu.memory_space<hbm>>
      %dma_start3A_150 = arith.constant 0 : i32
      %dma_start3A_151 = arith.constant 0 : i32
      %dma_start3A_152 = tpu.memref_slice %arg3[%add3A_51, %dma_start3A_150, %dma_start3A_151] : memref<2560x1x128xi32, #tpu.memory_space<hbm>> -> memref<40x1x128xi32, #tpu.memory_space<hbm>>
      tpu.enqueue_dma source(%dma_start3A_152 : memref<40x1x128xi32, #tpu.memory_space<hbm>>) target(%arg10 : memref<40x1x128xi32, #tpu.memory_space<vmem>>) target_semaphore(%run_scoped3A : memref<!tpu.dma_semaphore, #tpu.memory_space<semaphore_mem>>)
      %dma_wait3A = arith.constant 0 : i32
      %dma_wait3A_153 = arith.constant 0 : i32
      %dma_wait3A_154 = tpu.memref_slice %arg3[%add3A_51, %dma_wait3A, %dma_wait3A_153] : memref<2560x1x128xi32, #tpu.memory_space<hbm>> -> memref<40x1x128xi32, #tpu.memory_space<hbm>>
      %dma_wait3A_155 = arith.constant 0 : i32
      %dma_wait3A_156 = arith.constant 0 : i32
      %dma_wait3A_157 = tpu.memref_slice %arg3[%add3A_51, %dma_wait3A_155, %dma_wait3A_156] : memref<2560x1x128xi32, #tpu.memory_space<hbm>> -> memref<40x1x128xi32, #tpu.memory_space<hbm>>
      tpu.wait_dma2 semaphore(%run_scoped3A : memref<!tpu.dma_semaphore, #tpu.memory_space<semaphore_mem>>) src(%dma_wait3A_157 : memref<40x1x128xi32, #tpu.memory_space<hbm>>) dst(%arg10 : memref<40x1x128xi32, #tpu.memory_space<vmem>>)
      tpu.yield
    }) : () -> ()
    %dma_start3A = arith.constant 0 : i32
    %dma_start3A_52 = arith.constant 0 : i32
    %dma_start3A_53 = arith.constant 0 : i32
    %dma_start3A_54 = arith.constant 0 : i32
    %dma_start3A_55 = tpu.memref_slice %arg14[%dma_start3A_53, %dma_start3A_54] : memref<128x128xf32, #tpu.memory_space<vmem>> -> memref<64x128xf32, #tpu.memory_space<vmem>>
    %dma_start3A_56 = arith.constant 0 : i32
    %dma_start3A_57 = tpu.memref_slice %arg9[%dma_start3A, %dma_start3A_52, %dma_start3A_56] : memref<40x1x128xi32, #tpu.memory_space<vmem>> -> memref<1x1x64xi32, #tpu.memory_space<vmem>>
    %dma_start3A_58 = tpu.memref_squeeze %dma_start3A_57 : memref<1x1x64xi32, #tpu.memory_space<vmem>> -> memref<64xi32, #tpu.memory_space<vmem>>
    %dma_start3A_59 = arith.constant 0 : i32
    %dma_start3A_60 = arith.constant 0 : i32
    %dma_start3A_61 = tpu.memref_slice %arg6[%dma_start3A_59, %dma_start3A_60] : memref<10000x128xf32, #tpu.memory_space<hbm>> -> memref<10000x128xf32, #tpu.memory_space<hbm>>
    tpu.enqueue_indirect_dma source(%dma_start3A_61 : memref<10000x128xf32, #tpu.memory_space<hbm>>) target(%dma_start3A_55 : memref<64x128xf32, #tpu.memory_space<vmem>>) offsets(%dma_start3A_58 : memref<64xi32, #tpu.memory_space<vmem>>) semaphore(%arg23 : memref<!tpu.dma_semaphore, #tpu.memory_space<semaphore_mem>>)
    %dma_start3A_62 = arith.constant 0 : i32
    %dma_start3A_63 = arith.constant 0 : i32
    %dma_start3A_64 = arith.constant 64 : i32
    %dma_start3A_65 = arith.constant 0 : i32
    %dma_start3A_66 = tpu.memref_slice %arg14[%dma_start3A_64, %dma_start3A_65] : memref<128x128xf32, #tpu.memory_space<vmem>> -> memref<64x128xf32, #tpu.memory_space<vmem>>
    %dma_start3A_67 = arith.constant 64 : i32
    %dma_start3A_68 = tpu.memref_slice %arg9[%dma_start3A_62, %dma_start3A_63, %dma_start3A_67] : memref<40x1x128xi32, #tpu.memory_space<vmem>> -> memref<1x1x64xi32, #tpu.memory_space<vmem>>
    %dma_start3A_69 = tpu.memref_squeeze %dma_start3A_68 : memref<1x1x64xi32, #tpu.memory_space<vmem>> -> memref<64xi32, #tpu.memory_space<vmem>>
    %dma_start3A_70 = arith.constant 0 : i32
    %dma_start3A_71 = arith.constant 0 : i32
    %dma_start3A_72 = tpu.memref_slice %arg6[%dma_start3A_70, %dma_start3A_71] : memref<10000x128xf32, #tpu.memory_space<hbm>> -> memref<10000x128xf32, #tpu.memory_space<hbm>>
    tpu.enqueue_indirect_dma source(%dma_start3A_72 : memref<10000x128xf32, #tpu.memory_space<hbm>>) target(%dma_start3A_66 : memref<64x128xf32, #tpu.memory_space<vmem>>) offsets(%dma_start3A_69 : memref<64xi32, #tpu.memory_space<vmem>>) semaphore(%arg24 : memref<!tpu.dma_semaphore, #tpu.memory_space<semaphore_mem>>)
    %dma_start3A_73 = arith.constant 0 : i32
    %dma_start3A_74 = arith.constant 0 : i32
    %dma_start3A_75 = arith.constant 0 : i32
    %dma_start3A_76 = tpu.memref_slice %arg9[%dma_start3A_73, %dma_start3A_74, %dma_start3A_75] : memref<40x1x128xi32, #tpu.memory_space<vmem>> -> memref<1x1x128xi32, #tpu.memory_space<vmem>>
    %dma_start3A_77 = tpu.memref_squeeze %dma_start3A_76 : memref<1x1x128xi32, #tpu.memory_space<vmem>> -> memref<128xi32, #tpu.memory_space<vmem>>
    %dma_start3A_78 = arith.constant 0 : i32
    %dma_start3A_79 = tpu.memref_slice %arg4[%dma_start3A_78] : memref<10000xf32, #tpu.memory_space<hbm>> -> memref<10000xf32, #tpu.memory_space<hbm>>
    tpu.enqueue_indirect_dma source(%dma_start3A_79 : memref<10000xf32, #tpu.memory_space<hbm>>) target(%arg11 : memref<128xf32, #tpu.memory_space<vmem>>) offsets(%dma_start3A_77 : memref<128xi32, #tpu.memory_space<vmem>>) semaphore(%arg21 : memref<!tpu.dma_semaphore, #tpu.memory_space<semaphore_mem>>)
    %dma_start3A_80 = arith.constant 0 : i32
    %dma_start3A_81 = arith.constant 0 : i32
    %dma_start3A_82 = arith.constant 0 : i32
    %dma_start3A_83 = tpu.memref_slice %arg10[%dma_start3A_80, %dma_start3A_81, %dma_start3A_82] : memref<40x1x128xi32, #tpu.memory_space<vmem>> -> memref<1x1x128xi32, #tpu.memory_space<vmem>>
    %dma_start3A_84 = tpu.memref_squeeze %dma_start3A_83 : memref<1x1x128xi32, #tpu.memory_space<vmem>> -> memref<128xi32, #tpu.memory_space<vmem>>
    %dma_start3A_85 = arith.constant 0 : i32
    %dma_start3A_86 = tpu.memref_slice %arg5[%dma_start3A_85] : memref<10240xf32, #tpu.memory_space<hbm>> -> memref<10240xf32, #tpu.memory_space<hbm>>
    tpu.enqueue_indirect_dma source(%dma_start3A_86 : memref<10240xf32, #tpu.memory_space<hbm>>) target(%arg12 : memref<128xf32, #tpu.memory_space<vmem>>) offsets(%dma_start3A_84 : memref<128xi32, #tpu.memory_space<vmem>>) semaphore(%arg22 : memref<!tpu.dma_semaphore, #tpu.memory_space<semaphore_mem>>)
    %scan3A_87 = arith.constant 0 : i32
    %scan3A_88 = arith.constant 0 : i32
    %scan3A_89 = arith.constant 20 : i32
    %scan3A_90 = arith.addi %scan3A_88, %scan3A_89 : i32
    %scan3A_91 = arith.constant 1 : i32
    scf.for %scan3A_147 = %scan3A_88 to %scan3A_90 step %scan3A_91  : i32 {
      %mul3A_148 = arith.constant 2 : i32
      %mul3A_149 = arith.muli %mul3A_148, %scan3A_147 : i32
      %add3A_150 = arith.constant 1 : i32
      %add3A_151 = arith.addi %mul3A_149, %add3A_150 : i32
      %dma_start3A_152 = arith.constant 0 : i32
      %dma_start3A_153 = arith.constant 0 : i32
      %dma_start3A_154 = arith.constant 0 : i32
      %dma_start3A_155 = tpu.memref_slice %arg18[%dma_start3A_153, %dma_start3A_154] : memref<128x128xf32, #tpu.memory_space<vmem>> -> memref<64x128xf32, #tpu.memory_space<vmem>>
      %dma_start3A_156 = arith.constant 0 : i32
      %dma_start3A_157 = tpu.memref_slice %arg9[%add3A_151, %dma_start3A_152, %dma_start3A_156] : memref<40x1x128xi32, #tpu.memory_space<vmem>> -> memref<1x1x64xi32, #tpu.memory_space<vmem>>
      %dma_start3A_158 = tpu.memref_squeeze %dma_start3A_157 : memref<1x1x64xi32, #tpu.memory_space<vmem>> -> memref<64xi32, #tpu.memory_space<vmem>>
      %dma_start3A_159 = arith.constant 0 : i32
      %dma_start3A_160 = arith.constant 0 : i32
      %dma_start3A_161 = tpu.memref_slice %arg6[%dma_start3A_159, %dma_start3A_160] : memref<10000x128xf32, #tpu.memory_space<hbm>> -> memref<10000x128xf32, #tpu.memory_space<hbm>>
      tpu.enqueue_indirect_dma source(%dma_start3A_161 : memref<10000x128xf32, #tpu.memory_space<hbm>>) target(%dma_start3A_155 : memref<64x128xf32, #tpu.memory_space<vmem>>) offsets(%dma_start3A_158 : memref<64xi32, #tpu.memory_space<vmem>>) semaphore(%arg27 : memref<!tpu.dma_semaphore, #tpu.memory_space<semaphore_mem>>)
      %dma_start3A_162 = arith.constant 0 : i32
      %dma_start3A_163 = arith.constant 64 : i32
      %dma_start3A_164 = arith.constant 0 : i32
      %dma_start3A_165 = tpu.memref_slice %arg18[%dma_start3A_163, %dma_start3A_164] : memref<128x128xf32, #tpu.memory_space<vmem>> -> memref<64x128xf32, #tpu.memory_space<vmem>>
      %dma_start3A_166 = arith.constant 64 : i32
      %dma_start3A_167 = tpu.memref_slice %arg9[%add3A_151, %dma_start3A_162, %dma_start3A_166] : memref<40x1x128xi32, #tpu.memory_space<vmem>> -> memref<1x1x64xi32, #tpu.memory_space<vmem>>
      %dma_start3A_168 = tpu.memref_squeeze %dma_start3A_167 : memref<1x1x64xi32, #tpu.memory_space<vmem>> -> memref<64xi32, #tpu.memory_space<vmem>>
      %dma_start3A_169 = arith.constant 0 : i32
      %dma_start3A_170 = arith.constant 0 : i32
      %dma_start3A_171 = tpu.memref_slice %arg6[%dma_start3A_169, %dma_start3A_170] : memref<10000x128xf32, #tpu.memory_space<hbm>> -> memref<10000x128xf32, #tpu.memory_space<hbm>>
      tpu.enqueue_indirect_dma source(%dma_start3A_171 : memref<10000x128xf32, #tpu.memory_space<hbm>>) target(%dma_start3A_165 : memref<64x128xf32, #tpu.memory_space<vmem>>) offsets(%dma_start3A_168 : memref<64xi32, #tpu.memory_space<vmem>>) semaphore(%arg28 : memref<!tpu.dma_semaphore, #tpu.memory_space<semaphore_mem>>)
      %dma_start3A_172 = arith.constant 0 : i32
      %dma_start3A_173 = arith.constant 0 : i32
      %dma_start3A_174 = tpu.memref_slice %arg9[%add3A_151, %dma_start3A_172, %dma_start3A_173] : memref<40x1x128xi32, #tpu.memory_space<vmem>> -> memref<1x1x128xi32, #tpu.memory_space<vmem>>
      %dma_start3A_175 = tpu.memref_squeeze %dma_start3A_174 : memref<1x1x128xi32, #tpu.memory_space<vmem>> -> memref<128xi32, #tpu.memory_space<vmem>>
      %dma_start3A_176 = arith.constant 0 : i32
      %dma_start3A_177 = tpu.memref_slice %arg4[%dma_start3A_176] : memref<10000xf32, #tpu.memory_space<hbm>> -> memref<10000xf32, #tpu.memory_space<hbm>>
      tpu.enqueue_indirect_dma source(%dma_start3A_177 : memref<10000xf32, #tpu.memory_space<hbm>>) target(%arg15 : memref<128xf32, #tpu.memory_space<vmem>>) offsets(%dma_start3A_175 : memref<128xi32, #tpu.memory_space<vmem>>) semaphore(%arg25 : memref<!tpu.dma_semaphore, #tpu.memory_space<semaphore_mem>>)
      %dma_start3A_178 = arith.constant 0 : i32
      %dma_start3A_179 = arith.constant 0 : i32
      %dma_start3A_180 = tpu.memref_slice %arg10[%add3A_151, %dma_start3A_178, %dma_start3A_179] : memref<40x1x128xi32, #tpu.memory_space<vmem>> -> memref<1x1x128xi32, #tpu.memory_space<vmem>>
      %dma_start3A_181 = tpu.memref_squeeze %dma_start3A_180 : memref<1x1x128xi32, #tpu.memory_space<vmem>> -> memref<128xi32, #tpu.memory_space<vmem>>
      %dma_start3A_182 = arith.constant 0 : i32
      %dma_start3A_183 = tpu.memref_slice %arg5[%dma_start3A_182] : memref<10240xf32, #tpu.memory_space<hbm>> -> memref<10240xf32, #tpu.memory_space<hbm>>
      tpu.enqueue_indirect_dma source(%dma_start3A_183 : memref<10240xf32, #tpu.memory_space<hbm>>) target(%arg16 : memref<128xf32, #tpu.memory_space<vmem>>) offsets(%dma_start3A_181 : memref<128xi32, #tpu.memory_space<vmem>>) semaphore(%arg26 : memref<!tpu.dma_semaphore, #tpu.memory_space<semaphore_mem>>)
      %dma_wait3A = arith.constant 0 : i32
      %dma_wait3A_184 = arith.constant 0 : i32
      %dma_wait3A_185 = tpu.memref_slice %arg9[%mul3A_149, %dma_wait3A, %dma_wait3A_184] : memref<40x1x128xi32, #tpu.memory_space<vmem>> -> memref<1x1x128xi32, #tpu.memory_space<vmem>>
      %dma_wait3A_186 = tpu.memref_squeeze %dma_wait3A_185 : memref<1x1x128xi32, #tpu.memory_space<vmem>> -> memref<128xi32, #tpu.memory_space<vmem>>
      %dma_wait3A_187 = arith.constant 0 : i32
      %dma_wait3A_188 = tpu.memref_slice %arg4[%dma_wait3A_187] : memref<10000xf32, #tpu.memory_space<hbm>> -> memref<10000xf32, #tpu.memory_space<hbm>>
      tpu.wait_indirect_dma semaphore(%arg21 : memref<!tpu.dma_semaphore, #tpu.memory_space<semaphore_mem>>) src(%dma_wait3A_188 : memref<10000xf32, #tpu.memory_space<hbm>>) dst(%arg11 : memref<128xf32, #tpu.memory_space<vmem>>)
      %dma_wait3A_189 = arith.constant 0 : i32
      %dma_wait3A_190 = arith.constant 0 : i32
      %dma_wait3A_191 = tpu.memref_slice %arg10[%mul3A_149, %dma_wait3A_189, %dma_wait3A_190] : memref<40x1x128xi32, #tpu.memory_space<vmem>> -> memref<1x1x128xi32, #tpu.memory_space<vmem>>
      %dma_wait3A_192 = tpu.memref_squeeze %dma_wait3A_191 : memref<1x1x128xi32, #tpu.memory_space<vmem>> -> memref<128xi32, #tpu.memory_space<vmem>>
      %dma_wait3A_193 = arith.constant 0 : i32
      %dma_wait3A_194 = tpu.memref_slice %arg5[%dma_wait3A_193] : memref<10240xf32, #tpu.memory_space<hbm>> -> memref<10240xf32, #tpu.memory_space<hbm>>
      tpu.wait_indirect_dma semaphore(%arg22 : memref<!tpu.dma_semaphore, #tpu.memory_space<semaphore_mem>>) src(%dma_wait3A_194 : memref<10240xf32, #tpu.memory_space<hbm>>) dst(%arg12 : memref<128xf32, #tpu.memory_space<vmem>>)
      %get3A = arith.constant 0 : index
      %get3A_195 = tpu.vector_load %arg11[%get3A] {strides = array<i32>} : memref<128xf32, #tpu.memory_space<vmem>>, vector<16xf32>,
      %get3A_196 = arith.constant 0 : index
      %get3A_197 = tpu.vector_load %arg12[%get3A_196] {strides = array<i32>} : memref<128xf32, #tpu.memory_space<vmem>>, vector<16xf32>,
      %add3A_198 = arith.addf %get3A_195, %get3A_197 : vector<16xf32>
      %mul3A_199 = arith.constant 2.000000e-01 : f32
      %mul3A_200 = vector.broadcast %mul3A_199 : f32 to vector<16xf32>
      %mul3A_201 = arith.mulf %mul3A_200, %add3A_198 : vector<16xf32>
      %max3A = arith.maximumf %add3A_198, %mul3A_201 : vector<16xf32>
      %exp3A = math.exp %max3A : vector<16xf32>
      %swap3A_202 = arith.constant 0 : index
      %swap3A_203 = tpu.vector_load %arg13[%swap3A_202] {strides = array<i32>} : memref<128xf32, #tpu.memory_space<vmem>>, vector<16xf32>,
      tpu.vector_store %arg13[%swap3A_202], %exp3A {strides = array<i32>} : memref<128xf32, #tpu.memory_space<vmem>>, vector<16xf32>,
      %get3A_204 = arith.constant 16 : index
      %get3A_205 = tpu.vector_load %arg11[%get3A_204] {strides = array<i32>} : memref<128xf32, #tpu.memory_space<vmem>>, vector<16xf32>,
      %get3A_206 = arith.constant 16 : index
      %get3A_207 = tpu.vector_load %arg12[%get3A_206] {strides = array<i32>} : memref<128xf32, #tpu.memory_space<vmem>>, vector<16xf32>,
      %add3A_208 = arith.addf %get3A_205, %get3A_207 : vector<16xf32>
      %mul3A_209 = arith.constant 2.000000e-01 : f32
      %mul3A_210 = vector.broadcast %mul3A_209 : f32 to vector<16xf32>
      %mul3A_211 = arith.mulf %mul3A_210, %add3A_208 : vector<16xf32>
      %max3A_212 = arith.maximumf %add3A_208, %mul3A_211 : vector<16xf32>
      %exp3A_213 = math.exp %max3A_212 : vector<16xf32>
      %swap3A_214 = arith.constant 16 : index
      %swap3A_215 = tpu.vector_load %arg13[%swap3A_214] {strides = array<i32>} : memref<128xf32, #tpu.memory_space<vmem>>, vector<16xf32>,
      tpu.vector_store %arg13[%swap3A_214], %exp3A_213 {strides = array<i32>} : memref<128xf32, #tpu.memory_space<vmem>>, vector<16xf32>,
      %get3A_216 = arith.constant 32 : index
      %get3A_217 = tpu.vector_load %arg11[%get3A_216] {strides = array<i32>} : memref<128xf32, #tpu.memory_space<vmem>>, vector<16xf32>,
      %get3A_218 = arith.constant 32 : index
      %get3A_219 = tpu.vector_load %arg12[%get3A_218] {strides = array<i32>} : memref<128xf32, #tpu.memory_space<vmem>>, vector<16xf32>,
      %add3A_220 = arith.addf %get3A_217, %get3A_219 : vector<16xf32>
      %mul3A_221 = arith.constant 2.000000e-01 : f32
      %mul3A_222 = vector.broadcast %mul3A_221 : f32 to vector<16xf32>
      %mul3A_223 = arith.mulf %mul3A_222, %add3A_220 : vector<16xf32>
      %max3A_224 = arith.maximumf %add3A_220, %mul3A_223 : vector<16xf32>
      %exp3A_225 = math.exp %max3A_224 : vector<16xf32>
      %swap3A_226 = arith.constant 32 : index
      %swap3A_227 = tpu.vector_load %arg13[%swap3A_226] {strides = array<i32>} : memref<128xf32, #tpu.memory_space<vmem>>, vector<16xf32>,
      tpu.vector_store %arg13[%swap3A_226], %exp3A_225 {strides = array<i32>} : memref<128xf32, #tpu.memory_space<vmem>>, vector<16xf32>,
      %get3A_228 = arith.constant 48 : index
      %get3A_229 = tpu.vector_load %arg11[%get3A_228] {strides = array<i32>} : memref<128xf32, #tpu.memory_space<vmem>>, vector<16xf32>,
      %get3A_230 = arith.constant 48 : index
      %get3A_231 = tpu.vector_load %arg12[%get3A_230] {strides = array<i32>} : memref<128xf32, #tpu.memory_space<vmem>>, vector<16xf32>,
      %add3A_232 = arith.addf %get3A_229, %get3A_231 : vector<16xf32>
      %mul3A_233 = arith.constant 2.000000e-01 : f32
      %mul3A_234 = vector.broadcast %mul3A_233 : f32 to vector<16xf32>
      %mul3A_235 = arith.mulf %mul3A_234, %add3A_232 : vector<16xf32>
      %max3A_236 = arith.maximumf %add3A_232, %mul3A_235 : vector<16xf32>
      %exp3A_237 = math.exp %max3A_236 : vector<16xf32>
      %swap3A_238 = arith.constant 48 : index
      %swap3A_239 = tpu.vector_load %arg13[%swap3A_238] {strides = array<i32>} : memref<128xf32, #tpu.memory_space<vmem>>, vector<16xf32>,
      tpu.vector_store %arg13[%swap3A_238], %exp3A_237 {strides = array<i32>} : memref<128xf32, #tpu.memory_space<vmem>>, vector<16xf32>,
      %get3A_240 = arith.constant 64 : index
      %get3A_241 = tpu.vector_load %arg11[%get3A_240] {strides = array<i32>} : memref<128xf32, #tpu.memory_space<vmem>>, vector<16xf32>,
      %get3A_242 = arith.constant 64 : index
      %get3A_243 = tpu.vector_load %arg12[%get3A_242] {strides = array<i32>} : memref<128xf32, #tpu.memory_space<vmem>>, vector<16xf32>,
      %add3A_244 = arith.addf %get3A_241, %get3A_243 : vector<16xf32>
      %mul3A_245 = arith.constant 2.000000e-01 : f32
      %mul3A_246 = vector.broadcast %mul3A_245 : f32 to vector<16xf32>
      %mul3A_247 = arith.mulf %mul3A_246, %add3A_244 : vector<16xf32>
      %max3A_248 = arith.maximumf %add3A_244, %mul3A_247 : vector<16xf32>
      %exp3A_249 = math.exp %max3A_248 : vector<16xf32>
      %swap3A_250 = arith.constant 64 : index
      %swap3A_251 = tpu.vector_load %arg13[%swap3A_250] {strides = array<i32>} : memref<128xf32, #tpu.memory_space<vmem>>, vector<16xf32>,
      tpu.vector_store %arg13[%swap3A_250], %exp3A_249 {strides = array<i32>} : memref<128xf32, #tpu.memory_space<vmem>>, vector<16xf32>,
      %get3A_252 = arith.constant 80 : index
      %get3A_253 = tpu.vector_load %arg11[%get3A_252] {strides = array<i32>} : memref<128xf32, #tpu.memory_space<vmem>>, vector<16xf32>,
      %get3A_254 = arith.constant 80 : index
      %get3A_255 = tpu.vector_load %arg12[%get3A_254] {strides = array<i32>} : memref<128xf32, #tpu.memory_space<vmem>>, vector<16xf32>,
      %add3A_256 = arith.addf %get3A_253, %get3A_255 : vector<16xf32>
      %mul3A_257 = arith.constant 2.000000e-01 : f32
      %mul3A_258 = vector.broadcast %mul3A_257 : f32 to vector<16xf32>
      %mul3A_259 = arith.mulf %mul3A_258, %add3A_256 : vector<16xf32>
      %max3A_260 = arith.maximumf %add3A_256, %mul3A_259 : vector<16xf32>
      %exp3A_261 = math.exp %max3A_260 : vector<16xf32>
      %swap3A_262 = arith.constant 80 : index
      %swap3A_263 = tpu.vector_load %arg13[%swap3A_262] {strides = array<i32>} : memref<128xf32, #tpu.memory_space<vmem>>, vector<16xf32>,
      tpu.vector_store %arg13[%swap3A_262], %exp3A_261 {strides = array<i32>} : memref<128xf32, #tpu.memory_space<vmem>>, vector<16xf32>,
      %get3A_264 = arith.constant 96 : index
      %get3A_265 = tpu.vector_load %arg11[%get3A_264] {strides = array<i32>} : memref<128xf32, #tpu.memory_space<vmem>>, vector<16xf32>,
      %get3A_266 = arith.constant 96 : index
      %get3A_267 = tpu.vector_load %arg12[%get3A_266] {strides = array<i32>} : memref<128xf32, #tpu.memory_space<vmem>>, vector<16xf32>,
      %add3A_268 = arith.addf %get3A_265, %get3A_267 : vector<16xf32>
      %mul3A_269 = arith.constant 2.000000e-01 : f32
      %mul3A_270 = vector.broadcast %mul3A_269 : f32 to vector<16xf32>
      %mul3A_271 = arith.mulf %mul3A_270, %add3A_268 : vector<16xf32>
      %max3A_272 = arith.maximumf %add3A_268, %mul3A_271 : vector<16xf32>
      %exp3A_273 = math.exp %max3A_272 : vector<16xf32>
      %swap3A_274 = arith.constant 96 : index
      %swap3A_275 = tpu.vector_load %arg13[%swap3A_274] {strides = array<i32>} : memref<128xf32, #tpu.memory_space<vmem>>, vector<16xf32>,
      tpu.vector_store %arg13[%swap3A_274], %exp3A_273 {strides = array<i32>} : memref<128xf32, #tpu.memory_space<vmem>>, vector<16xf32>,
      %get3A_276 = arith.constant 112 : index
      %get3A_277 = tpu.vector_load %arg11[%get3A_276] {strides = array<i32>} : memref<128xf32, #tpu.memory_space<vmem>>, vector<16xf32>,
      %get3A_278 = arith.constant 112 : index
      %get3A_279 = tpu.vector_load %arg12[%get3A_278] {strides = array<i32>} : memref<128xf32, #tpu.memory_space<vmem>>, vector<16xf32>,
      %add3A_280 = arith.addf %get3A_277, %get3A_279 : vector<16xf32>
      %mul3A_281 = arith.constant 2.000000e-01 : f32
      %mul3A_282 = vector.broadcast %mul3A_281 : f32 to vector<16xf32>
      %mul3A_283 = arith.mulf %mul3A_282, %add3A_280 : vector<16xf32>
      %max3A_284 = arith.maximumf %add3A_280, %mul3A_283 : vector<16xf32>
      %exp3A_285 = math.exp %max3A_284 : vector<16xf32>
      %swap3A_286 = arith.constant 112 : index
      %swap3A_287 = tpu.vector_load %arg13[%swap3A_286] {strides = array<i32>} : memref<128xf32, #tpu.memory_space<vmem>>, vector<16xf32>,
      tpu.vector_store %arg13[%swap3A_286], %exp3A_285 {strides = array<i32>} : memref<128xf32, #tpu.memory_space<vmem>>, vector<16xf32>,
      %dma_wait3A_288 = arith.constant 0 : i32
      %dma_wait3A_289 = arith.constant 0 : i32
      %dma_wait3A_290 = arith.constant 0 : i32
      %dma_wait3A_291 = tpu.memref_slice %arg14[%dma_wait3A_289, %dma_wait3A_290] : memref<128x128xf32, #tpu.memory_space<vmem>> -> memref<64x128xf32, #tpu.memory_space<vmem>>
      %dma_wait3A_292 = arith.constant 0 : i32
      %dma_wait3A_293 = tpu.memref_slice %arg9[%mul3A_149, %dma_wait3A_288, %dma_wait3A_292] : memref<40x1x128xi32, #tpu.memory_space<vmem>> -> memref<1x1x64xi32, #tpu.memory_space<vmem>>
      %dma_wait3A_294 = tpu.memref_squeeze %dma_wait3A_293 : memref<1x1x64xi32, #tpu.memory_space<vmem>> -> memref<64xi32, #tpu.memory_space<vmem>>
      %dma_wait3A_295 = arith.constant 0 : i32
      %dma_wait3A_296 = arith.constant 0 : i32
      %dma_wait3A_297 = tpu.memref_slice %arg6[%dma_wait3A_295, %dma_wait3A_296] : memref<10000x128xf32, #tpu.memory_space<hbm>> -> memref<10000x128xf32, #tpu.memory_space<hbm>>
      tpu.wait_indirect_dma semaphore(%arg23 : memref<!tpu.dma_semaphore, #tpu.memory_space<semaphore_mem>>) src(%dma_wait3A_297 : memref<10000x128xf32, #tpu.memory_space<hbm>>) dst(%dma_wait3A_291 : memref<64x128xf32, #tpu.memory_space<vmem>>)
      %dma_wait3A_298 = arith.constant 0 : i32
      %dma_wait3A_299 = arith.constant 64 : i32
      %dma_wait3A_300 = arith.constant 0 : i32
      %dma_wait3A_301 = tpu.memref_slice %arg14[%dma_wait3A_299, %dma_wait3A_300] : memref<128x128xf32, #tpu.memory_space<vmem>> -> memref<64x128xf32, #tpu.memory_space<vmem>>
      %dma_wait3A_302 = arith.constant 64 : i32
      %dma_wait3A_303 = tpu.memref_slice %arg9[%mul3A_149, %dma_wait3A_298, %dma_wait3A_302] : memref<40x1x128xi32, #tpu.memory_space<vmem>> -> memref<1x1x64xi32, #tpu.memory_space<vmem>>
      %dma_wait3A_304 = tpu.memref_squeeze %dma_wait3A_303 : memref<1x1x64xi32, #tpu.memory_space<vmem>> -> memref<64xi32, #tpu.memory_space<vmem>>
      %dma_wait3A_305 = arith.constant 0 : i32
      %dma_wait3A_306 = arith.constant 0 : i32
      %dma_wait3A_307 = tpu.memref_slice %arg6[%dma_wait3A_305, %dma_wait3A_306] : memref<10000x128xf32, #tpu.memory_space<hbm>> -> memref<10000x128xf32, #tpu.memory_space<hbm>>
      tpu.wait_indirect_dma semaphore(%arg24 : memref<!tpu.dma_semaphore, #tpu.memory_space<semaphore_mem>>) src(%dma_wait3A_307 : memref<10000x128xf32, #tpu.memory_space<hbm>>) dst(%dma_wait3A_301 : memref<64x128xf32, #tpu.memory_space<vmem>>)
      %scan3A_308 = arith.constant 0 : i32
      %scan3A_309 = arith.constant 0 : i32
      %scan3A_310 = arith.constant 128 : i32
      %scan3A_311 = arith.addi %scan3A_309, %scan3A_310 : i32
      %scan3A_312 = arith.constant 1 : i32
      scf.for %scan3A_455 = %scan3A_309 to %scan3A_311 step %scan3A_312  : i32 {
        %broadcast_in_dim3A_456 = vector.broadcast %scan3A_455 : i32 to vector<16xi32>
        %gather3A = tpu.vector_load_idx %arg13[%broadcast_in_dim3A_456] : memref<128xf32, #tpu.memory_space<vmem>>[vector<16xi32>], vector<16xf32>,
        %get3A_457 = arith.index_cast %scan3A_455 : i32 to index
        %get3A_458 = arith.constant 0 : index
        %get3A_459 = tpu.vector_load %arg14[%get3A_457, %get3A_458] {strides = array<i32>} : memref<128x128xf32, #tpu.memory_space<vmem>>, vector<16xf32>,
        %mul3A_460 = arith.mulf %get3A_459, %gather3A : vector<16xf32>
        %swap3A_461 = arith.index_cast %scan3A_455 : i32 to index
        %swap3A_462 = arith.constant 0 : index
        %swap3A_463 = tpu.vector_load %arg14[%swap3A_461, %swap3A_462] {strides = array<i32>} : memref<128x128xf32, #tpu.memory_space<vmem>>, vector<16xf32>,
        tpu.vector_store %arg14[%swap3A_461, %swap3A_462], %mul3A_460 {strides = array<i32>} : memref<128x128xf32, #tpu.memory_space<vmem>>, vector<16xf32>,
        %get3A_464 = arith.index_cast %scan3A_455 : i32 to index
        %get3A_465 = arith.constant 16 : index
        %get3A_466 = tpu.vector_load %arg14[%get3A_464, %get3A_465] {strides = array<i32>} : memref<128x128xf32, #tpu.memory_space<vmem>>, vector<16xf32>,
        %mul3A_467 = arith.mulf %get3A_466, %gather3A : vector<16xf32>
        %swap3A_468 = arith.index_cast %scan3A_455 : i32 to index
        %swap3A_469 = arith.constant 16 : index
        %swap3A_470 = tpu.vector_load %arg14[%swap3A_468, %swap3A_469] {strides = array<i32>} : memref<128x128xf32, #tpu.memory_space<vmem>>, vector<16xf32>,
        tpu.vector_store %arg14[%swap3A_468, %swap3A_469], %mul3A_467 {strides = array<i32>} : memref<128x128xf32, #tpu.memory_space<vmem>>, vector<16xf32>,
        %get3A_471 = arith.index_cast %scan3A_455 : i32 to index
        %get3A_472 = arith.constant 32 : index
        %get3A_473 = tpu.vector_load %arg14[%get3A_471, %get3A_472] {strides = array<i32>} : memref<128x128xf32, #tpu.memory_space<vmem>>, vector<16xf32>,
        %mul3A_474 = arith.mulf %get3A_473, %gather3A : vector<16xf32>
        %swap3A_475 = arith.index_cast %scan3A_455 : i32 to index
        %swap3A_476 = arith.constant 32 : index
        %swap3A_477 = tpu.vector_load %arg14[%swap3A_475, %swap3A_476] {strides = array<i32>} : memref<128x128xf32, #tpu.memory_space<vmem>>, vector<16xf32>,
        tpu.vector_store %arg14[%swap3A_475, %swap3A_476], %mul3A_474 {strides = array<i32>} : memref<128x128xf32, #tpu.memory_space<vmem>>, vector<16xf32>,
        %get3A_478 = arith.index_cast %scan3A_455 : i32 to index
        %get3A_479 = arith.constant 48 : index
        %get3A_480 = tpu.vector_load %arg14[%get3A_478, %get3A_479] {strides = array<i32>} : memref<128x128xf32, #tpu.memory_space<vmem>>, vector<16xf32>,
        %mul3A_481 = arith.mulf %get3A_480, %gather3A : vector<16xf32>
        %swap3A_482 = arith.index_cast %scan3A_455 : i32 to index
        %swap3A_483 = arith.constant 48 : index
        %swap3A_484 = tpu.vector_load %arg14[%swap3A_482, %swap3A_483] {strides = array<i32>} : memref<128x128xf32, #tpu.memory_space<vmem>>, vector<16xf32>,
        tpu.vector_store %arg14[%swap3A_482, %swap3A_483], %mul3A_481 {strides = array<i32>} : memref<128x128xf32, #tpu.memory_space<vmem>>, vector<16xf32>,
        %get3A_485 = arith.index_cast %scan3A_455 : i32 to index
        %get3A_486 = arith.constant 64 : index
        %get3A_487 = tpu.vector_load %arg14[%get3A_485, %get3A_486] {strides = array<i32>} : memref<128x128xf32, #tpu.memory_space<vmem>>, vector<16xf32>,
        %mul3A_488 = arith.mulf %get3A_487, %gather3A : vector<16xf32>
        %swap3A_489 = arith.index_cast %scan3A_455 : i32 to index
        %swap3A_490 = arith.constant 64 : index
        %swap3A_491 = tpu.vector_load %arg14[%swap3A_489, %swap3A_490] {strides = array<i32>} : memref<128x128xf32, #tpu.memory_space<vmem>>, vector<16xf32>,
        tpu.vector_store %arg14[%swap3A_489, %swap3A_490], %mul3A_488 {strides = array<i32>} : memref<128x128xf32, #tpu.memory_space<vmem>>, vector<16xf32>,
        %get3A_492 = arith.index_cast %scan3A_455 : i32 to index
        %get3A_493 = arith.constant 80 : index
        %get3A_494 = tpu.vector_load %arg14[%get3A_492, %get3A_493] {strides = array<i32>} : memref<128x128xf32, #tpu.memory_space<vmem>>, vector<16xf32>,
        %mul3A_495 = arith.mulf %get3A_494, %gather3A : vector<16xf32>
        %swap3A_496 = arith.index_cast %scan3A_455 : i32 to index
        %swap3A_497 = arith.constant 80 : index
        %swap3A_498 = tpu.vector_load %arg14[%swap3A_496, %swap3A_497] {strides = array<i32>} : memref<128x128xf32, #tpu.memory_space<vmem>>, vector<16xf32>,
        tpu.vector_store %arg14[%swap3A_496, %swap3A_497], %mul3A_495 {strides = array<i32>} : memref<128x128xf32, #tpu.memory_space<vmem>>, vector<16xf32>,
        %get3A_499 = arith.index_cast %scan3A_455 : i32 to index
        %get3A_500 = arith.constant 96 : index
        %get3A_501 = tpu.vector_load %arg14[%get3A_499, %get3A_500] {strides = array<i32>} : memref<128x128xf32, #tpu.memory_space<vmem>>, vector<16xf32>,
        %mul3A_502 = arith.mulf %get3A_501, %gather3A : vector<16xf32>
        %swap3A_503 = arith.index_cast %scan3A_455 : i32 to index
        %swap3A_504 = arith.constant 96 : index
        %swap3A_505 = tpu.vector_load %arg14[%swap3A_503, %swap3A_504] {strides = array<i32>} : memref<128x128xf32, #tpu.memory_space<vmem>>, vector<16xf32>,
        tpu.vector_store %arg14[%swap3A_503, %swap3A_504], %mul3A_502 {strides = array<i32>} : memref<128x128xf32, #tpu.memory_space<vmem>>, vector<16xf32>,
        %get3A_506 = arith.index_cast %scan3A_455 : i32 to index
        %get3A_507 = arith.constant 112 : index
        %get3A_508 = tpu.vector_load %arg14[%get3A_506, %get3A_507] {strides = array<i32>} : memref<128x128xf32, #tpu.memory_space<vmem>>, vector<16xf32>,
        %mul3A_509 = arith.mulf %get3A_508, %gather3A : vector<16xf32>
        %swap3A_510 = arith.index_cast %scan3A_455 : i32 to index
        %swap3A_511 = arith.constant 112 : index
        %swap3A_512 = tpu.vector_load %arg14[%swap3A_510, %swap3A_511] {strides = array<i32>} : memref<128x128xf32, #tpu.memory_space<vmem>>, vector<16xf32>,
        tpu.vector_store %arg14[%swap3A_510, %swap3A_511], %mul3A_509 {strides = array<i32>} : memref<128x128xf32, #tpu.memory_space<vmem>>, vector<16xf32>,
      }
      %scan3A_313 = arith.constant 128 : i32
      %run_scoped3A = arith.constant 0 : i32
      "tpu.region"() ({
        %run_scoped3A_455 = tpu.sem_alloc : memref<!tpu.dma_semaphore, #tpu.memory_space<semaphore_mem>>
        %dma_start3A_456 = arith.constant 0 : i32
        %dma_start3A_457 = tpu.memref_slice %arg10[%mul3A_149, %run_scoped3A, %dma_start3A_456] : memref<40x1x128xi32, #tpu.memory_space<vmem>> -> memref<1x1x128xi32, #tpu.memory_space<vmem>>
        %dma_start3A_458 = tpu.memref_squeeze %dma_start3A_457 : memref<1x1x128xi32, #tpu.memory_space<vmem>> -> memref<128xi32, #tpu.memory_space<vmem>>
        %dma_start3A_459 = arith.constant 0 : i32
        %dma_start3A_460 = arith.constant 0 : i32
        %dma_start3A_461 = tpu.memref_slice %arg19[%dma_start3A_459, %dma_start3A_460] : memref<10240x128xf32, #tpu.memory_space<vmem_shared>> -> memref<10240x128xf32, #tpu.memory_space<vmem_shared>>
        tpu.enqueue_indirect_dma source(%arg14 : memref<128x128xf32, #tpu.memory_space<vmem>>) target(%dma_start3A_461 : memref<10240x128xf32, #tpu.memory_space<vmem_shared>>) offsets(%dma_start3A_458 : memref<128xi32, #tpu.memory_space<vmem>>) semaphore(%run_scoped3A_455 : memref<!tpu.dma_semaphore, #tpu.memory_space<semaphore_mem>>) {add = true}
        %dma_wait3A_462 = arith.constant 0 : i32
        %dma_wait3A_463 = tpu.memref_slice %arg10[%mul3A_149, %run_scoped3A, %dma_wait3A_462] : memref<40x1x128xi32, #tpu.memory_space<vmem>> -> memref<1x1x128xi32, #tpu.memory_space<vmem>>
        %dma_wait3A_464 = tpu.memref_squeeze %dma_wait3A_463 : memref<1x1x128xi32, #tpu.memory_space<vmem>> -> memref<128xi32, #tpu.memory_space<vmem>>
        %dma_wait3A_465 = arith.constant 0 : i32
        %dma_wait3A_466 = arith.constant 0 : i32
        %dma_wait3A_467 = tpu.memref_slice %arg19[%dma_wait3A_465, %dma_wait3A_466] : memref<10240x128xf32, #tpu.memory_space<vmem_shared>> -> memref<10240x128xf32, #tpu.memory_space<vmem_shared>>
        tpu.wait_indirect_dma semaphore(%run_scoped3A_455 : memref<!tpu.dma_semaphore, #tpu.memory_space<semaphore_mem>>) src(%arg14 : memref<128x128xf32, #tpu.memory_space<vmem>>) dst(%dma_wait3A_467 : memref<10240x128xf32, #tpu.memory_space<vmem_shared>>)
        tpu.yield
      }) : () -> ()
      %run_scoped3A_314 = arith.constant 0 : i32
      "tpu.region"() ({
        %run_scoped3A_455 = tpu.sem_alloc : memref<!tpu.dma_semaphore, #tpu.memory_space<semaphore_mem>>
        %dma_start3A_456 = arith.constant 0 : i32
        %dma_start3A_457 = tpu.memref_slice %arg10[%mul3A_149, %run_scoped3A_314, %dma_start3A_456] : memref<40x1x128xi32, #tpu.memory_space<vmem>> -> memref<1x1x128xi32, #tpu.memory_space<vmem>>
        %dma_start3A_458 = tpu.memref_squeeze %dma_start3A_457 : memref<1x1x128xi32, #tpu.memory_space<vmem>> -> memref<128xi32, #tpu.memory_space<vmem>>
        %dma_start3A_459 = arith.constant 0 : i32
        %dma_start3A_460 = tpu.memref_slice %arg20[%dma_start3A_459] : memref<10240xf32, #tpu.memory_space<vmem_shared>> -> memref<10240xf32, #tpu.memory_space<vmem_shared>>
        tpu.enqueue_indirect_dma source(%arg13 : memref<128xf32, #tpu.memory_space<vmem>>) target(%dma_start3A_460 : memref<10240xf32, #tpu.memory_space<vmem_shared>>) offsets(%dma_start3A_458 : memref<128xi32, #tpu.memory_space<vmem>>) semaphore(%run_scoped3A_455 : memref<!tpu.dma_semaphore, #tpu.memory_space<semaphore_mem>>) {add = true}
        %dma_wait3A_461 = arith.constant 0 : i32
        %dma_wait3A_462 = tpu.memref_slice %arg10[%mul3A_149, %run_scoped3A_314, %dma_wait3A_461] : memref<40x1x128xi32, #tpu.memory_space<vmem>> -> memref<1x1x128xi32, #tpu.memory_space<vmem>>
        %dma_wait3A_463 = tpu.memref_squeeze %dma_wait3A_462 : memref<1x1x128xi32, #tpu.memory_space<vmem>> -> memref<128xi32, #tpu.memory_space<vmem>>
        %dma_wait3A_464 = arith.constant 0 : i32
        %dma_wait3A_465 = tpu.memref_slice %arg20[%dma_wait3A_464] : memref<10240xf32, #tpu.memory_space<vmem_shared>> -> memref<10240xf32, #tpu.memory_space<vmem_shared>>
        tpu.wait_indirect_dma semaphore(%run_scoped3A_455 : memref<!tpu.dma_semaphore, #tpu.memory_space<semaphore_mem>>) src(%arg13 : memref<128xf32, #tpu.memory_space<vmem>>) dst(%dma_wait3A_465 : memref<10240xf32, #tpu.memory_space<vmem_shared>>)
        tpu.yield
      }) : () -> ()
      %lt3A = arith.constant 19 : i32
      %lt3A_315 = arith.cmpi slt, %scan3A_147, %lt3A : i32
      %convert_element_type3A = arith.extui %lt3A_315 : i1 to i32
      %cond3A = arith.constant 0 : i32
      %cond3A_316 = arith.cmpi ne, %convert_element_type3A, %cond3A : i32
      scf.if %cond3A_316 {
        %add3A_455 = arith.constant 2 : i32
        %add3A_456 = arith.addi %mul3A_149, %add3A_455 : i32
        %dma_start3A_457 = arith.constant 0 : i32
        %dma_start3A_458 = arith.constant 0 : i32
        %dma_start3A_459 = arith.constant 0 : i32
        %dma_start3A_460 = tpu.memref_slice %arg14[%dma_start3A_458, %dma_start3A_459] : memref<128x128xf32, #tpu.memory_space<vmem>> -> memref<64x128xf32, #tpu.memory_space<vmem>>
        %dma_start3A_461 = arith.constant 0 : i32
        %dma_start3A_462 = tpu.memref_slice %arg9[%add3A_456, %dma_start3A_457, %dma_start3A_461] : memref<40x1x128xi32, #tpu.memory_space<vmem>> -> memref<1x1x64xi32, #tpu.memory_space<vmem>>
        %dma_start3A_463 = tpu.memref_squeeze %dma_start3A_462 : memref<1x1x64xi32, #tpu.memory_space<vmem>> -> memref<64xi32, #tpu.memory_space<vmem>>
        %dma_start3A_464 = arith.constant 0 : i32
        %dma_start3A_465 = arith.constant 0 : i32
        %dma_start3A_466 = tpu.memref_slice %arg6[%dma_start3A_464, %dma_start3A_465] : memref<10000x128xf32, #tpu.memory_space<hbm>> -> memref<10000x128xf32, #tpu.memory_space<hbm>>
        tpu.enqueue_indirect_dma source(%dma_start3A_466 : memref<10000x128xf32, #tpu.memory_space<hbm>>) target(%dma_start3A_460 : memref<64x128xf32, #tpu.memory_space<vmem>>) offsets(%dma_start3A_463 : memref<64xi32, #tpu.memory_space<vmem>>) semaphore(%arg23 : memref<!tpu.dma_semaphore, #tpu.memory_space<semaphore_mem>>)
        %dma_start3A_467 = arith.constant 0 : i32
        %dma_start3A_468 = arith.constant 64 : i32
        %dma_start3A_469 = arith.constant 0 : i32
        %dma_start3A_470 = tpu.memref_slice %arg14[%dma_start3A_468, %dma_start3A_469] : memref<128x128xf32, #tpu.memory_space<vmem>> -> memref<64x128xf32, #tpu.memory_space<vmem>>
        %dma_start3A_471 = arith.constant 64 : i32
        %dma_start3A_472 = tpu.memref_slice %arg9[%add3A_456, %dma_start3A_467, %dma_start3A_471] : memref<40x1x128xi32, #tpu.memory_space<vmem>> -> memref<1x1x64xi32, #tpu.memory_space<vmem>>
        %dma_start3A_473 = tpu.memref_squeeze %dma_start3A_472 : memref<1x1x64xi32, #tpu.memory_space<vmem>> -> memref<64xi32, #tpu.memory_space<vmem>>
        %dma_start3A_474 = arith.constant 0 : i32
        %dma_start3A_475 = arith.constant 0 : i32
        %dma_start3A_476 = tpu.memref_slice %arg6[%dma_start3A_474, %dma_start3A_475] : memref<10000x128xf32, #tpu.memory_space<hbm>> -> memref<10000x128xf32, #tpu.memory_space<hbm>>
        tpu.enqueue_indirect_dma source(%dma_start3A_476 : memref<10000x128xf32, #tpu.memory_space<hbm>>) target(%dma_start3A_470 : memref<64x128xf32, #tpu.memory_space<vmem>>) offsets(%dma_start3A_473 : memref<64xi32, #tpu.memory_space<vmem>>) semaphore(%arg24 : memref<!tpu.dma_semaphore, #tpu.memory_space<semaphore_mem>>)
        %dma_start3A_477 = arith.constant 0 : i32
        %dma_start3A_478 = arith.constant 0 : i32
        %dma_start3A_479 = tpu.memref_slice %arg9[%add3A_456, %dma_start3A_477, %dma_start3A_478] : memref<40x1x128xi32, #tpu.memory_space<vmem>> -> memref<1x1x128xi32, #tpu.memory_space<vmem>>
        %dma_start3A_480 = tpu.memref_squeeze %dma_start3A_479 : memref<1x1x128xi32, #tpu.memory_space<vmem>> -> memref<128xi32, #tpu.memory_space<vmem>>
        %dma_start3A_481 = arith.constant 0 : i32
        %dma_start3A_482 = tpu.memref_slice %arg4[%dma_start3A_481] : memref<10000xf32, #tpu.memory_space<hbm>> -> memref<10000xf32, #tpu.memory_space<hbm>>
        tpu.enqueue_indirect_dma source(%dma_start3A_482 : memref<10000xf32, #tpu.memory_space<hbm>>) target(%arg11 : memref<128xf32, #tpu.memory_space<vmem>>) offsets(%dma_start3A_480 : memref<128xi32, #tpu.memory_space<vmem>>) semaphore(%arg21 : memref<!tpu.dma_semaphore, #tpu.memory_space<semaphore_mem>>)
        %dma_start3A_483 = arith.constant 0 : i32
        %dma_start3A_484 = arith.constant 0 : i32
        %dma_start3A_485 = tpu.memref_slice %arg10[%add3A_456, %dma_start3A_483, %dma_start3A_484] : memref<40x1x128xi32, #tpu.memory_space<vmem>> -> memref<1x1x128xi32, #tpu.memory_space<vmem>>
        %dma_start3A_486 = tpu.memref_squeeze %dma_start3A_485 : memref<1x1x128xi32, #tpu.memory_space<vmem>> -> memref<128xi32, #tpu.memory_space<vmem>>
        %dma_start3A_487 = arith.constant 0 : i32
        %dma_start3A_488 = tpu.memref_slice %arg5[%dma_start3A_487] : memref<10240xf32, #tpu.memory_space<hbm>> -> memref<10240xf32, #tpu.memory_space<hbm>>
        tpu.enqueue_indirect_dma source(%dma_start3A_488 : memref<10240xf32, #tpu.memory_space<hbm>>) target(%arg12 : memref<128xf32, #tpu.memory_space<vmem>>) offsets(%dma_start3A_486 : memref<128xi32, #tpu.memory_space<vmem>>) semaphore(%arg22 : memref<!tpu.dma_semaphore, #tpu.memory_space<semaphore_mem>>)
      } else {
      }
      %add3A_317 = arith.constant 1 : i32
      %add3A_318 = arith.addi %mul3A_149, %add3A_317 : i32
      %dma_wait3A_319 = arith.constant 0 : i32
      %dma_wait3A_320 = arith.constant 0 : i32
      %dma_wait3A_321 = tpu.memref_slice %arg9[%add3A_318, %dma_wait3A_319, %dma_wait3A_320] : memref<40x1x128xi32, #tpu.memory_space<vmem>> -> memref<1x1x128xi32, #tpu.memory_space<vmem>>
      %dma_wait3A_322 = tpu.memref_squeeze %dma_wait3A_321 : memref<1x1x128xi32, #tpu.memory_space<vmem>> -> memref<128xi32, #tpu.memory_space<vmem>>
      %dma_wait3A_323 = arith.constant 0 : i32
      %dma_wait3A_324 = tpu.memref_slice %arg4[%dma_wait3A_323] : memref<10000xf32, #tpu.memory_space<hbm>> -> memref<10000xf32, #tpu.memory_space<hbm>>
      tpu.wait_indirect_dma semaphore(%arg25 : memref<!tpu.dma_semaphore, #tpu.memory_space<semaphore_mem>>) src(%dma_wait3A_324 : memref<10000xf32, #tpu.memory_space<hbm>>) dst(%arg15 : memref<128xf32, #tpu.memory_space<vmem>>)
      %dma_wait3A_325 = arith.constant 0 : i32
      %dma_wait3A_326 = arith.constant 0 : i32
      %dma_wait3A_327 = tpu.memref_slice %arg10[%add3A_318, %dma_wait3A_325, %dma_wait3A_326] : memref<40x1x128xi32, #tpu.memory_space<vmem>> -> memref<1x1x128xi32, #tpu.memory_space<vmem>>
      %dma_wait3A_328 = tpu.memref_squeeze %dma_wait3A_327 : memref<1x1x128xi32, #tpu.memory_space<vmem>> -> memref<128xi32, #tpu.memory_space<vmem>>
      %dma_wait3A_329 = arith.constant 0 : i32
      %dma_wait3A_330 = tpu.memref_slice %arg5[%dma_wait3A_329] : memref<10240xf32, #tpu.memory_space<hbm>> -> memref<10240xf32, #tpu.memory_space<hbm>>
      tpu.wait_indirect_dma semaphore(%arg26 : memref<!tpu.dma_semaphore, #tpu.memory_space<semaphore_mem>>) src(%dma_wait3A_330 : memref<10240xf32, #tpu.memory_space<hbm>>) dst(%arg16 : memref<128xf32, #tpu.memory_space<vmem>>)
      %get3A_331 = arith.constant 0 : index
      %get3A_332 = tpu.vector_load %arg15[%get3A_331] {strides = array<i32>} : memref<128xf32, #tpu.memory_space<vmem>>, vector<16xf32>,
      %get3A_333 = arith.constant 0 : index
      %get3A_334 = tpu.vector_load %arg16[%get3A_333] {strides = array<i32>} : memref<128xf32, #tpu.memory_space<vmem>>, vector<16xf32>,
      %add3A_335 = arith.addf %get3A_332, %get3A_334 : vector<16xf32>
      %mul3A_336 = arith.constant 2.000000e-01 : f32
      %mul3A_337 = vector.broadcast %mul3A_336 : f32 to vector<16xf32>
      %mul3A_338 = arith.mulf %mul3A_337, %add3A_335 : vector<16xf32>
      %max3A_339 = arith.maximumf %add3A_335, %mul3A_338 : vector<16xf32>
      %exp3A_340 = math.exp %max3A_339 : vector<16xf32>
      %swap3A_341 = arith.constant 0 : index
      %swap3A_342 = tpu.vector_load %arg17[%swap3A_341] {strides = array<i32>} : memref<128xf32, #tpu.memory_space<vmem>>, vector<16xf32>,
      tpu.vector_store %arg17[%swap3A_341], %exp3A_340 {strides = array<i32>} : memref<128xf32, #tpu.memory_space<vmem>>, vector<16xf32>,
      %get3A_343 = arith.constant 16 : index
      %get3A_344 = tpu.vector_load %arg15[%get3A_343] {strides = array<i32>} : memref<128xf32, #tpu.memory_space<vmem>>, vector<16xf32>,
      %get3A_345 = arith.constant 16 : index
      %get3A_346 = tpu.vector_load %arg16[%get3A_345] {strides = array<i32>} : memref<128xf32, #tpu.memory_space<vmem>>, vector<16xf32>,
      %add3A_347 = arith.addf %get3A_344, %get3A_346 : vector<16xf32>
      %mul3A_348 = arith.constant 2.000000e-01 : f32
      %mul3A_349 = vector.broadcast %mul3A_348 : f32 to vector<16xf32>
      %mul3A_350 = arith.mulf %mul3A_349, %add3A_347 : vector<16xf32>
      %max3A_351 = arith.maximumf %add3A_347, %mul3A_350 : vector<16xf32>
      %exp3A_352 = math.exp %max3A_351 : vector<16xf32>
      %swap3A_353 = arith.constant 16 : index
      %swap3A_354 = tpu.vector_load %arg17[%swap3A_353] {strides = array<i32>} : memref<128xf32, #tpu.memory_space<vmem>>, vector<16xf32>,
      tpu.vector_store %arg17[%swap3A_353], %exp3A_352 {strides = array<i32>} : memref<128xf32, #tpu.memory_space<vmem>>, vector<16xf32>,
      %get3A_355 = arith.constant 32 : index
      %get3A_356 = tpu.vector_load %arg15[%get3A_355] {strides = array<i32>} : memref<128xf32, #tpu.memory_space<vmem>>, vector<16xf32>,
      %get3A_357 = arith.constant 32 : index
      %get3A_358 = tpu.vector_load %arg16[%get3A_357] {strides = array<i32>} : memref<128xf32, #tpu.memory_space<vmem>>, vector<16xf32>,
      %add3A_359 = arith.addf %get3A_356, %get3A_358 : vector<16xf32>
      %mul3A_360 = arith.constant 2.000000e-01 : f32
      %mul3A_361 = vector.broadcast %mul3A_360 : f32 to vector<16xf32>
      %mul3A_362 = arith.mulf %mul3A_361, %add3A_359 : vector<16xf32>
      %max3A_363 = arith.maximumf %add3A_359, %mul3A_362 : vector<16xf32>
      %exp3A_364 = math.exp %max3A_363 : vector<16xf32>
      %swap3A_365 = arith.constant 32 : index
      %swap3A_366 = tpu.vector_load %arg17[%swap3A_365] {strides = array<i32>} : memref<128xf32, #tpu.memory_space<vmem>>, vector<16xf32>,
      tpu.vector_store %arg17[%swap3A_365], %exp3A_364 {strides = array<i32>} : memref<128xf32, #tpu.memory_space<vmem>>, vector<16xf32>,
      %get3A_367 = arith.constant 48 : index
      %get3A_368 = tpu.vector_load %arg15[%get3A_367] {strides = array<i32>} : memref<128xf32, #tpu.memory_space<vmem>>, vector<16xf32>,
      %get3A_369 = arith.constant 48 : index
      %get3A_370 = tpu.vector_load %arg16[%get3A_369] {strides = array<i32>} : memref<128xf32, #tpu.memory_space<vmem>>, vector<16xf32>,
      %add3A_371 = arith.addf %get3A_368, %get3A_370 : vector<16xf32>
      %mul3A_372 = arith.constant 2.000000e-01 : f32
      %mul3A_373 = vector.broadcast %mul3A_372 : f32 to vector<16xf32>
      %mul3A_374 = arith.mulf %mul3A_373, %add3A_371 : vector<16xf32>
      %max3A_375 = arith.maximumf %add3A_371, %mul3A_374 : vector<16xf32>
      %exp3A_376 = math.exp %max3A_375 : vector<16xf32>
      %swap3A_377 = arith.constant 48 : index
      %swap3A_378 = tpu.vector_load %arg17[%swap3A_377] {strides = array<i32>} : memref<128xf32, #tpu.memory_space<vmem>>, vector<16xf32>,
      tpu.vector_store %arg17[%swap3A_377], %exp3A_376 {strides = array<i32>} : memref<128xf32, #tpu.memory_space<vmem>>, vector<16xf32>,
      %get3A_379 = arith.constant 64 : index
      %get3A_380 = tpu.vector_load %arg15[%get3A_379] {strides = array<i32>} : memref<128xf32, #tpu.memory_space<vmem>>, vector<16xf32>,
      %get3A_381 = arith.constant 64 : index
      %get3A_382 = tpu.vector_load %arg16[%get3A_381] {strides = array<i32>} : memref<128xf32, #tpu.memory_space<vmem>>, vector<16xf32>,
      %add3A_383 = arith.addf %get3A_380, %get3A_382 : vector<16xf32>
      %mul3A_384 = arith.constant 2.000000e-01 : f32
      %mul3A_385 = vector.broadcast %mul3A_384 : f32 to vector<16xf32>
      %mul3A_386 = arith.mulf %mul3A_385, %add3A_383 : vector<16xf32>
      %max3A_387 = arith.maximumf %add3A_383, %mul3A_386 : vector<16xf32>
      %exp3A_388 = math.exp %max3A_387 : vector<16xf32>
      %swap3A_389 = arith.constant 64 : index
      %swap3A_390 = tpu.vector_load %arg17[%swap3A_389] {strides = array<i32>} : memref<128xf32, #tpu.memory_space<vmem>>, vector<16xf32>,
      tpu.vector_store %arg17[%swap3A_389], %exp3A_388 {strides = array<i32>} : memref<128xf32, #tpu.memory_space<vmem>>, vector<16xf32>,
      %get3A_391 = arith.constant 80 : index
      %get3A_392 = tpu.vector_load %arg15[%get3A_391] {strides = array<i32>} : memref<128xf32, #tpu.memory_space<vmem>>, vector<16xf32>,
      %get3A_393 = arith.constant 80 : index
      %get3A_394 = tpu.vector_load %arg16[%get3A_393] {strides = array<i32>} : memref<128xf32, #tpu.memory_space<vmem>>, vector<16xf32>,
      %add3A_395 = arith.addf %get3A_392, %get3A_394 : vector<16xf32>
      %mul3A_396 = arith.constant 2.000000e-01 : f32
      %mul3A_397 = vector.broadcast %mul3A_396 : f32 to vector<16xf32>
      %mul3A_398 = arith.mulf %mul3A_397, %add3A_395 : vector<16xf32>
      %max3A_399 = arith.maximumf %add3A_395, %mul3A_398 : vector<16xf32>
      %exp3A_400 = math.exp %max3A_399 : vector<16xf32>
      %swap3A_401 = arith.constant 80 : index
      %swap3A_402 = tpu.vector_load %arg17[%swap3A_401] {strides = array<i32>} : memref<128xf32, #tpu.memory_space<vmem>>, vector<16xf32>,
      tpu.vector_store %arg17[%swap3A_401], %exp3A_400 {strides = array<i32>} : memref<128xf32, #tpu.memory_space<vmem>>, vector<16xf32>,
      %get3A_403 = arith.constant 96 : index
      %get3A_404 = tpu.vector_load %arg15[%get3A_403] {strides = array<i32>} : memref<128xf32, #tpu.memory_space<vmem>>, vector<16xf32>,
      %get3A_405 = arith.constant 96 : index
      %get3A_406 = tpu.vector_load %arg16[%get3A_405] {strides = array<i32>} : memref<128xf32, #tpu.memory_space<vmem>>, vector<16xf32>,
      %add3A_407 = arith.addf %get3A_404, %get3A_406 : vector<16xf32>
      %mul3A_408 = arith.constant 2.000000e-01 : f32
      %mul3A_409 = vector.broadcast %mul3A_408 : f32 to vector<16xf32>
      %mul3A_410 = arith.mulf %mul3A_409, %add3A_407 : vector<16xf32>
      %max3A_411 = arith.maximumf %add3A_407, %mul3A_410 : vector<16xf32>
      %exp3A_412 = math.exp %max3A_411 : vector<16xf32>
      %swap3A_413 = arith.constant 96 : index
      %swap3A_414 = tpu.vector_load %arg17[%swap3A_413] {strides = array<i32>} : memref<128xf32, #tpu.memory_space<vmem>>, vector<16xf32>,
      tpu.vector_store %arg17[%swap3A_413], %exp3A_412 {strides = array<i32>} : memref<128xf32, #tpu.memory_space<vmem>>, vector<16xf32>,
      %get3A_415 = arith.constant 112 : index
      %get3A_416 = tpu.vector_load %arg15[%get3A_415] {strides = array<i32>} : memref<128xf32, #tpu.memory_space<vmem>>, vector<16xf32>,
      %get3A_417 = arith.constant 112 : index
      %get3A_418 = tpu.vector_load %arg16[%get3A_417] {strides = array<i32>} : memref<128xf32, #tpu.memory_space<vmem>>, vector<16xf32>,
      %add3A_419 = arith.addf %get3A_416, %get3A_418 : vector<16xf32>
      %mul3A_420 = arith.constant 2.000000e-01 : f32
      %mul3A_421 = vector.broadcast %mul3A_420 : f32 to vector<16xf32>
      %mul3A_422 = arith.mulf %mul3A_421, %add3A_419 : vector<16xf32>
      %max3A_423 = arith.maximumf %add3A_419, %mul3A_422 : vector<16xf32>
      %exp3A_424 = math.exp %max3A_423 : vector<16xf32>
      %swap3A_425 = arith.constant 112 : index
      %swap3A_426 = tpu.vector_load %arg17[%swap3A_425] {strides = array<i32>} : memref<128xf32, #tpu.memory_space<vmem>>, vector<16xf32>,
      tpu.vector_store %arg17[%swap3A_425], %exp3A_424 {strides = array<i32>} : memref<128xf32, #tpu.memory_space<vmem>>, vector<16xf32>,
      %dma_wait3A_427 = arith.constant 0 : i32
      %dma_wait3A_428 = arith.constant 0 : i32
      %dma_wait3A_429 = arith.constant 0 : i32
      %dma_wait3A_430 = tpu.memref_slice %arg18[%dma_wait3A_428, %dma_wait3A_429] : memref<128x128xf32, #tpu.memory_space<vmem>> -> memref<64x128xf32, #tpu.memory_space<vmem>>
      %dma_wait3A_431 = arith.constant 0 : i32
      %dma_wait3A_432 = tpu.memref_slice %arg9[%add3A_318, %dma_wait3A_427, %dma_wait3A_431] : memref<40x1x128xi32, #tpu.memory_space<vmem>> -> memref<1x1x64xi32, #tpu.memory_space<vmem>>
      %dma_wait3A_433 = tpu.memref_squeeze %dma_wait3A_432 : memref<1x1x64xi32, #tpu.memory_space<vmem>> -> memref<64xi32, #tpu.memory_space<vmem>>
      %dma_wait3A_434 = arith.constant 0 : i32
      %dma_wait3A_435 = arith.constant 0 : i32
      %dma_wait3A_436 = tpu.memref_slice %arg6[%dma_wait3A_434, %dma_wait3A_435] : memref<10000x128xf32, #tpu.memory_space<hbm>> -> memref<10000x128xf32, #tpu.memory_space<hbm>>
      tpu.wait_indirect_dma semaphore(%arg27 : memref<!tpu.dma_semaphore, #tpu.memory_space<semaphore_mem>>) src(%dma_wait3A_436 : memref<10000x128xf32, #tpu.memory_space<hbm>>) dst(%dma_wait3A_430 : memref<64x128xf32, #tpu.memory_space<vmem>>)
      %dma_wait3A_437 = arith.constant 0 : i32
      %dma_wait3A_438 = arith.constant 64 : i32
      %dma_wait3A_439 = arith.constant 0 : i32
      %dma_wait3A_440 = tpu.memref_slice %arg18[%dma_wait3A_438, %dma_wait3A_439] : memref<128x128xf32, #tpu.memory_space<vmem>> -> memref<64x128xf32, #tpu.memory_space<vmem>>
      %dma_wait3A_441 = arith.constant 64 : i32
      %dma_wait3A_442 = tpu.memref_slice %arg9[%add3A_318, %dma_wait3A_437, %dma_wait3A_441] : memref<40x1x128xi32, #tpu.memory_space<vmem>> -> memref<1x1x64xi32, #tpu.memory_space<vmem>>
      %dma_wait3A_443 = tpu.memref_squeeze %dma_wait3A_442 : memref<1x1x64xi32, #tpu.memory_space<vmem>> -> memref<64xi32, #tpu.memory_space<vmem>>
      %dma_wait3A_444 = arith.constant 0 : i32
      %dma_wait3A_445 = arith.constant 0 : i32
      %dma_wait3A_446 = tpu.memref_slice %arg6[%dma_wait3A_444, %dma_wait3A_445] : memref<10000x128xf32, #tpu.memory_space<hbm>> -> memref<10000x128xf32, #tpu.memory_space<hbm>>
      tpu.wait_indirect_dma semaphore(%arg28 : memref<!tpu.dma_semaphore, #tpu.memory_space<semaphore_mem>>) src(%dma_wait3A_446 : memref<10000x128xf32, #tpu.memory_space<hbm>>) dst(%dma_wait3A_440 : memref<64x128xf32, #tpu.memory_space<vmem>>)
      %scan3A_447 = arith.constant 0 : i32
      %scan3A_448 = arith.constant 0 : i32
      %scan3A_449 = arith.constant 128 : i32
      %scan3A_450 = arith.addi %scan3A_448, %scan3A_449 : i32
      %scan3A_451 = arith.constant 1 : i32
      scf.for %scan3A_455 = %scan3A_448 to %scan3A_450 step %scan3A_451  : i32 {
        %broadcast_in_dim3A_456 = vector.broadcast %scan3A_455 : i32 to vector<16xi32>
        %gather3A = tpu.vector_load_idx %arg17[%broadcast_in_dim3A_456] : memref<128xf32, #tpu.memory_space<vmem>>[vector<16xi32>], vector<16xf32>,
        %get3A_457 = arith.index_cast %scan3A_455 : i32 to index
        %get3A_458 = arith.constant 0 : index
        %get3A_459 = tpu.vector_load %arg18[%get3A_457, %get3A_458] {strides = array<i32>} : memref<128x128xf32, #tpu.memory_space<vmem>>, vector<16xf32>,
        %mul3A_460 = arith.mulf %get3A_459, %gather3A : vector<16xf32>
        %swap3A_461 = arith.index_cast %scan3A_455 : i32 to index
        %swap3A_462 = arith.constant 0 : index
        %swap3A_463 = tpu.vector_load %arg18[%swap3A_461, %swap3A_462] {strides = array<i32>} : memref<128x128xf32, #tpu.memory_space<vmem>>, vector<16xf32>,
        tpu.vector_store %arg18[%swap3A_461, %swap3A_462], %mul3A_460 {strides = array<i32>} : memref<128x128xf32, #tpu.memory_space<vmem>>, vector<16xf32>,
        %get3A_464 = arith.index_cast %scan3A_455 : i32 to index
        %get3A_465 = arith.constant 16 : index
        %get3A_466 = tpu.vector_load %arg18[%get3A_464, %get3A_465] {strides = array<i32>} : memref<128x128xf32, #tpu.memory_space<vmem>>, vector<16xf32>,
        %mul3A_467 = arith.mulf %get3A_466, %gather3A : vector<16xf32>
        %swap3A_468 = arith.index_cast %scan3A_455 : i32 to index
        %swap3A_469 = arith.constant 16 : index
        %swap3A_470 = tpu.vector_load %arg18[%swap3A_468, %swap3A_469] {strides = array<i32>} : memref<128x128xf32, #tpu.memory_space<vmem>>, vector<16xf32>,
        tpu.vector_store %arg18[%swap3A_468, %swap3A_469], %mul3A_467 {strides = array<i32>} : memref<128x128xf32, #tpu.memory_space<vmem>>, vector<16xf32>,
        %get3A_471 = arith.index_cast %scan3A_455 : i32 to index
        %get3A_472 = arith.constant 32 : index
        %get3A_473 = tpu.vector_load %arg18[%get3A_471, %get3A_472] {strides = array<i32>} : memref<128x128xf32, #tpu.memory_space<vmem>>, vector<16xf32>,
        %mul3A_474 = arith.mulf %get3A_473, %gather3A : vector<16xf32>
        %swap3A_475 = arith.index_cast %scan3A_455 : i32 to index
        %swap3A_476 = arith.constant 32 : index
        %swap3A_477 = tpu.vector_load %arg18[%swap3A_475, %swap3A_476] {strides = array<i32>} : memref<128x128xf32, #tpu.memory_space<vmem>>, vector<16xf32>,
        tpu.vector_store %arg18[%swap3A_475, %swap3A_476], %mul3A_474 {strides = array<i32>} : memref<128x128xf32, #tpu.memory_space<vmem>>, vector<16xf32>,
        %get3A_478 = arith.index_cast %scan3A_455 : i32 to index
        %get3A_479 = arith.constant 48 : index
        %get3A_480 = tpu.vector_load %arg18[%get3A_478, %get3A_479] {strides = array<i32>} : memref<128x128xf32, #tpu.memory_space<vmem>>, vector<16xf32>,
        %mul3A_481 = arith.mulf %get3A_480, %gather3A : vector<16xf32>
        %swap3A_482 = arith.index_cast %scan3A_455 : i32 to index
        %swap3A_483 = arith.constant 48 : index
        %swap3A_484 = tpu.vector_load %arg18[%swap3A_482, %swap3A_483] {strides = array<i32>} : memref<128x128xf32, #tpu.memory_space<vmem>>, vector<16xf32>,
        tpu.vector_store %arg18[%swap3A_482, %swap3A_483], %mul3A_481 {strides = array<i32>} : memref<128x128xf32, #tpu.memory_space<vmem>>, vector<16xf32>,
        %get3A_485 = arith.index_cast %scan3A_455 : i32 to index
        %get3A_486 = arith.constant 64 : index
        %get3A_487 = tpu.vector_load %arg18[%get3A_485, %get3A_486] {strides = array<i32>} : memref<128x128xf32, #tpu.memory_space<vmem>>, vector<16xf32>,
        %mul3A_488 = arith.mulf %get3A_487, %gather3A : vector<16xf32>
        %swap3A_489 = arith.index_cast %scan3A_455 : i32 to index
        %swap3A_490 = arith.constant 64 : index
        %swap3A_491 = tpu.vector_load %arg18[%swap3A_489, %swap3A_490] {strides = array<i32>} : memref<128x128xf32, #tpu.memory_space<vmem>>, vector<16xf32>,
        tpu.vector_store %arg18[%swap3A_489, %swap3A_490], %mul3A_488 {strides = array<i32>} : memref<128x128xf32, #tpu.memory_space<vmem>>, vector<16xf32>,
        %get3A_492 = arith.index_cast %scan3A_455 : i32 to index
        %get3A_493 = arith.constant 80 : index
        %get3A_494 = tpu.vector_load %arg18[%get3A_492, %get3A_493] {strides = array<i32>} : memref<128x128xf32, #tpu.memory_space<vmem>>, vector<16xf32>,
        %mul3A_495 = arith.mulf %get3A_494, %gather3A : vector<16xf32>
        %swap3A_496 = arith.index_cast %scan3A_455 : i32 to index
        %swap3A_497 = arith.constant 80 : index
        %swap3A_498 = tpu.vector_load %arg18[%swap3A_496, %swap3A_497] {strides = array<i32>} : memref<128x128xf32, #tpu.memory_space<vmem>>, vector<16xf32>,
        tpu.vector_store %arg18[%swap3A_496, %swap3A_497], %mul3A_495 {strides = array<i32>} : memref<128x128xf32, #tpu.memory_space<vmem>>, vector<16xf32>,
        %get3A_499 = arith.index_cast %scan3A_455 : i32 to index
        %get3A_500 = arith.constant 96 : index
        %get3A_501 = tpu.vector_load %arg18[%get3A_499, %get3A_500] {strides = array<i32>} : memref<128x128xf32, #tpu.memory_space<vmem>>, vector<16xf32>,
        %mul3A_502 = arith.mulf %get3A_501, %gather3A : vector<16xf32>
        %swap3A_503 = arith.index_cast %scan3A_455 : i32 to index
        %swap3A_504 = arith.constant 96 : index
        %swap3A_505 = tpu.vector_load %arg18[%swap3A_503, %swap3A_504] {strides = array<i32>} : memref<128x128xf32, #tpu.memory_space<vmem>>, vector<16xf32>,
        tpu.vector_store %arg18[%swap3A_503, %swap3A_504], %mul3A_502 {strides = array<i32>} : memref<128x128xf32, #tpu.memory_space<vmem>>, vector<16xf32>,
        %get3A_506 = arith.index_cast %scan3A_455 : i32 to index
        %get3A_507 = arith.constant 112 : index
        %get3A_508 = tpu.vector_load %arg18[%get3A_506, %get3A_507] {strides = array<i32>} : memref<128x128xf32, #tpu.memory_space<vmem>>, vector<16xf32>,
        %mul3A_509 = arith.mulf %get3A_508, %gather3A : vector<16xf32>
        %swap3A_510 = arith.index_cast %scan3A_455 : i32 to index
        %swap3A_511 = arith.constant 112 : index
        %swap3A_512 = tpu.vector_load %arg18[%swap3A_510, %swap3A_511] {strides = array<i32>} : memref<128x128xf32, #tpu.memory_space<vmem>>, vector<16xf32>,
        tpu.vector_store %arg18[%swap3A_510, %swap3A_511], %mul3A_509 {strides = array<i32>} : memref<128x128xf32, #tpu.memory_space<vmem>>, vector<16xf32>,
      }
      %scan3A_452 = arith.constant 128 : i32
      %run_scoped3A_453 = arith.constant 0 : i32
      "tpu.region"() ({
        %run_scoped3A_455 = tpu.sem_alloc : memref<!tpu.dma_semaphore, #tpu.memory_space<semaphore_mem>>
        %dma_start3A_456 = arith.constant 0 : i32
        %dma_start3A_457 = tpu.memref_slice %arg10[%add3A_318, %run_scoped3A_453, %dma_start3A_456] : memref<40x1x128xi32, #tpu.memory_space<vmem>> -> memref<1x1x128xi32, #tpu.memory_space<vmem>>
        %dma_start3A_458 = tpu.memref_squeeze %dma_start3A_457 : memref<1x1x128xi32, #tpu.memory_space<vmem>> -> memref<128xi32, #tpu.memory_space<vmem>>
        %dma_start3A_459 = arith.constant 0 : i32
        %dma_start3A_460 = arith.constant 0 : i32
        %dma_start3A_461 = tpu.memref_slice %arg19[%dma_start3A_459, %dma_start3A_460] : memref<10240x128xf32, #tpu.memory_space<vmem_shared>> -> memref<10240x128xf32, #tpu.memory_space<vmem_shared>>
        tpu.enqueue_indirect_dma source(%arg18 : memref<128x128xf32, #tpu.memory_space<vmem>>) target(%dma_start3A_461 : memref<10240x128xf32, #tpu.memory_space<vmem_shared>>) offsets(%dma_start3A_458 : memref<128xi32, #tpu.memory_space<vmem>>) semaphore(%run_scoped3A_455 : memref<!tpu.dma_semaphore, #tpu.memory_space<semaphore_mem>>) {add = true}
        %dma_wait3A_462 = arith.constant 0 : i32
        %dma_wait3A_463 = tpu.memref_slice %arg10[%add3A_318, %run_scoped3A_453, %dma_wait3A_462] : memref<40x1x128xi32, #tpu.memory_space<vmem>> -> memref<1x1x128xi32, #tpu.memory_space<vmem>>
        %dma_wait3A_464 = tpu.memref_squeeze %dma_wait3A_463 : memref<1x1x128xi32, #tpu.memory_space<vmem>> -> memref<128xi32, #tpu.memory_space<vmem>>
        %dma_wait3A_465 = arith.constant 0 : i32
        %dma_wait3A_466 = arith.constant 0 : i32
        %dma_wait3A_467 = tpu.memref_slice %arg19[%dma_wait3A_465, %dma_wait3A_466] : memref<10240x128xf32, #tpu.memory_space<vmem_shared>> -> memref<10240x128xf32, #tpu.memory_space<vmem_shared>>
        tpu.wait_indirect_dma semaphore(%run_scoped3A_455 : memref<!tpu.dma_semaphore, #tpu.memory_space<semaphore_mem>>) src(%arg18 : memref<128x128xf32, #tpu.memory_space<vmem>>) dst(%dma_wait3A_467 : memref<10240x128xf32, #tpu.memory_space<vmem_shared>>)
        tpu.yield
      }) : () -> ()
      %run_scoped3A_454 = arith.constant 0 : i32
      "tpu.region"() ({
        %run_scoped3A_455 = tpu.sem_alloc : memref<!tpu.dma_semaphore, #tpu.memory_space<semaphore_mem>>
        %dma_start3A_456 = arith.constant 0 : i32
        %dma_start3A_457 = tpu.memref_slice %arg10[%add3A_318, %run_scoped3A_454, %dma_start3A_456] : memref<40x1x128xi32, #tpu.memory_space<vmem>> -> memref<1x1x128xi32, #tpu.memory_space<vmem>>
        %dma_start3A_458 = tpu.memref_squeeze %dma_start3A_457 : memref<1x1x128xi32, #tpu.memory_space<vmem>> -> memref<128xi32, #tpu.memory_space<vmem>>
        %dma_start3A_459 = arith.constant 0 : i32
        %dma_start3A_460 = tpu.memref_slice %arg20[%dma_start3A_459] : memref<10240xf32, #tpu.memory_space<vmem_shared>> -> memref<10240xf32, #tpu.memory_space<vmem_shared>>
        tpu.enqueue_indirect_dma source(%arg17 : memref<128xf32, #tpu.memory_space<vmem>>) target(%dma_start3A_460 : memref<10240xf32, #tpu.memory_space<vmem_shared>>) offsets(%dma_start3A_458 : memref<128xi32, #tpu.memory_space<vmem>>) semaphore(%run_scoped3A_455 : memref<!tpu.dma_semaphore, #tpu.memory_space<semaphore_mem>>) {add = true}
        %dma_wait3A_461 = arith.constant 0 : i32
        %dma_wait3A_462 = tpu.memref_slice %arg10[%add3A_318, %run_scoped3A_454, %dma_wait3A_461] : memref<40x1x128xi32, #tpu.memory_space<vmem>> -> memref<1x1x128xi32, #tpu.memory_space<vmem>>
        %dma_wait3A_463 = tpu.memref_squeeze %dma_wait3A_462 : memref<1x1x128xi32, #tpu.memory_space<vmem>> -> memref<128xi32, #tpu.memory_space<vmem>>
        %dma_wait3A_464 = arith.constant 0 : i32
        %dma_wait3A_465 = tpu.memref_slice %arg20[%dma_wait3A_464] : memref<10240xf32, #tpu.memory_space<vmem_shared>> -> memref<10240xf32, #tpu.memory_space<vmem_shared>>
        tpu.wait_indirect_dma semaphore(%run_scoped3A_455 : memref<!tpu.dma_semaphore, #tpu.memory_space<semaphore_mem>>) src(%arg17 : memref<128xf32, #tpu.memory_space<vmem>>) dst(%dma_wait3A_465 : memref<10240xf32, #tpu.memory_space<vmem_shared>>)
        tpu.yield
      }) : () -> ()
    }
    %scan3A_92 = arith.constant 20 : i32
    %mul3A_93 = arith.constant 80 : i32
    %mul3A_94 = arith.muli %add3A, %mul3A_93 : i32
    %add3A_95 = arith.constant 40 : i32
    %add3A_96 = arith.addi %mul3A_94, %add3A_95 : i32
    "tpu.region"() ({
      %run_scoped3A = tpu.sem_alloc : memref<!tpu.dma_semaphore, #tpu.memory_space<semaphore_mem>>
      %dma_start3A_147 = arith.constant 0 : i32
      %dma_start3A_148 = arith.constant 0 : i32
      %dma_start3A_149 = tpu.memref_slice %arg2[%add3A_96, %dma_start3A_147, %dma_start3A_148] : memref<2560x1x128xi32, #tpu.memory_space<hbm>> -> memref<40x1x128xi32, #tpu.memory_space<hbm>>
      %dma_start3A_150 = arith.constant 0 : i32
      %dma_start3A_151 = arith.constant 0 : i32
      %dma_start3A_152 = tpu.memref_slice %arg2[%add3A_96, %dma_start3A_150, %dma_start3A_151] : memref<2560x1x128xi32, #tpu.memory_space<hbm>> -> memref<40x1x128xi32, #tpu.memory_space<hbm>>
      tpu.enqueue_dma source(%dma_start3A_152 : memref<40x1x128xi32, #tpu.memory_space<hbm>>) target(%arg9 : memref<40x1x128xi32, #tpu.memory_space<vmem>>) target_semaphore(%run_scoped3A : memref<!tpu.dma_semaphore, #tpu.memory_space<semaphore_mem>>)
      %dma_wait3A = arith.constant 0 : i32
      %dma_wait3A_153 = arith.constant 0 : i32
      %dma_wait3A_154 = tpu.memref_slice %arg2[%add3A_96, %dma_wait3A, %dma_wait3A_153] : memref<2560x1x128xi32, #tpu.memory_space<hbm>> -> memref<40x1x128xi32, #tpu.memory_space<hbm>>
      %dma_wait3A_155 = arith.constant 0 : i32
      %dma_wait3A_156 = arith.constant 0 : i32
      %dma_wait3A_157 = tpu.memref_slice %arg2[%add3A_96, %dma_wait3A_155, %dma_wait3A_156] : memref<2560x1x128xi32, #tpu.memory_space<hbm>> -> memref<40x1x128xi32, #tpu.memory_space<hbm>>
      tpu.wait_dma2 semaphore(%run_scoped3A : memref<!tpu.dma_semaphore, #tpu.memory_space<semaphore_mem>>) src(%dma_wait3A_157 : memref<40x1x128xi32, #tpu.memory_space<hbm>>) dst(%arg9 : memref<40x1x128xi32, #tpu.memory_space<vmem>>)
      tpu.yield
    }) : () -> ()
    %mul3A_97 = arith.constant 80 : i32
    %mul3A_98 = arith.muli %add3A, %mul3A_97 : i32
    %add3A_99 = arith.constant 40 : i32
    %add3A_100 = arith.addi %mul3A_98, %add3A_99 : i32
    "tpu.region"() ({
      %run_scoped3A = tpu.sem_alloc : memref<!tpu.dma_semaphore, #tpu.memory_space<semaphore_mem>>
      %dma_start3A_147 = arith.constant 0 : i32
      %dma_start3A_148 = arith.constant 0 : i32
      %dma_start3A_149 = tpu.memref_slice %arg3[%add3A_100, %dma_start3A_147, %dma_start3A_148] : memref<2560x1x128xi32, #tpu.memory_space<hbm>> -> memref<40x1x128xi32, #tpu.memory_space<hbm>>
      %dma_start3A_150 = arith.constant 0 : i32
      %dma_start3A_151 = arith.constant 0 : i32
      %dma_start3A_152 = tpu.memref_slice %arg3[%add3A_100, %dma_start3A_150, %dma_start3A_151] : memref<2560x1x128xi32, #tpu.memory_space<hbm>> -> memref<40x1x128xi32, #tpu.memory_space<hbm>>
      tpu.enqueue_dma source(%dma_start3A_152 : memref<40x1x128xi32, #tpu.memory_space<hbm>>) target(%arg10 : memref<40x1x128xi32, #tpu.memory_space<vmem>>) target_semaphore(%run_scoped3A : memref<!tpu.dma_semaphore, #tpu.memory_space<semaphore_mem>>)
      %dma_wait3A = arith.constant 0 : i32
      %dma_wait3A_153 = arith.constant 0 : i32
      %dma_wait3A_154 = tpu.memref_slice %arg3[%add3A_100, %dma_wait3A, %dma_wait3A_153] : memref<2560x1x128xi32, #tpu.memory_space<hbm>> -> memref<40x1x128xi32, #tpu.memory_space<hbm>>
      %dma_wait3A_155 = arith.constant 0 : i32
      %dma_wait3A_156 = arith.constant 0 : i32
      %dma_wait3A_157 = tpu.memref_slice %arg3[%add3A_100, %dma_wait3A_155, %dma_wait3A_156] : memref<2560x1x128xi32, #tpu.memory_space<hbm>> -> memref<40x1x128xi32, #tpu.memory_space<hbm>>
      tpu.wait_dma2 semaphore(%run_scoped3A : memref<!tpu.dma_semaphore, #tpu.memory_space<semaphore_mem>>) src(%dma_wait3A_157 : memref<40x1x128xi32, #tpu.memory_space<hbm>>) dst(%arg10 : memref<40x1x128xi32, #tpu.memory_space<vmem>>)
      tpu.yield
    }) : () -> ()
    %dma_start3A_101 = arith.constant 0 : i32
    %dma_start3A_102 = arith.constant 0 : i32
    %dma_start3A_103 = arith.constant 0 : i32
    %dma_start3A_104 = arith.constant 0 : i32
    %dma_start3A_105 = tpu.memref_slice %arg14[%dma_start3A_103, %dma_start3A_104] : memref<128x128xf32, #tpu.memory_space<vmem>> -> memref<64x128xf32, #tpu.memory_space<vmem>>
    %dma_start3A_106 = arith.constant 0 : i32
    %dma_start3A_107 = tpu.memref_slice %arg9[%dma_start3A_101, %dma_start3A_102, %dma_start3A_106] : memref<40x1x128xi32, #tpu.memory_space<vmem>> -> memref<1x1x64xi32, #tpu.memory_space<vmem>>
    %dma_start3A_108 = tpu.memref_squeeze %dma_start3A_107 : memref<1x1x64xi32, #tpu.memory_space<vmem>> -> memref<64xi32, #tpu.memory_space<vmem>>
    %dma_start3A_109 = arith.constant 0 : i32
    %dma_start3A_110 = arith.constant 0 : i32
    %dma_start3A_111 = tpu.memref_slice %arg6[%dma_start3A_109, %dma_start3A_110] : memref<10000x128xf32, #tpu.memory_space<hbm>> -> memref<10000x128xf32, #tpu.memory_space<hbm>>
    tpu.enqueue_indirect_dma source(%dma_start3A_111 : memref<10000x128xf32, #tpu.memory_space<hbm>>) target(%dma_start3A_105 : memref<64x128xf32, #tpu.memory_space<vmem>>) offsets(%dma_start3A_108 : memref<64xi32, #tpu.memory_space<vmem>>) semaphore(%arg23 : memref<!tpu.dma_semaphore, #tpu.memory_space<semaphore_mem>>)
    %dma_start3A_112 = arith.constant 0 : i32
    %dma_start3A_113 = arith.constant 0 : i32
    %dma_start3A_114 = arith.constant 64 : i32
    %dma_start3A_115 = arith.constant 0 : i32
    %dma_start3A_116 = tpu.memref_slice %arg14[%dma_start3A_114, %dma_start3A_115] : memref<128x128xf32, #tpu.memory_space<vmem>> -> memref<64x128xf32, #tpu.memory_space<vmem>>
    %dma_start3A_117 = arith.constant 64 : i32
    %dma_start3A_118 = tpu.memref_slice %arg9[%dma_start3A_112, %dma_start3A_113, %dma_start3A_117] : memref<40x1x128xi32, #tpu.memory_space<vmem>> -> memref<1x1x64xi32, #tpu.memory_space<vmem>>
    %dma_start3A_119 = tpu.memref_squeeze %dma_start3A_118 : memref<1x1x64xi32, #tpu.memory_space<vmem>> -> memref<64xi32, #tpu.memory_space<vmem>>
    %dma_start3A_120 = arith.constant 0 : i32
    %dma_start3A_121 = arith.constant 0 : i32
    %dma_start3A_122 = tpu.memref_slice %arg6[%dma_start3A_120, %dma_start3A_121] : memref<10000x128xf32, #tpu.memory_space<hbm>> -> memref<10000x128xf32, #tpu.memory_space<hbm>>
    tpu.enqueue_indirect_dma source(%dma_start3A_122 : memref<10000x128xf32, #tpu.memory_space<hbm>>) target(%dma_start3A_116 : memref<64x128xf32, #tpu.memory_space<vmem>>) offsets(%dma_start3A_119 : memref<64xi32, #tpu.memory_space<vmem>>) semaphore(%arg24 : memref<!tpu.dma_semaphore, #tpu.memory_space<semaphore_mem>>)
    %dma_start3A_123 = arith.constant 0 : i32
    %dma_start3A_124 = arith.constant 0 : i32
    %dma_start3A_125 = arith.constant 0 : i32
    %dma_start3A_126 = tpu.memref_slice %arg9[%dma_start3A_123, %dma_start3A_124, %dma_start3A_125] : memref<40x1x128xi32, #tpu.memory_space<vmem>> -> memref<1x1x128xi32, #tpu.memory_space<vmem>>
    %dma_start3A_127 = tpu.memref_squeeze %dma_start3A_126 : memref<1x1x128xi32, #tpu.memory_space<vmem>> -> memref<128xi32, #tpu.memory_space<vmem>>
    %dma_start3A_128 = arith.constant 0 : i32
    %dma_start3A_129 = tpu.memref_slice %arg4[%dma_start3A_128] : memref<10000xf32, #tpu.memory_space<hbm>> -> memref<10000xf32, #tpu.memory_space<hbm>>
    tpu.enqueue_indirect_dma source(%dma_start3A_129 : memref<10000xf32, #tpu.memory_space<hbm>>) target(%arg11 : memref<128xf32, #tpu.memory_space<vmem>>) offsets(%dma_start3A_127 : memref<128xi32, #tpu.memory_space<vmem>>) semaphore(%arg21 : memref<!tpu.dma_semaphore, #tpu.memory_space<semaphore_mem>>)
    %dma_start3A_130 = arith.constant 0 : i32
    %dma_start3A_131 = arith.constant 0 : i32
    %dma_start3A_132 = arith.constant 0 : i32
    %dma_start3A_133 = tpu.memref_slice %arg10[%dma_start3A_130, %dma_start3A_131, %dma_start3A_132] : memref<40x1x128xi32, #tpu.memory_space<vmem>> -> memref<1x1x128xi32, #tpu.memory_space<vmem>>
    %dma_start3A_134 = tpu.memref_squeeze %dma_start3A_133 : memref<1x1x128xi32, #tpu.memory_space<vmem>> -> memref<128xi32, #tpu.memory_space<vmem>>
    %dma_start3A_135 = arith.constant 0 : i32
    %dma_start3A_136 = tpu.memref_slice %arg5[%dma_start3A_135] : memref<10240xf32, #tpu.memory_space<hbm>> -> memref<10240xf32, #tpu.memory_space<hbm>>
    tpu.enqueue_indirect_dma source(%dma_start3A_136 : memref<10240xf32, #tpu.memory_space<hbm>>) target(%arg12 : memref<128xf32, #tpu.memory_space<vmem>>) offsets(%dma_start3A_134 : memref<128xi32, #tpu.memory_space<vmem>>) semaphore(%arg22 : memref<!tpu.dma_semaphore, #tpu.memory_space<semaphore_mem>>)
    %scan3A_137 = arith.constant 0 : i32
    %scan3A_138 = arith.constant 0 : i32
    %scan3A_139 = arith.constant 20 : i32
    %scan3A_140 = arith.addi %scan3A_138, %scan3A_139 : i32
    %scan3A_141 = arith.constant 1 : i32
    scf.for %scan3A_147 = %scan3A_138 to %scan3A_140 step %scan3A_141  : i32 {
      %mul3A_148 = arith.constant 2 : i32
      %mul3A_149 = arith.muli %mul3A_148, %scan3A_147 : i32
      %add3A_150 = arith.constant 1 : i32
      %add3A_151 = arith.addi %mul3A_149, %add3A_150 : i32
      %dma_start3A_152 = arith.constant 0 : i32
      %dma_start3A_153 = arith.constant 0 : i32
      %dma_start3A_154 = arith.constant 0 : i32
      %dma_start3A_155 = tpu.memref_slice %arg18[%dma_start3A_153, %dma_start3A_154] : memref<128x128xf32, #tpu.memory_space<vmem>> -> memref<64x128xf32, #tpu.memory_space<vmem>>
      %dma_start3A_156 = arith.constant 0 : i32
      %dma_start3A_157 = tpu.memref_slice %arg9[%add3A_151, %dma_start3A_152, %dma_start3A_156] : memref<40x1x128xi32, #tpu.memory_space<vmem>> -> memref<1x1x64xi32, #tpu.memory_space<vmem>>
      %dma_start3A_158 = tpu.memref_squeeze %dma_start3A_157 : memref<1x1x64xi32, #tpu.memory_space<vmem>> -> memref<64xi32, #tpu.memory_space<vmem>>
      %dma_start3A_159 = arith.constant 0 : i32
      %dma_start3A_160 = arith.constant 0 : i32
      %dma_start3A_161 = tpu.memref_slice %arg6[%dma_start3A_159, %dma_start3A_160] : memref<10000x128xf32, #tpu.memory_space<hbm>> -> memref<10000x128xf32, #tpu.memory_space<hbm>>
      tpu.enqueue_indirect_dma source(%dma_start3A_161 : memref<10000x128xf32, #tpu.memory_space<hbm>>) target(%dma_start3A_155 : memref<64x128xf32, #tpu.memory_space<vmem>>) offsets(%dma_start3A_158 : memref<64xi32, #tpu.memory_space<vmem>>) semaphore(%arg27 : memref<!tpu.dma_semaphore, #tpu.memory_space<semaphore_mem>>)
      %dma_start3A_162 = arith.constant 0 : i32
      %dma_start3A_163 = arith.constant 64 : i32
      %dma_start3A_164 = arith.constant 0 : i32
      %dma_start3A_165 = tpu.memref_slice %arg18[%dma_start3A_163, %dma_start3A_164] : memref<128x128xf32, #tpu.memory_space<vmem>> -> memref<64x128xf32, #tpu.memory_space<vmem>>
      %dma_start3A_166 = arith.constant 64 : i32
      %dma_start3A_167 = tpu.memref_slice %arg9[%add3A_151, %dma_start3A_162, %dma_start3A_166] : memref<40x1x128xi32, #tpu.memory_space<vmem>> -> memref<1x1x64xi32, #tpu.memory_space<vmem>>
      %dma_start3A_168 = tpu.memref_squeeze %dma_start3A_167 : memref<1x1x64xi32, #tpu.memory_space<vmem>> -> memref<64xi32, #tpu.memory_space<vmem>>
      %dma_start3A_169 = arith.constant 0 : i32
      %dma_start3A_170 = arith.constant 0 : i32
      %dma_start3A_171 = tpu.memref_slice %arg6[%dma_start3A_169, %dma_start3A_170] : memref<10000x128xf32, #tpu.memory_space<hbm>> -> memref<10000x128xf32, #tpu.memory_space<hbm>>
      tpu.enqueue_indirect_dma source(%dma_start3A_171 : memref<10000x128xf32, #tpu.memory_space<hbm>>) target(%dma_start3A_165 : memref<64x128xf32, #tpu.memory_space<vmem>>) offsets(%dma_start3A_168 : memref<64xi32, #tpu.memory_space<vmem>>) semaphore(%arg28 : memref<!tpu.dma_semaphore, #tpu.memory_space<semaphore_mem>>)
      %dma_start3A_172 = arith.constant 0 : i32
      %dma_start3A_173 = arith.constant 0 : i32
      %dma_start3A_174 = tpu.memref_slice %arg9[%add3A_151, %dma_start3A_172, %dma_start3A_173] : memref<40x1x128xi32, #tpu.memory_space<vmem>> -> memref<1x1x128xi32, #tpu.memory_space<vmem>>
      %dma_start3A_175 = tpu.memref_squeeze %dma_start3A_174 : memref<1x1x128xi32, #tpu.memory_space<vmem>> -> memref<128xi32, #tpu.memory_space<vmem>>
      %dma_start3A_176 = arith.constant 0 : i32
      %dma_start3A_177 = tpu.memref_slice %arg4[%dma_start3A_176] : memref<10000xf32, #tpu.memory_space<hbm>> -> memref<10000xf32, #tpu.memory_space<hbm>>
      tpu.enqueue_indirect_dma source(%dma_start3A_177 : memref<10000xf32, #tpu.memory_space<hbm>>) target(%arg15 : memref<128xf32, #tpu.memory_space<vmem>>) offsets(%dma_start3A_175 : memref<128xi32, #tpu.memory_space<vmem>>) semaphore(%arg25 : memref<!tpu.dma_semaphore, #tpu.memory_space<semaphore_mem>>)
      %dma_start3A_178 = arith.constant 0 : i32
      %dma_start3A_179 = arith.constant 0 : i32
      %dma_start3A_180 = tpu.memref_slice %arg10[%add3A_151, %dma_start3A_178, %dma_start3A_179] : memref<40x1x128xi32, #tpu.memory_space<vmem>> -> memref<1x1x128xi32, #tpu.memory_space<vmem>>
      %dma_start3A_181 = tpu.memref_squeeze %dma_start3A_180 : memref<1x1x128xi32, #tpu.memory_space<vmem>> -> memref<128xi32, #tpu.memory_space<vmem>>
      %dma_start3A_182 = arith.constant 0 : i32
      %dma_start3A_183 = tpu.memref_slice %arg5[%dma_start3A_182] : memref<10240xf32, #tpu.memory_space<hbm>> -> memref<10240xf32, #tpu.memory_space<hbm>>
      tpu.enqueue_indirect_dma source(%dma_start3A_183 : memref<10240xf32, #tpu.memory_space<hbm>>) target(%arg16 : memref<128xf32, #tpu.memory_space<vmem>>) offsets(%dma_start3A_181 : memref<128xi32, #tpu.memory_space<vmem>>) semaphore(%arg26 : memref<!tpu.dma_semaphore, #tpu.memory_space<semaphore_mem>>)
      %dma_wait3A = arith.constant 0 : i32
      %dma_wait3A_184 = arith.constant 0 : i32
      %dma_wait3A_185 = tpu.memref_slice %arg9[%mul3A_149, %dma_wait3A, %dma_wait3A_184] : memref<40x1x128xi32, #tpu.memory_space<vmem>> -> memref<1x1x128xi32, #tpu.memory_space<vmem>>
      %dma_wait3A_186 = tpu.memref_squeeze %dma_wait3A_185 : memref<1x1x128xi32, #tpu.memory_space<vmem>> -> memref<128xi32, #tpu.memory_space<vmem>>
      %dma_wait3A_187 = arith.constant 0 : i32
      %dma_wait3A_188 = tpu.memref_slice %arg4[%dma_wait3A_187] : memref<10000xf32, #tpu.memory_space<hbm>> -> memref<10000xf32, #tpu.memory_space<hbm>>
      tpu.wait_indirect_dma semaphore(%arg21 : memref<!tpu.dma_semaphore, #tpu.memory_space<semaphore_mem>>) src(%dma_wait3A_188 : memref<10000xf32, #tpu.memory_space<hbm>>) dst(%arg11 : memref<128xf32, #tpu.memory_space<vmem>>)
      %dma_wait3A_189 = arith.constant 0 : i32
      %dma_wait3A_190 = arith.constant 0 : i32
      %dma_wait3A_191 = tpu.memref_slice %arg10[%mul3A_149, %dma_wait3A_189, %dma_wait3A_190] : memref<40x1x128xi32, #tpu.memory_space<vmem>> -> memref<1x1x128xi32, #tpu.memory_space<vmem>>
      %dma_wait3A_192 = tpu.memref_squeeze %dma_wait3A_191 : memref<1x1x128xi32, #tpu.memory_space<vmem>> -> memref<128xi32, #tpu.memory_space<vmem>>
      %dma_wait3A_193 = arith.constant 0 : i32
      %dma_wait3A_194 = tpu.memref_slice %arg5[%dma_wait3A_193] : memref<10240xf32, #tpu.memory_space<hbm>> -> memref<10240xf32, #tpu.memory_space<hbm>>
      tpu.wait_indirect_dma semaphore(%arg22 : memref<!tpu.dma_semaphore, #tpu.memory_space<semaphore_mem>>) src(%dma_wait3A_194 : memref<10240xf32, #tpu.memory_space<hbm>>) dst(%arg12 : memref<128xf32, #tpu.memory_space<vmem>>)
      %get3A = arith.constant 0 : index
      %get3A_195 = tpu.vector_load %arg11[%get3A] {strides = array<i32>} : memref<128xf32, #tpu.memory_space<vmem>>, vector<16xf32>,
      %get3A_196 = arith.constant 0 : index
      %get3A_197 = tpu.vector_load %arg12[%get3A_196] {strides = array<i32>} : memref<128xf32, #tpu.memory_space<vmem>>, vector<16xf32>,
      %add3A_198 = arith.addf %get3A_195, %get3A_197 : vector<16xf32>
      %mul3A_199 = arith.constant 2.000000e-01 : f32
      %mul3A_200 = vector.broadcast %mul3A_199 : f32 to vector<16xf32>
      %mul3A_201 = arith.mulf %mul3A_200, %add3A_198 : vector<16xf32>
      %max3A = arith.maximumf %add3A_198, %mul3A_201 : vector<16xf32>
      %exp3A = math.exp %max3A : vector<16xf32>
      %swap3A_202 = arith.constant 0 : index
      %swap3A_203 = tpu.vector_load %arg13[%swap3A_202] {strides = array<i32>} : memref<128xf32, #tpu.memory_space<vmem>>, vector<16xf32>,
      tpu.vector_store %arg13[%swap3A_202], %exp3A {strides = array<i32>} : memref<128xf32, #tpu.memory_space<vmem>>, vector<16xf32>,
      %get3A_204 = arith.constant 16 : index
      %get3A_205 = tpu.vector_load %arg11[%get3A_204] {strides = array<i32>} : memref<128xf32, #tpu.memory_space<vmem>>, vector<16xf32>,
      %get3A_206 = arith.constant 16 : index
      %get3A_207 = tpu.vector_load %arg12[%get3A_206] {strides = array<i32>} : memref<128xf32, #tpu.memory_space<vmem>>, vector<16xf32>,
      %add3A_208 = arith.addf %get3A_205, %get3A_207 : vector<16xf32>
      %mul3A_209 = arith.constant 2.000000e-01 : f32
      %mul3A_210 = vector.broadcast %mul3A_209 : f32 to vector<16xf32>
      %mul3A_211 = arith.mulf %mul3A_210, %add3A_208 : vector<16xf32>
      %max3A_212 = arith.maximumf %add3A_208, %mul3A_211 : vector<16xf32>
      %exp3A_213 = math.exp %max3A_212 : vector<16xf32>
      %swap3A_214 = arith.constant 16 : index
      %swap3A_215 = tpu.vector_load %arg13[%swap3A_214] {strides = array<i32>} : memref<128xf32, #tpu.memory_space<vmem>>, vector<16xf32>,
      tpu.vector_store %arg13[%swap3A_214], %exp3A_213 {strides = array<i32>} : memref<128xf32, #tpu.memory_space<vmem>>, vector<16xf32>,
      %get3A_216 = arith.constant 32 : index
      %get3A_217 = tpu.vector_load %arg11[%get3A_216] {strides = array<i32>} : memref<128xf32, #tpu.memory_space<vmem>>, vector<16xf32>,
      %get3A_218 = arith.constant 32 : index
      %get3A_219 = tpu.vector_load %arg12[%get3A_218] {strides = array<i32>} : memref<128xf32, #tpu.memory_space<vmem>>, vector<16xf32>,
      %add3A_220 = arith.addf %get3A_217, %get3A_219 : vector<16xf32>
      %mul3A_221 = arith.constant 2.000000e-01 : f32
      %mul3A_222 = vector.broadcast %mul3A_221 : f32 to vector<16xf32>
      %mul3A_223 = arith.mulf %mul3A_222, %add3A_220 : vector<16xf32>
      %max3A_224 = arith.maximumf %add3A_220, %mul3A_223 : vector<16xf32>
      %exp3A_225 = math.exp %max3A_224 : vector<16xf32>
      %swap3A_226 = arith.constant 32 : index
      %swap3A_227 = tpu.vector_load %arg13[%swap3A_226] {strides = array<i32>} : memref<128xf32, #tpu.memory_space<vmem>>, vector<16xf32>,
      tpu.vector_store %arg13[%swap3A_226], %exp3A_225 {strides = array<i32>} : memref<128xf32, #tpu.memory_space<vmem>>, vector<16xf32>,
      %get3A_228 = arith.constant 48 : index
      %get3A_229 = tpu.vector_load %arg11[%get3A_228] {strides = array<i32>} : memref<128xf32, #tpu.memory_space<vmem>>, vector<16xf32>,
      %get3A_230 = arith.constant 48 : index
      %get3A_231 = tpu.vector_load %arg12[%get3A_230] {strides = array<i32>} : memref<128xf32, #tpu.memory_space<vmem>>, vector<16xf32>,
      %add3A_232 = arith.addf %get3A_229, %get3A_231 : vector<16xf32>
      %mul3A_233 = arith.constant 2.000000e-01 : f32
      %mul3A_234 = vector.broadcast %mul3A_233 : f32 to vector<16xf32>
      %mul3A_235 = arith.mulf %mul3A_234, %add3A_232 : vector<16xf32>
      %max3A_236 = arith.maximumf %add3A_232, %mul3A_235 : vector<16xf32>
      %exp3A_237 = math.exp %max3A_236 : vector<16xf32>
      %swap3A_238 = arith.constant 48 : index
      %swap3A_239 = tpu.vector_load %arg13[%swap3A_238] {strides = array<i32>} : memref<128xf32, #tpu.memory_space<vmem>>, vector<16xf32>,
      tpu.vector_store %arg13[%swap3A_238], %exp3A_237 {strides = array<i32>} : memref<128xf32, #tpu.memory_space<vmem>>, vector<16xf32>,
      %get3A_240 = arith.constant 64 : index
      %get3A_241 = tpu.vector_load %arg11[%get3A_240] {strides = array<i32>} : memref<128xf32, #tpu.memory_space<vmem>>, vector<16xf32>,
      %get3A_242 = arith.constant 64 : index
      %get3A_243 = tpu.vector_load %arg12[%get3A_242] {strides = array<i32>} : memref<128xf32, #tpu.memory_space<vmem>>, vector<16xf32>,
      %add3A_244 = arith.addf %get3A_241, %get3A_243 : vector<16xf32>
      %mul3A_245 = arith.constant 2.000000e-01 : f32
      %mul3A_246 = vector.broadcast %mul3A_245 : f32 to vector<16xf32>
      %mul3A_247 = arith.mulf %mul3A_246, %add3A_244 : vector<16xf32>
      %max3A_248 = arith.maximumf %add3A_244, %mul3A_247 : vector<16xf32>
      %exp3A_249 = math.exp %max3A_248 : vector<16xf32>
      %swap3A_250 = arith.constant 64 : index
      %swap3A_251 = tpu.vector_load %arg13[%swap3A_250] {strides = array<i32>} : memref<128xf32, #tpu.memory_space<vmem>>, vector<16xf32>,
      tpu.vector_store %arg13[%swap3A_250], %exp3A_249 {strides = array<i32>} : memref<128xf32, #tpu.memory_space<vmem>>, vector<16xf32>,
      %get3A_252 = arith.constant 80 : index
      %get3A_253 = tpu.vector_load %arg11[%get3A_252] {strides = array<i32>} : memref<128xf32, #tpu.memory_space<vmem>>, vector<16xf32>,
      %get3A_254 = arith.constant 80 : index
      %get3A_255 = tpu.vector_load %arg12[%get3A_254] {strides = array<i32>} : memref<128xf32, #tpu.memory_space<vmem>>, vector<16xf32>,
      %add3A_256 = arith.addf %get3A_253, %get3A_255 : vector<16xf32>
      %mul3A_257 = arith.constant 2.000000e-01 : f32
      %mul3A_258 = vector.broadcast %mul3A_257 : f32 to vector<16xf32>
      %mul3A_259 = arith.mulf %mul3A_258, %add3A_256 : vector<16xf32>
      %max3A_260 = arith.maximumf %add3A_256, %mul3A_259 : vector<16xf32>
      %exp3A_261 = math.exp %max3A_260 : vector<16xf32>
      %swap3A_262 = arith.constant 80 : index
      %swap3A_263 = tpu.vector_load %arg13[%swap3A_262] {strides = array<i32>} : memref<128xf32, #tpu.memory_space<vmem>>, vector<16xf32>,
      tpu.vector_store %arg13[%swap3A_262], %exp3A_261 {strides = array<i32>} : memref<128xf32, #tpu.memory_space<vmem>>, vector<16xf32>,
      %get3A_264 = arith.constant 96 : index
      %get3A_265 = tpu.vector_load %arg11[%get3A_264] {strides = array<i32>} : memref<128xf32, #tpu.memory_space<vmem>>, vector<16xf32>,
      %get3A_266 = arith.constant 96 : index
      %get3A_267 = tpu.vector_load %arg12[%get3A_266] {strides = array<i32>} : memref<128xf32, #tpu.memory_space<vmem>>, vector<16xf32>,
      %add3A_268 = arith.addf %get3A_265, %get3A_267 : vector<16xf32>
      %mul3A_269 = arith.constant 2.000000e-01 : f32
      %mul3A_270 = vector.broadcast %mul3A_269 : f32 to vector<16xf32>
      %mul3A_271 = arith.mulf %mul3A_270, %add3A_268 : vector<16xf32>
      %max3A_272 = arith.maximumf %add3A_268, %mul3A_271 : vector<16xf32>
      %exp3A_273 = math.exp %max3A_272 : vector<16xf32>
      %swap3A_274 = arith.constant 96 : index
      %swap3A_275 = tpu.vector_load %arg13[%swap3A_274] {strides = array<i32>} : memref<128xf32, #tpu.memory_space<vmem>>, vector<16xf32>,
      tpu.vector_store %arg13[%swap3A_274], %exp3A_273 {strides = array<i32>} : memref<128xf32, #tpu.memory_space<vmem>>, vector<16xf32>,
      %get3A_276 = arith.constant 112 : index
      %get3A_277 = tpu.vector_load %arg11[%get3A_276] {strides = array<i32>} : memref<128xf32, #tpu.memory_space<vmem>>, vector<16xf32>,
      %get3A_278 = arith.constant 112 : index
      %get3A_279 = tpu.vector_load %arg12[%get3A_278] {strides = array<i32>} : memref<128xf32, #tpu.memory_space<vmem>>, vector<16xf32>,
      %add3A_280 = arith.addf %get3A_277, %get3A_279 : vector<16xf32>
      %mul3A_281 = arith.constant 2.000000e-01 : f32
      %mul3A_282 = vector.broadcast %mul3A_281 : f32 to vector<16xf32>
      %mul3A_283 = arith.mulf %mul3A_282, %add3A_280 : vector<16xf32>
      %max3A_284 = arith.maximumf %add3A_280, %mul3A_283 : vector<16xf32>
      %exp3A_285 = math.exp %max3A_284 : vector<16xf32>
      %swap3A_286 = arith.constant 112 : index
      %swap3A_287 = tpu.vector_load %arg13[%swap3A_286] {strides = array<i32>} : memref<128xf32, #tpu.memory_space<vmem>>, vector<16xf32>,
      tpu.vector_store %arg13[%swap3A_286], %exp3A_285 {strides = array<i32>} : memref<128xf32, #tpu.memory_space<vmem>>, vector<16xf32>,
      %dma_wait3A_288 = arith.constant 0 : i32
      %dma_wait3A_289 = arith.constant 0 : i32
      %dma_wait3A_290 = arith.constant 0 : i32
      %dma_wait3A_291 = tpu.memref_slice %arg14[%dma_wait3A_289, %dma_wait3A_290] : memref<128x128xf32, #tpu.memory_space<vmem>> -> memref<64x128xf32, #tpu.memory_space<vmem>>
      %dma_wait3A_292 = arith.constant 0 : i32
      %dma_wait3A_293 = tpu.memref_slice %arg9[%mul3A_149, %dma_wait3A_288, %dma_wait3A_292] : memref<40x1x128xi32, #tpu.memory_space<vmem>> -> memref<1x1x64xi32, #tpu.memory_space<vmem>>
      %dma_wait3A_294 = tpu.memref_squeeze %dma_wait3A_293 : memref<1x1x64xi32, #tpu.memory_space<vmem>> -> memref<64xi32, #tpu.memory_space<vmem>>
      %dma_wait3A_295 = arith.constant 0 : i32
      %dma_wait3A_296 = arith.constant 0 : i32
      %dma_wait3A_297 = tpu.memref_slice %arg6[%dma_wait3A_295, %dma_wait3A_296] : memref<10000x128xf32, #tpu.memory_space<hbm>> -> memref<10000x128xf32, #tpu.memory_space<hbm>>
      tpu.wait_indirect_dma semaphore(%arg23 : memref<!tpu.dma_semaphore, #tpu.memory_space<semaphore_mem>>) src(%dma_wait3A_297 : memref<10000x128xf32, #tpu.memory_space<hbm>>) dst(%dma_wait3A_291 : memref<64x128xf32, #tpu.memory_space<vmem>>)
      %dma_wait3A_298 = arith.constant 0 : i32
      %dma_wait3A_299 = arith.constant 64 : i32
      %dma_wait3A_300 = arith.constant 0 : i32
      %dma_wait3A_301 = tpu.memref_slice %arg14[%dma_wait3A_299, %dma_wait3A_300] : memref<128x128xf32, #tpu.memory_space<vmem>> -> memref<64x128xf32, #tpu.memory_space<vmem>>
      %dma_wait3A_302 = arith.constant 64 : i32
      %dma_wait3A_303 = tpu.memref_slice %arg9[%mul3A_149, %dma_wait3A_298, %dma_wait3A_302] : memref<40x1x128xi32, #tpu.memory_space<vmem>> -> memref<1x1x64xi32, #tpu.memory_space<vmem>>
      %dma_wait3A_304 = tpu.memref_squeeze %dma_wait3A_303 : memref<1x1x64xi32, #tpu.memory_space<vmem>> -> memref<64xi32, #tpu.memory_space<vmem>>
      %dma_wait3A_305 = arith.constant 0 : i32
      %dma_wait3A_306 = arith.constant 0 : i32
      %dma_wait3A_307 = tpu.memref_slice %arg6[%dma_wait3A_305, %dma_wait3A_306] : memref<10000x128xf32, #tpu.memory_space<hbm>> -> memref<10000x128xf32, #tpu.memory_space<hbm>>
      tpu.wait_indirect_dma semaphore(%arg24 : memref<!tpu.dma_semaphore, #tpu.memory_space<semaphore_mem>>) src(%dma_wait3A_307 : memref<10000x128xf32, #tpu.memory_space<hbm>>) dst(%dma_wait3A_301 : memref<64x128xf32, #tpu.memory_space<vmem>>)
      %scan3A_308 = arith.constant 0 : i32
      %scan3A_309 = arith.constant 0 : i32
      %scan3A_310 = arith.constant 128 : i32
      %scan3A_311 = arith.addi %scan3A_309, %scan3A_310 : i32
      %scan3A_312 = arith.constant 1 : i32
      scf.for %scan3A_455 = %scan3A_309 to %scan3A_311 step %scan3A_312  : i32 {
        %broadcast_in_dim3A_456 = vector.broadcast %scan3A_455 : i32 to vector<16xi32>
        %gather3A = tpu.vector_load_idx %arg13[%broadcast_in_dim3A_456] : memref<128xf32, #tpu.memory_space<vmem>>[vector<16xi32>], vector<16xf32>,
        %get3A_457 = arith.index_cast %scan3A_455 : i32 to index
        %get3A_458 = arith.constant 0 : index
        %get3A_459 = tpu.vector_load %arg14[%get3A_457, %get3A_458] {strides = array<i32>} : memref<128x128xf32, #tpu.memory_space<vmem>>, vector<16xf32>,
        %mul3A_460 = arith.mulf %get3A_459, %gather3A : vector<16xf32>
        %swap3A_461 = arith.index_cast %scan3A_455 : i32 to index
        %swap3A_462 = arith.constant 0 : index
        %swap3A_463 = tpu.vector_load %arg14[%swap3A_461, %swap3A_462] {strides = array<i32>} : memref<128x128xf32, #tpu.memory_space<vmem>>, vector<16xf32>,
        tpu.vector_store %arg14[%swap3A_461, %swap3A_462], %mul3A_460 {strides = array<i32>} : memref<128x128xf32, #tpu.memory_space<vmem>>, vector<16xf32>,
        %get3A_464 = arith.index_cast %scan3A_455 : i32 to index
        %get3A_465 = arith.constant 16 : index
        %get3A_466 = tpu.vector_load %arg14[%get3A_464, %get3A_465] {strides = array<i32>} : memref<128x128xf32, #tpu.memory_space<vmem>>, vector<16xf32>,
        %mul3A_467 = arith.mulf %get3A_466, %gather3A : vector<16xf32>
        %swap3A_468 = arith.index_cast %scan3A_455 : i32 to index
        %swap3A_469 = arith.constant 16 : index
        %swap3A_470 = tpu.vector_load %arg14[%swap3A_468, %swap3A_469] {strides = array<i32>} : memref<128x128xf32, #tpu.memory_space<vmem>>, vector<16xf32>,
        tpu.vector_store %arg14[%swap3A_468, %swap3A_469], %mul3A_467 {strides = array<i32>} : memref<128x128xf32, #tpu.memory_space<vmem>>, vector<16xf32>,
        %get3A_471 = arith.index_cast %scan3A_455 : i32 to index
        %get3A_472 = arith.constant 32 : index
        %get3A_473 = tpu.vector_load %arg14[%get3A_471, %get3A_472] {strides = array<i32>} : memref<128x128xf32, #tpu.memory_space<vmem>>, vector<16xf32>,
        %mul3A_474 = arith.mulf %get3A_473, %gather3A : vector<16xf32>
        %swap3A_475 = arith.index_cast %scan3A_455 : i32 to index
        %swap3A_476 = arith.constant 32 : index
        %swap3A_477 = tpu.vector_load %arg14[%swap3A_475, %swap3A_476] {strides = array<i32>} : memref<128x128xf32, #tpu.memory_space<vmem>>, vector<16xf32>,
        tpu.vector_store %arg14[%swap3A_475, %swap3A_476], %mul3A_474 {strides = array<i32>} : memref<128x128xf32, #tpu.memory_space<vmem>>, vector<16xf32>,
        %get3A_478 = arith.index_cast %scan3A_455 : i32 to index
        %get3A_479 = arith.constant 48 : index
        %get3A_480 = tpu.vector_load %arg14[%get3A_478, %get3A_479] {strides = array<i32>} : memref<128x128xf32, #tpu.memory_space<vmem>>, vector<16xf32>,
        %mul3A_481 = arith.mulf %get3A_480, %gather3A : vector<16xf32>
        %swap3A_482 = arith.index_cast %scan3A_455 : i32 to index
        %swap3A_483 = arith.constant 48 : index
        %swap3A_484 = tpu.vector_load %arg14[%swap3A_482, %swap3A_483] {strides = array<i32>} : memref<128x128xf32, #tpu.memory_space<vmem>>, vector<16xf32>,
        tpu.vector_store %arg14[%swap3A_482, %swap3A_483], %mul3A_481 {strides = array<i32>} : memref<128x128xf32, #tpu.memory_space<vmem>>, vector<16xf32>,
        %get3A_485 = arith.index_cast %scan3A_455 : i32 to index
        %get3A_486 = arith.constant 64 : index
        %get3A_487 = tpu.vector_load %arg14[%get3A_485, %get3A_486] {strides = array<i32>} : memref<128x128xf32, #tpu.memory_space<vmem>>, vector<16xf32>,
        %mul3A_488 = arith.mulf %get3A_487, %gather3A : vector<16xf32>
        %swap3A_489 = arith.index_cast %scan3A_455 : i32 to index
        %swap3A_490 = arith.constant 64 : index
        %swap3A_491 = tpu.vector_load %arg14[%swap3A_489, %swap3A_490] {strides = array<i32>} : memref<128x128xf32, #tpu.memory_space<vmem>>, vector<16xf32>,
        tpu.vector_store %arg14[%swap3A_489, %swap3A_490], %mul3A_488 {strides = array<i32>} : memref<128x128xf32, #tpu.memory_space<vmem>>, vector<16xf32>,
        %get3A_492 = arith.index_cast %scan3A_455 : i32 to index
        %get3A_493 = arith.constant 80 : index
        %get3A_494 = tpu.vector_load %arg14[%get3A_492, %get3A_493] {strides = array<i32>} : memref<128x128xf32, #tpu.memory_space<vmem>>, vector<16xf32>,
        %mul3A_495 = arith.mulf %get3A_494, %gather3A : vector<16xf32>
        %swap3A_496 = arith.index_cast %scan3A_455 : i32 to index
        %swap3A_497 = arith.constant 80 : index
        %swap3A_498 = tpu.vector_load %arg14[%swap3A_496, %swap3A_497] {strides = array<i32>} : memref<128x128xf32, #tpu.memory_space<vmem>>, vector<16xf32>,
        tpu.vector_store %arg14[%swap3A_496, %swap3A_497], %mul3A_495 {strides = array<i32>} : memref<128x128xf32, #tpu.memory_space<vmem>>, vector<16xf32>,
        %get3A_499 = arith.index_cast %scan3A_455 : i32 to index
        %get3A_500 = arith.constant 96 : index
        %get3A_501 = tpu.vector_load %arg14[%get3A_499, %get3A_500] {strides = array<i32>} : memref<128x128xf32, #tpu.memory_space<vmem>>, vector<16xf32>,
        %mul3A_502 = arith.mulf %get3A_501, %gather3A : vector<16xf32>
        %swap3A_503 = arith.index_cast %scan3A_455 : i32 to index
        %swap3A_504 = arith.constant 96 : index
        %swap3A_505 = tpu.vector_load %arg14[%swap3A_503, %swap3A_504] {strides = array<i32>} : memref<128x128xf32, #tpu.memory_space<vmem>>, vector<16xf32>,
        tpu.vector_store %arg14[%swap3A_503, %swap3A_504], %mul3A_502 {strides = array<i32>} : memref<128x128xf32, #tpu.memory_space<vmem>>, vector<16xf32>,
        %get3A_506 = arith.index_cast %scan3A_455 : i32 to index
        %get3A_507 = arith.constant 112 : index
        %get3A_508 = tpu.vector_load %arg14[%get3A_506, %get3A_507] {strides = array<i32>} : memref<128x128xf32, #tpu.memory_space<vmem>>, vector<16xf32>,
        %mul3A_509 = arith.mulf %get3A_508, %gather3A : vector<16xf32>
        %swap3A_510 = arith.index_cast %scan3A_455 : i32 to index
        %swap3A_511 = arith.constant 112 : index
        %swap3A_512 = tpu.vector_load %arg14[%swap3A_510, %swap3A_511] {strides = array<i32>} : memref<128x128xf32, #tpu.memory_space<vmem>>, vector<16xf32>,
        tpu.vector_store %arg14[%swap3A_510, %swap3A_511], %mul3A_509 {strides = array<i32>} : memref<128x128xf32, #tpu.memory_space<vmem>>, vector<16xf32>,
      }
      %scan3A_313 = arith.constant 128 : i32
      %run_scoped3A = arith.constant 0 : i32
      "tpu.region"() ({
        %run_scoped3A_455 = tpu.sem_alloc : memref<!tpu.dma_semaphore, #tpu.memory_space<semaphore_mem>>
        %dma_start3A_456 = arith.constant 0 : i32
        %dma_start3A_457 = tpu.memref_slice %arg10[%mul3A_149, %run_scoped3A, %dma_start3A_456] : memref<40x1x128xi32, #tpu.memory_space<vmem>> -> memref<1x1x128xi32, #tpu.memory_space<vmem>>
        %dma_start3A_458 = tpu.memref_squeeze %dma_start3A_457 : memref<1x1x128xi32, #tpu.memory_space<vmem>> -> memref<128xi32, #tpu.memory_space<vmem>>
        %dma_start3A_459 = arith.constant 0 : i32
        %dma_start3A_460 = arith.constant 0 : i32
        %dma_start3A_461 = tpu.memref_slice %arg19[%dma_start3A_459, %dma_start3A_460] : memref<10240x128xf32, #tpu.memory_space<vmem_shared>> -> memref<10240x128xf32, #tpu.memory_space<vmem_shared>>
        tpu.enqueue_indirect_dma source(%arg14 : memref<128x128xf32, #tpu.memory_space<vmem>>) target(%dma_start3A_461 : memref<10240x128xf32, #tpu.memory_space<vmem_shared>>) offsets(%dma_start3A_458 : memref<128xi32, #tpu.memory_space<vmem>>) semaphore(%run_scoped3A_455 : memref<!tpu.dma_semaphore, #tpu.memory_space<semaphore_mem>>) {add = true}
        %dma_wait3A_462 = arith.constant 0 : i32
        %dma_wait3A_463 = tpu.memref_slice %arg10[%mul3A_149, %run_scoped3A, %dma_wait3A_462] : memref<40x1x128xi32, #tpu.memory_space<vmem>> -> memref<1x1x128xi32, #tpu.memory_space<vmem>>
        %dma_wait3A_464 = tpu.memref_squeeze %dma_wait3A_463 : memref<1x1x128xi32, #tpu.memory_space<vmem>> -> memref<128xi32, #tpu.memory_space<vmem>>
        %dma_wait3A_465 = arith.constant 0 : i32
        %dma_wait3A_466 = arith.constant 0 : i32
        %dma_wait3A_467 = tpu.memref_slice %arg19[%dma_wait3A_465, %dma_wait3A_466] : memref<10240x128xf32, #tpu.memory_space<vmem_shared>> -> memref<10240x128xf32, #tpu.memory_space<vmem_shared>>
        tpu.wait_indirect_dma semaphore(%run_scoped3A_455 : memref<!tpu.dma_semaphore, #tpu.memory_space<semaphore_mem>>) src(%arg14 : memref<128x128xf32, #tpu.memory_space<vmem>>) dst(%dma_wait3A_467 : memref<10240x128xf32, #tpu.memory_space<vmem_shared>>)
        tpu.yield
      }) : () -> ()
      %run_scoped3A_314 = arith.constant 0 : i32
      "tpu.region"() ({
        %run_scoped3A_455 = tpu.sem_alloc : memref<!tpu.dma_semaphore, #tpu.memory_space<semaphore_mem>>
        %dma_start3A_456 = arith.constant 0 : i32
        %dma_start3A_457 = tpu.memref_slice %arg10[%mul3A_149, %run_scoped3A_314, %dma_start3A_456] : memref<40x1x128xi32, #tpu.memory_space<vmem>> -> memref<1x1x128xi32, #tpu.memory_space<vmem>>
        %dma_start3A_458 = tpu.memref_squeeze %dma_start3A_457 : memref<1x1x128xi32, #tpu.memory_space<vmem>> -> memref<128xi32, #tpu.memory_space<vmem>>
        %dma_start3A_459 = arith.constant 0 : i32
        %dma_start3A_460 = tpu.memref_slice %arg20[%dma_start3A_459] : memref<10240xf32, #tpu.memory_space<vmem_shared>> -> memref<10240xf32, #tpu.memory_space<vmem_shared>>
        tpu.enqueue_indirect_dma source(%arg13 : memref<128xf32, #tpu.memory_space<vmem>>) target(%dma_start3A_460 : memref<10240xf32, #tpu.memory_space<vmem_shared>>) offsets(%dma_start3A_458 : memref<128xi32, #tpu.memory_space<vmem>>) semaphore(%run_scoped3A_455 : memref<!tpu.dma_semaphore, #tpu.memory_space<semaphore_mem>>) {add = true}
        %dma_wait3A_461 = arith.constant 0 : i32
        %dma_wait3A_462 = tpu.memref_slice %arg10[%mul3A_149, %run_scoped3A_314, %dma_wait3A_461] : memref<40x1x128xi32, #tpu.memory_space<vmem>> -> memref<1x1x128xi32, #tpu.memory_space<vmem>>
        %dma_wait3A_463 = tpu.memref_squeeze %dma_wait3A_462 : memref<1x1x128xi32, #tpu.memory_space<vmem>> -> memref<128xi32, #tpu.memory_space<vmem>>
        %dma_wait3A_464 = arith.constant 0 : i32
        %dma_wait3A_465 = tpu.memref_slice %arg20[%dma_wait3A_464] : memref<10240xf32, #tpu.memory_space<vmem_shared>> -> memref<10240xf32, #tpu.memory_space<vmem_shared>>
        tpu.wait_indirect_dma semaphore(%run_scoped3A_455 : memref<!tpu.dma_semaphore, #tpu.memory_space<semaphore_mem>>) src(%arg13 : memref<128xf32, #tpu.memory_space<vmem>>) dst(%dma_wait3A_465 : memref<10240xf32, #tpu.memory_space<vmem_shared>>)
        tpu.yield
      }) : () -> ()
      %lt3A = arith.constant 19 : i32
      %lt3A_315 = arith.cmpi slt, %scan3A_147, %lt3A : i32
      %convert_element_type3A = arith.extui %lt3A_315 : i1 to i32
      %cond3A = arith.constant 0 : i32
      %cond3A_316 = arith.cmpi ne, %convert_element_type3A, %cond3A : i32
      scf.if %cond3A_316 {
        %add3A_455 = arith.constant 2 : i32
        %add3A_456 = arith.addi %mul3A_149, %add3A_455 : i32
        %dma_start3A_457 = arith.constant 0 : i32
        %dma_start3A_458 = arith.constant 0 : i32
        %dma_start3A_459 = arith.constant 0 : i32
        %dma_start3A_460 = tpu.memref_slice %arg14[%dma_start3A_458, %dma_start3A_459] : memref<128x128xf32, #tpu.memory_space<vmem>> -> memref<64x128xf32, #tpu.memory_space<vmem>>
        %dma_start3A_461 = arith.constant 0 : i32
        %dma_start3A_462 = tpu.memref_slice %arg9[%add3A_456, %dma_start3A_457, %dma_start3A_461] : memref<40x1x128xi32, #tpu.memory_space<vmem>> -> memref<1x1x64xi32, #tpu.memory_space<vmem>>
        %dma_start3A_463 = tpu.memref_squeeze %dma_start3A_462 : memref<1x1x64xi32, #tpu.memory_space<vmem>> -> memref<64xi32, #tpu.memory_space<vmem>>
        %dma_start3A_464 = arith.constant 0 : i32
        %dma_start3A_465 = arith.constant 0 : i32
        %dma_start3A_466 = tpu.memref_slice %arg6[%dma_start3A_464, %dma_start3A_465] : memref<10000x128xf32, #tpu.memory_space<hbm>> -> memref<10000x128xf32, #tpu.memory_space<hbm>>
        tpu.enqueue_indirect_dma source(%dma_start3A_466 : memref<10000x128xf32, #tpu.memory_space<hbm>>) target(%dma_start3A_460 : memref<64x128xf32, #tpu.memory_space<vmem>>) offsets(%dma_start3A_463 : memref<64xi32, #tpu.memory_space<vmem>>) semaphore(%arg23 : memref<!tpu.dma_semaphore, #tpu.memory_space<semaphore_mem>>)
        %dma_start3A_467 = arith.constant 0 : i32
        %dma_start3A_468 = arith.constant 64 : i32
        %dma_start3A_469 = arith.constant 0 : i32
        %dma_start3A_470 = tpu.memref_slice %arg14[%dma_start3A_468, %dma_start3A_469] : memref<128x128xf32, #tpu.memory_space<vmem>> -> memref<64x128xf32, #tpu.memory_space<vmem>>
        %dma_start3A_471 = arith.constant 64 : i32
        %dma_start3A_472 = tpu.memref_slice %arg9[%add3A_456, %dma_start3A_467, %dma_start3A_471] : memref<40x1x128xi32, #tpu.memory_space<vmem>> -> memref<1x1x64xi32, #tpu.memory_space<vmem>>
        %dma_start3A_473 = tpu.memref_squeeze %dma_start3A_472 : memref<1x1x64xi32, #tpu.memory_space<vmem>> -> memref<64xi32, #tpu.memory_space<vmem>>
        %dma_start3A_474 = arith.constant 0 : i32
        %dma_start3A_475 = arith.constant 0 : i32
        %dma_start3A_476 = tpu.memref_slice %arg6[%dma_start3A_474, %dma_start3A_475] : memref<10000x128xf32, #tpu.memory_space<hbm>> -> memref<10000x128xf32, #tpu.memory_space<hbm>>
        tpu.enqueue_indirect_dma source(%dma_start3A_476 : memref<10000x128xf32, #tpu.memory_space<hbm>>) target(%dma_start3A_470 : memref<64x128xf32, #tpu.memory_space<vmem>>) offsets(%dma_start3A_473 : memref<64xi32, #tpu.memory_space<vmem>>) semaphore(%arg24 : memref<!tpu.dma_semaphore, #tpu.memory_space<semaphore_mem>>)
        %dma_start3A_477 = arith.constant 0 : i32
        %dma_start3A_478 = arith.constant 0 : i32
        %dma_start3A_479 = tpu.memref_slice %arg9[%add3A_456, %dma_start3A_477, %dma_start3A_478] : memref<40x1x128xi32, #tpu.memory_space<vmem>> -> memref<1x1x128xi32, #tpu.memory_space<vmem>>
        %dma_start3A_480 = tpu.memref_squeeze %dma_start3A_479 : memref<1x1x128xi32, #tpu.memory_space<vmem>> -> memref<128xi32, #tpu.memory_space<vmem>>
        %dma_start3A_481 = arith.constant 0 : i32
        %dma_start3A_482 = tpu.memref_slice %arg4[%dma_start3A_481] : memref<10000xf32, #tpu.memory_space<hbm>> -> memref<10000xf32, #tpu.memory_space<hbm>>
        tpu.enqueue_indirect_dma source(%dma_start3A_482 : memref<10000xf32, #tpu.memory_space<hbm>>) target(%arg11 : memref<128xf32, #tpu.memory_space<vmem>>) offsets(%dma_start3A_480 : memref<128xi32, #tpu.memory_space<vmem>>) semaphore(%arg21 : memref<!tpu.dma_semaphore, #tpu.memory_space<semaphore_mem>>)
        %dma_start3A_483 = arith.constant 0 : i32
        %dma_start3A_484 = arith.constant 0 : i32
        %dma_start3A_485 = tpu.memref_slice %arg10[%add3A_456, %dma_start3A_483, %dma_start3A_484] : memref<40x1x128xi32, #tpu.memory_space<vmem>> -> memref<1x1x128xi32, #tpu.memory_space<vmem>>
        %dma_start3A_486 = tpu.memref_squeeze %dma_start3A_485 : memref<1x1x128xi32, #tpu.memory_space<vmem>> -> memref<128xi32, #tpu.memory_space<vmem>>
        %dma_start3A_487 = arith.constant 0 : i32
        %dma_start3A_488 = tpu.memref_slice %arg5[%dma_start3A_487] : memref<10240xf32, #tpu.memory_space<hbm>> -> memref<10240xf32, #tpu.memory_space<hbm>>
        tpu.enqueue_indirect_dma source(%dma_start3A_488 : memref<10240xf32, #tpu.memory_space<hbm>>) target(%arg12 : memref<128xf32, #tpu.memory_space<vmem>>) offsets(%dma_start3A_486 : memref<128xi32, #tpu.memory_space<vmem>>) semaphore(%arg22 : memref<!tpu.dma_semaphore, #tpu.memory_space<semaphore_mem>>)
      } else {
      }
      %add3A_317 = arith.constant 1 : i32
      %add3A_318 = arith.addi %mul3A_149, %add3A_317 : i32
      %dma_wait3A_319 = arith.constant 0 : i32
      %dma_wait3A_320 = arith.constant 0 : i32
      %dma_wait3A_321 = tpu.memref_slice %arg9[%add3A_318, %dma_wait3A_319, %dma_wait3A_320] : memref<40x1x128xi32, #tpu.memory_space<vmem>> -> memref<1x1x128xi32, #tpu.memory_space<vmem>>
      %dma_wait3A_322 = tpu.memref_squeeze %dma_wait3A_321 : memref<1x1x128xi32, #tpu.memory_space<vmem>> -> memref<128xi32, #tpu.memory_space<vmem>>
      %dma_wait3A_323 = arith.constant 0 : i32
      %dma_wait3A_324 = tpu.memref_slice %arg4[%dma_wait3A_323] : memref<10000xf32, #tpu.memory_space<hbm>> -> memref<10000xf32, #tpu.memory_space<hbm>>
      tpu.wait_indirect_dma semaphore(%arg25 : memref<!tpu.dma_semaphore, #tpu.memory_space<semaphore_mem>>) src(%dma_wait3A_324 : memref<10000xf32, #tpu.memory_space<hbm>>) dst(%arg15 : memref<128xf32, #tpu.memory_space<vmem>>)
      %dma_wait3A_325 = arith.constant 0 : i32
      %dma_wait3A_326 = arith.constant 0 : i32
      %dma_wait3A_327 = tpu.memref_slice %arg10[%add3A_318, %dma_wait3A_325, %dma_wait3A_326] : memref<40x1x128xi32, #tpu.memory_space<vmem>> -> memref<1x1x128xi32, #tpu.memory_space<vmem>>
      %dma_wait3A_328 = tpu.memref_squeeze %dma_wait3A_327 : memref<1x1x128xi32, #tpu.memory_space<vmem>> -> memref<128xi32, #tpu.memory_space<vmem>>
      %dma_wait3A_329 = arith.constant 0 : i32
      %dma_wait3A_330 = tpu.memref_slice %arg5[%dma_wait3A_329] : memref<10240xf32, #tpu.memory_space<hbm>> -> memref<10240xf32, #tpu.memory_space<hbm>>
      tpu.wait_indirect_dma semaphore(%arg26 : memref<!tpu.dma_semaphore, #tpu.memory_space<semaphore_mem>>) src(%dma_wait3A_330 : memref<10240xf32, #tpu.memory_space<hbm>>) dst(%arg16 : memref<128xf32, #tpu.memory_space<vmem>>)
      %get3A_331 = arith.constant 0 : index
      %get3A_332 = tpu.vector_load %arg15[%get3A_331] {strides = array<i32>} : memref<128xf32, #tpu.memory_space<vmem>>, vector<16xf32>,
      %get3A_333 = arith.constant 0 : index
      %get3A_334 = tpu.vector_load %arg16[%get3A_333] {strides = array<i32>} : memref<128xf32, #tpu.memory_space<vmem>>, vector<16xf32>,
      %add3A_335 = arith.addf %get3A_332, %get3A_334 : vector<16xf32>
      %mul3A_336 = arith.constant 2.000000e-01 : f32
      %mul3A_337 = vector.broadcast %mul3A_336 : f32 to vector<16xf32>
      %mul3A_338 = arith.mulf %mul3A_337, %add3A_335 : vector<16xf32>
      %max3A_339 = arith.maximumf %add3A_335, %mul3A_338 : vector<16xf32>
      %exp3A_340 = math.exp %max3A_339 : vector<16xf32>
      %swap3A_341 = arith.constant 0 : index
      %swap3A_342 = tpu.vector_load %arg17[%swap3A_341] {strides = array<i32>} : memref<128xf32, #tpu.memory_space<vmem>>, vector<16xf32>,
      tpu.vector_store %arg17[%swap3A_341], %exp3A_340 {strides = array<i32>} : memref<128xf32, #tpu.memory_space<vmem>>, vector<16xf32>,
      %get3A_343 = arith.constant 16 : index
      %get3A_344 = tpu.vector_load %arg15[%get3A_343] {strides = array<i32>} : memref<128xf32, #tpu.memory_space<vmem>>, vector<16xf32>,
      %get3A_345 = arith.constant 16 : index
      %get3A_346 = tpu.vector_load %arg16[%get3A_345] {strides = array<i32>} : memref<128xf32, #tpu.memory_space<vmem>>, vector<16xf32>,
      %add3A_347 = arith.addf %get3A_344, %get3A_346 : vector<16xf32>
      %mul3A_348 = arith.constant 2.000000e-01 : f32
      %mul3A_349 = vector.broadcast %mul3A_348 : f32 to vector<16xf32>
      %mul3A_350 = arith.mulf %mul3A_349, %add3A_347 : vector<16xf32>
      %max3A_351 = arith.maximumf %add3A_347, %mul3A_350 : vector<16xf32>
      %exp3A_352 = math.exp %max3A_351 : vector<16xf32>
      %swap3A_353 = arith.constant 16 : index
      %swap3A_354 = tpu.vector_load %arg17[%swap3A_353] {strides = array<i32>} : memref<128xf32, #tpu.memory_space<vmem>>, vector<16xf32>,
      tpu.vector_store %arg17[%swap3A_353], %exp3A_352 {strides = array<i32>} : memref<128xf32, #tpu.memory_space<vmem>>, vector<16xf32>,
      %get3A_355 = arith.constant 32 : index
      %get3A_356 = tpu.vector_load %arg15[%get3A_355] {strides = array<i32>} : memref<128xf32, #tpu.memory_space<vmem>>, vector<16xf32>,
      %get3A_357 = arith.constant 32 : index
      %get3A_358 = tpu.vector_load %arg16[%get3A_357] {strides = array<i32>} : memref<128xf32, #tpu.memory_space<vmem>>, vector<16xf32>,
      %add3A_359 = arith.addf %get3A_356, %get3A_358 : vector<16xf32>
      %mul3A_360 = arith.constant 2.000000e-01 : f32
      %mul3A_361 = vector.broadcast %mul3A_360 : f32 to vector<16xf32>
      %mul3A_362 = arith.mulf %mul3A_361, %add3A_359 : vector<16xf32>
      %max3A_363 = arith.maximumf %add3A_359, %mul3A_362 : vector<16xf32>
      %exp3A_364 = math.exp %max3A_363 : vector<16xf32>
      %swap3A_365 = arith.constant 32 : index
      %swap3A_366 = tpu.vector_load %arg17[%swap3A_365] {strides = array<i32>} : memref<128xf32, #tpu.memory_space<vmem>>, vector<16xf32>,
      tpu.vector_store %arg17[%swap3A_365], %exp3A_364 {strides = array<i32>} : memref<128xf32, #tpu.memory_space<vmem>>, vector<16xf32>,
      %get3A_367 = arith.constant 48 : index
      %get3A_368 = tpu.vector_load %arg15[%get3A_367] {strides = array<i32>} : memref<128xf32, #tpu.memory_space<vmem>>, vector<16xf32>,
      %get3A_369 = arith.constant 48 : index
      %get3A_370 = tpu.vector_load %arg16[%get3A_369] {strides = array<i32>} : memref<128xf32, #tpu.memory_space<vmem>>, vector<16xf32>,
      %add3A_371 = arith.addf %get3A_368, %get3A_370 : vector<16xf32>
      %mul3A_372 = arith.constant 2.000000e-01 : f32
      %mul3A_373 = vector.broadcast %mul3A_372 : f32 to vector<16xf32>
      %mul3A_374 = arith.mulf %mul3A_373, %add3A_371 : vector<16xf32>
      %max3A_375 = arith.maximumf %add3A_371, %mul3A_374 : vector<16xf32>
      %exp3A_376 = math.exp %max3A_375 : vector<16xf32>
      %swap3A_377 = arith.constant 48 : index
      %swap3A_378 = tpu.vector_load %arg17[%swap3A_377] {strides = array<i32>} : memref<128xf32, #tpu.memory_space<vmem>>, vector<16xf32>,
      tpu.vector_store %arg17[%swap3A_377], %exp3A_376 {strides = array<i32>} : memref<128xf32, #tpu.memory_space<vmem>>, vector<16xf32>,
      %get3A_379 = arith.constant 64 : index
      %get3A_380 = tpu.vector_load %arg15[%get3A_379] {strides = array<i32>} : memref<128xf32, #tpu.memory_space<vmem>>, vector<16xf32>,
      %get3A_381 = arith.constant 64 : index
      %get3A_382 = tpu.vector_load %arg16[%get3A_381] {strides = array<i32>} : memref<128xf32, #tpu.memory_space<vmem>>, vector<16xf32>,
      %add3A_383 = arith.addf %get3A_380, %get3A_382 : vector<16xf32>
      %mul3A_384 = arith.constant 2.000000e-01 : f32
      %mul3A_385 = vector.broadcast %mul3A_384 : f32 to vector<16xf32>
      %mul3A_386 = arith.mulf %mul3A_385, %add3A_383 : vector<16xf32>
      %max3A_387 = arith.maximumf %add3A_383, %mul3A_386 : vector<16xf32>
      %exp3A_388 = math.exp %max3A_387 : vector<16xf32>
      %swap3A_389 = arith.constant 64 : index
      %swap3A_390 = tpu.vector_load %arg17[%swap3A_389] {strides = array<i32>} : memref<128xf32, #tpu.memory_space<vmem>>, vector<16xf32>,
      tpu.vector_store %arg17[%swap3A_389], %exp3A_388 {strides = array<i32>} : memref<128xf32, #tpu.memory_space<vmem>>, vector<16xf32>,
      %get3A_391 = arith.constant 80 : index
      %get3A_392 = tpu.vector_load %arg15[%get3A_391] {strides = array<i32>} : memref<128xf32, #tpu.memory_space<vmem>>, vector<16xf32>,
      %get3A_393 = arith.constant 80 : index
      %get3A_394 = tpu.vector_load %arg16[%get3A_393] {strides = array<i32>} : memref<128xf32, #tpu.memory_space<vmem>>, vector<16xf32>,
      %add3A_395 = arith.addf %get3A_392, %get3A_394 : vector<16xf32>
      %mul3A_396 = arith.constant 2.000000e-01 : f32
      %mul3A_397 = vector.broadcast %mul3A_396 : f32 to vector<16xf32>
      %mul3A_398 = arith.mulf %mul3A_397, %add3A_395 : vector<16xf32>
      %max3A_399 = arith.maximumf %add3A_395, %mul3A_398 : vector<16xf32>
      %exp3A_400 = math.exp %max3A_399 : vector<16xf32>
      %swap3A_401 = arith.constant 80 : index
      %swap3A_402 = tpu.vector_load %arg17[%swap3A_401] {strides = array<i32>} : memref<128xf32, #tpu.memory_space<vmem>>, vector<16xf32>,
      tpu.vector_store %arg17[%swap3A_401], %exp3A_400 {strides = array<i32>} : memref<128xf32, #tpu.memory_space<vmem>>, vector<16xf32>,
      %get3A_403 = arith.constant 96 : index
      %get3A_404 = tpu.vector_load %arg15[%get3A_403] {strides = array<i32>} : memref<128xf32, #tpu.memory_space<vmem>>, vector<16xf32>,
      %get3A_405 = arith.constant 96 : index
      %get3A_406 = tpu.vector_load %arg16[%get3A_405] {strides = array<i32>} : memref<128xf32, #tpu.memory_space<vmem>>, vector<16xf32>,
      %add3A_407 = arith.addf %get3A_404, %get3A_406 : vector<16xf32>
      %mul3A_408 = arith.constant 2.000000e-01 : f32
      %mul3A_409 = vector.broadcast %mul3A_408 : f32 to vector<16xf32>
      %mul3A_410 = arith.mulf %mul3A_409, %add3A_407 : vector<16xf32>
      %max3A_411 = arith.maximumf %add3A_407, %mul3A_410 : vector<16xf32>
      %exp3A_412 = math.exp %max3A_411 : vector<16xf32>
      %swap3A_413 = arith.constant 96 : index
      %swap3A_414 = tpu.vector_load %arg17[%swap3A_413] {strides = array<i32>} : memref<128xf32, #tpu.memory_space<vmem>>, vector<16xf32>,
      tpu.vector_store %arg17[%swap3A_413], %exp3A_412 {strides = array<i32>} : memref<128xf32, #tpu.memory_space<vmem>>, vector<16xf32>,
      %get3A_415 = arith.constant 112 : index
      %get3A_416 = tpu.vector_load %arg15[%get3A_415] {strides = array<i32>} : memref<128xf32, #tpu.memory_space<vmem>>, vector<16xf32>,
      %get3A_417 = arith.constant 112 : index
      %get3A_418 = tpu.vector_load %arg16[%get3A_417] {strides = array<i32>} : memref<128xf32, #tpu.memory_space<vmem>>, vector<16xf32>,
      %add3A_419 = arith.addf %get3A_416, %get3A_418 : vector<16xf32>
      %mul3A_420 = arith.constant 2.000000e-01 : f32
      %mul3A_421 = vector.broadcast %mul3A_420 : f32 to vector<16xf32>
      %mul3A_422 = arith.mulf %mul3A_421, %add3A_419 : vector<16xf32>
      %max3A_423 = arith.maximumf %add3A_419, %mul3A_422 : vector<16xf32>
      %exp3A_424 = math.exp %max3A_423 : vector<16xf32>
      %swap3A_425 = arith.constant 112 : index
      %swap3A_426 = tpu.vector_load %arg17[%swap3A_425] {strides = array<i32>} : memref<128xf32, #tpu.memory_space<vmem>>, vector<16xf32>,
      tpu.vector_store %arg17[%swap3A_425], %exp3A_424 {strides = array<i32>} : memref<128xf32, #tpu.memory_space<vmem>>, vector<16xf32>,
      %dma_wait3A_427 = arith.constant 0 : i32
      %dma_wait3A_428 = arith.constant 0 : i32
      %dma_wait3A_429 = arith.constant 0 : i32
      %dma_wait3A_430 = tpu.memref_slice %arg18[%dma_wait3A_428, %dma_wait3A_429] : memref<128x128xf32, #tpu.memory_space<vmem>> -> memref<64x128xf32, #tpu.memory_space<vmem>>
      %dma_wait3A_431 = arith.constant 0 : i32
      %dma_wait3A_432 = tpu.memref_slice %arg9[%add3A_318, %dma_wait3A_427, %dma_wait3A_431] : memref<40x1x128xi32, #tpu.memory_space<vmem>> -> memref<1x1x64xi32, #tpu.memory_space<vmem>>
      %dma_wait3A_433 = tpu.memref_squeeze %dma_wait3A_432 : memref<1x1x64xi32, #tpu.memory_space<vmem>> -> memref<64xi32, #tpu.memory_space<vmem>>
      %dma_wait3A_434 = arith.constant 0 : i32
      %dma_wait3A_435 = arith.constant 0 : i32
      %dma_wait3A_436 = tpu.memref_slice %arg6[%dma_wait3A_434, %dma_wait3A_435] : memref<10000x128xf32, #tpu.memory_space<hbm>> -> memref<10000x128xf32, #tpu.memory_space<hbm>>
      tpu.wait_indirect_dma semaphore(%arg27 : memref<!tpu.dma_semaphore, #tpu.memory_space<semaphore_mem>>) src(%dma_wait3A_436 : memref<10000x128xf32, #tpu.memory_space<hbm>>) dst(%dma_wait3A_430 : memref<64x128xf32, #tpu.memory_space<vmem>>)
      %dma_wait3A_437 = arith.constant 0 : i32
      %dma_wait3A_438 = arith.constant 64 : i32
      %dma_wait3A_439 = arith.constant 0 : i32
      %dma_wait3A_440 = tpu.memref_slice %arg18[%dma_wait3A_438, %dma_wait3A_439] : memref<128x128xf32, #tpu.memory_space<vmem>> -> memref<64x128xf32, #tpu.memory_space<vmem>>
      %dma_wait3A_441 = arith.constant 64 : i32
      %dma_wait3A_442 = tpu.memref_slice %arg9[%add3A_318, %dma_wait3A_437, %dma_wait3A_441] : memref<40x1x128xi32, #tpu.memory_space<vmem>> -> memref<1x1x64xi32, #tpu.memory_space<vmem>>
      %dma_wait3A_443 = tpu.memref_squeeze %dma_wait3A_442 : memref<1x1x64xi32, #tpu.memory_space<vmem>> -> memref<64xi32, #tpu.memory_space<vmem>>
      %dma_wait3A_444 = arith.constant 0 : i32
      %dma_wait3A_445 = arith.constant 0 : i32
      %dma_wait3A_446 = tpu.memref_slice %arg6[%dma_wait3A_444, %dma_wait3A_445] : memref<10000x128xf32, #tpu.memory_space<hbm>> -> memref<10000x128xf32, #tpu.memory_space<hbm>>
      tpu.wait_indirect_dma semaphore(%arg28 : memref<!tpu.dma_semaphore, #tpu.memory_space<semaphore_mem>>) src(%dma_wait3A_446 : memref<10000x128xf32, #tpu.memory_space<hbm>>) dst(%dma_wait3A_440 : memref<64x128xf32, #tpu.memory_space<vmem>>)
      %scan3A_447 = arith.constant 0 : i32
      %scan3A_448 = arith.constant 0 : i32
      %scan3A_449 = arith.constant 128 : i32
      %scan3A_450 = arith.addi %scan3A_448, %scan3A_449 : i32
      %scan3A_451 = arith.constant 1 : i32
      scf.for %scan3A_455 = %scan3A_448 to %scan3A_450 step %scan3A_451  : i32 {
        %broadcast_in_dim3A_456 = vector.broadcast %scan3A_455 : i32 to vector<16xi32>
        %gather3A = tpu.vector_load_idx %arg17[%broadcast_in_dim3A_456] : memref<128xf32, #tpu.memory_space<vmem>>[vector<16xi32>], vector<16xf32>,
        %get3A_457 = arith.index_cast %scan3A_455 : i32 to index
        %get3A_458 = arith.constant 0 : index
        %get3A_459 = tpu.vector_load %arg18[%get3A_457, %get3A_458] {strides = array<i32>} : memref<128x128xf32, #tpu.memory_space<vmem>>, vector<16xf32>,
        %mul3A_460 = arith.mulf %get3A_459, %gather3A : vector<16xf32>
        %swap3A_461 = arith.index_cast %scan3A_455 : i32 to index
        %swap3A_462 = arith.constant 0 : index
        %swap3A_463 = tpu.vector_load %arg18[%swap3A_461, %swap3A_462] {strides = array<i32>} : memref<128x128xf32, #tpu.memory_space<vmem>>, vector<16xf32>,
        tpu.vector_store %arg18[%swap3A_461, %swap3A_462], %mul3A_460 {strides = array<i32>} : memref<128x128xf32, #tpu.memory_space<vmem>>, vector<16xf32>,
        %get3A_464 = arith.index_cast %scan3A_455 : i32 to index
        %get3A_465 = arith.constant 16 : index
        %get3A_466 = tpu.vector_load %arg18[%get3A_464, %get3A_465] {strides = array<i32>} : memref<128x128xf32, #tpu.memory_space<vmem>>, vector<16xf32>,
        %mul3A_467 = arith.mulf %get3A_466, %gather3A : vector<16xf32>
        %swap3A_468 = arith.index_cast %scan3A_455 : i32 to index
        %swap3A_469 = arith.constant 16 : index
        %swap3A_470 = tpu.vector_load %arg18[%swap3A_468, %swap3A_469] {strides = array<i32>} : memref<128x128xf32, #tpu.memory_space<vmem>>, vector<16xf32>,
        tpu.vector_store %arg18[%swap3A_468, %swap3A_469], %mul3A_467 {strides = array<i32>} : memref<128x128xf32, #tpu.memory_space<vmem>>, vector<16xf32>,
        %get3A_471 = arith.index_cast %scan3A_455 : i32 to index
        %get3A_472 = arith.constant 32 : index
        %get3A_473 = tpu.vector_load %arg18[%get3A_471, %get3A_472] {strides = array<i32>} : memref<128x128xf32, #tpu.memory_space<vmem>>, vector<16xf32>,
        %mul3A_474 = arith.mulf %get3A_473, %gather3A : vector<16xf32>
        %swap3A_475 = arith.index_cast %scan3A_455 : i32 to index
        %swap3A_476 = arith.constant 32 : index
        %swap3A_477 = tpu.vector_load %arg18[%swap3A_475, %swap3A_476] {strides = array<i32>} : memref<128x128xf32, #tpu.memory_space<vmem>>, vector<16xf32>,
        tpu.vector_store %arg18[%swap3A_475, %swap3A_476], %mul3A_474 {strides = array<i32>} : memref<128x128xf32, #tpu.memory_space<vmem>>, vector<16xf32>,
        %get3A_478 = arith.index_cast %scan3A_455 : i32 to index
        %get3A_479 = arith.constant 48 : index
        %get3A_480 = tpu.vector_load %arg18[%get3A_478, %get3A_479] {strides = array<i32>} : memref<128x128xf32, #tpu.memory_space<vmem>>, vector<16xf32>,
        %mul3A_481 = arith.mulf %get3A_480, %gather3A : vector<16xf32>
        %swap3A_482 = arith.index_cast %scan3A_455 : i32 to index
        %swap3A_483 = arith.constant 48 : index
        %swap3A_484 = tpu.vector_load %arg18[%swap3A_482, %swap3A_483] {strides = array<i32>} : memref<128x128xf32, #tpu.memory_space<vmem>>, vector<16xf32>,
        tpu.vector_store %arg18[%swap3A_482, %swap3A_483], %mul3A_481 {strides = array<i32>} : memref<128x128xf32, #tpu.memory_space<vmem>>, vector<16xf32>,
        %get3A_485 = arith.index_cast %scan3A_455 : i32 to index
        %get3A_486 = arith.constant 64 : index
        %get3A_487 = tpu.vector_load %arg18[%get3A_485, %get3A_486] {strides = array<i32>} : memref<128x128xf32, #tpu.memory_space<vmem>>, vector<16xf32>,
        %mul3A_488 = arith.mulf %get3A_487, %gather3A : vector<16xf32>
        %swap3A_489 = arith.index_cast %scan3A_455 : i32 to index
        %swap3A_490 = arith.constant 64 : index
        %swap3A_491 = tpu.vector_load %arg18[%swap3A_489, %swap3A_490] {strides = array<i32>} : memref<128x128xf32, #tpu.memory_space<vmem>>, vector<16xf32>,
        tpu.vector_store %arg18[%swap3A_489, %swap3A_490], %mul3A_488 {strides = array<i32>} : memref<128x128xf32, #tpu.memory_space<vmem>>, vector<16xf32>,
        %get3A_492 = arith.index_cast %scan3A_455 : i32 to index
        %get3A_493 = arith.constant 80 : index
        %get3A_494 = tpu.vector_load %arg18[%get3A_492, %get3A_493] {strides = array<i32>} : memref<128x128xf32, #tpu.memory_space<vmem>>, vector<16xf32>,
        %mul3A_495 = arith.mulf %get3A_494, %gather3A : vector<16xf32>
        %swap3A_496 = arith.index_cast %scan3A_455 : i32 to index
        %swap3A_497 = arith.constant 80 : index
        %swap3A_498 = tpu.vector_load %arg18[%swap3A_496, %swap3A_497] {strides = array<i32>} : memref<128x128xf32, #tpu.memory_space<vmem>>, vector<16xf32>,
        tpu.vector_store %arg18[%swap3A_496, %swap3A_497], %mul3A_495 {strides = array<i32>} : memref<128x128xf32, #tpu.memory_space<vmem>>, vector<16xf32>,
        %get3A_499 = arith.index_cast %scan3A_455 : i32 to index
        %get3A_500 = arith.constant 96 : index
        %get3A_501 = tpu.vector_load %arg18[%get3A_499, %get3A_500] {strides = array<i32>} : memref<128x128xf32, #tpu.memory_space<vmem>>, vector<16xf32>,
        %mul3A_502 = arith.mulf %get3A_501, %gather3A : vector<16xf32>
        %swap3A_503 = arith.index_cast %scan3A_455 : i32 to index
        %swap3A_504 = arith.constant 96 : index
        %swap3A_505 = tpu.vector_load %arg18[%swap3A_503, %swap3A_504] {strides = array<i32>} : memref<128x128xf32, #tpu.memory_space<vmem>>, vector<16xf32>,
        tpu.vector_store %arg18[%swap3A_503, %swap3A_504], %mul3A_502 {strides = array<i32>} : memref<128x128xf32, #tpu.memory_space<vmem>>, vector<16xf32>,
        %get3A_506 = arith.index_cast %scan3A_455 : i32 to index
        %get3A_507 = arith.constant 112 : index
        %get3A_508 = tpu.vector_load %arg18[%get3A_506, %get3A_507] {strides = array<i32>} : memref<128x128xf32, #tpu.memory_space<vmem>>, vector<16xf32>,
        %mul3A_509 = arith.mulf %get3A_508, %gather3A : vector<16xf32>
        %swap3A_510 = arith.index_cast %scan3A_455 : i32 to index
        %swap3A_511 = arith.constant 112 : index
        %swap3A_512 = tpu.vector_load %arg18[%swap3A_510, %swap3A_511] {strides = array<i32>} : memref<128x128xf32, #tpu.memory_space<vmem>>, vector<16xf32>,
        tpu.vector_store %arg18[%swap3A_510, %swap3A_511], %mul3A_509 {strides = array<i32>} : memref<128x128xf32, #tpu.memory_space<vmem>>, vector<16xf32>,
      }
      %scan3A_452 = arith.constant 128 : i32
      %run_scoped3A_453 = arith.constant 0 : i32
      "tpu.region"() ({
        %run_scoped3A_455 = tpu.sem_alloc : memref<!tpu.dma_semaphore, #tpu.memory_space<semaphore_mem>>
        %dma_start3A_456 = arith.constant 0 : i32
        %dma_start3A_457 = tpu.memref_slice %arg10[%add3A_318, %run_scoped3A_453, %dma_start3A_456] : memref<40x1x128xi32, #tpu.memory_space<vmem>> -> memref<1x1x128xi32, #tpu.memory_space<vmem>>
        %dma_start3A_458 = tpu.memref_squeeze %dma_start3A_457 : memref<1x1x128xi32, #tpu.memory_space<vmem>> -> memref<128xi32, #tpu.memory_space<vmem>>
        %dma_start3A_459 = arith.constant 0 : i32
        %dma_start3A_460 = arith.constant 0 : i32
        %dma_start3A_461 = tpu.memref_slice %arg19[%dma_start3A_459, %dma_start3A_460] : memref<10240x128xf32, #tpu.memory_space<vmem_shared>> -> memref<10240x128xf32, #tpu.memory_space<vmem_shared>>
        tpu.enqueue_indirect_dma source(%arg18 : memref<128x128xf32, #tpu.memory_space<vmem>>) target(%dma_start3A_461 : memref<10240x128xf32, #tpu.memory_space<vmem_shared>>) offsets(%dma_start3A_458 : memref<128xi32, #tpu.memory_space<vmem>>) semaphore(%run_scoped3A_455 : memref<!tpu.dma_semaphore, #tpu.memory_space<semaphore_mem>>) {add = true}
        %dma_wait3A_462 = arith.constant 0 : i32
        %dma_wait3A_463 = tpu.memref_slice %arg10[%add3A_318, %run_scoped3A_453, %dma_wait3A_462] : memref<40x1x128xi32, #tpu.memory_space<vmem>> -> memref<1x1x128xi32, #tpu.memory_space<vmem>>
        %dma_wait3A_464 = tpu.memref_squeeze %dma_wait3A_463 : memref<1x1x128xi32, #tpu.memory_space<vmem>> -> memref<128xi32, #tpu.memory_space<vmem>>
        %dma_wait3A_465 = arith.constant 0 : i32
        %dma_wait3A_466 = arith.constant 0 : i32
        %dma_wait3A_467 = tpu.memref_slice %arg19[%dma_wait3A_465, %dma_wait3A_466] : memref<10240x128xf32, #tpu.memory_space<vmem_shared>> -> memref<10240x128xf32, #tpu.memory_space<vmem_shared>>
        tpu.wait_indirect_dma semaphore(%run_scoped3A_455 : memref<!tpu.dma_semaphore, #tpu.memory_space<semaphore_mem>>) src(%arg18 : memref<128x128xf32, #tpu.memory_space<vmem>>) dst(%dma_wait3A_467 : memref<10240x128xf32, #tpu.memory_space<vmem_shared>>)
        tpu.yield
      }) : () -> ()
      %run_scoped3A_454 = arith.constant 0 : i32
      "tpu.region"() ({
        %run_scoped3A_455 = tpu.sem_alloc : memref<!tpu.dma_semaphore, #tpu.memory_space<semaphore_mem>>
        %dma_start3A_456 = arith.constant 0 : i32
        %dma_start3A_457 = tpu.memref_slice %arg10[%add3A_318, %run_scoped3A_454, %dma_start3A_456] : memref<40x1x128xi32, #tpu.memory_space<vmem>> -> memref<1x1x128xi32, #tpu.memory_space<vmem>>
        %dma_start3A_458 = tpu.memref_squeeze %dma_start3A_457 : memref<1x1x128xi32, #tpu.memory_space<vmem>> -> memref<128xi32, #tpu.memory_space<vmem>>
        %dma_start3A_459 = arith.constant 0 : i32
        %dma_start3A_460 = tpu.memref_slice %arg20[%dma_start3A_459] : memref<10240xf32, #tpu.memory_space<vmem_shared>> -> memref<10240xf32, #tpu.memory_space<vmem_shared>>
        tpu.enqueue_indirect_dma source(%arg17 : memref<128xf32, #tpu.memory_space<vmem>>) target(%dma_start3A_460 : memref<10240xf32, #tpu.memory_space<vmem_shared>>) offsets(%dma_start3A_458 : memref<128xi32, #tpu.memory_space<vmem>>) semaphore(%run_scoped3A_455 : memref<!tpu.dma_semaphore, #tpu.memory_space<semaphore_mem>>) {add = true}
        %dma_wait3A_461 = arith.constant 0 : i32
        %dma_wait3A_462 = tpu.memref_slice %arg10[%add3A_318, %run_scoped3A_454, %dma_wait3A_461] : memref<40x1x128xi32, #tpu.memory_space<vmem>> -> memref<1x1x128xi32, #tpu.memory_space<vmem>>
        %dma_wait3A_463 = tpu.memref_squeeze %dma_wait3A_462 : memref<1x1x128xi32, #tpu.memory_space<vmem>> -> memref<128xi32, #tpu.memory_space<vmem>>
        %dma_wait3A_464 = arith.constant 0 : i32
        %dma_wait3A_465 = tpu.memref_slice %arg20[%dma_wait3A_464] : memref<10240xf32, #tpu.memory_space<vmem_shared>> -> memref<10240xf32, #tpu.memory_space<vmem_shared>>
        tpu.wait_indirect_dma semaphore(%run_scoped3A_455 : memref<!tpu.dma_semaphore, #tpu.memory_space<semaphore_mem>>) src(%arg17 : memref<128xf32, #tpu.memory_space<vmem>>) dst(%dma_wait3A_465 : memref<10240xf32, #tpu.memory_space<vmem_shared>>)
        tpu.yield
      }) : () -> ()
    }
    %scan3A_142 = arith.constant 20 : i32
    %barrier3A_143 = arith.constant 0 : index
    tpu.barrier barrier_id(%barrier3A_143)
    %mul3A_144 = arith.constant 10240 : i32
    %mul3A_145 = arith.muli %arg0, %mul3A_144 : i32
    %add3A_146 = arith.addi %mul3A_145, %mul3A_23 : i32
    "tpu.region"() ({
      %run_scoped3A = tpu.sem_alloc : memref<!tpu.dma_semaphore, #tpu.memory_space<semaphore_mem>>
      %dma_start3A_147 = arith.constant 0 : i32
      %dma_start3A_148 = tpu.memref_slice %arg7[%add3A_146, %dma_start3A_147] : memref<20480x128xf32, #tpu.memory_space<hbm>> -> memref<640x128xf32, #tpu.memory_space<hbm>>
      %dma_start3A_149 = arith.constant 0 : i32
      %dma_start3A_150 = tpu.memref_slice %arg19[%mul3A_23, %dma_start3A_149] : memref<10240x128xf32, #tpu.memory_space<vmem_shared>> -> memref<640x128xf32, #tpu.memory_space<vmem_shared>>
      tpu.enqueue_dma source(%dma_start3A_150 : memref<640x128xf32, #tpu.memory_space<vmem_shared>>) target(%dma_start3A_148 : memref<640x128xf32, #tpu.memory_space<hbm>>) target_semaphore(%run_scoped3A : memref<!tpu.dma_semaphore, #tpu.memory_space<semaphore_mem>>)
      %dma_wait3A = arith.constant 0 : i32
      %dma_wait3A_151 = tpu.memref_slice %arg7[%add3A_146, %dma_wait3A] : memref<20480x128xf32, #tpu.memory_space<hbm>> -> memref<640x128xf32, #tpu.memory_space<hbm>>
      %dma_wait3A_152 = arith.constant 0 : i32
      %dma_wait3A_153 = tpu.memref_slice %arg19[%mul3A_23, %dma_wait3A_152] : memref<10240x128xf32, #tpu.memory_space<vmem_shared>> -> memref<640x128xf32, #tpu.memory_space<vmem_shared>>
      tpu.wait_dma2 semaphore(%run_scoped3A : memref<!tpu.dma_semaphore, #tpu.memory_space<semaphore_mem>>) src(%dma_wait3A_153 : memref<640x128xf32, #tpu.memory_space<vmem_shared>>) dst(%dma_wait3A_151 : memref<640x128xf32, #tpu.memory_space<hbm>>)
      tpu.yield
    }) : () -> ()
    "tpu.region"() ({
      %run_scoped3A = tpu.sem_alloc : memref<!tpu.dma_semaphore, #tpu.memory_space<semaphore_mem>>
      %dma_start3A_147 = tpu.memref_slice %arg8[%add3A_146] : memref<20480xf32, #tpu.memory_space<hbm>> -> memref<640xf32, #tpu.memory_space<hbm>>
      %dma_start3A_148 = tpu.memref_slice %arg20[%mul3A_23] : memref<10240xf32, #tpu.memory_space<vmem_shared>> -> memref<640xf32, #tpu.memory_space<vmem_shared>>
      tpu.enqueue_dma source(%dma_start3A_148 : memref<640xf32, #tpu.memory_space<vmem_shared>>) target(%dma_start3A_147 : memref<640xf32, #tpu.memory_space<hbm>>) target_semaphore(%run_scoped3A : memref<!tpu.dma_semaphore, #tpu.memory_space<semaphore_mem>>)
      %dma_wait3A = tpu.memref_slice %arg8[%add3A_146] : memref<20480xf32, #tpu.memory_space<hbm>> -> memref<640xf32, #tpu.memory_space<hbm>>
      %dma_wait3A_149 = tpu.memref_slice %arg20[%mul3A_23] : memref<10240xf32, #tpu.memory_space<vmem_shared>> -> memref<640xf32, #tpu.memory_space<vmem_shared>>
      tpu.wait_dma2 semaphore(%run_scoped3A : memref<!tpu.dma_semaphore, #tpu.memory_space<semaphore_mem>>) src(%dma_wait3A_149 : memref<640xf32, #tpu.memory_space<vmem_shared>>) dst(%dma_wait3A : memref<640xf32, #tpu.memory_space<hbm>>)
      tpu.yield
    }) : () -> ()
    return
  }
}

module attributes {stable_mosaic.version = 14 : i64} {
  func.func @_dense1_body(%arg0: i32, %arg1: memref<2000x128xf32, #tpu.memory_space<vmem>>, %arg2: memref<128x128xf32, #tpu.memory_space<vmem>>, %arg3: memref<1x128xf32, #tpu.memory_space<vmem>>, %arg4: memref<128x128xf32, #tpu.memory_space<vmem>>, %arg5: memref<1x128xf32, #tpu.memory_space<vmem>>, %arg6: memref<1x128xf32, #tpu.memory_space<vmem>>, %arg7: memref<2000x128xf32, #tpu.memory_space<vmem>>, %arg8: memref<2000x1xf32, #tpu.memory_space<vmem>>, %arg9: memref<2000x1xf32, #tpu.memory_space<vmem>>) attributes {dimension_semantics = [#tpu.dimension_semantics<arbitrary>], iteration_bounds = array<i64: 5>, scalar_prefetch = 0 : i64, scratch_operands = 0 : i64, tpu.core_type = #tpu.core_type<tc>, window_params = [{transform_indices = @transform_0, window_bounds = array<i64: 2000, 128>}, {pipeline_mode = #tpu.pipeline_mode<synchronous>, transform_indices = @transform_1, window_bounds = array<i64: 128, 128>}, {pipeline_mode = #tpu.pipeline_mode<synchronous>, transform_indices = @transform_2, window_bounds = array<i64: 1, 128>}, {pipeline_mode = #tpu.pipeline_mode<synchronous>, transform_indices = @transform_3, window_bounds = array<i64: 128, 128>}, {pipeline_mode = #tpu.pipeline_mode<synchronous>, transform_indices = @transform_4, window_bounds = array<i64: 1, 128>}, {pipeline_mode = #tpu.pipeline_mode<synchronous>, transform_indices = @transform_5, window_bounds = array<i64: 1, 128>}, {transform_indices = @transform_6, window_bounds = array<i64: 2000, 128>}, {transform_indices = @transform_7, window_bounds = array<i64: 2000, 1>}, {transform_indices = @transform_8, window_bounds = array<i64: 2000, 1>}]} {
    %get3A = arith.constant 0 : index
    %get3A_0 = arith.constant 0 : index
    %get3A_1 = vector.load %arg1[%get3A, %get3A_0] : memref<2000x128xf32, #tpu.memory_space<vmem>>, vector<2000x128xf32>
    %get3A_2 = arith.constant 0 : index
    %get3A_3 = arith.constant 0 : index
    %get3A_4 = vector.load %arg2[%get3A_2, %get3A_3] : memref<128x128xf32, #tpu.memory_space<vmem>>, vector<128x128xf32>
    %dot_general3A = arith.constant dense<0.000000e+00> : vector<2000x128xf32>
    %dot_general3A_5 = tpu.matmul %get3A_1, %get3A_4, %dot_general3A {dimension_numbers = #tpu.dot_dimension_numbers<[1], [1], [0], [0], [0, 0, 1, 0], [], []>, transpose_lhs_hint = false} : vector<2000x128xf32>, vector<128x128xf32>, vector<2000x128xf32> -> vector<2000x128xf32>
    %get3A_6 = arith.constant 0 : index
    %get3A_7 = arith.constant 0 : index
    %get3A_8 = vector.load %arg3[%get3A_6, %get3A_7] : memref<1x128xf32, #tpu.memory_space<vmem>>, vector<1x128xf32>
    %add3A = vector.broadcast %get3A_8 : vector<1x128xf32> to vector<2000x128xf32>
    %add3A_9 = arith.addf %dot_general3A_5, %add3A : vector<2000x128xf32>
    %get3A_10 = arith.constant 0 : index
    %get3A_11 = arith.constant 0 : index
    %get3A_12 = vector.load %arg4[%get3A_10, %get3A_11] : memref<128x128xf32, #tpu.memory_space<vmem>>, vector<128x128xf32>
    %dot_general3A_13 = arith.constant dense<0.000000e+00> : vector<2000x128xf32>
    %dot_general3A_14 = tpu.matmul %add3A_9, %get3A_12, %dot_general3A_13 {dimension_numbers = #tpu.dot_dimension_numbers<[1], [1], [0], [0], [0, 0, 1, 0], [], []>, transpose_lhs_hint = false} : vector<2000x128xf32>, vector<128x128xf32>, vector<2000x128xf32> -> vector<2000x128xf32>
    %swap3A = arith.constant 0 : index
    %swap3A_15 = arith.constant 0 : index
    %swap3A_16 = vector.load %arg7[%swap3A, %swap3A_15] : memref<2000x128xf32, #tpu.memory_space<vmem>>, vector<2000x128xf32>
    tpu.vector_store %arg7[%swap3A, %swap3A_15], %dot_general3A_14 {strides = array<i32>} : memref<2000x128xf32, #tpu.memory_space<vmem>>, vector<2000x128xf32>,
    %get3A_17 = arith.constant 0 : index
    %get3A_18 = arith.constant 0 : index
    %get3A_19 = vector.load %arg5[%get3A_17, %get3A_18] : memref<1x128xf32, #tpu.memory_space<vmem>>, vector<1x128xf32>
    %mul3A = vector.broadcast %get3A_19 : vector<1x128xf32> to vector<2000x128xf32>
    %mul3A_20 = arith.mulf %dot_general3A_14, %mul3A : vector<2000x128xf32>
    %reduce_sum3A = arith.constant dense<0.000000e+00> : vector<2000xf32>
    %reduce_sum3A_21 = vector.multi_reduction <add>, %mul3A_20, %reduce_sum3A [1] : vector<2000x128xf32> to vector<2000xf32>
    %broadcast_in_dim3A = vector.shape_cast %reduce_sum3A_21 : vector<2000xf32> to vector<2000x1xf32>
    %swap3A_22 = arith.constant 0 : index
    %swap3A_23 = arith.constant 0 : index
    %swap3A_24 = vector.load %arg8[%swap3A_22, %swap3A_23] : memref<2000x1xf32, #tpu.memory_space<vmem>>, vector<2000x1xf32>
    tpu.vector_store %arg8[%swap3A_22, %swap3A_23], %broadcast_in_dim3A {strides = array<i32>} : memref<2000x1xf32, #tpu.memory_space<vmem>>, vector<2000x1xf32>,
    %get3A_25 = arith.constant 0 : index
    %get3A_26 = arith.constant 0 : index
    %get3A_27 = vector.load %arg6[%get3A_25, %get3A_26] : memref<1x128xf32, #tpu.memory_space<vmem>>, vector<1x128xf32>
    %mul3A_28 = vector.broadcast %get3A_27 : vector<1x128xf32> to vector<2000x128xf32>
    %mul3A_29 = arith.mulf %dot_general3A_14, %mul3A_28 : vector<2000x128xf32>
    %reduce_sum3A_30 = arith.constant dense<0.000000e+00> : vector<2000xf32>
    %reduce_sum3A_31 = vector.multi_reduction <add>, %mul3A_29, %reduce_sum3A_30 [1] : vector<2000x128xf32> to vector<2000xf32>
    %broadcast_in_dim3A_32 = vector.shape_cast %reduce_sum3A_31 : vector<2000xf32> to vector<2000x1xf32>
    %swap3A_33 = arith.constant 0 : index
    %swap3A_34 = arith.constant 0 : index
    %swap3A_35 = vector.load %arg9[%swap3A_33, %swap3A_34] : memref<2000x1xf32, #tpu.memory_space<vmem>>, vector<2000x1xf32>
    tpu.vector_store %arg9[%swap3A_33, %swap3A_34], %broadcast_in_dim3A_32 {strides = array<i32>} : memref<2000x1xf32, #tpu.memory_space<vmem>>, vector<2000x1xf32>,
    return
  }
  func.func @transform_0(%arg0: i32) -> (i32, i32) {
    %c0_i32 = arith.constant 0 : i32
    %c0_i32_0 = arith.constant 0 : i32
    return %arg0, %c0_i32 : i32, i32
  }
  func.func @transform_1(%arg0: i32) -> (i32, i32) {
    %c0_i32 = arith.constant 0 : i32
    %c0_i32_0 = arith.constant 0 : i32
    %c0_i32_1 = arith.constant 0 : i32
    return %c0_i32, %c0_i32_0 : i32, i32
  }
  func.func @transform_2(%arg0: i32) -> (i32, i32) {
    %c0_i32 = arith.constant 0 : i32
    %c0_i32_0 = arith.constant 0 : i32
    %c0_i32_1 = arith.constant 0 : i32
    return %c0_i32, %c0_i32_0 : i32, i32
  }
  func.func @transform_3(%arg0: i32) -> (i32, i32) {
    %c0_i32 = arith.constant 0 : i32
    %c0_i32_0 = arith.constant 0 : i32
    %c0_i32_1 = arith.constant 0 : i32
    return %c0_i32, %c0_i32_0 : i32, i32
  }
  func.func @transform_4(%arg0: i32) -> (i32, i32) {
    %c0_i32 = arith.constant 0 : i32
    %c0_i32_0 = arith.constant 0 : i32
    %c0_i32_1 = arith.constant 0 : i32
    return %c0_i32, %c0_i32_0 : i32, i32
  }
  func.func @transform_5(%arg0: i32) -> (i32, i32) {
    %c0_i32 = arith.constant 0 : i32
    %c0_i32_0 = arith.constant 0 : i32
    %c0_i32_1 = arith.constant 0 : i32
    return %c0_i32, %c0_i32_0 : i32, i32
  }
  func.func @transform_6(%arg0: i32) -> (i32, i32) {
    %c0_i32 = arith.constant 0 : i32
    %c0_i32_0 = arith.constant 0 : i32
    return %arg0, %c0_i32 : i32, i32
  }
  func.func @transform_7(%arg0: i32) -> (i32, i32) {
    %c0_i32 = arith.constant 0 : i32
    %c0_i32_0 = arith.constant 0 : i32
    return %arg0, %c0_i32 : i32, i32
  }
  func.func @transform_8(%arg0: i32) -> (i32, i32) {
    %c0_i32 = arith.constant 0 : i32
    %c0_i32_0 = arith.constant 0 : i32
    return %arg0, %c0_i32 : i32, i32
  }
}

module attributes {stable_mosaic.version = 14 : i64} {
  func.func @_combine_body(%arg0: i32, %arg1: memref<2000x128xf32, #tpu.memory_space<vmem>>, %arg2: memref<2000x128xf32, #tpu.memory_space<vmem>>, %arg3: memref<2000x1xf32, #tpu.memory_space<vmem>>, %arg4: memref<2000x1xf32, #tpu.memory_space<vmem>>, %arg5: memref<2000x1xf32, #tpu.memory_space<vmem>>, %arg6: memref<2000x1xf32, #tpu.memory_space<vmem>>, %arg7: memref<2000x128xf32, #tpu.memory_space<vmem>>, %arg8: memref<1x128xf32, #tpu.memory_space<vmem>>, %arg9: memref<128x128xf32, #tpu.memory_space<vmem>>, %arg10: memref<1x128xf32, #tpu.memory_space<vmem>>, %arg11: memref<1x128xf32, #tpu.memory_space<vmem>>, %arg12: memref<2000x128xf32, #tpu.memory_space<vmem>>, %arg13: memref<2000x1xf32, #tpu.memory_space<vmem>>, %arg14: memref<2000x1xf32, #tpu.memory_space<vmem>>) attributes {dimension_semantics = [#tpu.dimension_semantics<arbitrary>], iteration_bounds = array<i64: 5>, scalar_prefetch = 0 : i64, scratch_operands = 0 : i64, tpu.core_type = #tpu.core_type<tc>, window_params = [{transform_indices = @transform_0, window_bounds = array<i64: 2000, 128>}, {transform_indices = @transform_1, window_bounds = array<i64: 2000, 128>}, {transform_indices = @transform_2, window_bounds = array<i64: 2000, 1>}, {transform_indices = @transform_3, window_bounds = array<i64: 2000, 1>}, {transform_indices = @transform_4, window_bounds = array<i64: 2000, 1>}, {transform_indices = @transform_5, window_bounds = array<i64: 2000, 1>}, {transform_indices = @transform_6, window_bounds = array<i64: 2000, 128>}, {pipeline_mode = #tpu.pipeline_mode<synchronous>, transform_indices = @transform_7, window_bounds = array<i64: 1, 128>}, {pipeline_mode = #tpu.pipeline_mode<synchronous>, transform_indices = @transform_8, window_bounds = array<i64: 128, 128>}, {pipeline_mode = #tpu.pipeline_mode<synchronous>, transform_indices = @transform_9, window_bounds = array<i64: 1, 128>}, {pipeline_mode = #tpu.pipeline_mode<synchronous>, transform_indices = @transform_10, window_bounds = array<i64: 1, 128>}, {transform_indices = @transform_11, window_bounds = array<i64: 2000, 128>}, {transform_indices = @transform_12, window_bounds = array<i64: 2000, 1>}, {transform_indices = @transform_13, window_bounds = array<i64: 2000, 1>}]} {
    %get3A = arith.constant 0 : index
    %get3A_0 = arith.constant 0 : index
    %get3A_1 = vector.load %arg5[%get3A, %get3A_0] : memref<2000x1xf32, #tpu.memory_space<vmem>>, vector<2000x1xf32>
    %get3A_2 = arith.constant 0 : index
    %get3A_3 = arith.constant 0 : index
    %get3A_4 = vector.load %arg6[%get3A_2, %get3A_3] : memref<2000x1xf32, #tpu.memory_space<vmem>>, vector<2000x1xf32>
    %add3A = arith.addf %get3A_1, %get3A_4 : vector<2000x1xf32>
    %mul3A = arith.constant 2.000000e-01 : f32
    %mul3A_5 = vector.broadcast %mul3A : f32 to vector<2000x1xf32>
    %mul3A_6 = arith.mulf %mul3A_5, %add3A : vector<2000x1xf32>
    %max3A = arith.maximumf %add3A, %mul3A_6 : vector<2000x1xf32>
    %exp3A = math.exp %max3A : vector<2000x1xf32>
    %get3A_7 = arith.constant 0 : index
    %get3A_8 = arith.constant 0 : index
    %get3A_9 = vector.load %arg1[%get3A_7, %get3A_8] : memref<2000x128xf32, #tpu.memory_space<vmem>>, vector<2000x128xf32>
    %get3A_10 = arith.constant 0 : index
    %get3A_11 = arith.constant 0 : index
    %get3A_12 = vector.load %arg2[%get3A_10, %get3A_11] : memref<2000x128xf32, #tpu.memory_space<vmem>>, vector<2000x128xf32>
    %add3A_13 = arith.addf %get3A_9, %get3A_12 : vector<2000x128xf32>
    %get3A_14 = arith.constant 0 : index
    %get3A_15 = arith.constant 0 : index
    %get3A_16 = vector.load %arg7[%get3A_14, %get3A_15] : memref<2000x128xf32, #tpu.memory_space<vmem>>, vector<2000x128xf32>
    %mul3A_17 = vector.broadcast %exp3A : vector<2000x1xf32> to vector<2000x128xf32>
    %mul3A_18 = arith.mulf %mul3A_17, %get3A_16 : vector<2000x128xf32>
    %add3A_19 = arith.addf %add3A_13, %mul3A_18 : vector<2000x128xf32>
    %get3A_20 = arith.constant 0 : index
    %get3A_21 = arith.constant 0 : index
    %get3A_22 = vector.load %arg3[%get3A_20, %get3A_21] : memref<2000x1xf32, #tpu.memory_space<vmem>>, vector<2000x1xf32>
    %get3A_23 = arith.constant 0 : index
    %get3A_24 = arith.constant 0 : index
    %get3A_25 = vector.load %arg4[%get3A_23, %get3A_24] : memref<2000x1xf32, #tpu.memory_space<vmem>>, vector<2000x1xf32>
    %add3A_26 = arith.addf %get3A_22, %get3A_25 : vector<2000x1xf32>
    %add3A_27 = arith.addf %add3A_26, %exp3A : vector<2000x1xf32>
    %div3A = vector.broadcast %add3A_27 : vector<2000x1xf32> to vector<2000x128xf32>
    %div3A_28 = arith.divf %add3A_19, %div3A : vector<2000x128xf32>
    %get3A_29 = arith.constant 0 : index
    %get3A_30 = arith.constant 0 : index
    %get3A_31 = vector.load %arg8[%get3A_29, %get3A_30] : memref<1x128xf32, #tpu.memory_space<vmem>>, vector<1x128xf32>
    %add3A_32 = vector.broadcast %get3A_31 : vector<1x128xf32> to vector<2000x128xf32>
    %add3A_33 = arith.addf %div3A_28, %add3A_32 : vector<2000x128xf32>
    %max3A_34 = arith.constant 0.000000e+00 : f32
    %max3A_35 = vector.broadcast %max3A_34 : f32 to vector<2000x128xf32>
    %max3A_36 = arith.maximumf %add3A_33, %max3A_35 : vector<2000x128xf32>
    %get3A_37 = arith.constant 0 : index
    %get3A_38 = arith.constant 0 : index
    %get3A_39 = vector.load %arg9[%get3A_37, %get3A_38] : memref<128x128xf32, #tpu.memory_space<vmem>>, vector<128x128xf32>
    %dot_general3A = arith.constant dense<0.000000e+00> : vector<2000x128xf32>
    %dot_general3A_40 = tpu.matmul %max3A_36, %get3A_39, %dot_general3A {dimension_numbers = #tpu.dot_dimension_numbers<[1], [1], [0], [0], [0, 0, 1, 0], [], []>, transpose_lhs_hint = false} : vector<2000x128xf32>, vector<128x128xf32>, vector<2000x128xf32> -> vector<2000x128xf32>
    %swap3A = arith.constant 0 : index
    %swap3A_41 = arith.constant 0 : index
    %swap3A_42 = vector.load %arg12[%swap3A, %swap3A_41] : memref<2000x128xf32, #tpu.memory_space<vmem>>, vector<2000x128xf32>
    tpu.vector_store %arg12[%swap3A, %swap3A_41], %dot_general3A_40 {strides = array<i32>} : memref<2000x128xf32, #tpu.memory_space<vmem>>, vector<2000x128xf32>,
    %get3A_43 = arith.constant 0 : index
    %get3A_44 = arith.constant 0 : index
    %get3A_45 = vector.load %arg10[%get3A_43, %get3A_44] : memref<1x128xf32, #tpu.memory_space<vmem>>, vector<1x128xf32>
    %mul3A_46 = vector.broadcast %get3A_45 : vector<1x128xf32> to vector<2000x128xf32>
    %mul3A_47 = arith.mulf %dot_general3A_40, %mul3A_46 : vector<2000x128xf32>
    %reduce_sum3A = arith.constant dense<0.000000e+00> : vector<2000xf32>
    %reduce_sum3A_48 = vector.multi_reduction <add>, %mul3A_47, %reduce_sum3A [1] : vector<2000x128xf32> to vector<2000xf32>
    %broadcast_in_dim3A = vector.shape_cast %reduce_sum3A_48 : vector<2000xf32> to vector<2000x1xf32>
    %swap3A_49 = arith.constant 0 : index
    %swap3A_50 = arith.constant 0 : index
    %swap3A_51 = vector.load %arg13[%swap3A_49, %swap3A_50] : memref<2000x1xf32, #tpu.memory_space<vmem>>, vector<2000x1xf32>
    tpu.vector_store %arg13[%swap3A_49, %swap3A_50], %broadcast_in_dim3A {strides = array<i32>} : memref<2000x1xf32, #tpu.memory_space<vmem>>, vector<2000x1xf32>,
    %get3A_52 = arith.constant 0 : index
    %get3A_53 = arith.constant 0 : index
    %get3A_54 = vector.load %arg11[%get3A_52, %get3A_53] : memref<1x128xf32, #tpu.memory_space<vmem>>, vector<1x128xf32>
    %mul3A_55 = vector.broadcast %get3A_54 : vector<1x128xf32> to vector<2000x128xf32>
    %mul3A_56 = arith.mulf %dot_general3A_40, %mul3A_55 : vector<2000x128xf32>
    %reduce_sum3A_57 = arith.constant dense<0.000000e+00> : vector<2000xf32>
    %reduce_sum3A_58 = vector.multi_reduction <add>, %mul3A_56, %reduce_sum3A_57 [1] : vector<2000x128xf32> to vector<2000xf32>
    %broadcast_in_dim3A_59 = vector.shape_cast %reduce_sum3A_58 : vector<2000xf32> to vector<2000x1xf32>
    %swap3A_60 = arith.constant 0 : index
    %swap3A_61 = arith.constant 0 : index
    %swap3A_62 = vector.load %arg14[%swap3A_60, %swap3A_61] : memref<2000x1xf32, #tpu.memory_space<vmem>>, vector<2000x1xf32>
    tpu.vector_store %arg14[%swap3A_60, %swap3A_61], %broadcast_in_dim3A_59 {strides = array<i32>} : memref<2000x1xf32, #tpu.memory_space<vmem>>, vector<2000x1xf32>,
    return
  }
  func.func @transform_0(%arg0: i32) -> (i32, i32) {
    %c0_i32 = arith.constant 0 : i32
    %c0_i32_0 = arith.constant 0 : i32
    return %arg0, %c0_i32 : i32, i32
  }
  func.func @transform_1(%arg0: i32) -> (i32, i32) {
    %c0_i32 = arith.constant 0 : i32
    %c0_i32_0 = arith.constant 0 : i32
    return %arg0, %c0_i32 : i32, i32
  }
  func.func @transform_2(%arg0: i32) -> (i32, i32) {
    %c0_i32 = arith.constant 0 : i32
    %c0_i32_0 = arith.constant 0 : i32
    return %arg0, %c0_i32 : i32, i32
  }
  func.func @transform_3(%arg0: i32) -> (i32, i32) {
    %c0_i32 = arith.constant 0 : i32
    %c0_i32_0 = arith.constant 0 : i32
    return %arg0, %c0_i32 : i32, i32
  }
  func.func @transform_4(%arg0: i32) -> (i32, i32) {
    %c0_i32 = arith.constant 0 : i32
    %c0_i32_0 = arith.constant 0 : i32
    return %arg0, %c0_i32 : i32, i32
  }
  func.func @transform_5(%arg0: i32) -> (i32, i32) {
    %c0_i32 = arith.constant 0 : i32
    %c0_i32_0 = arith.constant 0 : i32
    return %arg0, %c0_i32 : i32, i32
  }
  func.func @transform_6(%arg0: i32) -> (i32, i32) {
    %c0_i32 = arith.constant 0 : i32
    %c0_i32_0 = arith.constant 0 : i32
    return %arg0, %c0_i32 : i32, i32
  }
  func.func @transform_7(%arg0: i32) -> (i32, i32) {
    %c0_i32 = arith.constant 0 : i32
    %c0_i32_0 = arith.constant 0 : i32
    %c0_i32_1 = arith.constant 0 : i32
    return %c0_i32, %c0_i32_0 : i32, i32
  }
  func.func @transform_8(%arg0: i32) -> (i32, i32) {
    %c0_i32 = arith.constant 0 : i32
    %c0_i32_0 = arith.constant 0 : i32
    %c0_i32_1 = arith.constant 0 : i32
    return %c0_i32, %c0_i32_0 : i32, i32
  }
  func.func @transform_9(%arg0: i32) -> (i32, i32) {
    %c0_i32 = arith.constant 0 : i32
    %c0_i32_0 = arith.constant 0 : i32
    %c0_i32_1 = arith.constant 0 : i32
    return %c0_i32, %c0_i32_0 : i32, i32
  }
  func.func @transform_10(%arg0: i32) -> (i32, i32) {
    %c0_i32 = arith.constant 0 : i32
    %c0_i32_0 = arith.constant 0 : i32
    %c0_i32_1 = arith.constant 0 : i32
    return %c0_i32, %c0_i32_0 : i32, i32
  }
  func.func @transform_11(%arg0: i32) -> (i32, i32) {
    %c0_i32 = arith.constant 0 : i32
    %c0_i32_0 = arith.constant 0 : i32
    return %arg0, %c0_i32 : i32, i32
  }
  func.func @transform_12(%arg0: i32) -> (i32, i32) {
    %c0_i32 = arith.constant 0 : i32
    %c0_i32_0 = arith.constant 0 : i32
    return %arg0, %c0_i32 : i32, i32
  }
  func.func @transform_13(%arg0: i32) -> (i32, i32) {
    %c0_i32 = arith.constant 0 : i32
    %c0_i32_0 = arith.constant 0 : i32
    return %arg0, %c0_i32 : i32, i32
  }
}

module attributes {stable_mosaic.version = 14 : i64} {
  func.func @_final_body(%arg0: i32, %arg1: memref<2000x128xf32, #tpu.memory_space<vmem>>, %arg2: memref<2000x128xf32, #tpu.memory_space<vmem>>, %arg3: memref<2000x1xf32, #tpu.memory_space<vmem>>, %arg4: memref<2000x1xf32, #tpu.memory_space<vmem>>, %arg5: memref<2000x1xf32, #tpu.memory_space<vmem>>, %arg6: memref<2000x1xf32, #tpu.memory_space<vmem>>, %arg7: memref<2000x128xf32, #tpu.memory_space<vmem>>, %arg8: memref<1x128xf32, #tpu.memory_space<vmem>>, %arg9: memref<2000x128xf32, #tpu.memory_space<vmem>>) attributes {dimension_semantics = [#tpu.dimension_semantics<arbitrary>], iteration_bounds = array<i64: 5>, scalar_prefetch = 0 : i64, scratch_operands = 0 : i64, tpu.core_type = #tpu.core_type<tc>, window_params = [{transform_indices = @transform_0, window_bounds = array<i64: 2000, 128>}, {transform_indices = @transform_1, window_bounds = array<i64: 2000, 128>}, {transform_indices = @transform_2, window_bounds = array<i64: 2000, 1>}, {transform_indices = @transform_3, window_bounds = array<i64: 2000, 1>}, {transform_indices = @transform_4, window_bounds = array<i64: 2000, 1>}, {transform_indices = @transform_5, window_bounds = array<i64: 2000, 1>}, {transform_indices = @transform_6, window_bounds = array<i64: 2000, 128>}, {pipeline_mode = #tpu.pipeline_mode<synchronous>, transform_indices = @transform_7, window_bounds = array<i64: 1, 128>}, {transform_indices = @transform_8, window_bounds = array<i64: 2000, 128>}]} {
    %get3A = arith.constant 0 : index
    %get3A_0 = arith.constant 0 : index
    %get3A_1 = vector.load %arg5[%get3A, %get3A_0] : memref<2000x1xf32, #tpu.memory_space<vmem>>, vector<2000x1xf32>
    %get3A_2 = arith.constant 0 : index
    %get3A_3 = arith.constant 0 : index
    %get3A_4 = vector.load %arg6[%get3A_2, %get3A_3] : memref<2000x1xf32, #tpu.memory_space<vmem>>, vector<2000x1xf32>
    %add3A = arith.addf %get3A_1, %get3A_4 : vector<2000x1xf32>
    %mul3A = arith.constant 2.000000e-01 : f32
    %mul3A_5 = vector.broadcast %mul3A : f32 to vector<2000x1xf32>
    %mul3A_6 = arith.mulf %mul3A_5, %add3A : vector<2000x1xf32>
    %max3A = arith.maximumf %add3A, %mul3A_6 : vector<2000x1xf32>
    %exp3A = math.exp %max3A : vector<2000x1xf32>
    %get3A_7 = arith.constant 0 : index
    %get3A_8 = arith.constant 0 : index
    %get3A_9 = vector.load %arg1[%get3A_7, %get3A_8] : memref<2000x128xf32, #tpu.memory_space<vmem>>, vector<2000x128xf32>
    %get3A_10 = arith.constant 0 : index
    %get3A_11 = arith.constant 0 : index
    %get3A_12 = vector.load %arg2[%get3A_10, %get3A_11] : memref<2000x128xf32, #tpu.memory_space<vmem>>, vector<2000x128xf32>
    %add3A_13 = arith.addf %get3A_9, %get3A_12 : vector<2000x128xf32>
    %get3A_14 = arith.constant 0 : index
    %get3A_15 = arith.constant 0 : index
    %get3A_16 = vector.load %arg7[%get3A_14, %get3A_15] : memref<2000x128xf32, #tpu.memory_space<vmem>>, vector<2000x128xf32>
    %mul3A_17 = vector.broadcast %exp3A : vector<2000x1xf32> to vector<2000x128xf32>
    %mul3A_18 = arith.mulf %mul3A_17, %get3A_16 : vector<2000x128xf32>
    %add3A_19 = arith.addf %add3A_13, %mul3A_18 : vector<2000x128xf32>
    %get3A_20 = arith.constant 0 : index
    %get3A_21 = arith.constant 0 : index
    %get3A_22 = vector.load %arg3[%get3A_20, %get3A_21] : memref<2000x1xf32, #tpu.memory_space<vmem>>, vector<2000x1xf32>
    %get3A_23 = arith.constant 0 : index
    %get3A_24 = arith.constant 0 : index
    %get3A_25 = vector.load %arg4[%get3A_23, %get3A_24] : memref<2000x1xf32, #tpu.memory_space<vmem>>, vector<2000x1xf32>
    %add3A_26 = arith.addf %get3A_22, %get3A_25 : vector<2000x1xf32>
    %add3A_27 = arith.addf %add3A_26, %exp3A : vector<2000x1xf32>
    %div3A = vector.broadcast %add3A_27 : vector<2000x1xf32> to vector<2000x128xf32>
    %div3A_28 = arith.divf %add3A_19, %div3A : vector<2000x128xf32>
    %get3A_29 = arith.constant 0 : index
    %get3A_30 = arith.constant 0 : index
    %get3A_31 = vector.load %arg8[%get3A_29, %get3A_30] : memref<1x128xf32, #tpu.memory_space<vmem>>, vector<1x128xf32>
    %add3A_32 = vector.broadcast %get3A_31 : vector<1x128xf32> to vector<2000x128xf32>
    %add3A_33 = arith.addf %div3A_28, %add3A_32 : vector<2000x128xf32>
    %mul3A_34 = arith.mulf %add3A_33, %add3A_33 : vector<2000x128xf32>
    %reduce_sum3A = arith.constant dense<0.000000e+00> : vector<2000xf32>
    %reduce_sum3A_35 = vector.multi_reduction <add>, %mul3A_34, %reduce_sum3A [1] : vector<2000x128xf32> to vector<2000xf32>
    %broadcast_in_dim3A = vector.shape_cast %reduce_sum3A_35 : vector<2000xf32> to vector<2000x1xf32>
    %sqrt3A = math.sqrt %broadcast_in_dim3A : vector<2000x1xf32>
    %max3A_36 = arith.constant 9.99999996E-13 : f32
    %max3A_37 = vector.broadcast %max3A_36 : f32 to vector<2000x1xf32>
    %max3A_38 = arith.maximumf %sqrt3A, %max3A_37 : vector<2000x1xf32>
    %div3A_39 = vector.broadcast %max3A_38 : vector<2000x1xf32> to vector<2000x128xf32>
    %div3A_40 = arith.divf %add3A_33, %div3A_39 : vector<2000x128xf32>
    %swap3A = arith.constant 0 : index
    %swap3A_41 = arith.constant 0 : index
    %swap3A_42 = vector.load %arg9[%swap3A, %swap3A_41] : memref<2000x128xf32, #tpu.memory_space<vmem>>, vector<2000x128xf32>
    tpu.vector_store %arg9[%swap3A, %swap3A_41], %div3A_40 {strides = array<i32>} : memref<2000x128xf32, #tpu.memory_space<vmem>>, vector<2000x128xf32>,
    return
  }
  func.func @transform_0(%arg0: i32) -> (i32, i32) {
    %c0_i32 = arith.constant 0 : i32
    %c0_i32_0 = arith.constant 0 : i32
    return %arg0, %c0_i32 : i32, i32
  }
  func.func @transform_1(%arg0: i32) -> (i32, i32) {
    %c0_i32 = arith.constant 0 : i32
    %c0_i32_0 = arith.constant 0 : i32
    return %arg0, %c0_i32 : i32, i32
  }
  func.func @transform_2(%arg0: i32) -> (i32, i32) {
    %c0_i32 = arith.constant 0 : i32
    %c0_i32_0 = arith.constant 0 : i32
    return %arg0, %c0_i32 : i32, i32
  }
  func.func @transform_3(%arg0: i32) -> (i32, i32) {
    %c0_i32 = arith.constant 0 : i32
    %c0_i32_0 = arith.constant 0 : i32
    return %arg0, %c0_i32 : i32, i32
  }
  func.func @transform_4(%arg0: i32) -> (i32, i32) {
    %c0_i32 = arith.constant 0 : i32
    %c0_i32_0 = arith.constant 0 : i32
    return %arg0, %c0_i32 : i32, i32
  }
  func.func @transform_5(%arg0: i32) -> (i32, i32) {
    %c0_i32 = arith.constant 0 : i32
    %c0_i32_0 = arith.constant 0 : i32
    return %arg0, %c0_i32 : i32, i32
  }
  func.func @transform_6(%arg0: i32) -> (i32, i32) {
    %c0_i32 = arith.constant 0 : i32
    %c0_i32_0 = arith.constant 0 : i32
    return %arg0, %c0_i32 : i32, i32
  }
  func.func @transform_7(%arg0: i32) -> (i32, i32) {
    %c0_i32 = arith.constant 0 : i32
    %c0_i32_0 = arith.constant 0 : i32
    %c0_i32_1 = arith.constant 0 : i32
    return %c0_i32, %c0_i32_0 : i32, i32
  }
  func.func @transform_8(%arg0: i32) -> (i32, i32) {
    %c0_i32 = arith.constant 0 : i32
    %c0_i32_0 = arith.constant 0 : i32
    return %arg0, %c0_i32 : i32, i32
  }
}

</mosaic_0001>

<sc_bundles>
// kernel: kernel.10.cloned.1.call-start
scs
__scs_entry_jumppad:
0x0: {  	(pc) =	sbr.rel $0x88, $3  }
0x1: {  	(tag) =	ssettag $0x0;
	lr =	simm.s32 $0x1  }
0x2: {  	[smem:$0x3F95] =	sst lr;
	_ =	strace $0xD0000000  }
0x3: {  	_ = 	snop  }
0x4: {  	_ = 	snop  }
0x5: {  	_ = 	snop  }
0x6: {  	_ = 	snop  }
0x7: {  	_ = 	snop  }
__scs_overlays_trampoline_lowered:
0x8: {  	[smem:$0x3FA4] =	sst s0  }
0x9: {  	[smem:$0x3FA5] =	sst s1  }
0xa: {  	[smem:$0x3FA6] =	sst s2  }
0xb: {  	[smem:$0x3FA7] =	sst s3  }
0xc: {  	[smem:$0x3FA8] =	sst s4  }
0xd: {  	[smem:$0x3FA9] =	sst s5  }
0xe: {  	[smem:$0x3FAA] =	sst s6  }
0xf: {  	[smem:$0x3FAB] =	sst s7  }
0x10: {  	[smem:$0x3FAC] =	sst s8  }
0x11: {  	[smem:$0x3FAD] =	sst s9;
	s0 =	simm.s32 @!p0 $0x0  }
0x12: {  	s1 =	sld [smem:$0x3F93];
	s0 =	simm.s32 @p0 $0x1  }
0x13: {  	[smem:$0x3FAE] =	sst s0;
	s0 =	simm.s32 @!p1 $0x0  }
0x14: {  	s2 =	sld [smem:$0x3F92];
	s0 =	simm.s32 @p1 $0x1  }
0x15: {  	[smem:$0x3FAF] =	sst s0;
	s0 =	simm.s32 @!p2 $0x0  }
0x16: {  	s3 =	sld [smem:$0x3FDB];
	s0 =	simm.s32 @p2 $0x1  }
0x17: {  	s4 =	simm.s32 $0x1BF5;
	[smem:$0x3FB1] =	sst s0  }
0x18: {  	s0 =	sld [smem:$0x3F94];
	_ =	swait.ge [sflag:s4], $0x0  }
0x19: {  	s7 =	sld [smem:$0x3F95]  }
0x1a: {  	s8 =	sadd.s32 $0xFFFFE003, lr  }
0x1b: {  	s9 =	sadd.s32 $0xFFFFFEF7, lr;
	s5 =	simm.s32 $0xFFFFFFFF;
	p2 =	slt.u32 s8, $0xFFFFF086  }
0x1c: {  	p1 =	slt.u32 s9, $0xF7A;
	s5 =	simm.s32 @!p2 $0x0  }
0x1d: {  	s5 =	simm.s32 @p1 $0x1;
	p0 =	seq.s32 s7, s2  }
0x1e: {  	s7 =	smul.u32 @!p0 $0xF7A, s2;
	p2 =	seq.s32 @!p0 s5, $0x0  }
0x1f: {  	s9 =	smul.u32 $0xF7A, s1;
	s8 =	simm.s32 @!p0 $0x1BF5;
	p2 =	por !p2, p0  }
0x20: {  	[sflag:s8] =	ssyncset.s32 @!p0 $0xFFFFF086;
	s6 =	sadd.s32 @!p0 s3, s7;
	s7 =	simm.s32 @!p0 $0x108  }
0x21: {  	s3 =	sadd.s32 s3, s9;
	s6 =	sadd.s32 @!p0 $0x88, s6;
	s7 =	simm.s32 @p2 $0x1082  }
0x22: {  	[simem:s7], [sflag:s8] =	dma.local @!p0 [hbm:s6], $0xF7A  }
0x23: {  	s9 =	sor.u32 $0xD0000000, s2;
	s6 =	simm.s32 $0x108;
	_ =	swait.ge @!p0 [sflag:s8], $0x0  }
0x24: {  	s3 =	sadd.s32 $0x88, s3;
	s6 =	simm.s32 @!p1 $0x1082;
	[sflag:s4] =	ssyncset.s32 $0xFFFFF086  }
0x25: {  	[simem:s6], [sflag:s4] =	dma.local [hbm:s3], $0xF7A  }
0x26: {  	[smem:$0x3F95] =	sst s1;
	(tag) =	ssettag s2;
	_ =	strace s9  }
0x27: {  	s1 =	sld [smem:$0x3FA5]  }
0x28: {  	s2 =	sld [smem:$0x3FA6]  }
0x29: {  	s4 =	sld [smem:$0x3FA8]  }
0x2a: {  	p0 =	seq.s32 s5, $0x0;
	s5 =	sld [smem:$0x3FA9]  }
0x2b: {  	s6 =	sld [smem:$0x3FAA]  }
0x2c: {  	s7 =	sld [smem:$0x3FAB]  }
0x2d: {  	s3 =	simm.s32 $0x108;
	s8 =	sld [smem:$0x3FAC]  }
0x2e: {  	s3 =	simm.s32 @!p0 $0x1082;
	s9 =	sld [smem:$0x3FAD]  }
0x2f: {  	lr =	sadd.s32 s0, s3;
	s0 =	sld [smem:$0x3FA4]  }
0x30: {  	s3 =	sld [smem:$0x3FA7]  }
0x31: {  	[smem:$0x3FB0] =	sst s10  }
0x32: {  	s10 =	sld [smem:$0x3FAE];
	_ =	sdelay $0x3  }
0x33: {  	p0 =	seq.s32 s10, $0x1;
	s10 =	sld [smem:$0x3FB0];
	_ =	sdelay $0x3  }
0x34: {  	[smem:$0x3FB0] =	sst s10  }
0x35: {  	s10 =	sld [smem:$0x3FAF];
	_ =	sdelay $0x3  }
0x36: {  	p1 =	seq.s32 s10, $0x1;
	s10 =	sld [smem:$0x3FB0];
	_ =	sdelay $0x3  }
0x37: {  	[smem:$0x3FB0] =	sst s10  }
0x38: {  	s10 =	sld [smem:$0x3FB1]  }
0x39: {  	_ = 	snop;
	(pc) =	sbr.ind lr, $3  }
0x3a: {  	_ = 	snop  }
0x3b: {  	_ = 	snop  }
0x3c: {  	p2 =	seq.s32 s10, $0x1;
	s10 =	sld [smem:$0x3FB0]  }
0x3d: {  	_ =	shalt  }
0x3e: {  	_ =	shalt  }
0x3f: {  	_ =	shalt  }
0x40: {  	_ =	shalt  }
0x41: {  	_ =	shalt  }
0x42: {  	_ =	shalt  }
0x43: {  	_ =	shalt  }
0x44: {  	_ =	shalt  }
0x45: {  	_ =	shalt  }
0x46: {  	_ =	shalt  }
0x47: {  	_ =	shalt  }
0x48: {  	_ =	shalt  }
0x49: {  	_ =	shalt  }
0x4a: {  	_ =	shalt  }
0x4b: {  	_ =	shalt  }
0x4c: {  	_ =	shalt  }
0x4d: {  	_ =	shalt  }
0x4e: {  	_ =	shalt  }
0x4f: {  	_ =	shalt  }
0x50: {  	_ =	shalt  }
0x51: {  	_ =	shalt  }
0x52: {  	_ =	shalt  }
0x53: {  	_ =	shalt  }
0x54: {  	_ =	shalt  }
0x55: {  	_ =	shalt  }
0x56: {  	_ =	shalt  }
0x57: {  	_ =	shalt  }
0x58: {  	_ =	shalt  }
0x59: {  	_ =	shalt  }
0x5a: {  	_ =	shalt  }
0x5b: {  	_ =	shalt  }
0x5c: {  	_ =	shalt  }
0x5d: {  	_ =	shalt  }
0x5e: {  	_ =	shalt  }
0x5f: {  	_ =	shalt  }
0x60: {  	_ =	shalt  }
0x61: {  	_ =	shalt  }
0x62: {  	_ =	shalt  }
0x63: {  	_ =	shalt  }
0x64: {  	_ =	shalt  }
0x65: {  	_ =	shalt  }
0x66: {  	_ =	shalt  }
0x67: {  	_ =	shalt  }
0x68: {  	_ =	shalt  }
0x69: {  	_ =	shalt  }
0x6a: {  	_ =	shalt  }
0x6b: {  	_ =	shalt  }
0x6c: {  	_ =	shalt  }
0x6d: {  	_ =	shalt  }
0x6e: {  	_ =	shalt  }
0x6f: {  	_ =	shalt  }
0x70: {  	_ =	shalt  }
0x71: {  	_ =	shalt  }
0x72: {  	_ =	shalt  }
0x73: {  	_ =	shalt  }
0x74: {  	_ =	shalt  }
0x75: {  	_ =	shalt  }
0x76: {  	_ =	shalt  }
0x77: {  	_ =	shalt  }
0x78: {  	_ =	shalt  }
0x79: {  	_ =	shalt  }
0x7a: {  	_ =	shalt  }
0x7b: {  	_ =	shalt  }
0x7c: {  	_ =	shalt  }
0x7d: {  	_ =	shalt  }
0x7e: {  	_ =	shalt  }
0x7f: {  	_ =	shalt  }
0x80: {  	_ =	shalt  }
0x81: {  	_ =	shalt  }
0x82: {  	_ =	shalt  }
0x83: {  	_ =	shalt  }
0x84: {  	_ =	shalt  }
0x85: {  	_ =	shalt  }
0x86: {  	_ =	shalt  }
0x87: {  	_ =	shalt  }
.Lfunc_end0:
.L_simem_size_0:
called_computation.1_lowered:
.L_overlay_start_0:
0x88: {  	s2 =	sld [smem:$0x3FD9]  }
0x89: {  	s3 =	sld [smem:$0x3FFE];
	_ =	sdelay $0x1  }
0x8a: {  	s1 =	srdreg.scid  }
0x8b: {  	s0 =	sand.u32 $0x1, s1  }
0x8c: {  	s17 =	sshll.u32 s0, $0xA;
	s2 =	sadd.s32 s3, s2  }
0x8d: {  	s2 =	sadd.s32 s2, s17  }
0x8e: {  	[smem:$0x3FBC] =	sst s2  }
0x8f: {  	_ = 	snop  }
0x90: {  	s2 =	sld [smem:$0x3FD0];
	(tm) =	ssettm $0x1  }
0x91: {  	s18 =	sld [smem:$0x3FFB];
	_ =	sdelay $0x3  }
0x92: {  	_ =	strace s18  }
0x93: {  	s3 =	sld [smem:$0x3FFC];
	_ =	sdelay $0x3  }
0x94: {  	_ =	strace s3  }
0x95: {  	s3 =	sld [smem:$0x3FFD];
	_ =	sdelay $0x3  }
0x96: {  	_ =	strace s3  }
0x97: {  	_ =	strace $0x8FFFFFFF  }
0x98: {  	s19 =	sld [smem:$0x3FDB];
	_ =	sdelay $0x1  }
0x99: {  	s4 =	simm.s32 $_scs_section_size  }
0x9a: {  	s5 =	simm.s32 $_size__tile_overlayer_lowered;
	s6 =	simm.s32 $_tile_overlayer_lowered  }
0x9b: {  	s22 =	simm.s32 $0x1BFF;
	s21 =	sshll.u32 s6, $0x1;
	s3 =	sadd.s32 s4, s19  }
0x9c: {  	s7 =	simm.s32 $0x0;
	s20 =	sshll.u32 s5, $0x1;
	s5 =	sadd.s32 s21, s3  }
0x9d: {  	[timem:s7], [sflag:s22] =	dma.local [hbm:s5], s20  }
0x9e: {  	_ =	swait.ge [sflag:s22], s20  }
0x9f: {  	s4 =	ssub.s32 $0x0, s20;
	[sflag:s22] =	ssyncset.done $0x0  }
0xa0: {  	[sflag:s22] =	ssyncadd.s32 s4;
	_ =	sdelay $0x1  }
0xa1: {  	s23 =	simm.s32 $0x1B8B  }
0xa2: {  	_ =	swait.ge [sflag:s23], $0x1  }
0xa3: {  	[sflag:s23] =	ssyncset.done $0x0  }
0xa4: {  	s25 =	simm.s32 $0x1B8E;
	s24 =	sld [smem:$0x3FFE];
	[sflag:s23] =	ssyncadd.s32 $0xFFFFFFFF  }
0xa5: {  	s26 =	simm.s32 $execute0_lowered;
	[smem:$0x3FD2] =	sst s25  }
0xa6: {  	s5 =	sshll.u32 s26, $0x1;
	_ =	strace $0x80000049;
	[dreg:$0x1] =	wrdreg $0xFFFFFFFF  }
0xa7: {  	s28 =	simm.s32 $_size_execute0_lowered;
	s3 =	sadd.s32 s3, s5;
	[dreg:$0x0] =	wrdreg $0x0  }
0xa8: {  	s5 =	sshll.u32 s28, $0x1;
	[dreg:$0x2] =	wrdreg s3  }
0xa9: {  	[dreg:$0x3] =	wrdreg s5  }
0xaa: {  	[dreg:$0x4] =	wrdreg $0xC0  }
0xab: {  	_ =	task [dreg:s7], $0x5FFFF  }
0xac: {  	[dreg:$0x1] =	wrdreg $0xFFFFFFFF  }
0xad: {  	[dreg:$0x0] =	wrdreg $0x60  }
0xae: {  	[dreg:$0x2] =	wrdreg s24  }
0xaf: {  	[dreg:$0x3] =	wrdreg s2  }
0xb0: {  	[dreg:$0x4] =	wrdreg $0xAB000  }
0xb1: {  	[dreg:$0x5] =	wrdreg $0x1EB000  }
0xb2: {  	[dreg:$0x6] =	wrdreg $0x9  }
0xb3: {  	_ =	task.clear_ibuf [dreg:s7], $0x7FFFF;
	_ =	strace $0x90000049  }
0xb4: {  	s29 =	simm.s32 $0x9;
	_ =	strace $0x8000004B  }
0xb5: {  	_ =	swait.ge [sflag:s29], $0x1  }
0xb6: {  	[sflag:s29] =	ssyncadd.s32 $0xFFFFFFFF  }
0xb7: {  	_ =	strace $0x9000004B  }
0xb8: {  	_ =	sfence  }
0xb9: {  	s30 =	sld [smem:$0x0];
	_ =	sdelay $0x2  }
0xba: {  	s31 =	sshll.u32 s1, $0xD;
	s1 =	sshrl.u32 s1, $0x2  }
0xbb: {  	s3 =	sand.u32 $0x4000, s31;
	s1 =	sadd.s32 s1, s30  }
0xbc: {  	s0 =	sor.u32 s3, s0;
	s1 =	sshll.u32 s1, $0x11  }
0xbd: {  	s0 =	sor.u32 s1, s0  }
0xbe: {  	s0 =	sadd.s32 $0x8F2B, s0  }
0xbf: {  	[sflag:s0] =	ssyncadd.remote.s32 $0x1  }
0xc0: {  	_ =	sfence.sel $0xFFFF  }
0xc1: {  	[dreg:$0x0] =	wrdreg $0xFFFFFFFF;
	(pc) =	sbr.abs _section_cstart, $3  }
0xc2: {  	[dreg:$0x1] =	wrdreg $0xFFFFFFFF  }
0xc3: {  	_ =	task.clear_ibuf [dreg:s7], $0x2FFFF;
	_ =	strace $0x9FFFFFFF  }
0xc4: {  	(tm) =	ssettm $0x7FFFFFFF  }
0xc5: {  	_ =	shalt  }
tec
execute0_lowered:
.L_overlay_start_1:
0x0: {  	(tag) =	ssettag $0x1  }
0x1: {  	s0 =	rddreg [dreg:$0x0]  }
0x2: {  	s2 =	rddreg [dreg:$0x1]  }
0x3: {  	s1 =	rddreg [dreg:$0x2]  }
0x4: {  	s3 =	rddreg [dreg:$0x3];
	s21 =	simm.s32 $0x0  }
0x5: {  	s5 =	srdreg.scid;
	s4 =	stileid.u32;
	s28 =	simm.s32 $0x2900  }
0x6: {  	s30 =	simm.s32 $0x40;
	s31 =	simm.s32 $0x4;
	[smem:$0x7FF] =	sst s21  }
0x7: {  	s8 =	sand.u32 $0x1, s5;
	s9 =	smul.u32 $0x280, s4;
	s10 =	sadd.s32 $0x5AC00, s0  }
0x8: {  	s12 =	sadd.s32 $0x50C00, s0;
	s5 =	sadd.s32 $0x50600, s0;
	s6 =	sadd.s32 $0x8BE00, s0  }
0x9: {  	s7 =	sadd.s32 $0x2200, s0;
	s16 =	smul.u32 $0x50000, s4;
	_ =	strace $0x8000004A  }
0xa: {  	s11 =	smul.u32 $0x2800, s8;
	s13 =	ssub.s32 $0x2, s8;
	s8 =	sshll.u32 s8, $0x4  }
0xb: {  	s15 =	sshrl.u32 s13, $0x1;
	s8 =	sor.u32 s4, s8;
	s19 =	sshrl.u32 s16, $0x2  }
0xc: {  	s20 =	sadd.s32 $0x80, s9;
	s25 =	sadd.s32 $0x100, s9;
	s23 =	sadd.s32 s9, s3  }
0xd: {  	s16 =	simm.s32 $0x2;
	s11 =	sadd.s32 s9, s11;
	s13 =	ssub.s32 s13, s15  }
0xe: {  	s22 =	sadd.s32 s19, s1;
	s24 =	sshll.u32 s20, $0x7;
	s29 =	sshll.u32 s25, $0x7  }
0xf: {  	s15 =	sadd.s32 s20, s3;
	s18 =	smul.u32 $0x2800, s8;
	[dreg:$0x7] =	wrdreg s23  }
0x10: {  	s19 =	sadd.s32 s25, s3;
	s20 =	sadd.s32 $0x180, s9;
	[dreg:$0x9] =	wrdreg s15  }
0x11: {  	s8 =	smul.u32 $0x500, s8;
	s9 =	sadd.s32 $0x200, s9;
	[dreg:$0xb] =	wrdreg s19  }
0x12: {  	s14 =	sshll.u32 s11, $0x4;
	s26 =	sadd.s32 s24, s1;
	[dreg:$0x6] =	wrdreg s22  }
0x13: {  	s17 =	sadd.s32 s29, s1;
	s24 =	sshll.u32 s20, $0x7;
	[dreg:$0x8] =	wrdreg s26  }
0x14: {  	s20 =	sadd.s32 s20, s3;
	s15 =	simm.s32 $0x1;
	[dreg:$0xa] =	wrdreg s17  }
0x15: {  	s0 =	sadd.s32 s14, s0;
	s25 =	sadd.s32 s10, s8;
	[dreg:$0x11] =	wrdreg s20  }
0x16: {  	s14 =	sshrl.u32 s18, $0x3;
	s26 =	sadd.s32 s12, s8;
	[dreg:$0xc] =	wrdreg s25  }
0x17: {  	s18 =	sshll.u32 s9, $0x7;
	s19 =	sadd.s32 s24, s1;
	[dreg:$0xd] =	wrdreg s26  }
0x18: {  	s20 =	simm.s32 $0x6A80;
	s29 =	sadd.s32 $0x280, s14;
	[dreg:$0x10] =	wrdreg s19  }
0x19: {  	s24 =	sadd.s32 s18, s1;
	s25 =	sadd.s32 s9, s3;
	s0 =	sadd.s32 $0x8C400, s0  }
0x1a: {  	s26 =	sshrl.u32 s11, $0x3;
	s11 =	simm.s32 $0x6B00;
	[dreg:$0x12] =	wrdreg s24  }
0x1b: {  	s18 =	simm.s32 $0x5;
	s19 =	simm.s32 $0x7;
	[dreg:$0x13] =	wrdreg s25  }
0x1c: {  	s14 =	sadd.s32 s10, s29;
	s17 =	sadd.s32 s12, s29;
	[dreg:$0x14] =	wrdreg s0  }
0x1d: {  	s0 =	sadd.s32 s2, s26;
	s29 =	smax.u32 s13, $0x1;
	[dreg:$0xe] =	wrdreg s14  }
0x1e: {  	s25 =	simm.s32 $0x2980;
	s26 =	simm.s32 $0x9;
	[dreg:$0xf] =	wrdreg s17  }
0x1f: {  	s12 =	simm.s32 $0x8B00;
	s13 =	simm.s32 $0x6980;
	[dreg:$0x15] =	wrdreg s0  }
0x20: {  	s2 =	simm.s32 $0x6;
	s10 =	simm.s32 $0x8;
	[dreg:$0x16] =	wrdreg s29  }
0x21: {  	v0 =	vimm.f32 $0.0e+00;
	s0 =	simm.s32 $0x80;
	s14 =	simm.s32 $0x6A00;
	s17 =	simm.s32 $0x3  }
.LBB2_1:
0x22: {  	[dreg:$0x5] =	wrdreg s21;
	s8 =	simm.s32 $0x0;
	s9 =	simm.s32 $0x200  }
.LBB2_2:
0x23: {  	p0 =	sne.s32 s9, $0xFE00;
	[tilespmem:s8+$0x29F0] =	vst v0  }
0x24: {  	[tilespmem:s8+$0x2980] =	vst v0  }
0x25: {  	[tilespmem:s8+$0x2990] =	vst v0  }
.Ltmp0:
0x26: {  	[tilespmem:s8+$0x29A0] =	vst v0;
	(pc) =	sbr.rel @p0 .LBB2_2-.Ltmp0, $4  }
0x27: {  	[tilespmem:s8+$0x29B0] =	vst v0  }
0x28: {  	[tilespmem:s8+$0x29C0] =	vst v0  }
0x29: {  	[tilespmem:s8+$0x29D0] =	vst v0  }
0x2a: {  	[tilespmem:s8+$0x29E0] =	vst v0;
	s8 =	sshra.s32 s9, $0x2;
	s9 =	sadd.s32 $0x200, s9  }
0x2b: {  	[tilespmem:s8+$0x29F0] =	vst v0  }
0x2c: {  	[tilespmem:s8+$0x2980] =	vst v0  }
0x2d: {  	[tilespmem:s8+$0x2990] =	vst v0  }
0x2e: {  	[tilespmem:s8+$0x29A0] =	vst v0  }
0x2f: {  	[tilespmem:s8+$0x29B0] =	vst v0  }
0x30: {  	[tilespmem:s8+$0x29C0] =	vst v0  }
0x31: {  	[tilespmem:s8+$0x29D0] =	vst v0  }
0x32: {  	[tilespmem:s8+$0x29E0] =	vst v0  }
0x33: {  	[tilespmem:$0x2900] =	vst v0  }
0x34: {  	[tilespmem:$0x2910] =	vst v0  }
0x35: {  	[tilespmem:$0x2920] =	vst v0  }
0x36: {  	[tilespmem:$0x2930] =	vst v0  }
0x37: {  	[tilespmem:$0x2940] =	vst v0  }
0x38: {  	[tilespmem:$0x2950] =	vst v0  }
0x39: {  	[tilespmem:$0x2960] =	vst v0  }
0x3a: {  	[tilespmem:$0x2970] =	vst v0  }
0x3b: {  	[spmem:s22] =	stream.linear.scatter [tilespmem:s25], [sflag:$0x9], $0x4000, $0x38;
	[tilespmem:$0x1ED80] =	vst v63  }
0x3c: {  	_ =	swait.ge [sflag:s26], $0x4000  }
0x3d: {  	[sflag:s26] =	ssyncset.done $0x0  }
0x3e: {  	[sflag:s26] =	ssyncadd.s32 $0xFFFFC000  }
0x3f: {  	[spmem:s23] =	stream.linear.scatter [tilespmem:s28], [sflag:$0x9], $0x80, $0x38;
	[tilespmem:$0x1ED80] =	vst v63  }
0x40: {  	_ =	swait.ge [sflag:s26], $0x80  }
0x41: {  	[sflag:s26] =	ssyncset.done $0x0  }
0x42: {  	s4 =	rddreg [dreg:$0x8];
	[sflag:s26] =	ssyncadd.s32 $0xFFFFFF80  }
0x43: {  	[spmem:s4] =	stream.linear.scatter [tilespmem:s25], [sflag:$0x9], $0x4000, $0x38;
	[tilespmem:$0x1ED80] =	vst v63  }
0x44: {  	_ =	swait.ge [sflag:s26], $0x4000  }
0x45: {  	[sflag:s26] =	ssyncset.done $0x0  }
0x46: {  	s8 =	rddreg [dreg:$0x9];
	[sflag:s26] =	ssyncadd.s32 $0xFFFFC000  }
0x47: {  	[spmem:s8] =	stream.linear.scatter [tilespmem:s28], [sflag:$0x9], $0x80, $0x38;
	[tilespmem:$0x1ED80] =	vst v63  }
0x48: {  	_ =	swait.ge [sflag:s26], $0x80  }
0x49: {  	[sflag:s26] =	ssyncset.done $0x0  }
0x4a: {  	s9 =	rddreg [dreg:$0xa];
	[sflag:s26] =	ssyncadd.s32 $0xFFFFFF80  }
0x4b: {  	[spmem:s9] =	stream.linear.scatter [tilespmem:s25], [sflag:$0x9], $0x4000, $0x38;
	[tilespmem:$0x1ED80] =	vst v63  }
0x4c: {  	_ =	swait.ge [sflag:s26], $0x4000  }
0x4d: {  	[sflag:s26] =	ssyncset.done $0x0  }
0x4e: {  	s21 =	rddreg [dreg:$0xb];
	[sflag:s26] =	ssyncadd.s32 $0xFFFFC000  }
0x4f: {  	[spmem:s21] =	stream.linear.scatter [tilespmem:s28], [sflag:$0x9], $0x80, $0x38;
	[tilespmem:$0x1ED80] =	vst v63  }
0x50: {  	_ =	swait.ge [sflag:s26], $0x80  }
0x51: {  	[sflag:s26] =	ssyncset.done $0x0  }
0x52: {  	s22 =	rddreg [dreg:$0x10];
	[sflag:s26] =	ssyncadd.s32 $0xFFFFFF80  }
0x53: {  	[spmem:s22] =	stream.linear.scatter [tilespmem:s25], [sflag:$0x9], $0x4000, $0x38;
	[tilespmem:$0x1ED80] =	vst v63  }
0x54: {  	_ =	swait.ge [sflag:s26], $0x4000  }
0x55: {  	[sflag:s26] =	ssyncset.done $0x0  }
0x56: {  	s23 =	rddreg [dreg:$0x11];
	[sflag:s26] =	ssyncadd.s32 $0xFFFFC000  }
0x57: {  	[spmem:s23] =	stream.linear.scatter [tilespmem:s28], [sflag:$0x9], $0x80, $0x38;
	[tilespmem:$0x1ED80] =	vst v63  }
0x58: {  	_ =	swait.ge [sflag:s26], $0x80  }
0x59: {  	[sflag:s26] =	ssyncset.done $0x0  }
0x5a: {  	s24 =	rddreg [dreg:$0x12];
	[sflag:s26] =	ssyncadd.s32 $0xFFFFFF80  }
0x5b: {  	[spmem:s24] =	stream.linear.scatter [tilespmem:s25], [sflag:$0x9], $0x4000, $0x38;
	[tilespmem:$0x1ED80] =	vst v63  }
0x5c: {  	_ =	swait.ge [sflag:s26], $0x4000  }
0x5d: {  	[sflag:s26] =	ssyncset.done $0x0  }
0x5e: {  	s29 =	rddreg [dreg:$0x13];
	[sflag:s26] =	ssyncadd.s32 $0xFFFFC000  }
0x5f: {  	[spmem:s29] =	stream.linear.scatter [tilespmem:s28], [sflag:$0x9], $0x80, $0x38;
	[tilespmem:$0x1ED80] =	vst v63  }
0x60: {  	_ =	swait.ge [sflag:s26], $0x80  }
0x61: {  	[sflag:s26] =	ssyncset.done $0x0  }
0x62: {  	[sflag:s26] =	ssyncadd.s32 $0xFFFFFF80  }
0x63: {  	[bflag:$0x0] =	sbarrier.arrive $0xFFFF  }
0x64: {  	s21 =	simm.s32 $0x0;
	s8 =	rddreg [dreg:$0xc]  }
0x65: {  	[tilespmem:s21], [sflag:$0x9] =	stream.linear.gather [hbm4b:s8+s21], $0x1400, $0x38;
	[tilespmem:$0x1ED80] =	vst v63  }
0x66: {  	_ =	swait.ge [sflag:s26], $0x1400  }
0x67: {  	[sflag:s26] =	ssyncset.done $0x0  }
0x68: {  	s22 =	simm.s32 $0x1400;
	s9 =	rddreg [dreg:$0xd];
	[sflag:s26] =	ssyncadd.s32 $0xFFFFEC00  }
0x69: {  	[tilespmem:s22], [sflag:$0x9] =	stream.linear.gather [hbm4b:s9+s21], $0x1400, $0x38;
	[tilespmem:$0x1ED80] =	vst v63  }
0x6a: {  	_ =	swait.ge [sflag:s26], $0x1400  }
0x6b: {  	[sflag:s26] =	ssyncset.done $0x0  }
0x6c: {  	[sflag:s26] =	ssyncadd.s32 $0xFFFFEC00  }
0x6d: {  	[tilespmem:s25], [sflag:$0x3] =	stream.indirect.gather [hbm4b:s7+s30], $0x80, s21, s30, $0xb8;
	[tilespmem:$0x1ED80] =	vst v63  }
0x6e: {  	s23 =	simm.s32 $0x4980  }
0x6f: {  	[tilespmem:s23], [sflag:$0x4] =	stream.indirect.gather [hbm4b:s7+s30], $0x80, s30, s30, $0xb8;
	[tilespmem:$0x1ED80] =	vst v63  }
0x70: {  	s24 =	simm.s32 $0x2800  }
0x71: {  	[tilespmem:s24], [sflag:$0x1] =	stream.indirect.gather [hbm4b:s5+s0], $0x1, s21, s0, $0xb8;
	[tilespmem:$0x1ED80] =	vst v63  }
0x72: {  	s29 =	simm.s32 $0x2880  }
0x73: {  	[tilespmem:s29], [sflag:$0x2] =	stream.indirect.gather [hbm4b:s6+s0], $0x1, s22, s0, $0xb8;
	[tilespmem:$0x1ED80] =	vst v63  }
0x74: {  	s22 =	simm.s32 $0x0  }
.LBB2_4:
0x75: {  	s24 =	sshll.u32 s22, $0x8  }
0x76: {  	s8 =	sor.u32 $0x80, s24  }
0x77: {  	[tilespmem:s11], [sflag:$0x7] =	stream.indirect.gather [hbm4b:s7+s30], $0x80, s8, s30, $0xb8;
	[tilespmem:$0x1ED80] =	vst v63  }
0x78: {  	s9 =	sor.u32 $0xC0, s24  }
0x79: {  	[tilespmem:s12], [sflag:$0x8] =	stream.indirect.gather [hbm4b:s7+s30], $0x80, s9, s30, $0xb8;
	[tilespmem:$0x1ED80] =	vst v63  }
0x7a: {  	_ = 	snop  }
0x7b: {  	[tilespmem:s13], [sflag:$0x5] =	stream.indirect.gather [hbm4b:s5+s0], $0x1, s8, s0, $0xb8;
	[tilespmem:$0x1ED80] =	vst v63  }
0x7c: {  	s23 =	sadd.s32 $0x1480, s24  }
0x7d: {  	[tilespmem:s14], [sflag:$0x6] =	stream.indirect.gather [hbm4b:s6+s0], $0x1, s23, s0, $0xb8;
	[tilespmem:$0x1ED80] =	vst v63  }
0x7e: {  	_ =	swait.ge [sflag:s15], $0x80  }
0x7f: {  	[sflag:s15] =	ssyncset.done $0x0  }
0x80: {  	[sflag:s15] =	ssyncadd.s32 $0xFFFFFF80  }
0x81: {  	_ =	swait.ge [sflag:s16], $0x80  }
0x82: {  	[sflag:s16] =	ssyncset.done $0x0  }
0x83: {  	[sflag:s16] =	ssyncadd.s32 $0xFFFFFF80  }
0x84: {  	v1 =	vld [tilespmem:$0x2800]  }
0x85: {  	v2 =	vld [tilespmem:$0x2880]  }
0x86: {  	v3 =	vld [tilespmem:$0x2810]  }
0x87: {  	v4 =	vld [tilespmem:$0x2890]  }
0x88: {  	v5 =	vld [tilespmem:$0x2820]  }
0x89: {  	v6 =	vld [tilespmem:$0x28A0]  }
0x8a: {  	v7 =	vld [tilespmem:$0x2830]  }
0x8b: {  	v8 =	vld [tilespmem:$0x28B0]  }
0x8c: {  	v9 =	vld [tilespmem:$0x2840]  }
0x8d: {  	v10 =	vld [tilespmem:$0x28C0]  }
0x8e: {  	v13 =	vld [tilespmem:$0x28E0];
	v1 =	vadd.f32 v2, v1  }
0x8f: {  	v14 =	vld [tilespmem:$0x2870];
	v3 =	vadd.f32 v4, v3  }
0x90: {  	v2 =	vld [tilespmem:$0x2850];
	v5 =	vadd.f32 v6, v5;
	v11 =	vmul.f32 $2.000000030e-01, v1  }
0x91: {  	v4 =	vld [tilespmem:$0x28D0];
	v12 =	vmul.f32 $2.000000030e-01, v3  }
0x92: {  	v6 =	vld [tilespmem:$0x2860];
	v1 =	vmax.f32 v1, v11;
	v11 =	vmul.f32 $2.000000030e-01, v5  }
0x93: {  	v63 =	vld [tilespmem:$0x28F0];
	v3 =	vmax.f32 v3, v12;
	v1 =	vmul.f32 $1.442695020e+00, v1  }
0x94: {  	v7 =	vadd.f32 v8, v7;
	v3 =	vmul.f32 $1.442695020e+00, v3;
	v5 =	vmax.f32 v5, v11  }
0x95: {  	(erf) = vpow2.f32 v1;
	v1 =	vadd.f32 v10, v9;
	v5 =	vmul.f32 $1.442695020e+00, v5  }
0x96: {  	v2 =	vadd.f32 v4, v2;
	(erf) = vpow2.f32 v3;
	v3 =	vmul.f32 $2.000000030e-01, v7  }
0x97: {  	(erf) = vpow2.f32 v5;
	v4 =	vmul.f32 $2.000000030e-01, v1;
	v5 =	vadd.f32 v13, v6  }
0x98: {  	v6 =	vmul.f32 $2.000000030e-01, v2;
	v3 =	vmax.f32 v7, v3;
	v7 =	vadd.f32 v63, v14  }
0x99: {  	v3 =	vmul.f32 $1.442695020e+00, v3;
	v1 =	vmax.f32 v1, v4;
	v4 =	vmul.f32 $2.000000030e-01, v5  }
0x9a: {  	v2 =	vmax.f32 v2, v6;
	v1 =	vmul.f32 $1.442695020e+00, v1;
	v6 =	vmul.f32 $2.000000030e-01, v7  }
0x9b: {  	v2 =	vmul.f32 $1.442695020e+00, v2;
	(erf) = vpow2.f32 v3;
	v3 =	vmax.f32 v5, v4  }
0x9c: {  	(erf) = vpow2.f32 v1;
	v1 =	vmul.f32 $1.442695020e+00, v3;
	v3 =	vmax.f32 v7, v6  }
0x9d: {  	(erf) = vpow2.f32 v2;
	v2 =	vmul.f32 $1.442695020e+00, v3  }
0x9e: {  	(erf) = vpow2.f32 v1  }
0x9f: {  	(erf) = vpow2.f32 v2;
	_ =	sdelay $0x1  }
0xa0: {  	v1 =	vpop (erf)  }
0xa1: {  	v2 =	vpop (erf);
	[tilespmem:$0x2900] =	vst v1  }
0xa2: {  	v1 =	vpop (erf);
	[tilespmem:$0x2910] =	vst v2  }
0xa3: {  	[tilespmem:$0x2920] =	vst v1;
	v2 =	vpop (erf)  }
0xa4: {  	v1 =	vpop (erf);
	[tilespmem:$0x2930] =	vst v2  }
0xa5: {  	v2 =	vpop (erf);
	[tilespmem:$0x2940] =	vst v1  }
0xa6: {  	v1 =	vpop (erf);
	[tilespmem:$0x2950] =	vst v2  }
0xa7: {  	[tilespmem:$0x2960] =	vst v1;
	v1 =	vpop (erf)  }
0xa8: {  	[tilespmem:$0x2970] =	vst v1  }
0xa9: {  	_ =	swait.ge [sflag:s17], $0x2000  }
0xaa: {  	[sflag:s17] =	ssyncset.done $0x0  }
0xab: {  	[sflag:s17] =	ssyncadd.s32 $0xFFFFE000  }
0xac: {  	_ =	swait.ge [sflag:s31], $0x2000  }
0xad: {  	v1 =	vmov s21;
	[sflag:s31] =	ssyncset.done $0x0  }
0xae: {  	s8 =	simm.s32 $0x29C0;
	[sflag:s31] =	ssyncadd.s32 $0xFFFFE000  }
0xaf: {  	v5 =	vld [tilespmem:s8+$0x30]  }
0xb0: {  	v8 =	vld [tilespmem:s8+$0x10]  }
0xb1: {  	v6 =	vld [tilespmem:s8+$0xFFFFFFC0]  }
0xb2: {  	v2 =	vld.idx.msk [tilespmem:v1+s28+$0x0], $0xffff  }
0xb3: {  	v10 =	vld [tilespmem:s8+$0xFFFFFFE0]  }
0xb4: {  	v1 =	vld [tilespmem:s8+$0xFFFFFFF0]  }
0xb5: {  	v3 =	vld [tilespmem:s8+$0x20]  }
0xb6: {  	v4 =	vld [tilespmem:s8+$0xFFFFFFD0]  }
0xb7: {  	v9 =	vmul.f32 v5, v2;
	v5 =	vld [tilespmem:s8+$0x0]  }
0xb8: {  	v7 =	vmul.f32 v6, v2  }
0xb9: {  	s29 =	simm.s32 $0x29C0;
	s9 =	simm.s32 $0x1;
	v6 =	vmul.f32 v10, v2;
	v8 =	vmul.f32 v8, v2  }
.LBB2_5:
0xba: {  	p0 =	sne.s32 s9, $0x7F  }
0xbb: {  	v4 =	vmul.f32 v4, v2;
	v3 =	vmul.f32 v3, v2;
	[tilespmem:s8+$0x30] =	vst v9;
	s29 =	sadd.s32 $0x80, s29;
	s4 =	smov.u32 s9;
	s9 =	sadd.s32 $0x1, s9  }
0xbc: {  	[tilespmem:s8+$0xFFFFFFC0] =	vst v7;
	v7 =	vmul.f32 v1, v2;
	v2 =	vmul.f32 v5, v2  }
0xbd: {  	[tilespmem:s8+$0x10] =	vst v8  }
0xbe: {  	v5 =	vmov s4;
	[tilespmem:s8+$0xFFFFFFE0] =	vst v6  }
0xbf: {  	v1 =	vld [tilespmem:s29+$0xFFFFFFF0];
	[tilespmem:s8+$0xFFFFFFF0] =	vst v7  }
0xc0: {  	v6 =	vld [tilespmem:s29+$0x30];
	[tilespmem:s8+$0x0] =	vst v2  }
0xc1: {  	v8 =	vld [tilespmem:s29+$0x10];
	[tilespmem:s8+$0x20] =	vst v3  }
0xc2: {  	v7 =	vld [tilespmem:s29+$0xFFFFFFC0];
	[tilespmem:s8+$0xFFFFFFD0] =	vst v4;
	s8 =	smov.u32 s29  }
0xc3: {  	v2 =	vld.idx.msk [tilespmem:v5+s28+$0x0], $0xffff  }
0xc4: {  	v10 =	vld [tilespmem:s29+$0xFFFFFFE0]  }
0xc5: {  	v3 =	vld [tilespmem:s29+$0x20]  }
.Ltmp1:
0xc6: {  	v4 =	vld [tilespmem:s29+$0xFFFFFFD0];
	(pc) =	sbr.rel @p0 .LBB2_5-.Ltmp1, $3  }
0xc7: {  	v5 =	vld [tilespmem:s29+$0x0];
	_ =	sdelay $0x1  }
0xc8: {  	v7 =	vmul.f32 v7, v2;
	v9 =	vmul.f32 v6, v2  }
0xc9: {  	v8 =	vmul.f32 v8, v2;
	v6 =	vmul.f32 v10, v2  }
0xca: {  	[tilespmem:s8+$0x30] =	vst v9  }
0xcb: {  	[tilespmem:s8+$0xFFFFFFC0] =	vst v7  }
0xcc: {  	v1 =	vmul.f32 v1, v2;
	[tilespmem:s8+$0x10] =	vst v8  }
0xcd: {  	v3 =	vmul.f32 v3, v2;
	[tilespmem:s8+$0xFFFFFFE0] =	vst v6  }
0xce: {  	v5 =	vmul.f32 v5, v2;
	[tilespmem:s8+$0xFFFFFFF0] =	vst v1  }
0xcf: {  	v1 =	vmul.f32 v4, v2;
	[tilespmem:s8+$0x20] =	vst v3  }
0xd0: {  	s4 =	sand.u32 $0x3FFFFF00, s24;
	[tilespmem:s8+$0x0] =	vst v5  }
0xd1: {  	s4 =	sadd.s32 $0x1400, s4;
	[tilespmem:s8+$0xFFFFFFD0] =	vst v1  }
0xd2: {  	[spmem:s1] =	stream.indirect.scatter.add.f32 [tilespmem:s25], [sflag:$0x9], $0x80, s4, s0, $0xb8;
	[tilespmem:$0x1ED80] =	vst v63  }
0xd3: {  	_ =	swait.ge [sflag:s26], $0x4000  }
0xd4: {  	[sflag:s26] =	ssyncset.done $0x0  }
0xd5: {  	[sflag:s26] =	ssyncadd.s32 $0xFFFFC000  }
0xd6: {  	[spmem:s3] =	stream.indirect.scatter.add.f32 [tilespmem:s28], [sflag:$0x9], $0x1, s4, s0, $0xb8;
	[tilespmem:$0x1ED80] =	vst v63  }
0xd7: {  	p0 =	seq.s32 s22, $0x13;
	_ =	swait.ge [sflag:s26], $0x80  }
0xd8: {  	s9 =	simm.s32 @!p0 $0x2980;
	[sflag:s26] =	ssyncset.done $0x0  }
0xd9: {  	s8 =	simm.s32 @!p0 $0x40;
	s4 =	sadd.s32 @!p0 $0x100, s24;
	[sflag:s26] =	ssyncadd.s32 $0xFFFFFF80  }
0xda: {  	[tilespmem:s9], [sflag:$0x3] =	stream.indirect.gather @!p0 [hbm4b:s7+s8], $0x80, s4, s8, $0xb8;
	[tilespmem:$0x1ED80] =	vst v63  }
0xdb: {  	s29 =	simm.s32 @!p0 $0x4980;
	s9 =	sadd.s32 @!p0 $0x140, s24  }
0xdc: {  	[tilespmem:s29], [sflag:$0x4] =	stream.indirect.gather @!p0 [hbm4b:s7+s8], $0x80, s9, s8, $0xb8;
	[tilespmem:$0x1ED80] =	vst v63  }
0xdd: {  	s8 =	simm.s32 @!p0 $0x80;
	s9 =	simm.s32 @!p0 $0x2800  }
0xde: {  	[tilespmem:s9], [sflag:$0x1] =	stream.indirect.gather @!p0 [hbm4b:s5+s8], $0x1, s4, s8, $0xb8;
	[tilespmem:$0x1ED80] =	vst v63  }
0xdf: {  	s4 =	sadd.s32 @!p0 $0x1500, s24;
	s9 =	simm.s32 @!p0 $0x2880  }
0xe0: {  	[tilespmem:s9], [sflag:$0x2] =	stream.indirect.gather @!p0 [hbm4b:s6+s8], $0x1, s4, s8, $0xb8;
	[tilespmem:$0x1ED80] =	vst v63  }
0xe1: {  	_ =	swait.ge [sflag:s18], $0x80  }
0xe2: {  	[sflag:s18] =	ssyncset.done $0x0  }
0xe3: {  	[sflag:s18] =	ssyncadd.s32 $0xFFFFFF80  }
0xe4: {  	_ =	swait.ge [sflag:s2], $0x80  }
0xe5: {  	[sflag:s2] =	ssyncset.done $0x0  }
0xe6: {  	[sflag:s2] =	ssyncadd.s32 $0xFFFFFF80  }
0xe7: {  	v1 =	vld [tilespmem:$0x6980]  }
0xe8: {  	v2 =	vld [tilespmem:$0x6A00]  }
0xe9: {  	v3 =	vld [tilespmem:$0x6990]  }
0xea: {  	v4 =	vld [tilespmem:$0x6A10]  }
0xeb: {  	v5 =	vld [tilespmem:$0x69A0]  }
0xec: {  	v6 =	vld [tilespmem:$0x6A20]  }
0xed: {  	v7 =	vld [tilespmem:$0x69B0]  }
0xee: {  	v8 =	vld [tilespmem:$0x6A30]  }
0xef: {  	v9 =	vld [tilespmem:$0x69C0]  }
0xf0: {  	v10 =	vld [tilespmem:$0x6A40]  }
0xf1: {  	v13 =	vld [tilespmem:$0x6A60];
	v1 =	vadd.f32 v2, v1  }
0xf2: {  	v14 =	vld [tilespmem:$0x69F0];
	v3 =	vadd.f32 v4, v3  }
0xf3: {  	v2 =	vld [tilespmem:$0x69D0];
	v5 =	vadd.f32 v6, v5;
	v11 =	vmul.f32 $2.000000030e-01, v1  }
0xf4: {  	v4 =	vld [tilespmem:$0x6A50];
	v12 =	vmul.f32 $2.000000030e-01, v3  }
0xf5: {  	v6 =	vld [tilespmem:$0x69E0];
	v1 =	vmax.f32 v1, v11;
	v11 =	vmul.f32 $2.000000030e-01, v5  }
0xf6: {  	v63 =	vld [tilespmem:$0x6A70];
	v3 =	vmax.f32 v3, v12;
	v1 =	vmul.f32 $1.442695020e+00, v1  }
0xf7: {  	v7 =	vadd.f32 v8, v7;
	v3 =	vmul.f32 $1.442695020e+00, v3;
	v5 =	vmax.f32 v5, v11  }
0xf8: {  	(erf) = vpow2.f32 v1;
	v1 =	vadd.f32 v10, v9;
	v5 =	vmul.f32 $1.442695020e+00, v5  }
0xf9: {  	v2 =	vadd.f32 v4, v2;
	(erf) = vpow2.f32 v3;
	v3 =	vmul.f32 $2.000000030e-01, v7  }
0xfa: {  	(erf) = vpow2.f32 v5;
	v4 =	vmul.f32 $2.000000030e-01, v1;
	v5 =	vadd.f32 v13, v6  }
0xfb: {  	v6 =	vmul.f32 $2.000000030e-01, v2;
	v3 =	vmax.f32 v7, v3;
	v7 =	vadd.f32 v63, v14  }
0xfc: {  	v3 =	vmul.f32 $1.442695020e+00, v3;
	v1 =	vmax.f32 v1, v4;
	v4 =	vmul.f32 $2.000000030e-01, v5  }
0xfd: {  	v2 =	vmax.f32 v2, v6;
	v1 =	vmul.f32 $1.442695020e+00, v1;
	v6 =	vmul.f32 $2.000000030e-01, v7  }
0xfe: {  	v2 =	vmul.f32 $1.442695020e+00, v2;
	(erf) = vpow2.f32 v3;
	v3 =	vmax.f32 v5, v4  }
0xff: {  	(erf) = vpow2.f32 v1;
	v1 =	vmul.f32 $1.442695020e+00, v3;
	v3 =	vmax.f32 v7, v6  }
0x100: {  	(erf) = vpow2.f32 v2;
	v2 =	vmul.f32 $1.442695020e+00, v3  }
0x101: {  	(erf) = vpow2.f32 v1  }
0x102: {  	(erf) = vpow2.f32 v2;
	_ =	sdelay $0x1  }
0x103: {  	v1 =	vpop (erf)  }
0x104: {  	v2 =	vpop (erf);
	[tilespmem:$0x6A80] =	vst v1  }
0x105: {  	v1 =	vpop (erf);
	[tilespmem:$0x6A90] =	vst v2  }
0x106: {  	[tilespmem:$0x6AA0] =	vst v1;
	v2 =	vpop (erf)  }
0x107: {  	v1 =	vpop (erf);
	[tilespmem:$0x6AB0] =	vst v2  }
0x108: {  	v2 =	vpop (erf);
	[tilespmem:$0x6AC0] =	vst v1  }
0x109: {  	v1 =	vpop (erf);
	[tilespmem:$0x6AD0] =	vst v2  }
0x10a: {  	[tilespmem:$0x6AE0] =	vst v1;
	v1 =	vpop (erf)  }
0x10b: {  	[tilespmem:$0x6AF0] =	vst v1  }
0x10c: {  	_ =	swait.ge [sflag:s19], $0x2000  }
0x10d: {  	[sflag:s19] =	ssyncset.done $0x0  }
0x10e: {  	[sflag:s19] =	ssyncadd.s32 $0xFFFFE000  }
0x10f: {  	s29 =	simm.s32 $0x0;
	_ =	swait.ge [sflag:s10], $0x2000  }
0x110: {  	v1 =	vmov s29;
	[sflag:s10] =	ssyncset.done $0x0  }
0x111: {  	s8 =	simm.s32 $0x6B40;
	[sflag:s10] =	ssyncadd.s32 $0xFFFFE000  }
0x112: {  	v5 =	vld [tilespmem:s8+$0x30]  }
0x113: {  	v8 =	vld [tilespmem:s8+$0x10]  }
0x114: {  	v6 =	vld [tilespmem:s8+$0xFFFFFFC0]  }
0x115: {  	v2 =	vld.idx.msk [tilespmem:v1+s20+$0x0], $0xffff  }
0x116: {  	v10 =	vld [tilespmem:s8+$0xFFFFFFE0]  }
0x117: {  	v1 =	vld [tilespmem:s8+$0xFFFFFFF0]  }
0x118: {  	v3 =	vld [tilespmem:s8+$0x20]  }
0x119: {  	v4 =	vld [tilespmem:s8+$0xFFFFFFD0]  }
0x11a: {  	v9 =	vmul.f32 v5, v2;
	v5 =	vld [tilespmem:s8+$0x0]  }
0x11b: {  	v7 =	vmul.f32 v6, v2  }
0x11c: {  	s24 =	simm.s32 $0x6B40;
	s9 =	simm.s32 $0x1;
	v6 =	vmul.f32 v10, v2;
	v8 =	vmul.f32 v8, v2  }
.LBB2_7:
0x11d: {  	p0 =	sne.s32 s9, $0x7F  }
0x11e: {  	v4 =	vmul.f32 v4, v2;
	v3 =	vmul.f32 v3, v2;
	[tilespmem:s8+$0x30] =	vst v9;
	s24 =	sadd.s32 $0x80, s24;
	s4 =	smov.u32 s9;
	s9 =	sadd.s32 $0x1, s9  }
0x11f: {  	[tilespmem:s8+$0xFFFFFFC0] =	vst v7;
	v7 =	vmul.f32 v1, v2;
	v2 =	vmul.f32 v5, v2  }
0x120: {  	[tilespmem:s8+$0x10] =	vst v8  }
0x121: {  	v5 =	vmov s4;
	[tilespmem:s8+$0xFFFFFFE0] =	vst v6  }
0x122: {  	v1 =	vld [tilespmem:s24+$0xFFFFFFF0];
	[tilespmem:s8+$0xFFFFFFF0] =	vst v7  }
0x123: {  	v6 =	vld [tilespmem:s24+$0x30];
	[tilespmem:s8+$0x0] =	vst v2  }
0x124: {  	v8 =	vld [tilespmem:s24+$0x10];
	[tilespmem:s8+$0x20] =	vst v3  }
0x125: {  	v7 =	vld [tilespmem:s24+$0xFFFFFFC0];
	[tilespmem:s8+$0xFFFFFFD0] =	vst v4;
	s8 =	smov.u32 s24  }
0x126: {  	v2 =	vld.idx.msk [tilespmem:v5+s20+$0x0], $0xffff  }
0x127: {  	v10 =	vld [tilespmem:s24+$0xFFFFFFE0]  }
0x128: {  	v3 =	vld [tilespmem:s24+$0x20]  }
.Ltmp2:
0x129: {  	v4 =	vld [tilespmem:s24+$0xFFFFFFD0];
	(pc) =	sbr.rel @p0 .LBB2_7-.Ltmp2, $3  }
0x12a: {  	v5 =	vld [tilespmem:s24+$0x0];
	_ =	sdelay $0x1  }
0x12b: {  	v7 =	vmul.f32 v7, v2;
	v9 =	vmul.f32 v6, v2  }
0x12c: {  	v8 =	vmul.f32 v8, v2;
	v6 =	vmul.f32 v10, v2  }
0x12d: {  	[tilespmem:s8+$0x30] =	vst v9  }
0x12e: {  	[tilespmem:s8+$0xFFFFFFC0] =	vst v7  }
0x12f: {  	v1 =	vmul.f32 v1, v2;
	[tilespmem:s8+$0x10] =	vst v8  }
0x130: {  	v3 =	vmul.f32 v3, v2;
	[tilespmem:s8+$0xFFFFFFE0] =	vst v6  }
0x131: {  	v5 =	vmul.f32 v5, v2;
	[tilespmem:s8+$0xFFFFFFF0] =	vst v1  }
0x132: {  	v1 =	vmul.f32 v4, v2;
	[tilespmem:s8+$0x20] =	vst v3  }
0x133: {  	[tilespmem:s8+$0x0] =	vst v5  }
0x134: {  	[tilespmem:s8+$0xFFFFFFD0] =	vst v1  }
0x135: {  	[spmem:s1] =	stream.indirect.scatter.add.f32 [tilespmem:s11], [sflag:$0x9], $0x80, s23, s0, $0xb8;
	[tilespmem:$0x1ED80] =	vst v63  }
0x136: {  	s22 =	sadd.s32 $0x1, s22;
	_ =	swait.ge [sflag:s26], $0x4000  }
0x137: {  	p0 =	sne.s32 s22, $0x14;
	[sflag:s26] =	ssyncset.done $0x0  }
.Ltmp3:
0x138: {  	[sflag:s26] =	ssyncadd.s32 $0xFFFFC000;
	(pc) =	sbr.rel @p0 .LBB2_4-.Ltmp3, $4  }
0x139: {  	[spmem:s3] =	stream.indirect.scatter.add.f32 [tilespmem:s20], [sflag:$0x9], $0x1, s23, s0, $0xb8;
	[tilespmem:$0x1ED80] =	vst v63  }
0x13a: {  	_ =	swait.ge [sflag:s26], $0x80  }
0x13b: {  	[sflag:s26] =	ssyncset.done $0x0  }
0x13c: {  	[sflag:s26] =	ssyncadd.s32 $0xFFFFFF80  }
0x13d: {  	s21 =	simm.s32 $0x0;
	s4 =	rddreg [dreg:$0xe]  }
0x13e: {  	[tilespmem:s21], [sflag:$0x9] =	stream.linear.gather [hbm4b:s4+s21], $0x1400, $0x38;
	[tilespmem:$0x1ED80] =	vst v63  }
0x13f: {  	_ =	swait.ge [sflag:s26], $0x1400  }
0x140: {  	[sflag:s26] =	ssyncset.done $0x0  }
0x141: {  	s8 =	simm.s32 $0x1400;
	s22 =	rddreg [dreg:$0xf];
	[sflag:s26] =	ssyncadd.s32 $0xFFFFEC00  }
0x142: {  	[tilespmem:s8], [sflag:$0x9] =	stream.linear.gather [hbm4b:s22+s21], $0x1400, $0x38;
	[tilespmem:$0x1ED80] =	vst v63  }
0x143: {  	_ =	swait.ge [sflag:s26], $0x1400  }
0x144: {  	[sflag:s26] =	ssyncset.done $0x0  }
0x145: {  	[sflag:s26] =	ssyncadd.s32 $0xFFFFEC00  }
0x146: {  	[tilespmem:s25], [sflag:$0x3] =	stream.indirect.gather [hbm4b:s7+s30], $0x80, s21, s30, $0xb8;
	[tilespmem:$0x1ED80] =	vst v63  }
0x147: {  	s23 =	simm.s32 $0x4980  }
0x148: {  	[tilespmem:s23], [sflag:$0x4] =	stream.indirect.gather [hbm4b:s7+s30], $0x80, s30, s30, $0xb8;
	[tilespmem:$0x1ED80] =	vst v63  }
0x149: {  	s24 =	simm.s32 $0x2800  }
0x14a: {  	[tilespmem:s24], [sflag:$0x1] =	stream.indirect.gather [hbm4b:s5+s0], $0x1, s21, s0, $0xb8;
	[tilespmem:$0x1ED80] =	vst v63  }
0x14b: {  	s29 =	simm.s32 $0x2880;
	s22 =	simm.s32 $0x0  }
0x14c: {  	[tilespmem:s29], [sflag:$0x2] =	stream.indirect.gather [hbm4b:s6+s0], $0x1, s8, s0, $0xb8;
	[tilespmem:$0x1ED80] =	vst v63  }
.LBB2_10:
0x14d: {  	s24 =	sshll.u32 s22, $0x8  }
0x14e: {  	s4 =	sor.u32 $0x80, s24  }
0x14f: {  	[tilespmem:s11], [sflag:$0x7] =	stream.indirect.gather [hbm4b:s7+s30], $0x80, s4, s30, $0xb8;
	[tilespmem:$0x1ED80] =	vst v63  }
0x150: {  	s8 =	sor.u32 $0xC0, s24  }
0x151: {  	[tilespmem:s12], [sflag:$0x8] =	stream.indirect.gather [hbm4b:s7+s30], $0x80, s8, s30, $0xb8;
	[tilespmem:$0x1ED80] =	vst v63  }
0x152: {  	_ = 	snop  }
0x153: {  	[tilespmem:s13], [sflag:$0x5] =	stream.indirect.gather [hbm4b:s5+s0], $0x1, s4, s0, $0xb8;
	[tilespmem:$0x1ED80] =	vst v63  }
0x154: {  	s23 =	sadd.s32 $0x1480, s24  }
0x155: {  	[tilespmem:s14], [sflag:$0x6] =	stream.indirect.gather [hbm4b:s6+s0], $0x1, s23, s0, $0xb8;
	[tilespmem:$0x1ED80] =	vst v63  }
0x156: {  	_ =	swait.ge [sflag:s15], $0x80  }
0x157: {  	[sflag:s15] =	ssyncset.done $0x0  }
0x158: {  	[sflag:s15] =	ssyncadd.s32 $0xFFFFFF80  }
0x159: {  	_ =	swait.ge [sflag:s16], $0x80  }
0x15a: {  	[sflag:s16] =	ssyncset.done $0x0  }
0x15b: {  	[sflag:s16] =	ssyncadd.s32 $0xFFFFFF80  }
0x15c: {  	v1 =	vld [tilespmem:$0x2800]  }
0x15d: {  	v2 =	vld [tilespmem:$0x2880]  }
0x15e: {  	v3 =	vld [tilespmem:$0x2810]  }
0x15f: {  	v4 =	vld [tilespmem:$0x2890]  }
0x160: {  	v5 =	vld [tilespmem:$0x2820]  }
0x161: {  	v6 =	vld [tilespmem:$0x28A0]  }
0x162: {  	v7 =	vld [tilespmem:$0x2830]  }
0x163: {  	v8 =	vld [tilespmem:$0x28B0]  }
0x164: {  	v9 =	vld [tilespmem:$0x2840]  }
0x165: {  	v10 =	vld [tilespmem:$0x28C0]  }
0x166: {  	v13 =	vld [tilespmem:$0x28E0];
	v1 =	vadd.f32 v2, v1  }
0x167: {  	v14 =	vld [tilespmem:$0x2870];
	v3 =	vadd.f32 v4, v3  }
0x168: {  	v2 =	vld [tilespmem:$0x2850];
	v5 =	vadd.f32 v6, v5;
	v11 =	vmul.f32 $2.000000030e-01, v1  }
0x169: {  	v4 =	vld [tilespmem:$0x28D0];
	v12 =	vmul.f32 $2.000000030e-01, v3  }
0x16a: {  	v6 =	vld [tilespmem:$0x2860];
	v1 =	vmax.f32 v1, v11;
	v11 =	vmul.f32 $2.000000030e-01, v5  }
0x16b: {  	v63 =	vld [tilespmem:$0x28F0];
	v3 =	vmax.f32 v3, v12;
	v1 =	vmul.f32 $1.442695020e+00, v1  }
0x16c: {  	v7 =	vadd.f32 v8, v7;
	v3 =	vmul.f32 $1.442695020e+00, v3;
	v5 =	vmax.f32 v5, v11  }
0x16d: {  	(erf) = vpow2.f32 v1;
	v1 =	vadd.f32 v10, v9;
	v5 =	vmul.f32 $1.442695020e+00, v5  }
0x16e: {  	v2 =	vadd.f32 v4, v2;
	(erf) = vpow2.f32 v3;
	v3 =	vmul.f32 $2.000000030e-01, v7  }
0x16f: {  	(erf) = vpow2.f32 v5;
	v4 =	vmul.f32 $2.000000030e-01, v1;
	v5 =	vadd.f32 v13, v6  }
0x170: {  	v6 =	vmul.f32 $2.000000030e-01, v2;
	v3 =	vmax.f32 v7, v3;
	v7 =	vadd.f32 v63, v14  }
0x171: {  	v3 =	vmul.f32 $1.442695020e+00, v3;
	v1 =	vmax.f32 v1, v4;
	v4 =	vmul.f32 $2.000000030e-01, v5  }
0x172: {  	v2 =	vmax.f32 v2, v6;
	v1 =	vmul.f32 $1.442695020e+00, v1;
	v6 =	vmul.f32 $2.000000030e-01, v7  }
0x173: {  	v2 =	vmul.f32 $1.442695020e+00, v2;
	(erf) = vpow2.f32 v3;
	v3 =	vmax.f32 v5, v4  }
0x174: {  	(erf) = vpow2.f32 v1;
	v1 =	vmul.f32 $1.442695020e+00, v3;
	v3 =	vmax.f32 v7, v6  }
0x175: {  	(erf) = vpow2.f32 v2;
	v2 =	vmul.f32 $1.442695020e+00, v3  }
0x176: {  	(erf) = vpow2.f32 v1  }
0x177: {  	(erf) = vpow2.f32 v2;
	_ =	sdelay $0x1  }
0x178: {  	v1 =	vpop (erf)  }
0x179: {  	v2 =	vpop (erf);
	[tilespmem:$0x2900] =	vst v1  }
0x17a: {  	v1 =	vpop (erf);
	[tilespmem:$0x2910] =	vst v2  }
0x17b: {  	[tilespmem:$0x2920] =	vst v1;
	v2 =	vpop (erf)  }
0x17c: {  	v1 =	vpop (erf);
	[tilespmem:$0x2930] =	vst v2  }
0x17d: {  	v2 =	vpop (erf);
	[tilespmem:$0x2940] =	vst v1  }
0x17e: {  	v1 =	vpop (erf);
	[tilespmem:$0x2950] =	vst v2  }
0x17f: {  	[tilespmem:$0x2960] =	vst v1;
	v1 =	vpop (erf)  }
0x180: {  	[tilespmem:$0x2970] =	vst v1  }
0x181: {  	_ =	swait.ge [sflag:s17], $0x2000  }
0x182: {  	[sflag:s17] =	ssyncset.done $0x0  }
0x183: {  	[sflag:s17] =	ssyncadd.s32 $0xFFFFE000  }
0x184: {  	_ =	swait.ge [sflag:s31], $0x2000  }
0x185: {  	v1 =	vmov s21;
	[sflag:s31] =	ssyncset.done $0x0  }
0x186: {  	s8 =	simm.s32 $0x29C0;
	[sflag:s31] =	ssyncadd.s32 $0xFFFFE000  }
0x187: {  	v5 =	vld [tilespmem:s8+$0x30]  }
0x188: {  	v8 =	vld [tilespmem:s8+$0x10]  }
0x189: {  	v6 =	vld [tilespmem:s8+$0xFFFFFFC0]  }
0x18a: {  	v2 =	vld.idx.msk [tilespmem:v1+s28+$0x0], $0xffff  }
0x18b: {  	v10 =	vld [tilespmem:s8+$0xFFFFFFE0]  }
0x18c: {  	v1 =	vld [tilespmem:s8+$0xFFFFFFF0]  }
0x18d: {  	v3 =	vld [tilespmem:s8+$0x20]  }
0x18e: {  	v4 =	vld [tilespmem:s8+$0xFFFFFFD0]  }
0x18f: {  	v9 =	vmul.f32 v5, v2;
	v5 =	vld [tilespmem:s8+$0x0]  }
0x190: {  	v7 =	vmul.f32 v6, v2  }
0x191: {  	s9 =	simm.s32 $0x1;
	s29 =	simm.s32 $0x29C0;
	v6 =	vmul.f32 v10, v2;
	v8 =	vmul.f32 v8, v2  }
.LBB2_11:
0x192: {  	p0 =	sne.s32 s9, $0x7F  }
0x193: {  	v4 =	vmul.f32 v4, v2;
	v3 =	vmul.f32 v3, v2;
	[tilespmem:s8+$0x30] =	vst v9;
	s29 =	sadd.s32 $0x80, s29;
	s4 =	smov.u32 s9;
	s9 =	sadd.s32 $0x1, s9  }
0x194: {  	[tilespmem:s8+$0xFFFFFFC0] =	vst v7;
	v7 =	vmul.f32 v1, v2;
	v2 =	vmul.f32 v5, v2  }
0x195: {  	[tilespmem:s8+$0x10] =	vst v8  }
0x196: {  	v5 =	vmov s4;
	[tilespmem:s8+$0xFFFFFFE0] =	vst v6  }
0x197: {  	v1 =	vld [tilespmem:s29+$0xFFFFFFF0];
	[tilespmem:s8+$0xFFFFFFF0] =	vst v7  }
0x198: {  	v6 =	vld [tilespmem:s29+$0x30];
	[tilespmem:s8+$0x0] =	vst v2  }
0x199: {  	v8 =	vld [tilespmem:s29+$0x10];
	[tilespmem:s8+$0x20] =	vst v3  }
0x19a: {  	v7 =	vld [tilespmem:s29+$0xFFFFFFC0];
	[tilespmem:s8+$0xFFFFFFD0] =	vst v4;
	s8 =	smov.u32 s29  }
0x19b: {  	v2 =	vld.idx.msk [tilespmem:v5+s28+$0x0], $0xffff  }
0x19c: {  	v10 =	vld [tilespmem:s29+$0xFFFFFFE0]  }
0x19d: {  	v3 =	vld [tilespmem:s29+$0x20]  }
.Ltmp4:
0x19e: {  	v4 =	vld [tilespmem:s29+$0xFFFFFFD0];
	(pc) =	sbr.rel @p0 .LBB2_11-.Ltmp4, $3  }
0x19f: {  	v5 =	vld [tilespmem:s29+$0x0];
	_ =	sdelay $0x1  }
0x1a0: {  	v7 =	vmul.f32 v7, v2;
	v9 =	vmul.f32 v6, v2  }
0x1a1: {  	v8 =	vmul.f32 v8, v2;
	v6 =	vmul.f32 v10, v2  }
0x1a2: {  	[tilespmem:s8+$0x30] =	vst v9  }
0x1a3: {  	[tilespmem:s8+$0xFFFFFFC0] =	vst v7  }
0x1a4: {  	v1 =	vmul.f32 v1, v2;
	[tilespmem:s8+$0x10] =	vst v8  }
0x1a5: {  	v3 =	vmul.f32 v3, v2;
	[tilespmem:s8+$0xFFFFFFE0] =	vst v6  }
0x1a6: {  	v5 =	vmul.f32 v5, v2;
	[tilespmem:s8+$0xFFFFFFF0] =	vst v1  }
0x1a7: {  	v1 =	vmul.f32 v4, v2;
	[tilespmem:s8+$0x20] =	vst v3  }
0x1a8: {  	s4 =	sand.u32 $0x3FFFFF00, s24;
	[tilespmem:s8+$0x0] =	vst v5  }
0x1a9: {  	s4 =	sadd.s32 $0x1400, s4;
	[tilespmem:s8+$0xFFFFFFD0] =	vst v1  }
0x1aa: {  	[spmem:s1] =	stream.indirect.scatter.add.f32 [tilespmem:s25], [sflag:$0x9], $0x80, s4, s0, $0xb8;
	[tilespmem:$0x1ED80] =	vst v63  }
0x1ab: {  	_ =	swait.ge [sflag:s26], $0x4000  }
0x1ac: {  	[sflag:s26] =	ssyncset.done $0x0  }
0x1ad: {  	[sflag:s26] =	ssyncadd.s32 $0xFFFFC000  }
0x1ae: {  	[spmem:s3] =	stream.indirect.scatter.add.f32 [tilespmem:s28], [sflag:$0x9], $0x1, s4, s0, $0xb8;
	[tilespmem:$0x1ED80] =	vst v63  }
0x1af: {  	p0 =	seq.s32 s22, $0x13;
	_ =	swait.ge [sflag:s26], $0x80  }
0x1b0: {  	s9 =	simm.s32 @!p0 $0x2980;
	[sflag:s26] =	ssyncset.done $0x0  }
0x1b1: {  	s8 =	simm.s32 @!p0 $0x40;
	s4 =	sadd.s32 @!p0 $0x100, s24;
	[sflag:s26] =	ssyncadd.s32 $0xFFFFFF80  }
0x1b2: {  	[tilespmem:s9], [sflag:$0x3] =	stream.indirect.gather @!p0 [hbm4b:s7+s8], $0x80, s4, s8, $0xb8;
	[tilespmem:$0x1ED80] =	vst v63  }
0x1b3: {  	s29 =	simm.s32 @!p0 $0x4980;
	s9 =	sadd.s32 @!p0 $0x140, s24  }
0x1b4: {  	[tilespmem:s29], [sflag:$0x4] =	stream.indirect.gather @!p0 [hbm4b:s7+s8], $0x80, s9, s8, $0xb8;
	[tilespmem:$0x1ED80] =	vst v63  }
0x1b5: {  	s8 =	simm.s32 @!p0 $0x80;
	s9 =	simm.s32 @!p0 $0x2800  }
0x1b6: {  	[tilespmem:s9], [sflag:$0x1] =	stream.indirect.gather @!p0 [hbm4b:s5+s8], $0x1, s4, s8, $0xb8;
	[tilespmem:$0x1ED80] =	vst v63  }
0x1b7: {  	s4 =	sadd.s32 @!p0 $0x1500, s24;
	s9 =	simm.s32 @!p0 $0x2880  }
0x1b8: {  	[tilespmem:s9], [sflag:$0x2] =	stream.indirect.gather @!p0 [hbm4b:s6+s8], $0x1, s4, s8, $0xb8;
	[tilespmem:$0x1ED80] =	vst v63  }
0x1b9: {  	_ =	swait.ge [sflag:s18], $0x80  }
0x1ba: {  	[sflag:s18] =	ssyncset.done $0x0  }
0x1bb: {  	[sflag:s18] =	ssyncadd.s32 $0xFFFFFF80  }
0x1bc: {  	_ =	swait.ge [sflag:s2], $0x80  }
0x1bd: {  	[sflag:s2] =	ssyncset.done $0x0  }
0x1be: {  	[sflag:s2] =	ssyncadd.s32 $0xFFFFFF80  }
0x1bf: {  	v1 =	vld [tilespmem:$0x6980]  }
0x1c0: {  	v2 =	vld [tilespmem:$0x6A00]  }
0x1c1: {  	v3 =	vld [tilespmem:$0x6990]  }
0x1c2: {  	v4 =	vld [tilespmem:$0x6A10]  }
0x1c3: {  	v5 =	vld [tilespmem:$0x69A0]  }
0x1c4: {  	v6 =	vld [tilespmem:$0x6A20]  }
0x1c5: {  	v7 =	vld [tilespmem:$0x69B0]  }
0x1c6: {  	v8 =	vld [tilespmem:$0x6A30]  }
0x1c7: {  	v9 =	vld [tilespmem:$0x69C0]  }
0x1c8: {  	v10 =	vld [tilespmem:$0x6A40]  }
0x1c9: {  	v13 =	vld [tilespmem:$0x6A60];
	v1 =	vadd.f32 v2, v1  }
0x1ca: {  	v14 =	vld [tilespmem:$0x69F0];
	v3 =	vadd.f32 v4, v3  }
0x1cb: {  	v2 =	vld [tilespmem:$0x69D0];
	v5 =	vadd.f32 v6, v5;
	v11 =	vmul.f32 $2.000000030e-01, v1  }
0x1cc: {  	v4 =	vld [tilespmem:$0x6A50];
	v12 =	vmul.f32 $2.000000030e-01, v3  }
0x1cd: {  	v6 =	vld [tilespmem:$0x69E0];
	v1 =	vmax.f32 v1, v11;
	v11 =	vmul.f32 $2.000000030e-01, v5  }
0x1ce: {  	v63 =	vld [tilespmem:$0x6A70];
	v3 =	vmax.f32 v3, v12;
	v1 =	vmul.f32 $1.442695020e+00, v1  }
0x1cf: {  	v7 =	vadd.f32 v8, v7;
	v3 =	vmul.f32 $1.442695020e+00, v3;
	v5 =	vmax.f32 v5, v11  }
0x1d0: {  	(erf) = vpow2.f32 v1;
	v1 =	vadd.f32 v10, v9;
	v5 =	vmul.f32 $1.442695020e+00, v5  }
0x1d1: {  	v2 =	vadd.f32 v4, v2;
	(erf) = vpow2.f32 v3;
	v3 =	vmul.f32 $2.000000030e-01, v7  }
0x1d2: {  	(erf) = vpow2.f32 v5;
	v4 =	vmul.f32 $2.000000030e-01, v1;
	v5 =	vadd.f32 v13, v6  }
0x1d3: {  	v6 =	vmul.f32 $2.000000030e-01, v2;
	v3 =	vmax.f32 v7, v3;
	v7 =	vadd.f32 v63, v14  }
0x1d4: {  	v3 =	vmul.f32 $1.442695020e+00, v3;
	v1 =	vmax.f32 v1, v4;
	v4 =	vmul.f32 $2.000000030e-01, v5  }
0x1d5: {  	v2 =	vmax.f32 v2, v6;
	v1 =	vmul.f32 $1.442695020e+00, v1;
	v6 =	vmul.f32 $2.000000030e-01, v7  }
0x1d6: {  	v2 =	vmul.f32 $1.442695020e+00, v2;
	(erf) = vpow2.f32 v3;
	v3 =	vmax.f32 v5, v4  }
0x1d7: {  	(erf) = vpow2.f32 v1;
	v1 =	vmul.f32 $1.442695020e+00, v3;
	v3 =	vmax.f32 v7, v6  }
0x1d8: {  	(erf) = vpow2.f32 v2;
	v2 =	vmul.f32 $1.442695020e+00, v3  }
0x1d9: {  	(erf) = vpow2.f32 v1  }
0x1da: {  	(erf) = vpow2.f32 v2;
	_ =	sdelay $0x1  }
0x1db: {  	v1 =	vpop (erf)  }
0x1dc: {  	v2 =	vpop (erf);
	[tilespmem:$0x6A80] =	vst v1  }
0x1dd: {  	v1 =	vpop (erf);
	[tilespmem:$0x6A90] =	vst v2  }
0x1de: {  	[tilespmem:$0x6AA0] =	vst v1;
	v2 =	vpop (erf)  }
0x1df: {  	v1 =	vpop (erf);
	[tilespmem:$0x6AB0] =	vst v2  }
0x1e0: {  	v2 =	vpop (erf);
	[tilespmem:$0x6AC0] =	vst v1  }
0x1e1: {  	v1 =	vpop (erf);
	[tilespmem:$0x6AD0] =	vst v2  }
0x1e2: {  	[tilespmem:$0x6AE0] =	vst v1;
	v1 =	vpop (erf)  }
0x1e3: {  	[tilespmem:$0x6AF0] =	vst v1  }
0x1e4: {  	_ =	swait.ge [sflag:s19], $0x2000  }
0x1e5: {  	[sflag:s19] =	ssyncset.done $0x0  }
0x1e6: {  	[sflag:s19] =	ssyncadd.s32 $0xFFFFE000  }
0x1e7: {  	s29 =	simm.s32 $0x0;
	_ =	swait.ge [sflag:s10], $0x2000  }
0x1e8: {  	v1 =	vmov s29;
	[sflag:s10] =	ssyncset.done $0x0  }
0x1e9: {  	s8 =	simm.s32 $0x6B40;
	[sflag:s10] =	ssyncadd.s32 $0xFFFFE000  }
0x1ea: {  	v5 =	vld [tilespmem:s8+$0x30]  }
0x1eb: {  	v8 =	vld [tilespmem:s8+$0x10]  }
0x1ec: {  	v6 =	vld [tilespmem:s8+$0xFFFFFFC0]  }
0x1ed: {  	v2 =	vld.idx.msk [tilespmem:v1+s20+$0x0], $0xffff  }
0x1ee: {  	v10 =	vld [tilespmem:s8+$0xFFFFFFE0]  }
0x1ef: {  	v1 =	vld [tilespmem:s8+$0xFFFFFFF0]  }
0x1f0: {  	v3 =	vld [tilespmem:s8+$0x20]  }
0x1f1: {  	v4 =	vld [tilespmem:s8+$0xFFFFFFD0]  }
0x1f2: {  	v9 =	vmul.f32 v5, v2;
	v5 =	vld [tilespmem:s8+$0x0]  }
0x1f3: {  	v7 =	vmul.f32 v6, v2  }
0x1f4: {  	s24 =	simm.s32 $0x6B40;
	s9 =	simm.s32 $0x1;
	v6 =	vmul.f32 v10, v2;
	v8 =	vmul.f32 v8, v2  }
.LBB2_13:
0x1f5: {  	p0 =	sne.s32 s9, $0x7F  }
0x1f6: {  	v4 =	vmul.f32 v4, v2;
	v3 =	vmul.f32 v3, v2;
	[tilespmem:s8+$0x30] =	vst v9;
	s24 =	sadd.s32 $0x80, s24;
	s4 =	smov.u32 s9;
	s9 =	sadd.s32 $0x1, s9  }
0x1f7: {  	[tilespmem:s8+$0xFFFFFFC0] =	vst v7;
	v7 =	vmul.f32 v1, v2;
	v2 =	vmul.f32 v5, v2  }
0x1f8: {  	[tilespmem:s8+$0x10] =	vst v8  }
0x1f9: {  	v5 =	vmov s4;
	[tilespmem:s8+$0xFFFFFFE0] =	vst v6  }
0x1fa: {  	v1 =	vld [tilespmem:s24+$0xFFFFFFF0];
	[tilespmem:s8+$0xFFFFFFF0] =	vst v7  }
0x1fb: {  	v6 =	vld [tilespmem:s24+$0x30];
	[tilespmem:s8+$0x0] =	vst v2  }
0x1fc: {  	v8 =	vld [tilespmem:s24+$0x10];
	[tilespmem:s8+$0x20] =	vst v3  }
0x1fd: {  	v7 =	vld [tilespmem:s24+$0xFFFFFFC0];
	[tilespmem:s8+$0xFFFFFFD0] =	vst v4;
	s8 =	smov.u32 s24  }
0x1fe: {  	v2 =	vld.idx.msk [tilespmem:v5+s20+$0x0], $0xffff  }
0x1ff: {  	v10 =	vld [tilespmem:s24+$0xFFFFFFE0]  }
0x200: {  	v3 =	vld [tilespmem:s24+$0x20]  }
.Ltmp5:
0x201: {  	v4 =	vld [tilespmem:s24+$0xFFFFFFD0];
	(pc) =	sbr.rel @p0 .LBB2_13-.Ltmp5, $3  }
0x202: {  	v5 =	vld [tilespmem:s24+$0x0];
	_ =	sdelay $0x1  }
0x203: {  	v7 =	vmul.f32 v7, v2;
	v9 =	vmul.f32 v6, v2  }
0x204: {  	v8 =	vmul.f32 v8, v2;
	v6 =	vmul.f32 v10, v2  }
0x205: {  	[tilespmem:s8+$0x30] =	vst v9  }
0x206: {  	[tilespmem:s8+$0xFFFFFFC0] =	vst v7  }
0x207: {  	v1 =	vmul.f32 v1, v2;
	[tilespmem:s8+$0x10] =	vst v8  }
0x208: {  	v3 =	vmul.f32 v3, v2;
	[tilespmem:s8+$0xFFFFFFE0] =	vst v6  }
0x209: {  	v5 =	vmul.f32 v5, v2;
	[tilespmem:s8+$0xFFFFFFF0] =	vst v1  }
0x20a: {  	v1 =	vmul.f32 v4, v2;
	[tilespmem:s8+$0x20] =	vst v3  }
0x20b: {  	[tilespmem:s8+$0x0] =	vst v5  }
0x20c: {  	[tilespmem:s8+$0xFFFFFFD0] =	vst v1  }
0x20d: {  	[spmem:s1] =	stream.indirect.scatter.add.f32 [tilespmem:s11], [sflag:$0x9], $0x80, s23, s0, $0xb8;
	[tilespmem:$0x1ED80] =	vst v63  }
0x20e: {  	s22 =	sadd.s32 $0x1, s22;
	_ =	swait.ge [sflag:s26], $0x4000  }
0x20f: {  	p0 =	sne.s32 s22, $0x14;
	[sflag:s26] =	ssyncset.done $0x0  }
.Ltmp6:
0x210: {  	[sflag:s26] =	ssyncadd.s32 $0xFFFFC000;
	(pc) =	sbr.rel @p0 .LBB2_10-.Ltmp6, $4  }
0x211: {  	[spmem:s3] =	stream.indirect.scatter.add.f32 [tilespmem:s20], [sflag:$0x9], $0x1, s23, s0, $0xb8;
	[tilespmem:$0x1ED80] =	vst v63  }
0x212: {  	_ =	swait.ge [sflag:s26], $0x80  }
0x213: {  	[sflag:s26] =	ssyncset.done $0x0  }
0x214: {  	[sflag:s26] =	ssyncadd.s32 $0xFFFFFF80  }
0x215: {  	s4 =	stileid.u32;
	[bflag:$0x0] =	sbarrier.arrive $0xFFFF  }
0x216: {  	s4 =	sshll.u32 s4, $0x6;
	s22 =	rddreg [dreg:$0x6]  }
0x217: {  	s9 =	rddreg [dreg:$0x14];
	s4 =	sor.u32 $0x1C09, s4;
	s8 =	sshrl.u32 s22, $0x3  }
0x218: {  	[hbm:s9], [sflag:s4] =	dma.local [spmem:s8], $0x2800  }
0x219: {  	_ =	swait.ge [sflag:s26], $0x2800  }
0x21a: {  	[sflag:s26] =	ssyncset.done $0x0;
	s23 =	rddreg [dreg:$0x7]  }
0x21b: {  	s24 =	rddreg [dreg:$0x15];
	[sflag:s26] =	ssyncadd.s32 $0xFFFFD800;
	s21 =	sshrl.u32 s23, $0x3  }
0x21c: {  	[hbm:s24], [sflag:s4] =	dma.local [spmem:s21], $0x50  }
0x21d: {  	_ =	swait.ge [sflag:s26], $0x50  }
0x21e: {  	s21 =	rddreg [dreg:$0x5]  }
0x21f: {  	s29 =	rddreg [dreg:$0x16];
	s21 =	sadd.s32 $0x1, s21  }
0x220: {  	p0 =	sne.s32 s21, s29  }
.Ltmp7:
0x221: {  	_ = 	snop;
	(pc) =	sbr.rel @p0 .LBB2_1-.Ltmp7, $3  }
0x222: {  	_ =	sdelay $0x1  }
0x223: {  	[sflag:s26] =	ssyncset.done $0x0  }
0x224: {  	[sflag:s26] =	ssyncadd.s32 $0xFFFFFFB0  }
0x225: {  	_ =	sfence.sel $0x180000  }
0x226: {  	[bflag:$0x0] =	sbarrier.arrive $0xFFFF  }
0x227: {  	_ =	strace $0x9000004A  }
0x228: {  	s0 =	stileid.u32;
	[bflag:$0x2] =	sbarrier.arrive $0xFFFF  }
0x229: {  	p0 =	sne.s32 s0, $0x0;
	s0 =	rddreg [dreg:$0x4]  }
0x22a: {  	s0 =	sadd.s32 @!p0 $0x100000, s0  }
0x22b: {  	[sflag:s0] =	ssyncadd.tile.s32 @!p0 $0x1;
	_ =	shalt  }
.Lfunc_end2:
_tile_overlayer_lowered:
.L_overlay_start_2:
0x22c: {  	(tag) =	ssettag $0x2  }
0x22d: {  	s0 =	rddreg [dreg:$0x0];
	s2 =	stileid.u32  }
0x22e: {  	s1 =	rddreg [dreg:$0x1];
	p0 =	sne.s32 s2, $0x0  }
0x22f: {  	s3 =	rddreg [dreg:$0x2];
	[bflag:$0x3] =	sbarrier.arrive $0xFFFF;
	s2 =	simm.s32 @!p0 $0x1C09  }
0x230: {  	[timem:s3], [sflag:s2] =	dma.local @!p0 [hbm:s0], s1  }
0x231: {  	s0 =	simm.s32 @!p0 $0x9  }
0x232: {  	_ =	swait.ge @!p0 [sflag:s0], s1  }
0x233: {  	s1 =	ssub.s32 @!p0 $0x0, s1;
	[sflag:s0] =	ssyncset.done @!p0 $0x0  }
0x234: {  	[sflag:s0] =	ssyncadd.s32 @!p0 s1  }
0x235: {  	[bflag:$0x3] =	sbarrier.arrive $0xFFFF  }
0x236: {  	_ =	shalt  }

// kernel: kernel.7.cloned.1.call-start
scs
__scs_entry_jumppad:
0x0: {  	(pc) =	sbr.rel $0x88, $3  }
0x1: {  	(tag) =	ssettag $0x0;
	lr =	simm.s32 $0x1  }
0x2: {  	[smem:$0x3F95] =	sst lr;
	_ =	strace $0xD0000000  }
0x3: {  	_ = 	snop  }
0x4: {  	_ = 	snop  }
0x5: {  	_ = 	snop  }
0x6: {  	_ = 	snop  }
0x7: {  	_ = 	snop  }
__scs_overlays_trampoline_lowered:
0x8: {  	[smem:$0x3FA4] =	sst s0  }
0x9: {  	[smem:$0x3FA5] =	sst s1  }
0xa: {  	[smem:$0x3FA6] =	sst s2  }
0xb: {  	[smem:$0x3FA7] =	sst s3  }
0xc: {  	[smem:$0x3FA8] =	sst s4  }
0xd: {  	[smem:$0x3FA9] =	sst s5  }
0xe: {  	[smem:$0x3FAA] =	sst s6  }
0xf: {  	[smem:$0x3FAB] =	sst s7  }
0x10: {  	[smem:$0x3FAC] =	sst s8  }
0x11: {  	[smem:$0x3FAD] =	sst s9;
	s0 =	simm.s32 @!p0 $0x0  }
0x12: {  	s1 =	sld [smem:$0x3F93];
	s0 =	simm.s32 @p0 $0x1  }
0x13: {  	[smem:$0x3FAE] =	sst s0;
	s0 =	simm.s32 @!p1 $0x0  }
0x14: {  	s2 =	sld [smem:$0x3F92];
	s0 =	simm.s32 @p1 $0x1  }
0x15: {  	[smem:$0x3FAF] =	sst s0;
	s0 =	simm.s32 @!p2 $0x0  }
0x16: {  	s3 =	sld [smem:$0x3FDB];
	s0 =	simm.s32 @p2 $0x1  }
0x17: {  	s4 =	simm.s32 $0x1BF5;
	[smem:$0x3FB1] =	sst s0  }
0x18: {  	s0 =	sld [smem:$0x3F94];
	_ =	swait.ge [sflag:s4], $0x0  }
0x19: {  	s7 =	sld [smem:$0x3F95]  }
0x1a: {  	s8 =	sadd.s32 $0xFFFFE003, lr  }
0x1b: {  	s9 =	sadd.s32 $0xFFFFFEF7, lr;
	s5 =	simm.s32 $0xFFFFFFFF;
	p2 =	slt.u32 s8, $0xFFFFF086  }
0x1c: {  	p1 =	slt.u32 s9, $0xF7A;
	s5 =	simm.s32 @!p2 $0x0  }
0x1d: {  	s5 =	simm.s32 @p1 $0x1;
	p0 =	seq.s32 s7, s2  }
0x1e: {  	s7 =	smul.u32 @!p0 $0xF7A, s2;
	p2 =	seq.s32 @!p0 s5, $0x0  }
0x1f: {  	s9 =	smul.u32 $0xF7A, s1;
	s8 =	simm.s32 @!p0 $0x1BF5;
	p2 =	por !p2, p0  }
0x20: {  	[sflag:s8] =	ssyncset.s32 @!p0 $0xFFFFF086;
	s6 =	sadd.s32 @!p0 s3, s7;
	s7 =	simm.s32 @!p0 $0x108  }
0x21: {  	s3 =	sadd.s32 s3, s9;
	s6 =	sadd.s32 @!p0 $0x88, s6;
	s7 =	simm.s32 @p2 $0x1082  }
0x22: {  	[simem:s7], [sflag:s8] =	dma.local @!p0 [hbm:s6], $0xF7A  }
0x23: {  	s9 =	sor.u32 $0xD0000000, s2;
	s6 =	simm.s32 $0x108;
	_ =	swait.ge @!p0 [sflag:s8], $0x0  }
0x24: {  	s3 =	sadd.s32 $0x88, s3;
	s6 =	simm.s32 @!p1 $0x1082;
	[sflag:s4] =	ssyncset.s32 $0xFFFFF086  }
0x25: {  	[simem:s6], [sflag:s4] =	dma.local [hbm:s3], $0xF7A  }
0x26: {  	[smem:$0x3F95] =	sst s1;
	(tag) =	ssettag s2;
	_ =	strace s9  }
0x27: {  	s1 =	sld [smem:$0x3FA5]  }
0x28: {  	s2 =	sld [smem:$0x3FA6]  }
0x29: {  	s4 =	sld [smem:$0x3FA8]  }
0x2a: {  	p0 =	seq.s32 s5, $0x0;
	s5 =	sld [smem:$0x3FA9]  }
0x2b: {  	s6 =	sld [smem:$0x3FAA]  }
0x2c: {  	s7 =	sld [smem:$0x3FAB]  }
0x2d: {  	s3 =	simm.s32 $0x108;
	s8 =	sld [smem:$0x3FAC]  }
0x2e: {  	s3 =	simm.s32 @!p0 $0x1082;
	s9 =	sld [smem:$0x3FAD]  }
0x2f: {  	lr =	sadd.s32 s0, s3;
	s0 =	sld [smem:$0x3FA4]  }
0x30: {  	s3 =	sld [smem:$0x3FA7]  }
0x31: {  	[smem:$0x3FB0] =	sst s10  }
0x32: {  	s10 =	sld [smem:$0x3FAE];
	_ =	sdelay $0x3  }
0x33: {  	p0 =	seq.s32 s10, $0x1;
	s10 =	sld [smem:$0x3FB0];
	_ =	sdelay $0x3  }
0x34: {  	[smem:$0x3FB0] =	sst s10  }
0x35: {  	s10 =	sld [smem:$0x3FAF];
	_ =	sdelay $0x3  }
0x36: {  	p1 =	seq.s32 s10, $0x1;
	s10 =	sld [smem:$0x3FB0];
	_ =	sdelay $0x3  }
0x37: {  	[smem:$0x3FB0] =	sst s10  }
0x38: {  	s10 =	sld [smem:$0x3FB1]  }
0x39: {  	_ = 	snop;
	(pc) =	sbr.ind lr, $3  }
0x3a: {  	_ = 	snop  }
0x3b: {  	_ = 	snop  }
0x3c: {  	p2 =	seq.s32 s10, $0x1;
	s10 =	sld [smem:$0x3FB0]  }
0x3d: {  	_ =	shalt  }
0x3e: {  	_ =	shalt  }
0x3f: {  	_ =	shalt  }
0x40: {  	_ =	shalt  }
0x41: {  	_ =	shalt  }
0x42: {  	_ =	shalt  }
0x43: {  	_ =	shalt  }
0x44: {  	_ =	shalt  }
0x45: {  	_ =	shalt  }
0x46: {  	_ =	shalt  }
0x47: {  	_ =	shalt  }
0x48: {  	_ =	shalt  }
0x49: {  	_ =	shalt  }
0x4a: {  	_ =	shalt  }
0x4b: {  	_ =	shalt  }
0x4c: {  	_ =	shalt  }
0x4d: {  	_ =	shalt  }
0x4e: {  	_ =	shalt  }
0x4f: {  	_ =	shalt  }
0x50: {  	_ =	shalt  }
0x51: {  	_ =	shalt  }
0x52: {  	_ =	shalt  }
0x53: {  	_ =	shalt  }
0x54: {  	_ =	shalt  }
0x55: {  	_ =	shalt  }
0x56: {  	_ =	shalt  }
0x57: {  	_ =	shalt  }
0x58: {  	_ =	shalt  }
0x59: {  	_ =	shalt  }
0x5a: {  	_ =	shalt  }
0x5b: {  	_ =	shalt  }
0x5c: {  	_ =	shalt  }
0x5d: {  	_ =	shalt  }
0x5e: {  	_ =	shalt  }
0x5f: {  	_ =	shalt  }
0x60: {  	_ =	shalt  }
0x61: {  	_ =	shalt  }
0x62: {  	_ =	shalt  }
0x63: {  	_ =	shalt  }
0x64: {  	_ =	shalt  }
0x65: {  	_ =	shalt  }
0x66: {  	_ =	shalt  }
0x67: {  	_ =	shalt  }
0x68: {  	_ =	shalt  }
0x69: {  	_ =	shalt  }
0x6a: {  	_ =	shalt  }
0x6b: {  	_ =	shalt  }
0x6c: {  	_ =	shalt  }
0x6d: {  	_ =	shalt  }
0x6e: {  	_ =	shalt  }
0x6f: {  	_ =	shalt  }
0x70: {  	_ =	shalt  }
0x71: {  	_ =	shalt  }
0x72: {  	_ =	shalt  }
0x73: {  	_ =	shalt  }
0x74: {  	_ =	shalt  }
0x75: {  	_ =	shalt  }
0x76: {  	_ =	shalt  }
0x77: {  	_ =	shalt  }
0x78: {  	_ =	shalt  }
0x79: {  	_ =	shalt  }
0x7a: {  	_ =	shalt  }
0x7b: {  	_ =	shalt  }
0x7c: {  	_ =	shalt  }
0x7d: {  	_ =	shalt  }
0x7e: {  	_ =	shalt  }
0x7f: {  	_ =	shalt  }
0x80: {  	_ =	shalt  }
0x81: {  	_ =	shalt  }
0x82: {  	_ =	shalt  }
0x83: {  	_ =	shalt  }
0x84: {  	_ =	shalt  }
0x85: {  	_ =	shalt  }
0x86: {  	_ =	shalt  }
0x87: {  	_ =	shalt  }
.Lfunc_end0:
.L_simem_size_0:
called_computation_lowered:
.L_overlay_start_0:
0x88: {  	s2 =	sld [smem:$0x3FD9]  }
0x89: {  	s3 =	sld [smem:$0x3FFE];
	_ =	sdelay $0x1  }
0x8a: {  	s1 =	srdreg.scid  }
0x8b: {  	s0 =	sand.u32 $0x1, s1  }
0x8c: {  	s17 =	sshll.u32 s0, $0xA;
	s2 =	sadd.s32 s3, s2  }
0x8d: {  	s2 =	sadd.s32 s2, s17  }
0x8e: {  	[smem:$0x3FBC] =	sst s2  }
0x8f: {  	_ = 	snop  }
0x90: {  	s2 =	sld [smem:$0x3FD0];
	(tm) =	ssettm $0x1  }
0x91: {  	s18 =	sld [smem:$0x3FFB];
	_ =	sdelay $0x3  }
0x92: {  	_ =	strace s18  }
0x93: {  	s3 =	sld [smem:$0x3FFC];
	_ =	sdelay $0x3  }
0x94: {  	_ =	strace s3  }
0x95: {  	s3 =	sld [smem:$0x3FFD];
	_ =	sdelay $0x3  }
0x96: {  	_ =	strace s3  }
0x97: {  	_ =	strace $0x8FFFFFFF  }
0x98: {  	s19 =	sld [smem:$0x3FDB];
	_ =	sdelay $0x1  }
0x99: {  	s4 =	simm.s32 $_scs_section_size  }
0x9a: {  	s5 =	simm.s32 $_size__tile_overlayer_lowered;
	s6 =	simm.s32 $_tile_overlayer_lowered  }
0x9b: {  	s22 =	simm.s32 $0x1BFF;
	s21 =	sshll.u32 s6, $0x1;
	s3 =	sadd.s32 s4, s19  }
0x9c: {  	s7 =	simm.s32 $0x0;
	s20 =	sshll.u32 s5, $0x1;
	s5 =	sadd.s32 s21, s3  }
0x9d: {  	[timem:s7], [sflag:s22] =	dma.local [hbm:s5], s20  }
0x9e: {  	_ =	swait.ge [sflag:s22], s20  }
0x9f: {  	s4 =	ssub.s32 $0x0, s20;
	[sflag:s22] =	ssyncset.done $0x0  }
0xa0: {  	[sflag:s22] =	ssyncadd.s32 s4;
	_ =	sdelay $0x1  }
0xa1: {  	s23 =	simm.s32 $0x1B8B  }
0xa2: {  	_ =	swait.ge [sflag:s23], $0x1  }
0xa3: {  	[sflag:s23] =	ssyncset.done $0x0  }
0xa4: {  	s25 =	simm.s32 $0x1B8E;
	s24 =	sld [smem:$0x3FFE];
	[sflag:s23] =	ssyncadd.s32 $0xFFFFFFFF  }
0xa5: {  	s26 =	simm.s32 $execute0_lowered;
	[smem:$0x3FD2] =	sst s25  }
0xa6: {  	s5 =	sshll.u32 s26, $0x1;
	_ =	strace $0x80000046;
	[dreg:$0x1] =	wrdreg $0xFFFFFFFF  }
0xa7: {  	s28 =	simm.s32 $_size_execute0_lowered;
	s3 =	sadd.s32 s3, s5;
	[dreg:$0x0] =	wrdreg $0x0  }
0xa8: {  	s5 =	sshll.u32 s28, $0x1;
	[dreg:$0x2] =	wrdreg s3  }
0xa9: {  	[dreg:$0x3] =	wrdreg s5  }
0xaa: {  	[dreg:$0x4] =	wrdreg $0xC0  }
0xab: {  	_ =	task [dreg:s7], $0x5FFFF  }
0xac: {  	[dreg:$0x1] =	wrdreg $0xFFFFFFFF  }
0xad: {  	[dreg:$0x0] =	wrdreg $0x60  }
0xae: {  	[dreg:$0x2] =	wrdreg s24  }
0xaf: {  	[dreg:$0x3] =	wrdreg s2  }
0xb0: {  	[dreg:$0x4] =	wrdreg $0xAB000  }
0xb1: {  	[dreg:$0x5] =	wrdreg $0x1EB000  }
0xb2: {  	[dreg:$0x6] =	wrdreg $0x9  }
0xb3: {  	_ =	task.clear_ibuf [dreg:s7], $0x7FFFF;
	_ =	strace $0x90000046  }
0xb4: {  	s29 =	simm.s32 $0x9;
	_ =	strace $0x80000048  }
0xb5: {  	_ =	swait.ge [sflag:s29], $0x1  }
0xb6: {  	[sflag:s29] =	ssyncadd.s32 $0xFFFFFFFF  }
0xb7: {  	_ =	strace $0x90000048  }
0xb8: {  	_ =	sfence  }
0xb9: {  	s30 =	sld [smem:$0x0];
	_ =	sdelay $0x2  }
0xba: {  	s31 =	sshll.u32 s1, $0xD;
	s1 =	sshrl.u32 s1, $0x2  }
0xbb: {  	s3 =	sand.u32 $0x4000, s31;
	s1 =	sadd.s32 s1, s30  }
0xbc: {  	s0 =	sor.u32 s3, s0;
	s1 =	sshll.u32 s1, $0x11  }
0xbd: {  	s0 =	sor.u32 s1, s0  }
0xbe: {  	s0 =	sadd.s32 $0x8F2B, s0  }
0xbf: {  	[sflag:s0] =	ssyncadd.remote.s32 $0x1  }
0xc0: {  	_ =	sfence.sel $0xFFFF  }
0xc1: {  	[dreg:$0x0] =	wrdreg $0xFFFFFFFF;
	(pc) =	sbr.abs _section_cstart, $3  }
0xc2: {  	[dreg:$0x1] =	wrdreg $0xFFFFFFFF  }
0xc3: {  	_ =	task.clear_ibuf [dreg:s7], $0x2FFFF;
	_ =	strace $0x9FFFFFFF  }
0xc4: {  	(tm) =	ssettm $0x7FFFFFFF  }
0xc5: {  	_ =	shalt  }
tec
execute0_lowered:
.L_overlay_start_1:
0x0: {  	(tag) =	ssettag $0x1  }
0x1: {  	s0 =	rddreg [dreg:$0x0]  }
0x2: {  	s1 =	rddreg [dreg:$0x1]  }
0x3: {  	s3 =	rddreg [dreg:$0x2]  }
0x4: {  	s4 =	rddreg [dreg:$0x3];
	s2 =	srdreg.scid  }
0x5: {  	s5 =	stileid.u32;
	s21 =	simm.s32 $0x0;
	s28 =	simm.s32 $0x2900  }
0x6: {  	s30 =	simm.s32 $0x40;
	s31 =	simm.s32 $0x4;
	s2 =	sand.u32 $0x1, s2  }
0x7: {  	s8 =	smul.u32 $0x280, s5;
	[smem:$0x7FF] =	sst s21;
	s9 =	sadd.s32 $0x5AC00, s0  }
0x8: {  	s10 =	sadd.s32 $0x50C00, s0;
	s6 =	sadd.s32 $0x50600, s0;
	s15 =	smul.u32 $0x50000, s5  }
0x9: {  	s7 =	smul.u32 $0x2800, s2;
	_ =	strace $0x80000047;
	s13 =	ssub.s32 $0x2, s2  }
0xa: {  	s2 =	sshll.u32 s2, $0x4;
	s14 =	sshrl.u32 s13, $0x1;
	s26 =	sshrl.u32 s15, $0x2  }
0xb: {  	s29 =	sadd.s32 $0x80, s8;
	s2 =	sor.u32 s5, s2;
	s23 =	sadd.s32 s8, s4  }
0xc: {  	s16 =	sadd.s32 $0x100, s8;
	s19 =	sadd.s32 $0x180, s8;
	s11 =	sadd.s32 s8, s7  }
0xd: {  	s7 =	sadd.s32 $0x64C00, s0;
	s22 =	sadd.s32 s26, s3;
	s5 =	sshll.u32 s29, $0x7  }
0xe: {  	s17 =	sadd.s32 s29, s4;
	s18 =	sshll.u32 s16, $0x7;
	s24 =	sadd.s32 s16, s4  }
0xf: {  	s25 =	sshll.u32 s19, $0x7;
	s29 =	smul.u32 $0x2800, s2;
	[dreg:$0x7] =	wrdreg s23  }
0x10: {  	s8 =	sadd.s32 $0x200, s8;
	s2 =	smul.u32 $0x500, s2;
	[dreg:$0x9] =	wrdreg s17  }
0x11: {  	s12 =	sshll.u32 s11, $0x4;
	s11 =	sshrl.u32 s11, $0x3;
	[dreg:$0xb] =	wrdreg s24  }
0x12: {  	s15 =	sadd.s32 s5, s3;
	s20 =	sadd.s32 s18, s3;
	[dreg:$0x6] =	wrdreg s22  }
0x13: {  	s26 =	sadd.s32 s25, s3;
	s16 =	sshll.u32 s8, $0x7;
	[dreg:$0x8] =	wrdreg s15  }
0x14: {  	s18 =	sadd.s32 s8, s4;
	s12 =	sadd.s32 s12, s0;
	[dreg:$0xa] =	wrdreg s20  }
0x15: {  	s0 =	sadd.s32 s11, s0;
	s11 =	ssub.s32 s13, s14;
	[dreg:$0xc] =	wrdreg s26  }
0x16: {  	s15 =	sadd.s32 s19, s4;
	s17 =	sadd.s32 s16, s3;
	[dreg:$0xf] =	wrdreg s18  }
0x17: {  	s19 =	sshrl.u32 s29, $0x3;
	s20 =	sadd.s32 s9, s2;
	[dreg:$0xd] =	wrdreg s15  }
0x18: {  	s2 =	sadd.s32 s10, s2;
	s13 =	simm.s32 $0x6980;
	[dreg:$0xe] =	wrdreg s17  }
0x19: {  	s14 =	simm.s32 $0x6A00;
	s16 =	simm.s32 $0x2;
	[dreg:$0x10] =	wrdreg s20  }
0x1a: {  	s18 =	simm.s32 $0x5;
	[dreg:$0x11] =	wrdreg s2;
	s24 =	sadd.s32 $0x280, s19  }
0x1b: {  	s26 =	sadd.s32 $0x65200, s12;
	s0 =	sadd.s32 $0xB5200, s0;
	s29 =	smax.u32 s11, $0x1  }
0x1c: {  	s11 =	simm.s32 $0x6B00;
	s12 =	simm.s32 $0x8B00;
	s15 =	simm.s32 $0x1  }
0x1d: {  	s17 =	simm.s32 $0x3;
	s19 =	simm.s32 $0x7;
	[dreg:$0x14] =	wrdreg s26  }
0x1e: {  	s20 =	simm.s32 $0x6A80;
	s25 =	sadd.s32 s9, s24;
	[dreg:$0x15] =	wrdreg s0  }
0x1f: {  	s2 =	sadd.s32 s10, s24;
	[dreg:$0x16] =	wrdreg s29;
	s26 =	simm.s32 $0x9  }
0x20: {  	s0 =	simm.s32 $0x80;
	s10 =	simm.s32 $0x8;
	[dreg:$0x12] =	wrdreg s25  }
0x21: {  	v0 =	vimm.f32 $0.0e+00;
	[dreg:$0x13] =	wrdreg s2;
	s25 =	simm.s32 $0x2980;
	s2 =	simm.s32 $0x6  }
.LBB2_1:
0x22: {  	[dreg:$0x5] =	wrdreg s21;
	s8 =	simm.s32 $0x0;
	s9 =	simm.s32 $0x200  }
.LBB2_2:
0x23: {  	p0 =	sne.s32 s9, $0xFE00;
	[tilespmem:s8+$0x29F0] =	vst v0  }
0x24: {  	[tilespmem:s8+$0x2980] =	vst v0  }
0x25: {  	[tilespmem:s8+$0x2990] =	vst v0  }
.Ltmp0:
0x26: {  	[tilespmem:s8+$0x29A0] =	vst v0;
	(pc) =	sbr.rel @p0 .LBB2_2-.Ltmp0, $4  }
0x27: {  	[tilespmem:s8+$0x29B0] =	vst v0  }
0x28: {  	[tilespmem:s8+$0x29C0] =	vst v0  }
0x29: {  	[tilespmem:s8+$0x29D0] =	vst v0  }
0x2a: {  	[tilespmem:s8+$0x29E0] =	vst v0;
	s8 =	sshra.s32 s9, $0x2;
	s9 =	sadd.s32 $0x200, s9  }
0x2b: {  	[tilespmem:s8+$0x29F0] =	vst v0  }
0x2c: {  	[tilespmem:s8+$0x2980] =	vst v0  }
0x2d: {  	[tilespmem:s8+$0x2990] =	vst v0  }
0x2e: {  	[tilespmem:s8+$0x29A0] =	vst v0  }
0x2f: {  	[tilespmem:s8+$0x29B0] =	vst v0  }
0x30: {  	[tilespmem:s8+$0x29C0] =	vst v0  }
0x31: {  	[tilespmem:s8+$0x29D0] =	vst v0  }
0x32: {  	[tilespmem:s8+$0x29E0] =	vst v0  }
0x33: {  	[tilespmem:$0x2900] =	vst v0  }
0x34: {  	[tilespmem:$0x2910] =	vst v0  }
0x35: {  	[tilespmem:$0x2920] =	vst v0  }
0x36: {  	[tilespmem:$0x2930] =	vst v0  }
0x37: {  	[tilespmem:$0x2940] =	vst v0  }
0x38: {  	[tilespmem:$0x2950] =	vst v0  }
0x39: {  	[tilespmem:$0x2960] =	vst v0  }
0x3a: {  	[tilespmem:$0x2970] =	vst v0  }
0x3b: {  	[spmem:s22] =	stream.linear.scatter [tilespmem:s25], [sflag:$0x9], $0x4000, $0x38;
	[tilespmem:$0x1ED80] =	vst v63  }
0x3c: {  	_ =	swait.ge [sflag:s26], $0x4000  }
0x3d: {  	[sflag:s26] =	ssyncset.done $0x0  }
0x3e: {  	[sflag:s26] =	ssyncadd.s32 $0xFFFFC000  }
0x3f: {  	[spmem:s23] =	stream.linear.scatter [tilespmem:s28], [sflag:$0x9], $0x80, $0x38;
	[tilespmem:$0x1ED80] =	vst v63  }
0x40: {  	_ =	swait.ge [sflag:s26], $0x80  }
0x41: {  	[sflag:s26] =	ssyncset.done $0x0  }
0x42: {  	s5 =	rddreg [dreg:$0x8];
	[sflag:s26] =	ssyncadd.s32 $0xFFFFFF80  }
0x43: {  	[spmem:s5] =	stream.linear.scatter [tilespmem:s25], [sflag:$0x9], $0x4000, $0x38;
	[tilespmem:$0x1ED80] =	vst v63  }
0x44: {  	_ =	swait.ge [sflag:s26], $0x4000  }
0x45: {  	[sflag:s26] =	ssyncset.done $0x0  }
0x46: {  	s8 =	rddreg [dreg:$0x9];
	[sflag:s26] =	ssyncadd.s32 $0xFFFFC000  }
0x47: {  	[spmem:s8] =	stream.linear.scatter [tilespmem:s28], [sflag:$0x9], $0x80, $0x38;
	[tilespmem:$0x1ED80] =	vst v63  }
0x48: {  	_ =	swait.ge [sflag:s26], $0x80  }
0x49: {  	[sflag:s26] =	ssyncset.done $0x0  }
0x4a: {  	s9 =	rddreg [dreg:$0xa];
	[sflag:s26] =	ssyncadd.s32 $0xFFFFFF80  }
0x4b: {  	[spmem:s9] =	stream.linear.scatter [tilespmem:s25], [sflag:$0x9], $0x4000, $0x38;
	[tilespmem:$0x1ED80] =	vst v63  }
0x4c: {  	_ =	swait.ge [sflag:s26], $0x4000  }
0x4d: {  	[sflag:s26] =	ssyncset.done $0x0  }
0x4e: {  	s21 =	rddreg [dreg:$0xb];
	[sflag:s26] =	ssyncadd.s32 $0xFFFFC000  }
0x4f: {  	[spmem:s21] =	stream.linear.scatter [tilespmem:s28], [sflag:$0x9], $0x80, $0x38;
	[tilespmem:$0x1ED80] =	vst v63  }
0x50: {  	_ =	swait.ge [sflag:s26], $0x80  }
0x51: {  	[sflag:s26] =	ssyncset.done $0x0  }
0x52: {  	s22 =	rddreg [dreg:$0xc];
	[sflag:s26] =	ssyncadd.s32 $0xFFFFFF80  }
0x53: {  	[spmem:s22] =	stream.linear.scatter [tilespmem:s25], [sflag:$0x9], $0x4000, $0x38;
	[tilespmem:$0x1ED80] =	vst v63  }
0x54: {  	_ =	swait.ge [sflag:s26], $0x4000  }
0x55: {  	[sflag:s26] =	ssyncset.done $0x0  }
0x56: {  	s23 =	rddreg [dreg:$0xd];
	[sflag:s26] =	ssyncadd.s32 $0xFFFFC000  }
0x57: {  	[spmem:s23] =	stream.linear.scatter [tilespmem:s28], [sflag:$0x9], $0x80, $0x38;
	[tilespmem:$0x1ED80] =	vst v63  }
0x58: {  	_ =	swait.ge [sflag:s26], $0x80  }
0x59: {  	[sflag:s26] =	ssyncset.done $0x0  }
0x5a: {  	s24 =	rddreg [dreg:$0xe];
	[sflag:s26] =	ssyncadd.s32 $0xFFFFFF80  }
0x5b: {  	[spmem:s24] =	stream.linear.scatter [tilespmem:s25], [sflag:$0x9], $0x4000, $0x38;
	[tilespmem:$0x1ED80] =	vst v63  }
0x5c: {  	_ =	swait.ge [sflag:s26], $0x4000  }
0x5d: {  	[sflag:s26] =	ssyncset.done $0x0  }
0x5e: {  	s29 =	rddreg [dreg:$0xf];
	[sflag:s26] =	ssyncadd.s32 $0xFFFFC000  }
0x5f: {  	[spmem:s29] =	stream.linear.scatter [tilespmem:s28], [sflag:$0x9], $0x80, $0x38;
	[tilespmem:$0x1ED80] =	vst v63  }
0x60: {  	_ =	swait.ge [sflag:s26], $0x80  }
0x61: {  	[sflag:s26] =	ssyncset.done $0x0  }
0x62: {  	[sflag:s26] =	ssyncadd.s32 $0xFFFFFF80  }
0x63: {  	[bflag:$0x0] =	sbarrier.arrive $0xFFFF  }
0x64: {  	s21 =	simm.s32 $0x0;
	s8 =	rddreg [dreg:$0x10]  }
0x65: {  	[tilespmem:s21], [sflag:$0x9] =	stream.linear.gather [hbm4b:s8+s21], $0x1400, $0x38;
	[tilespmem:$0x1ED80] =	vst v63  }
0x66: {  	_ =	swait.ge [sflag:s26], $0x1400  }
0x67: {  	[sflag:s26] =	ssyncset.done $0x0  }
0x68: {  	s22 =	simm.s32 $0x1400;
	s9 =	rddreg [dreg:$0x11];
	[sflag:s26] =	ssyncadd.s32 $0xFFFFEC00  }
0x69: {  	[tilespmem:s22], [sflag:$0x9] =	stream.linear.gather [hbm4b:s9+s21], $0x1400, $0x38;
	[tilespmem:$0x1ED80] =	vst v63  }
0x6a: {  	_ =	swait.ge [sflag:s26], $0x1400  }
0x6b: {  	[sflag:s26] =	ssyncset.done $0x0  }
0x6c: {  	[sflag:s26] =	ssyncadd.s32 $0xFFFFEC00  }
0x6d: {  	[tilespmem:s25], [sflag:$0x3] =	stream.indirect.gather [hbm4b:s1+s30], $0x80, s21, s30, $0xb8;
	[tilespmem:$0x1ED80] =	vst v63  }
0x6e: {  	s23 =	simm.s32 $0x4980  }
0x6f: {  	[tilespmem:s23], [sflag:$0x4] =	stream.indirect.gather [hbm4b:s1+s30], $0x80, s30, s30, $0xb8;
	[tilespmem:$0x1ED80] =	vst v63  }
0x70: {  	s24 =	simm.s32 $0x2800  }
0x71: {  	[tilespmem:s24], [sflag:$0x1] =	stream.indirect.gather [hbm4b:s6+s0], $0x1, s21, s0, $0xb8;
	[tilespmem:$0x1ED80] =	vst v63  }
0x72: {  	s29 =	simm.s32 $0x2880  }
0x73: {  	[tilespmem:s29], [sflag:$0x2] =	stream.indirect.gather [hbm4b:s7+s0], $0x1, s22, s0, $0xb8;
	[tilespmem:$0x1ED80] =	vst v63  }
0x74: {  	s22 =	simm.s32 $0x0  }
.LBB2_4:
0x75: {  	s24 =	sshll.u32 s22, $0x8  }
0x76: {  	s8 =	sor.u32 $0x80, s24  }
0x77: {  	[tilespmem:s11], [sflag:$0x7] =	stream.indirect.gather [hbm4b:s1+s30], $0x80, s8, s30, $0xb8;
	[tilespmem:$0x1ED80] =	vst v63  }
0x78: {  	s9 =	sor.u32 $0xC0, s24  }
0x79: {  	[tilespmem:s12], [sflag:$0x8] =	stream.indirect.gather [hbm4b:s1+s30], $0x80, s9, s30, $0xb8;
	[tilespmem:$0x1ED80] =	vst v63  }
0x7a: {  	_ = 	snop  }
0x7b: {  	[tilespmem:s13], [sflag:$0x5] =	stream.indirect.gather [hbm4b:s6+s0], $0x1, s8, s0, $0xb8;
	[tilespmem:$0x1ED80] =	vst v63  }
0x7c: {  	s23 =	sadd.s32 $0x1480, s24  }
0x7d: {  	[tilespmem:s14], [sflag:$0x6] =	stream.indirect.gather [hbm4b:s7+s0], $0x1, s23, s0, $0xb8;
	[tilespmem:$0x1ED80] =	vst v63  }
0x7e: {  	_ =	swait.ge [sflag:s15], $0x80  }
0x7f: {  	[sflag:s15] =	ssyncset.done $0x0  }
0x80: {  	[sflag:s15] =	ssyncadd.s32 $0xFFFFFF80  }
0x81: {  	_ =	swait.ge [sflag:s16], $0x80  }
0x82: {  	[sflag:s16] =	ssyncset.done $0x0  }
0x83: {  	[sflag:s16] =	ssyncadd.s32 $0xFFFFFF80  }
0x84: {  	v1 =	vld [tilespmem:$0x2800]  }
0x85: {  	v2 =	vld [tilespmem:$0x2880]  }
0x86: {  	v3 =	vld [tilespmem:$0x2810]  }
0x87: {  	v4 =	vld [tilespmem:$0x2890]  }
0x88: {  	v5 =	vld [tilespmem:$0x2820]  }
0x89: {  	v6 =	vld [tilespmem:$0x28A0]  }
0x8a: {  	v7 =	vld [tilespmem:$0x2830]  }
0x8b: {  	v8 =	vld [tilespmem:$0x28B0]  }
0x8c: {  	v9 =	vld [tilespmem:$0x2840]  }
0x8d: {  	v10 =	vld [tilespmem:$0x28C0]  }
0x8e: {  	v13 =	vld [tilespmem:$0x28E0];
	v1 =	vadd.f32 v2, v1  }
0x8f: {  	v14 =	vld [tilespmem:$0x2870];
	v3 =	vadd.f32 v4, v3  }
0x90: {  	v2 =	vld [tilespmem:$0x2850];
	v5 =	vadd.f32 v6, v5;
	v11 =	vmul.f32 $2.000000030e-01, v1  }
0x91: {  	v4 =	vld [tilespmem:$0x28D0];
	v12 =	vmul.f32 $2.000000030e-01, v3  }
0x92: {  	v6 =	vld [tilespmem:$0x2860];
	v1 =	vmax.f32 v1, v11;
	v11 =	vmul.f32 $2.000000030e-01, v5  }
0x93: {  	v63 =	vld [tilespmem:$0x28F0];
	v3 =	vmax.f32 v3, v12;
	v1 =	vmul.f32 $1.442695020e+00, v1  }
0x94: {  	v7 =	vadd.f32 v8, v7;
	v3 =	vmul.f32 $1.442695020e+00, v3;
	v5 =	vmax.f32 v5, v11  }
0x95: {  	(erf) = vpow2.f32 v1;
	v1 =	vadd.f32 v10, v9;
	v5 =	vmul.f32 $1.442695020e+00, v5  }
0x96: {  	v2 =	vadd.f32 v4, v2;
	(erf) = vpow2.f32 v3;
	v3 =	vmul.f32 $2.000000030e-01, v7  }
0x97: {  	(erf) = vpow2.f32 v5;
	v4 =	vmul.f32 $2.000000030e-01, v1;
	v5 =	vadd.f32 v13, v6  }
0x98: {  	v6 =	vmul.f32 $2.000000030e-01, v2;
	v3 =	vmax.f32 v7, v3;
	v7 =	vadd.f32 v63, v14  }
0x99: {  	v3 =	vmul.f32 $1.442695020e+00, v3;
	v1 =	vmax.f32 v1, v4;
	v4 =	vmul.f32 $2.000000030e-01, v5  }
0x9a: {  	v2 =	vmax.f32 v2, v6;
	v1 =	vmul.f32 $1.442695020e+00, v1;
	v6 =	vmul.f32 $2.000000030e-01, v7  }
0x9b: {  	v2 =	vmul.f32 $1.442695020e+00, v2;
	(erf) = vpow2.f32 v3;
	v3 =	vmax.f32 v5, v4  }
0x9c: {  	(erf) = vpow2.f32 v1;
	v1 =	vmul.f32 $1.442695020e+00, v3;
	v3 =	vmax.f32 v7, v6  }
0x9d: {  	(erf) = vpow2.f32 v2;
	v2 =	vmul.f32 $1.442695020e+00, v3  }
0x9e: {  	(erf) = vpow2.f32 v1  }
0x9f: {  	(erf) = vpow2.f32 v2;
	_ =	sdelay $0x1  }
0xa0: {  	v1 =	vpop (erf)  }
0xa1: {  	v2 =	vpop (erf);
	[tilespmem:$0x2900] =	vst v1  }
0xa2: {  	v1 =	vpop (erf);
	[tilespmem:$0x2910] =	vst v2  }
0xa3: {  	[tilespmem:$0x2920] =	vst v1;
	v2 =	vpop (erf)  }
0xa4: {  	v1 =	vpop (erf);
	[tilespmem:$0x2930] =	vst v2  }
0xa5: {  	v2 =	vpop (erf);
	[tilespmem:$0x2940] =	vst v1  }
0xa6: {  	v1 =	vpop (erf);
	[tilespmem:$0x2950] =	vst v2  }
0xa7: {  	[tilespmem:$0x2960] =	vst v1;
	v1 =	vpop (erf)  }
0xa8: {  	[tilespmem:$0x2970] =	vst v1  }
0xa9: {  	_ =	swait.ge [sflag:s17], $0x2000  }
0xaa: {  	[sflag:s17] =	ssyncset.done $0x0  }
0xab: {  	[sflag:s17] =	ssyncadd.s32 $0xFFFFE000  }
0xac: {  	_ =	swait.ge [sflag:s31], $0x2000  }
0xad: {  	v1 =	vmov s21;
	[sflag:s31] =	ssyncset.done $0x0  }
0xae: {  	s8 =	simm.s32 $0x29C0;
	[sflag:s31] =	ssyncadd.s32 $0xFFFFE000  }
0xaf: {  	v5 =	vld [tilespmem:s8+$0x30]  }
0xb0: {  	v8 =	vld [tilespmem:s8+$0x10]  }
0xb1: {  	v6 =	vld [tilespmem:s8+$0xFFFFFFC0]  }
0xb2: {  	v2 =	vld.idx.msk [tilespmem:v1+s28+$0x0], $0xffff  }
0xb3: {  	v10 =	vld [tilespmem:s8+$0xFFFFFFE0]  }
0xb4: {  	v1 =	vld [tilespmem:s8+$0xFFFFFFF0]  }
0xb5: {  	v3 =	vld [tilespmem:s8+$0x20]  }
0xb6: {  	v4 =	vld [tilespmem:s8+$0xFFFFFFD0]  }
0xb7: {  	v9 =	vmul.f32 v5, v2;
	v5 =	vld [tilespmem:s8+$0x0]  }
0xb8: {  	v7 =	vmul.f32 v6, v2  }
0xb9: {  	s29 =	simm.s32 $0x29C0;
	s9 =	simm.s32 $0x1;
	v6 =	vmul.f32 v10, v2;
	v8 =	vmul.f32 v8, v2  }
.LBB2_5:
0xba: {  	p0 =	sne.s32 s9, $0x7F  }
0xbb: {  	v4 =	vmul.f32 v4, v2;
	v3 =	vmul.f32 v3, v2;
	[tilespmem:s8+$0x30] =	vst v9;
	s29 =	sadd.s32 $0x80, s29;
	s5 =	smov.u32 s9;
	s9 =	sadd.s32 $0x1, s9  }
0xbc: {  	[tilespmem:s8+$0xFFFFFFC0] =	vst v7;
	v7 =	vmul.f32 v1, v2;
	v2 =	vmul.f32 v5, v2  }
0xbd: {  	[tilespmem:s8+$0x10] =	vst v8  }
0xbe: {  	v5 =	vmov s5;
	[tilespmem:s8+$0xFFFFFFE0] =	vst v6  }
0xbf: {  	v1 =	vld [tilespmem:s29+$0xFFFFFFF0];
	[tilespmem:s8+$0xFFFFFFF0] =	vst v7  }
0xc0: {  	v6 =	vld [tilespmem:s29+$0x30];
	[tilespmem:s8+$0x0] =	vst v2  }
0xc1: {  	v8 =	vld [tilespmem:s29+$0x10];
	[tilespmem:s8+$0x20] =	vst v3  }
0xc2: {  	v7 =	vld [tilespmem:s29+$0xFFFFFFC0];
	[tilespmem:s8+$0xFFFFFFD0] =	vst v4;
	s8 =	smov.u32 s29  }
0xc3: {  	v2 =	vld.idx.msk [tilespmem:v5+s28+$0x0], $0xffff  }
0xc4: {  	v10 =	vld [tilespmem:s29+$0xFFFFFFE0]  }
0xc5: {  	v3 =	vld [tilespmem:s29+$0x20]  }
.Ltmp1:
0xc6: {  	v4 =	vld [tilespmem:s29+$0xFFFFFFD0];
	(pc) =	sbr.rel @p0 .LBB2_5-.Ltmp1, $3  }
0xc7: {  	v5 =	vld [tilespmem:s29+$0x0];
	_ =	sdelay $0x1  }
0xc8: {  	v7 =	vmul.f32 v7, v2;
	v9 =	vmul.f32 v6, v2  }
0xc9: {  	v8 =	vmul.f32 v8, v2;
	v6 =	vmul.f32 v10, v2  }
0xca: {  	[tilespmem:s8+$0x30] =	vst v9  }
0xcb: {  	[tilespmem:s8+$0xFFFFFFC0] =	vst v7  }
0xcc: {  	v1 =	vmul.f32 v1, v2;
	[tilespmem:s8+$0x10] =	vst v8  }
0xcd: {  	v3 =	vmul.f32 v3, v2;
	[tilespmem:s8+$0xFFFFFFE0] =	vst v6  }
0xce: {  	v5 =	vmul.f32 v5, v2;
	[tilespmem:s8+$0xFFFFFFF0] =	vst v1  }
0xcf: {  	v1 =	vmul.f32 v4, v2;
	[tilespmem:s8+$0x20] =	vst v3  }
0xd0: {  	s5 =	sand.u32 $0x3FFFFF00, s24;
	[tilespmem:s8+$0x0] =	vst v5  }
0xd1: {  	s5 =	sadd.s32 $0x1400, s5;
	[tilespmem:s8+$0xFFFFFFD0] =	vst v1  }
0xd2: {  	[spmem:s3] =	stream.indirect.scatter.add.f32 [tilespmem:s25], [sflag:$0x9], $0x80, s5, s0, $0xb8;
	[tilespmem:$0x1ED80] =	vst v63  }
0xd3: {  	_ =	swait.ge [sflag:s26], $0x4000  }
0xd4: {  	[sflag:s26] =	ssyncset.done $0x0  }
0xd5: {  	[sflag:s26] =	ssyncadd.s32 $0xFFFFC000  }
0xd6: {  	[spmem:s4] =	stream.indirect.scatter.add.f32 [tilespmem:s28], [sflag:$0x9], $0x1, s5, s0, $0xb8;
	[tilespmem:$0x1ED80] =	vst v63  }
0xd7: {  	p0 =	seq.s32 s22, $0x13;
	_ =	swait.ge [sflag:s26], $0x80  }
0xd8: {  	s9 =	simm.s32 @!p0 $0x2980;
	[sflag:s26] =	ssyncset.done $0x0  }
0xd9: {  	s8 =	simm.s32 @!p0 $0x40;
	s5 =	sadd.s32 @!p0 $0x100, s24;
	[sflag:s26] =	ssyncadd.s32 $0xFFFFFF80  }
0xda: {  	[tilespmem:s9], [sflag:$0x3] =	stream.indirect.gather @!p0 [hbm4b:s1+s8], $0x80, s5, s8, $0xb8;
	[tilespmem:$0x1ED80] =	vst v63  }
0xdb: {  	s29 =	simm.s32 @!p0 $0x4980;
	s9 =	sadd.s32 @!p0 $0x140, s24  }
0xdc: {  	[tilespmem:s29], [sflag:$0x4] =	stream.indirect.gather @!p0 [hbm4b:s1+s8], $0x80, s9, s8, $0xb8;
	[tilespmem:$0x1ED80] =	vst v63  }
0xdd: {  	s8 =	simm.s32 @!p0 $0x80;
	s9 =	simm.s32 @!p0 $0x2800  }
0xde: {  	[tilespmem:s9], [sflag:$0x1] =	stream.indirect.gather @!p0 [hbm4b:s6+s8], $0x1, s5, s8, $0xb8;
	[tilespmem:$0x1ED80] =	vst v63  }
0xdf: {  	s5 =	sadd.s32 @!p0 $0x1500, s24;
	s9 =	simm.s32 @!p0 $0x2880  }
0xe0: {  	[tilespmem:s9], [sflag:$0x2] =	stream.indirect.gather @!p0 [hbm4b:s7+s8], $0x1, s5, s8, $0xb8;
	[tilespmem:$0x1ED80] =	vst v63  }
0xe1: {  	_ =	swait.ge [sflag:s18], $0x80  }
0xe2: {  	[sflag:s18] =	ssyncset.done $0x0  }
0xe3: {  	[sflag:s18] =	ssyncadd.s32 $0xFFFFFF80  }
0xe4: {  	_ =	swait.ge [sflag:s2], $0x80  }
0xe5: {  	[sflag:s2] =	ssyncset.done $0x0  }
0xe6: {  	[sflag:s2] =	ssyncadd.s32 $0xFFFFFF80  }
0xe7: {  	v1 =	vld [tilespmem:$0x6980]  }
0xe8: {  	v2 =	vld [tilespmem:$0x6A00]  }
0xe9: {  	v3 =	vld [tilespmem:$0x6990]  }
0xea: {  	v4 =	vld [tilespmem:$0x6A10]  }
0xeb: {  	v5 =	vld [tilespmem:$0x69A0]  }
0xec: {  	v6 =	vld [tilespmem:$0x6A20]  }
0xed: {  	v7 =	vld [tilespmem:$0x69B0]  }
0xee: {  	v8 =	vld [tilespmem:$0x6A30]  }
0xef: {  	v9 =	vld [tilespmem:$0x69C0]  }
0xf0: {  	v10 =	vld [tilespmem:$0x6A40]  }
0xf1: {  	v13 =	vld [tilespmem:$0x6A60];
	v1 =	vadd.f32 v2, v1  }
0xf2: {  	v14 =	vld [tilespmem:$0x69F0];
	v3 =	vadd.f32 v4, v3  }
0xf3: {  	v2 =	vld [tilespmem:$0x69D0];
	v5 =	vadd.f32 v6, v5;
	v11 =	vmul.f32 $2.000000030e-01, v1  }
0xf4: {  	v4 =	vld [tilespmem:$0x6A50];
	v12 =	vmul.f32 $2.000000030e-01, v3  }
0xf5: {  	v6 =	vld [tilespmem:$0x69E0];
	v1 =	vmax.f32 v1, v11;
	v11 =	vmul.f32 $2.000000030e-01, v5  }
0xf6: {  	v63 =	vld [tilespmem:$0x6A70];
	v3 =	vmax.f32 v3, v12;
	v1 =	vmul.f32 $1.442695020e+00, v1  }
0xf7: {  	v7 =	vadd.f32 v8, v7;
	v3 =	vmul.f32 $1.442695020e+00, v3;
	v5 =	vmax.f32 v5, v11  }
0xf8: {  	(erf) = vpow2.f32 v1;
	v1 =	vadd.f32 v10, v9;
	v5 =	vmul.f32 $1.442695020e+00, v5  }
0xf9: {  	v2 =	vadd.f32 v4, v2;
	(erf) = vpow2.f32 v3;
	v3 =	vmul.f32 $2.000000030e-01, v7  }
0xfa: {  	(erf) = vpow2.f32 v5;
	v4 =	vmul.f32 $2.000000030e-01, v1;
	v5 =	vadd.f32 v13, v6  }
0xfb: {  	v6 =	vmul.f32 $2.000000030e-01, v2;
	v3 =	vmax.f32 v7, v3;
	v7 =	vadd.f32 v63, v14  }
0xfc: {  	v3 =	vmul.f32 $1.442695020e+00, v3;
	v1 =	vmax.f32 v1, v4;
	v4 =	vmul.f32 $2.000000030e-01, v5  }
0xfd: {  	v2 =	vmax.f32 v2, v6;
	v1 =	vmul.f32 $1.442695020e+00, v1;
	v6 =	vmul.f32 $2.000000030e-01, v7  }
0xfe: {  	v2 =	vmul.f32 $1.442695020e+00, v2;
	(erf) = vpow2.f32 v3;
	v3 =	vmax.f32 v5, v4  }
0xff: {  	(erf) = vpow2.f32 v1;
	v1 =	vmul.f32 $1.442695020e+00, v3;
	v3 =	vmax.f32 v7, v6  }
0x100: {  	(erf) = vpow2.f32 v2;
	v2 =	vmul.f32 $1.442695020e+00, v3  }
0x101: {  	(erf) = vpow2.f32 v1  }
0x102: {  	(erf) = vpow2.f32 v2;
	_ =	sdelay $0x1  }
0x103: {  	v1 =	vpop (erf)  }
0x104: {  	v2 =	vpop (erf);
	[tilespmem:$0x6A80] =	vst v1  }
0x105: {  	v1 =	vpop (erf);
	[tilespmem:$0x6A90] =	vst v2  }
0x106: {  	[tilespmem:$0x6AA0] =	vst v1;
	v2 =	vpop (erf)  }
0x107: {  	v1 =	vpop (erf);
	[tilespmem:$0x6AB0] =	vst v2  }
0x108: {  	v2 =	vpop (erf);
	[tilespmem:$0x6AC0] =	vst v1  }
0x109: {  	v1 =	vpop (erf);
	[tilespmem:$0x6AD0] =	vst v2  }
0x10a: {  	[tilespmem:$0x6AE0] =	vst v1;
	v1 =	vpop (erf)  }
0x10b: {  	[tilespmem:$0x6AF0] =	vst v1  }
0x10c: {  	_ =	swait.ge [sflag:s19], $0x2000  }
0x10d: {  	[sflag:s19] =	ssyncset.done $0x0  }
0x10e: {  	[sflag:s19] =	ssyncadd.s32 $0xFFFFE000  }
0x10f: {  	s29 =	simm.s32 $0x0;
	_ =	swait.ge [sflag:s10], $0x2000  }
0x110: {  	v1 =	vmov s29;
	[sflag:s10] =	ssyncset.done $0x0  }
0x111: {  	s8 =	simm.s32 $0x6B40;
	[sflag:s10] =	ssyncadd.s32 $0xFFFFE000  }
0x112: {  	v5 =	vld [tilespmem:s8+$0x30]  }
0x113: {  	v8 =	vld [tilespmem:s8+$0x10]  }
0x114: {  	v6 =	vld [tilespmem:s8+$0xFFFFFFC0]  }
0x115: {  	v2 =	vld.idx.msk [tilespmem:v1+s20+$0x0], $0xffff  }
0x116: {  	v10 =	vld [tilespmem:s8+$0xFFFFFFE0]  }
0x117: {  	v1 =	vld [tilespmem:s8+$0xFFFFFFF0]  }
0x118: {  	v3 =	vld [tilespmem:s8+$0x20]  }
0x119: {  	v4 =	vld [tilespmem:s8+$0xFFFFFFD0]  }
0x11a: {  	v9 =	vmul.f32 v5, v2;
	v5 =	vld [tilespmem:s8+$0x0]  }
0x11b: {  	v7 =	vmul.f32 v6, v2  }
0x11c: {  	s24 =	simm.s32 $0x6B40;
	s9 =	simm.s32 $0x1;
	v6 =	vmul.f32 v10, v2;
	v8 =	vmul.f32 v8, v2  }
.LBB2_7:
0x11d: {  	p0 =	sne.s32 s9, $0x7F  }
0x11e: {  	v4 =	vmul.f32 v4, v2;
	v3 =	vmul.f32 v3, v2;
	[tilespmem:s8+$0x30] =	vst v9;
	s24 =	sadd.s32 $0x80, s24;
	s5 =	smov.u32 s9;
	s9 =	sadd.s32 $0x1, s9  }
0x11f: {  	[tilespmem:s8+$0xFFFFFFC0] =	vst v7;
	v7 =	vmul.f32 v1, v2;
	v2 =	vmul.f32 v5, v2  }
0x120: {  	[tilespmem:s8+$0x10] =	vst v8  }
0x121: {  	v5 =	vmov s5;
	[tilespmem:s8+$0xFFFFFFE0] =	vst v6  }
0x122: {  	v1 =	vld [tilespmem:s24+$0xFFFFFFF0];
	[tilespmem:s8+$0xFFFFFFF0] =	vst v7  }
0x123: {  	v6 =	vld [tilespmem:s24+$0x30];
	[tilespmem:s8+$0x0] =	vst v2  }
0x124: {  	v8 =	vld [tilespmem:s24+$0x10];
	[tilespmem:s8+$0x20] =	vst v3  }
0x125: {  	v7 =	vld [tilespmem:s24+$0xFFFFFFC0];
	[tilespmem:s8+$0xFFFFFFD0] =	vst v4;
	s8 =	smov.u32 s24  }
0x126: {  	v2 =	vld.idx.msk [tilespmem:v5+s20+$0x0], $0xffff  }
0x127: {  	v10 =	vld [tilespmem:s24+$0xFFFFFFE0]  }
0x128: {  	v3 =	vld [tilespmem:s24+$0x20]  }
.Ltmp2:
0x129: {  	v4 =	vld [tilespmem:s24+$0xFFFFFFD0];
	(pc) =	sbr.rel @p0 .LBB2_7-.Ltmp2, $3  }
0x12a: {  	v5 =	vld [tilespmem:s24+$0x0];
	_ =	sdelay $0x1  }
0x12b: {  	v7 =	vmul.f32 v7, v2;
	v9 =	vmul.f32 v6, v2  }
0x12c: {  	v8 =	vmul.f32 v8, v2;
	v6 =	vmul.f32 v10, v2  }
0x12d: {  	[tilespmem:s8+$0x30] =	vst v9  }
0x12e: {  	[tilespmem:s8+$0xFFFFFFC0] =	vst v7  }
0x12f: {  	v1 =	vmul.f32 v1, v2;
	[tilespmem:s8+$0x10] =	vst v8  }
0x130: {  	v3 =	vmul.f32 v3, v2;
	[tilespmem:s8+$0xFFFFFFE0] =	vst v6  }
0x131: {  	v5 =	vmul.f32 v5, v2;
	[tilespmem:s8+$0xFFFFFFF0] =	vst v1  }
0x132: {  	v1 =	vmul.f32 v4, v2;
	[tilespmem:s8+$0x20] =	vst v3  }
0x133: {  	[tilespmem:s8+$0x0] =	vst v5  }
0x134: {  	[tilespmem:s8+$0xFFFFFFD0] =	vst v1  }
0x135: {  	[spmem:s3] =	stream.indirect.scatter.add.f32 [tilespmem:s11], [sflag:$0x9], $0x80, s23, s0, $0xb8;
	[tilespmem:$0x1ED80] =	vst v63  }
0x136: {  	s22 =	sadd.s32 $0x1, s22;
	_ =	swait.ge [sflag:s26], $0x4000  }
0x137: {  	p0 =	sne.s32 s22, $0x14;
	[sflag:s26] =	ssyncset.done $0x0  }
.Ltmp3:
0x138: {  	[sflag:s26] =	ssyncadd.s32 $0xFFFFC000;
	(pc) =	sbr.rel @p0 .LBB2_4-.Ltmp3, $4  }
0x139: {  	[spmem:s4] =	stream.indirect.scatter.add.f32 [tilespmem:s20], [sflag:$0x9], $0x1, s23, s0, $0xb8;
	[tilespmem:$0x1ED80] =	vst v63  }
0x13a: {  	_ =	swait.ge [sflag:s26], $0x80  }
0x13b: {  	[sflag:s26] =	ssyncset.done $0x0  }
0x13c: {  	[sflag:s26] =	ssyncadd.s32 $0xFFFFFF80  }
0x13d: {  	s21 =	simm.s32 $0x0;
	s5 =	rddreg [dreg:$0x12]  }
0x13e: {  	[tilespmem:s21], [sflag:$0x9] =	stream.linear.gather [hbm4b:s5+s21], $0x1400, $0x38;
	[tilespmem:$0x1ED80] =	vst v63  }
0x13f: {  	_ =	swait.ge [sflag:s26], $0x1400  }
0x140: {  	[sflag:s26] =	ssyncset.done $0x0  }
0x141: {  	s8 =	simm.s32 $0x1400;
	s22 =	rddreg [dreg:$0x13];
	[sflag:s26] =	ssyncadd.s32 $0xFFFFEC00  }
0x142: {  	[tilespmem:s8], [sflag:$0x9] =	stream.linear.gather [hbm4b:s22+s21], $0x1400, $0x38;
	[tilespmem:$0x1ED80] =	vst v63  }
0x143: {  	_ =	swait.ge [sflag:s26], $0x1400  }
0x144: {  	[sflag:s26] =	ssyncset.done $0x0  }
0x145: {  	[sflag:s26] =	ssyncadd.s32 $0xFFFFEC00  }
0x146: {  	[tilespmem:s25], [sflag:$0x3] =	stream.indirect.gather [hbm4b:s1+s30], $0x80, s21, s30, $0xb8;
	[tilespmem:$0x1ED80] =	vst v63  }
0x147: {  	s23 =	simm.s32 $0x4980  }
0x148: {  	[tilespmem:s23], [sflag:$0x4] =	stream.indirect.gather [hbm4b:s1+s30], $0x80, s30, s30, $0xb8;
	[tilespmem:$0x1ED80] =	vst v63  }
0x149: {  	s24 =	simm.s32 $0x2800  }
0x14a: {  	[tilespmem:s24], [sflag:$0x1] =	stream.indirect.gather [hbm4b:s6+s0], $0x1, s21, s0, $0xb8;
	[tilespmem:$0x1ED80] =	vst v63  }
0x14b: {  	s29 =	simm.s32 $0x2880;
	s22 =	simm.s32 $0x0  }
0x14c: {  	[tilespmem:s29], [sflag:$0x2] =	stream.indirect.gather [hbm4b:s7+s0], $0x1, s8, s0, $0xb8;
	[tilespmem:$0x1ED80] =	vst v63  }
.LBB2_10:
0x14d: {  	s24 =	sshll.u32 s22, $0x8  }
0x14e: {  	s5 =	sor.u32 $0x80, s24  }
0x14f: {  	[tilespmem:s11], [sflag:$0x7] =	stream.indirect.gather [hbm4b:s1+s30], $0x80, s5, s30, $0xb8;
	[tilespmem:$0x1ED80] =	vst v63  }
0x150: {  	s8 =	sor.u32 $0xC0, s24  }
0x151: {  	[tilespmem:s12], [sflag:$0x8] =	stream.indirect.gather [hbm4b:s1+s30], $0x80, s8, s30, $0xb8;
	[tilespmem:$0x1ED80] =	vst v63  }
0x152: {  	_ = 	snop  }
0x153: {  	[tilespmem:s13], [sflag:$0x5] =	stream.indirect.gather [hbm4b:s6+s0], $0x1, s5, s0, $0xb8;
	[tilespmem:$0x1ED80] =	vst v63  }
0x154: {  	s23 =	sadd.s32 $0x1480, s24  }
0x155: {  	[tilespmem:s14], [sflag:$0x6] =	stream.indirect.gather [hbm4b:s7+s0], $0x1, s23, s0, $0xb8;
	[tilespmem:$0x1ED80] =	vst v63  }
0x156: {  	_ =	swait.ge [sflag:s15], $0x80  }
0x157: {  	[sflag:s15] =	ssyncset.done $0x0  }
0x158: {  	[sflag:s15] =	ssyncadd.s32 $0xFFFFFF80  }
0x159: {  	_ =	swait.ge [sflag:s16], $0x80  }
0x15a: {  	[sflag:s16] =	ssyncset.done $0x0  }
0x15b: {  	[sflag:s16] =	ssyncadd.s32 $0xFFFFFF80  }
0x15c: {  	v1 =	vld [tilespmem:$0x2800]  }
0x15d: {  	v2 =	vld [tilespmem:$0x2880]  }
0x15e: {  	v3 =	vld [tilespmem:$0x2810]  }
0x15f: {  	v4 =	vld [tilespmem:$0x2890]  }
0x160: {  	v5 =	vld [tilespmem:$0x2820]  }
0x161: {  	v6 =	vld [tilespmem:$0x28A0]  }
0x162: {  	v7 =	vld [tilespmem:$0x2830]  }
0x163: {  	v8 =	vld [tilespmem:$0x28B0]  }
0x164: {  	v9 =	vld [tilespmem:$0x2840]  }
0x165: {  	v10 =	vld [tilespmem:$0x28C0]  }
0x166: {  	v13 =	vld [tilespmem:$0x28E0];
	v1 =	vadd.f32 v2, v1  }
0x167: {  	v14 =	vld [tilespmem:$0x2870];
	v3 =	vadd.f32 v4, v3  }
0x168: {  	v2 =	vld [tilespmem:$0x2850];
	v5 =	vadd.f32 v6, v5;
	v11 =	vmul.f32 $2.000000030e-01, v1  }
0x169: {  	v4 =	vld [tilespmem:$0x28D0];
	v12 =	vmul.f32 $2.000000030e-01, v3  }
0x16a: {  	v6 =	vld [tilespmem:$0x2860];
	v1 =	vmax.f32 v1, v11;
	v11 =	vmul.f32 $2.000000030e-01, v5  }
0x16b: {  	v63 =	vld [tilespmem:$0x28F0];
	v3 =	vmax.f32 v3, v12;
	v1 =	vmul.f32 $1.442695020e+00, v1  }
0x16c: {  	v7 =	vadd.f32 v8, v7;
	v3 =	vmul.f32 $1.442695020e+00, v3;
	v5 =	vmax.f32 v5, v11  }
0x16d: {  	(erf) = vpow2.f32 v1;
	v1 =	vadd.f32 v10, v9;
	v5 =	vmul.f32 $1.442695020e+00, v5  }
0x16e: {  	v2 =	vadd.f32 v4, v2;
	(erf) = vpow2.f32 v3;
	v3 =	vmul.f32 $2.000000030e-01, v7  }
0x16f: {  	(erf) = vpow2.f32 v5;
	v4 =	vmul.f32 $2.000000030e-01, v1;
	v5 =	vadd.f32 v13, v6  }
0x170: {  	v6 =	vmul.f32 $2.000000030e-01, v2;
	v3 =	vmax.f32 v7, v3;
	v7 =	vadd.f32 v63, v14  }
0x171: {  	v3 =	vmul.f32 $1.442695020e+00, v3;
	v1 =	vmax.f32 v1, v4;
	v4 =	vmul.f32 $2.000000030e-01, v5  }
0x172: {  	v2 =	vmax.f32 v2, v6;
	v1 =	vmul.f32 $1.442695020e+00, v1;
	v6 =	vmul.f32 $2.000000030e-01, v7  }
0x173: {  	v2 =	vmul.f32 $1.442695020e+00, v2;
	(erf) = vpow2.f32 v3;
	v3 =	vmax.f32 v5, v4  }
0x174: {  	(erf) = vpow2.f32 v1;
	v1 =	vmul.f32 $1.442695020e+00, v3;
	v3 =	vmax.f32 v7, v6  }
0x175: {  	(erf) = vpow2.f32 v2;
	v2 =	vmul.f32 $1.442695020e+00, v3  }
0x176: {  	(erf) = vpow2.f32 v1  }
0x177: {  	(erf) = vpow2.f32 v2;
	_ =	sdelay $0x1  }
0x178: {  	v1 =	vpop (erf)  }
0x179: {  	v2 =	vpop (erf);
	[tilespmem:$0x2900] =	vst v1  }
0x17a: {  	v1 =	vpop (erf);
	[tilespmem:$0x2910] =	vst v2  }
0x17b: {  	[tilespmem:$0x2920] =	vst v1;
	v2 =	vpop (erf)  }
0x17c: {  	v1 =	vpop (erf);
	[tilespmem:$0x2930] =	vst v2  }
0x17d: {  	v2 =	vpop (erf);
	[tilespmem:$0x2940] =	vst v1  }
0x17e: {  	v1 =	vpop (erf);
	[tilespmem:$0x2950] =	vst v2  }
0x17f: {  	[tilespmem:$0x2960] =	vst v1;
	v1 =	vpop (erf)  }
0x180: {  	[tilespmem:$0x2970] =	vst v1  }
0x181: {  	_ =	swait.ge [sflag:s17], $0x2000  }
0x182: {  	[sflag:s17] =	ssyncset.done $0x0  }
0x183: {  	[sflag:s17] =	ssyncadd.s32 $0xFFFFE000  }
0x184: {  	_ =	swait.ge [sflag:s31], $0x2000  }
0x185: {  	v1 =	vmov s21;
	[sflag:s31] =	ssyncset.done $0x0  }
0x186: {  	s8 =	simm.s32 $0x29C0;
	[sflag:s31] =	ssyncadd.s32 $0xFFFFE000  }
0x187: {  	v5 =	vld [tilespmem:s8+$0x30]  }
0x188: {  	v8 =	vld [tilespmem:s8+$0x10]  }
0x189: {  	v6 =	vld [tilespmem:s8+$0xFFFFFFC0]  }
0x18a: {  	v2 =	vld.idx.msk [tilespmem:v1+s28+$0x0], $0xffff  }
0x18b: {  	v10 =	vld [tilespmem:s8+$0xFFFFFFE0]  }
0x18c: {  	v1 =	vld [tilespmem:s8+$0xFFFFFFF0]  }
0x18d: {  	v3 =	vld [tilespmem:s8+$0x20]  }
0x18e: {  	v4 =	vld [tilespmem:s8+$0xFFFFFFD0]  }
0x18f: {  	v9 =	vmul.f32 v5, v2;
	v5 =	vld [tilespmem:s8+$0x0]  }
0x190: {  	v7 =	vmul.f32 v6, v2  }
0x191: {  	s9 =	simm.s32 $0x1;
	s29 =	simm.s32 $0x29C0;
	v6 =	vmul.f32 v10, v2;
	v8 =	vmul.f32 v8, v2  }
.LBB2_11:
0x192: {  	p0 =	sne.s32 s9, $0x7F  }
0x193: {  	v4 =	vmul.f32 v4, v2;
	v3 =	vmul.f32 v3, v2;
	[tilespmem:s8+$0x30] =	vst v9;
	s29 =	sadd.s32 $0x80, s29;
	s5 =	smov.u32 s9;
	s9 =	sadd.s32 $0x1, s9  }
0x194: {  	[tilespmem:s8+$0xFFFFFFC0] =	vst v7;
	v7 =	vmul.f32 v1, v2;
	v2 =	vmul.f32 v5, v2  }
0x195: {  	[tilespmem:s8+$0x10] =	vst v8  }
0x196: {  	v5 =	vmov s5;
	[tilespmem:s8+$0xFFFFFFE0] =	vst v6  }
0x197: {  	v1 =	vld [tilespmem:s29+$0xFFFFFFF0];
	[tilespmem:s8+$0xFFFFFFF0] =	vst v7  }
0x198: {  	v6 =	vld [tilespmem:s29+$0x30];
	[tilespmem:s8+$0x0] =	vst v2  }
0x199: {  	v8 =	vld [tilespmem:s29+$0x10];
	[tilespmem:s8+$0x20] =	vst v3  }
0x19a: {  	v7 =	vld [tilespmem:s29+$0xFFFFFFC0];
	[tilespmem:s8+$0xFFFFFFD0] =	vst v4;
	s8 =	smov.u32 s29  }
0x19b: {  	v2 =	vld.idx.msk [tilespmem:v5+s28+$0x0], $0xffff  }
0x19c: {  	v10 =	vld [tilespmem:s29+$0xFFFFFFE0]  }
0x19d: {  	v3 =	vld [tilespmem:s29+$0x20]  }
.Ltmp4:
0x19e: {  	v4 =	vld [tilespmem:s29+$0xFFFFFFD0];
	(pc) =	sbr.rel @p0 .LBB2_11-.Ltmp4, $3  }
0x19f: {  	v5 =	vld [tilespmem:s29+$0x0];
	_ =	sdelay $0x1  }
0x1a0: {  	v7 =	vmul.f32 v7, v2;
	v9 =	vmul.f32 v6, v2  }
0x1a1: {  	v8 =	vmul.f32 v8, v2;
	v6 =	vmul.f32 v10, v2  }
0x1a2: {  	[tilespmem:s8+$0x30] =	vst v9  }
0x1a3: {  	[tilespmem:s8+$0xFFFFFFC0] =	vst v7  }
0x1a4: {  	v1 =	vmul.f32 v1, v2;
	[tilespmem:s8+$0x10] =	vst v8  }
0x1a5: {  	v3 =	vmul.f32 v3, v2;
	[tilespmem:s8+$0xFFFFFFE0] =	vst v6  }
0x1a6: {  	v5 =	vmul.f32 v5, v2;
	[tilespmem:s8+$0xFFFFFFF0] =	vst v1  }
0x1a7: {  	v1 =	vmul.f32 v4, v2;
	[tilespmem:s8+$0x20] =	vst v3  }
0x1a8: {  	s5 =	sand.u32 $0x3FFFFF00, s24;
	[tilespmem:s8+$0x0] =	vst v5  }
0x1a9: {  	s5 =	sadd.s32 $0x1400, s5;
	[tilespmem:s8+$0xFFFFFFD0] =	vst v1  }
0x1aa: {  	[spmem:s3] =	stream.indirect.scatter.add.f32 [tilespmem:s25], [sflag:$0x9], $0x80, s5, s0, $0xb8;
	[tilespmem:$0x1ED80] =	vst v63  }
0x1ab: {  	_ =	swait.ge [sflag:s26], $0x4000  }
0x1ac: {  	[sflag:s26] =	ssyncset.done $0x0  }
0x1ad: {  	[sflag:s26] =	ssyncadd.s32 $0xFFFFC000  }
0x1ae: {  	[spmem:s4] =	stream.indirect.scatter.add.f32 [tilespmem:s28], [sflag:$0x9], $0x1, s5, s0, $0xb8;
	[tilespmem:$0x1ED80] =	vst v63  }
0x1af: {  	p0 =	seq.s32 s22, $0x13;
	_ =	swait.ge [sflag:s26], $0x80  }
0x1b0: {  	s9 =	simm.s32 @!p0 $0x2980;
	[sflag:s26] =	ssyncset.done $0x0  }
0x1b1: {  	s8 =	simm.s32 @!p0 $0x40;
	s5 =	sadd.s32 @!p0 $0x100, s24;
	[sflag:s26] =	ssyncadd.s32 $0xFFFFFF80  }
0x1b2: {  	[tilespmem:s9], [sflag:$0x3] =	stream.indirect.gather @!p0 [hbm4b:s1+s8], $0x80, s5, s8, $0xb8;
	[tilespmem:$0x1ED80] =	vst v63  }
0x1b3: {  	s29 =	simm.s32 @!p0 $0x4980;
	s9 =	sadd.s32 @!p0 $0x140, s24  }
0x1b4: {  	[tilespmem:s29], [sflag:$0x4] =	stream.indirect.gather @!p0 [hbm4b:s1+s8], $0x80, s9, s8, $0xb8;
	[tilespmem:$0x1ED80] =	vst v63  }
0x1b5: {  	s8 =	simm.s32 @!p0 $0x80;
	s9 =	simm.s32 @!p0 $0x2800  }
0x1b6: {  	[tilespmem:s9], [sflag:$0x1] =	stream.indirect.gather @!p0 [hbm4b:s6+s8], $0x1, s5, s8, $0xb8;
	[tilespmem:$0x1ED80] =	vst v63  }
0x1b7: {  	s5 =	sadd.s32 @!p0 $0x1500, s24;
	s9 =	simm.s32 @!p0 $0x2880  }
0x1b8: {  	[tilespmem:s9], [sflag:$0x2] =	stream.indirect.gather @!p0 [hbm4b:s7+s8], $0x1, s5, s8, $0xb8;
	[tilespmem:$0x1ED80] =	vst v63  }
0x1b9: {  	_ =	swait.ge [sflag:s18], $0x80  }
0x1ba: {  	[sflag:s18] =	ssyncset.done $0x0  }
0x1bb: {  	[sflag:s18] =	ssyncadd.s32 $0xFFFFFF80  }
0x1bc: {  	_ =	swait.ge [sflag:s2], $0x80  }
0x1bd: {  	[sflag:s2] =	ssyncset.done $0x0  }
0x1be: {  	[sflag:s2] =	ssyncadd.s32 $0xFFFFFF80  }
0x1bf: {  	v1 =	vld [tilespmem:$0x6980]  }
0x1c0: {  	v2 =	vld [tilespmem:$0x6A00]  }
0x1c1: {  	v3 =	vld [tilespmem:$0x6990]  }
0x1c2: {  	v4 =	vld [tilespmem:$0x6A10]  }
0x1c3: {  	v5 =	vld [tilespmem:$0x69A0]  }
0x1c4: {  	v6 =	vld [tilespmem:$0x6A20]  }
0x1c5: {  	v7 =	vld [tilespmem:$0x69B0]  }
0x1c6: {  	v8 =	vld [tilespmem:$0x6A30]  }
0x1c7: {  	v9 =	vld [tilespmem:$0x69C0]  }
0x1c8: {  	v10 =	vld [tilespmem:$0x6A40]  }
0x1c9: {  	v13 =	vld [tilespmem:$0x6A60];
	v1 =	vadd.f32 v2, v1  }
0x1ca: {  	v14 =	vld [tilespmem:$0x69F0];
	v3 =	vadd.f32 v4, v3  }
0x1cb: {  	v2 =	vld [tilespmem:$0x69D0];
	v5 =	vadd.f32 v6, v5;
	v11 =	vmul.f32 $2.000000030e-01, v1  }
0x1cc: {  	v4 =	vld [tilespmem:$0x6A50];
	v12 =	vmul.f32 $2.000000030e-01, v3  }
0x1cd: {  	v6 =	vld [tilespmem:$0x69E0];
	v1 =	vmax.f32 v1, v11;
	v11 =	vmul.f32 $2.000000030e-01, v5  }
0x1ce: {  	v63 =	vld [tilespmem:$0x6A70];
	v3 =	vmax.f32 v3, v12;
	v1 =	vmul.f32 $1.442695020e+00, v1  }
0x1cf: {  	v7 =	vadd.f32 v8, v7;
	v3 =	vmul.f32 $1.442695020e+00, v3;
	v5 =	vmax.f32 v5, v11  }
0x1d0: {  	(erf) = vpow2.f32 v1;
	v1 =	vadd.f32 v10, v9;
	v5 =	vmul.f32 $1.442695020e+00, v5  }
0x1d1: {  	v2 =	vadd.f32 v4, v2;
	(erf) = vpow2.f32 v3;
	v3 =	vmul.f32 $2.000000030e-01, v7  }
0x1d2: {  	(erf) = vpow2.f32 v5;
	v4 =	vmul.f32 $2.000000030e-01, v1;
	v5 =	vadd.f32 v13, v6  }
0x1d3: {  	v6 =	vmul.f32 $2.000000030e-01, v2;
	v3 =	vmax.f32 v7, v3;
	v7 =	vadd.f32 v63, v14  }
0x1d4: {  	v3 =	vmul.f32 $1.442695020e+00, v3;
	v1 =	vmax.f32 v1, v4;
	v4 =	vmul.f32 $2.000000030e-01, v5  }
0x1d5: {  	v2 =	vmax.f32 v2, v6;
	v1 =	vmul.f32 $1.442695020e+00, v1;
	v6 =	vmul.f32 $2.000000030e-01, v7  }
0x1d6: {  	v2 =	vmul.f32 $1.442695020e+00, v2;
	(erf) = vpow2.f32 v3;
	v3 =	vmax.f32 v5, v4  }
0x1d7: {  	(erf) = vpow2.f32 v1;
	v1 =	vmul.f32 $1.442695020e+00, v3;
	v3 =	vmax.f32 v7, v6  }
0x1d8: {  	(erf) = vpow2.f32 v2;
	v2 =	vmul.f32 $1.442695020e+00, v3  }
0x1d9: {  	(erf) = vpow2.f32 v1  }
0x1da: {  	(erf) = vpow2.f32 v2;
	_ =	sdelay $0x1  }
0x1db: {  	v1 =	vpop (erf)  }
0x1dc: {  	v2 =	vpop (erf);
	[tilespmem:$0x6A80] =	vst v1  }
0x1dd: {  	v1 =	vpop (erf);
	[tilespmem:$0x6A90] =	vst v2  }
0x1de: {  	[tilespmem:$0x6AA0] =	vst v1;
	v2 =	vpop (erf)  }
0x1df: {  	v1 =	vpop (erf);
	[tilespmem:$0x6AB0] =	vst v2  }
0x1e0: {  	v2 =	vpop (erf);
	[tilespmem:$0x6AC0] =	vst v1  }
0x1e1: {  	v1 =	vpop (erf);
	[tilespmem:$0x6AD0] =	vst v2  }
0x1e2: {  	[tilespmem:$0x6AE0] =	vst v1;
	v1 =	vpop (erf)  }
0x1e3: {  	[tilespmem:$0x6AF0] =	vst v1  }
0x1e4: {  	_ =	swait.ge [sflag:s19], $0x2000  }
0x1e5: {  	[sflag:s19] =	ssyncset.done $0x0  }
0x1e6: {  	[sflag:s19] =	ssyncadd.s32 $0xFFFFE000  }
0x1e7: {  	s29 =	simm.s32 $0x0;
	_ =	swait.ge [sflag:s10], $0x2000  }
0x1e8: {  	v1 =	vmov s29;
	[sflag:s10] =	ssyncset.done $0x0  }
0x1e9: {  	s8 =	simm.s32 $0x6B40;
	[sflag:s10] =	ssyncadd.s32 $0xFFFFE000  }
0x1ea: {  	v5 =	vld [tilespmem:s8+$0x30]  }
0x1eb: {  	v8 =	vld [tilespmem:s8+$0x10]  }
0x1ec: {  	v6 =	vld [tilespmem:s8+$0xFFFFFFC0]  }
0x1ed: {  	v2 =	vld.idx.msk [tilespmem:v1+s20+$0x0], $0xffff  }
0x1ee: {  	v10 =	vld [tilespmem:s8+$0xFFFFFFE0]  }
0x1ef: {  	v1 =	vld [tilespmem:s8+$0xFFFFFFF0]  }
0x1f0: {  	v3 =	vld [tilespmem:s8+$0x20]  }
0x1f1: {  	v4 =	vld [tilespmem:s8+$0xFFFFFFD0]  }
0x1f2: {  	v9 =	vmul.f32 v5, v2;
	v5 =	vld [tilespmem:s8+$0x0]  }
0x1f3: {  	v7 =	vmul.f32 v6, v2  }
0x1f4: {  	s24 =	simm.s32 $0x6B40;
	s9 =	simm.s32 $0x1;
	v6 =	vmul.f32 v10, v2;
	v8 =	vmul.f32 v8, v2  }
.LBB2_13:
0x1f5: {  	p0 =	sne.s32 s9, $0x7F  }
0x1f6: {  	v4 =	vmul.f32 v4, v2;
	v3 =	vmul.f32 v3, v2;
	[tilespmem:s8+$0x30] =	vst v9;
	s24 =	sadd.s32 $0x80, s24;
	s5 =	smov.u32 s9;
	s9 =	sadd.s32 $0x1, s9  }
0x1f7: {  	[tilespmem:s8+$0xFFFFFFC0] =	vst v7;
	v7 =	vmul.f32 v1, v2;
	v2 =	vmul.f32 v5, v2  }
0x1f8: {  	[tilespmem:s8+$0x10] =	vst v8  }
0x1f9: {  	v5 =	vmov s5;
	[tilespmem:s8+$0xFFFFFFE0] =	vst v6  }
0x1fa: {  	v1 =	vld [tilespmem:s24+$0xFFFFFFF0];
	[tilespmem:s8+$0xFFFFFFF0] =	vst v7  }
0x1fb: {  	v6 =	vld [tilespmem:s24+$0x30];
	[tilespmem:s8+$0x0] =	vst v2  }
0x1fc: {  	v8 =	vld [tilespmem:s24+$0x10];
	[tilespmem:s8+$0x20] =	vst v3  }
0x1fd: {  	v7 =	vld [tilespmem:s24+$0xFFFFFFC0];
	[tilespmem:s8+$0xFFFFFFD0] =	vst v4;
	s8 =	smov.u32 s24  }
0x1fe: {  	v2 =	vld.idx.msk [tilespmem:v5+s20+$0x0], $0xffff  }
0x1ff: {  	v10 =	vld [tilespmem:s24+$0xFFFFFFE0]  }
0x200: {  	v3 =	vld [tilespmem:s24+$0x20]  }
.Ltmp5:
0x201: {  	v4 =	vld [tilespmem:s24+$0xFFFFFFD0];
	(pc) =	sbr.rel @p0 .LBB2_13-.Ltmp5, $3  }
0x202: {  	v5 =	vld [tilespmem:s24+$0x0];
	_ =	sdelay $0x1  }
0x203: {  	v7 =	vmul.f32 v7, v2;
	v9 =	vmul.f32 v6, v2  }
0x204: {  	v8 =	vmul.f32 v8, v2;
	v6 =	vmul.f32 v10, v2  }
0x205: {  	[tilespmem:s8+$0x30] =	vst v9  }
0x206: {  	[tilespmem:s8+$0xFFFFFFC0] =	vst v7  }
0x207: {  	v1 =	vmul.f32 v1, v2;
	[tilespmem:s8+$0x10] =	vst v8  }
0x208: {  	v3 =	vmul.f32 v3, v2;
	[tilespmem:s8+$0xFFFFFFE0] =	vst v6  }
0x209: {  	v5 =	vmul.f32 v5, v2;
	[tilespmem:s8+$0xFFFFFFF0] =	vst v1  }
0x20a: {  	v1 =	vmul.f32 v4, v2;
	[tilespmem:s8+$0x20] =	vst v3  }
0x20b: {  	[tilespmem:s8+$0x0] =	vst v5  }
0x20c: {  	[tilespmem:s8+$0xFFFFFFD0] =	vst v1  }
0x20d: {  	[spmem:s3] =	stream.indirect.scatter.add.f32 [tilespmem:s11], [sflag:$0x9], $0x80, s23, s0, $0xb8;
	[tilespmem:$0x1ED80] =	vst v63  }
0x20e: {  	s22 =	sadd.s32 $0x1, s22;
	_ =	swait.ge [sflag:s26], $0x4000  }
0x20f: {  	p0 =	sne.s32 s22, $0x14;
	[sflag:s26] =	ssyncset.done $0x0  }
.Ltmp6:
0x210: {  	[sflag:s26] =	ssyncadd.s32 $0xFFFFC000;
	(pc) =	sbr.rel @p0 .LBB2_10-.Ltmp6, $4  }
0x211: {  	[spmem:s4] =	stream.indirect.scatter.add.f32 [tilespmem:s20], [sflag:$0x9], $0x1, s23, s0, $0xb8;
	[tilespmem:$0x1ED80] =	vst v63  }
0x212: {  	_ =	swait.ge [sflag:s26], $0x80  }
0x213: {  	[sflag:s26] =	ssyncset.done $0x0  }
0x214: {  	[sflag:s26] =	ssyncadd.s32 $0xFFFFFF80  }
0x215: {  	s5 =	stileid.u32;
	[bflag:$0x0] =	sbarrier.arrive $0xFFFF  }
0x216: {  	s5 =	sshll.u32 s5, $0x6;
	s22 =	rddreg [dreg:$0x6]  }
0x217: {  	s9 =	rddreg [dreg:$0x14];
	s5 =	sor.u32 $0x1C09, s5;
	s8 =	sshrl.u32 s22, $0x3  }
0x218: {  	[hbm:s9], [sflag:s5] =	dma.local [spmem:s8], $0x2800  }
0x219: {  	_ =	swait.ge [sflag:s26], $0x2800  }
0x21a: {  	[sflag:s26] =	ssyncset.done $0x0;
	s23 =	rddreg [dreg:$0x7]  }
0x21b: {  	s24 =	rddreg [dreg:$0x15];
	[sflag:s26] =	ssyncadd.s32 $0xFFFFD800;
	s21 =	sshrl.u32 s23, $0x3  }
0x21c: {  	[hbm:s24], [sflag:s5] =	dma.local [spmem:s21], $0x50  }
0x21d: {  	_ =	swait.ge [sflag:s26], $0x50  }
0x21e: {  	s21 =	rddreg [dreg:$0x5]  }
0x21f: {  	s29 =	rddreg [dreg:$0x16];
	s21 =	sadd.s32 $0x1, s21  }
0x220: {  	p0 =	sne.s32 s21, s29  }
.Ltmp7:
0x221: {  	_ = 	snop;
	(pc) =	sbr.rel @p0 .LBB2_1-.Ltmp7, $3  }
0x222: {  	_ =	sdelay $0x1  }
0x223: {  	[sflag:s26] =	ssyncset.done $0x0  }
0x224: {  	[sflag:s26] =	ssyncadd.s32 $0xFFFFFFB0  }
0x225: {  	_ =	sfence.sel $0x180000  }
0x226: {  	[bflag:$0x0] =	sbarrier.arrive $0xFFFF  }
0x227: {  	_ =	strace $0x90000047  }
0x228: {  	s0 =	stileid.u32;
	[bflag:$0x2] =	sbarrier.arrive $0xFFFF  }
0x229: {  	p0 =	sne.s32 s0, $0x0;
	s0 =	rddreg [dreg:$0x4]  }
0x22a: {  	s0 =	sadd.s32 @!p0 $0x100000, s0  }
0x22b: {  	[sflag:s0] =	ssyncadd.tile.s32 @!p0 $0x1;
	_ =	shalt  }
.Lfunc_end2:
_tile_overlayer_lowered:
.L_overlay_start_2:
0x22c: {  	(tag) =	ssettag $0x2  }
0x22d: {  	s0 =	rddreg [dreg:$0x0];
	s2 =	stileid.u32  }
0x22e: {  	s1 =	rddreg [dreg:$0x1];
	p0 =	sne.s32 s2, $0x0  }
0x22f: {  	s3 =	rddreg [dreg:$0x2];
	[bflag:$0x3] =	sbarrier.arrive $0xFFFF;
	s2 =	simm.s32 @!p0 $0x1C09  }
0x230: {  	[timem:s3], [sflag:s2] =	dma.local @!p0 [hbm:s0], s1  }
0x231: {  	s0 =	simm.s32 @!p0 $0x9  }
0x232: {  	_ =	swait.ge @!p0 [sflag:s0], s1  }
0x233: {  	s1 =	ssub.s32 @!p0 $0x0, s1;
	[sflag:s0] =	ssyncset.done @!p0 $0x0  }
0x234: {  	[sflag:s0] =	ssyncadd.s32 @!p0 s1  }
0x235: {  	[bflag:$0x3] =	sbarrier.arrive $0xFFFF  }
0x236: {  	_ =	shalt  }

</sc_bundles>
